<compile_context>
chip_gen: v7x
topology: tpu7x:2x2x1
jax: 0.10.2.dev20260603
libtpu: 0.0.44.dev20260713+nightly
codegen_flags: <defaults>
</compile_context>

<pallas_src>
import functools

import jax
import jax.numpy as jnp
from jax import lax
from jax.experimental import pallas as pl
from jax.experimental.pallas import tpu as pltpu
from jax.experimental.pallas import tpu_sc as plsc

B = 2
N = 4096
M = 4096
D = 64
K = 32

DP = 128
RQ = 256
RC = 512
GCH = 128


def _leaky(x):
    return jnp.where(x >= 0, x, 0.1 * x)


def _tables_kernel(feat1_ref, feat2_ref, pc1_ref, pc2_ref, w_t1_ref,
                   w_t2_ref, w_pos_ref, bias1_ref, bias2_ref, q1_ref, q2_ref):
    f1 = feat1_ref[0]
    f2 = feat2_ref[0]
    x1 = pc1_ref[0]
    x2 = pc2_ref[0]
    dn = (((0,), (1,)), ((), ()))
    q1 = lax.dot_general(f1, w_t1_ref[...], dn, preferred_element_type=jnp.float32)
    q1 = q1 - lax.dot_general(x1, w_pos_ref[...], dn, preferred_element_type=jnp.float32)
    q1_ref[0] = q1 + bias1_ref[...]
    q2 = lax.dot_general(f2, w_t2_ref[...], dn, preferred_element_type=jnp.float32)
    q2 = q2 + lax.dot_general(x2, w_pos_ref[...], dn, preferred_element_type=jnp.float32)
    q2 = q2 + bias2_ref[...]
    q2_ref[0] = jnp.concatenate([q2, jnp.zeros((M, DP - D), jnp.float32)], axis=1)


def _make_tables(feat1, feat2, pc1, pc2, w_t1, w_t2, w_pos, bias1, bias2):
    full = lambda s: pl.BlockSpec(s, lambda b: (b, 0, 0))
    rep2 = lambda s: pl.BlockSpec(s, lambda b: (0, 0))
    return pl.pallas_call(
        _tables_kernel,
        grid=(B,),
        in_specs=[
            full((1, D, N)), full((1, D, M)), full((1, 3, N)), full((1, 3, M)),
            rep2((D, D)), rep2((D, D)), rep2((D, 3)), rep2((1, D)), rep2((1, D)),
        ],
        out_specs=[full((1, N, D)), full((1, M, DP))],
        out_shape=[
            jax.ShapeDtypeStruct((B, N, D), jnp.float32),
            jax.ShapeDtypeStruct((B, M, DP), jnp.float32),
        ],
    )(feat1, feat2, pc1, pc2, w_t1, w_t2, w_pos, bias1, bias2)


def _topk_kernel(pc1_ref, pc2_ref, idx_ref):
    b = pl.program_id(0)
    x1 = pc1_ref[0]
    x2 = pc2_ref[0]
    dn = (((0,), (0,)), ((), ()))
    dots = lax.dot_general(x1, x2, dn, preferred_element_type=jnp.float32)
    n2 = jnp.sum(x2 * x2, axis=0, keepdims=True)
    d = n2 - 2.0 * dots
    col = lax.broadcasted_iota(jnp.int32, (RQ, M), 1)
    krow = lax.broadcasted_iota(jnp.int32, (1, K), 1)
    inf = jnp.float32(jnp.inf)

    def body(k, carry):
        d, acc = carry
        amin = jnp.argmin(d, axis=1).astype(jnp.int32)[:, None]
        d = jnp.where(col == amin, inf, d)
        gi = amin + b * M
        acc = jnp.where(krow == k, gi, acc)
        return d, acc

    acc0 = jnp.zeros((RQ, K), jnp.int32)
    _, acc = lax.fori_loop(0, K, body, (d, acc0))
    idx_ref[0] = acc


def _topk(pc1, pc2):
    return pl.pallas_call(
        _topk_kernel,
        grid=(B, N // RQ),
        in_specs=[
            pl.BlockSpec((1, 3, RQ), lambda b, j: (b, 0, j)),
            pl.BlockSpec((1, 3, M), lambda b, j: (b, 0, 0)),
        ],
        out_specs=pl.BlockSpec((1, RQ, K), lambda b, j: (b, j, 0)),
        out_shape=jax.ShapeDtypeStruct((B, N, K), jnp.int32),
    )(pc1, pc2)


_NC = 2
_NS = 16
_NW = _NC * _NS


def _gather_body(table_hbm, idx_hbm, out_hbm, idx_v, rows_v, sem):
    wid = lax.axis_index("s") * _NC + lax.axis_index("c")
    per_w = (B * N * K) // _NW
    nch = per_w // GCH
    for c in range(nch):
        base = wid * per_w + c * GCH
        pltpu.sync_copy(idx_hbm.at[pl.ds(base, GCH)], idx_v)
        pltpu.async_copy(table_hbm.at[idx_v], rows_v, sem).wait()
        pltpu.sync_copy(rows_v, out_hbm.at[pl.ds(base, GCH)])


@functools.cache
def _gather_call():
    return pl.kernel(
        _gather_body,
        out_type=jax.ShapeDtypeStruct((B * N * K, DP), jnp.float32),
        mesh=plsc.VectorSubcoreMesh(core_axis_name="c", subcore_axis_name="s"),
        scratch_types=[
            pltpu.VMEM((GCH,), jnp.int32),
            pltpu.VMEM((GCH, DP), jnp.float32),
            pltpu.SemaphoreType.DMA,
        ],
    )


def _gather(table, idx):
    return _gather_call()(table, idx)


def _mlp_kernel(g_ref, q1_ref, wm1_ref, wm2_ref, bm1_ref, bm2_ref, out_ref):
    x = g_ref[:, :D].reshape(RC, K, D) + q1_ref[0][:, None, :]
    x = _leaky(x).reshape(RC * K, D)
    dn = (((1,), (1,)), ((), ()))
    h = _leaky(lax.dot_general(x, wm1_ref[...], dn, preferred_element_type=jnp.float32)
               + bm1_ref[...])
    h = _leaky(lax.dot_general(h, wm2_ref[...], dn, preferred_element_type=jnp.float32)
               + bm2_ref[...])
    hm = jnp.max(h.reshape(RC, K, D), axis=1)
    out_ref[0] = hm.T


def _mlp(g, q1, w_m1, w_m2, bm1, bm2):
    rep2 = lambda s: pl.BlockSpec(s, lambda b, j: (0, 0))
    return pl.pallas_call(
        _mlp_kernel,
        grid=(B, N // RC),
        in_specs=[
            pl.BlockSpec((RC * K, DP), lambda b, j: (b * (N // RC) + j, 0)),
            pl.BlockSpec((1, RC, D), lambda b, j: (b, j, 0)),
            rep2((D, D)), rep2((D, D)), rep2((1, D)), rep2((1, D)),
        ],
        out_specs=pl.BlockSpec((1, D, RC), lambda b, j: (b, 0, j)),
        out_shape=jax.ShapeDtypeStruct((B, D, N), jnp.float32),
    )(g, q1, w_m1, w_m2, bm1, bm2)


def kernel(pc1, pc2, feat1, feat2, w_t1, b_t1, w_t2, b_t2, w_pos, b_pos, w_m1, b_m1, w_m2, b_m2):
    bias1 = (b_t1 + b_pos).reshape(1, D)
    bias2 = b_t2.reshape(1, D)
    q1, q2 = _make_tables(feat1, feat2, pc1, pc2, w_t1, w_t2, w_pos, bias1, bias2)
    idx = _topk(pc1, pc2)
    g = _gather(q2.reshape(B * M, DP), idx.reshape(B * N * K))
    out = _mlp(g, q1, w_m1, w_m2, b_m1.reshape(1, D), b_m2.reshape(1, D))
    return out

# --- scband reference (transcript-rebuilt; emitter-appended) ---
"""Pipeline reference for scband-no-cross-layer-light-51170240364936 (READ-ONLY COPY).

The authoritative reference and input builder live on the scoring server;
editing this copy changes nothing except your own understanding.
"""

import jax, jax.numpy as jnp
import numpy as np

B = 2
N = 4096
D = 64
K = 32

def setup_inputs(seed: int = 0) -> dict:
    key = jax.random.key(seed)
    ks = jax.random.split(key, 14)
    inp = {}
    inp['pc1'] = jax.random.normal(ks[0], (B, 3, N), dtype=jnp.float32)
    inp['pc2'] = jax.random.normal(ks[1], (B, 3, N), dtype=jnp.float32)
    inp['feat1'] = jax.random.normal(ks[2], (B, D, N), dtype=jnp.float32)
    inp['feat2'] = jax.random.normal(ks[3], (B, D, N), dtype=jnp.float32)
    inp['w_t1'] = jax.random.normal(ks[4], (D, D), dtype=jnp.float32) * 0.05
    inp['b_t1'] = jnp.zeros((D,), dtype=jnp.float32)
    inp['w_t2'] = jax.random.normal(ks[5], (D, D), dtype=jnp.float32) * 0.05
    inp['b_t2'] = jnp.zeros((D,), dtype=jnp.float32)
    inp['w_pos'] = jax.random.normal(ks[6], (D, 3), dtype=jnp.float32) * 0.05
    inp['b_pos'] = jnp.zeros((D,), dtype=jnp.float32)
    inp['w_m1'] = jax.random.normal(ks[7], (D, D), dtype=jnp.float32) * 0.05
    inp['b_m1'] = jnp.zeros((D,), dtype=jnp.float32)
    inp['w_m2'] = jax.random.normal(ks[8], (D, D), dtype=jnp.float32) * 0.05
    inp['b_m2'] = jnp.zeros((D,), dtype=jnp.float32)
    return inp

def _leaky(x):
    return jnp.where(x >= 0, x, 0.1 * x)

def _group(points, idx):
    # points: [B, M, C], idx: [B, N, K] -> [B, N, K, C]
    return jax.vmap(lambda p, i: p[i])(points, idx)

def _forward(pc1, pc2, feat1, feat2, w_t1, b_t1, w_t2, b_t2, w_pos, b_pos, w_m1, b_m1, w_m2, b_m2):
    # cross_t1 / cross_t2: 1x1 Conv1d
    p1 = jnp.einsum('oi,bin->bon', w_t1, feat1) + b_t1[None, :, None]
    p2 = jnp.einsum('oi,bin->bon', w_t2, feat2) + b_t2[None, :, None]
    xyz1 = jnp.transpose(pc1, (0, 2, 1))
    xyz2 = jnp.transpose(pc2, (0, 2, 1))
    pts1 = jnp.transpose(p1, (0, 2, 1))
    pts2 = jnp.transpose(p2, (0, 2, 1))
    # square_distance + knn_point (topk smallest)
    sqr = -2.0 * jnp.einsum('bnc,bmc->bnm', xyz1, xyz2)
    sqr = sqr + jnp.sum(xyz1 ** 2, axis=-1)[:, :, None]
    sqr = sqr + jnp.sum(xyz2 ** 2, axis=-1)[:, None, :]
    _, knn_idx = jax.lax.top_k(-sqr, K)
    # grouping_operation -> gather
    neighbor_xyz = _group(xyz2, knn_idx)
    direction_xyz = neighbor_xyz - xyz1[:, :, None, :]
    g2 = jnp.transpose(_group(pts2, knn_idx), (0, 3, 2, 1))
    g1 = jnp.transpose(jnp.broadcast_to(pts1[:, :, None, :], (pts1.shape[0], pts1.shape[1], K, pts1.shape[2])), (0, 3, 2, 1))
    d = jnp.transpose(direction_xyz, (0, 3, 2, 1))
    dpos = jnp.einsum('oi,bikn->bokn', w_pos, d) + b_pos[None, :, None, None]
    # bn is Identity (use_bn=False); LeakyReLU(0.1)
    x = _leaky(g2 + g1 + dpos)
    x = _leaky(jnp.einsum('oi,bikn->bokn', w_m1, x) + b_m1[None, :, None, None])
    x = _leaky(jnp.einsum('oi,bikn->bokn', w_m2, x) + b_m2[None, :, None, None])
    # max_pool2d over neighbor dim then squeeze
    out = jnp.max(x, axis=2)
    return out

def reference(pc1, pc2, feat1, feat2, w_t1, b_t1, w_t2, b_t2, w_pos, b_pos, w_m1, b_m1, w_m2, b_m2):
    return _forward(pc1, pc2, feat1, feat2, w_t1, b_t1, w_t2, b_t2, w_pos, b_pos, w_m1, b_m1, w_m2, b_m2)

if __name__ == "__main__":
    import jax
    _d = setup_inputs()
    print(jax.jit(kernel)(*tuple(_d.values())))

</pallas_src>

<mosaic_0001>
#map = affine_map<(d0, d1) -> (0, 0)>
#map1 = affine_map<(d0, d1) -> (0)>
module attributes {stable_mosaic.version = 14 : i64} {
  func.func @_gather_body(%arg0: i32, %arg1: i32, %arg2: memref<8192x128xf32, #tpu.memory_space<hbm>>, %arg3: memref<262144xi32, #tpu.memory_space<hbm>>, %arg4: memref<262144x128xf32, #tpu.memory_space<hbm>>, %arg5: memref<128xi32, #tpu.memory_space<vmem>>, %arg6: memref<128x128xf32, #tpu.memory_space<vmem>>, %arg7: memref<!tpu.dma_semaphore, #tpu.memory_space<semaphore_mem>>) attributes {dimension_semantics = [#tpu.dimension_semantics<core_parallel>, #tpu.dimension_semantics<subcore_parallel>], iteration_bounds = array<i64: 2, 16>, scalar_prefetch = 0 : i64, scratch_operands = 3 : i64, tpu.core_type = #tpu.core_type<sc_vector_subcore>, window_params = [{transform_indices = #map}, {transform_indices = #map1}, {transform_indices = #map}]} {
    %mul3A = arith.constant 2 : i32
    %mul3A_0 = arith.muli %arg1, %mul3A : i32
    %add3A = arith.addi %mul3A_0, %arg0 : i32
    %mul3A_1 = arith.constant 8192 : i32
    %mul3A_2 = arith.muli %add3A, %mul3A_1 : i32
    %add3A_3 = arith.constant 0 : i32
    %add3A_4 = arith.addi %mul3A_2, %add3A_3 : i32
    "tpu.region"() ({
      %run_scoped3A = tpu.sem_alloc : memref<!tpu.dma_semaphore, #tpu.memory_space<semaphore_mem>>
      %dma_start3A_639 = tpu.memref_slice %arg3[%add3A_4] : memref<262144xi32, #tpu.memory_space<hbm>> -> memref<128xi32, #tpu.memory_space<hbm>>
      %dma_start3A_640 = tpu.memref_slice %arg3[%add3A_4] : memref<262144xi32, #tpu.memory_space<hbm>> -> memref<128xi32, #tpu.memory_space<hbm>>
      tpu.enqueue_dma source(%dma_start3A_640 : memref<128xi32, #tpu.memory_space<hbm>>) target(%arg5 : memref<128xi32, #tpu.memory_space<vmem>>) target_semaphore(%run_scoped3A : memref<!tpu.dma_semaphore, #tpu.memory_space<semaphore_mem>>)
      %dma_wait3A_641 = tpu.memref_slice %arg3[%add3A_4] : memref<262144xi32, #tpu.memory_space<hbm>> -> memref<128xi32, #tpu.memory_space<hbm>>
      %dma_wait3A_642 = tpu.memref_slice %arg3[%add3A_4] : memref<262144xi32, #tpu.memory_space<hbm>> -> memref<128xi32, #tpu.memory_space<hbm>>
      tpu.wait_dma2 semaphore(%run_scoped3A : memref<!tpu.dma_semaphore, #tpu.memory_space<semaphore_mem>>) src(%dma_wait3A_642 : memref<128xi32, #tpu.memory_space<hbm>>) dst(%arg5 : memref<128xi32, #tpu.memory_space<vmem>>)
      tpu.yield
    }) : () -> ()
    %dma_start3A = arith.constant 0 : i32
    %dma_start3A_5 = arith.constant 0 : i32
    %dma_start3A_6 = tpu.memref_slice %arg2[%dma_start3A, %dma_start3A_5] : memref<8192x128xf32, #tpu.memory_space<hbm>> -> memref<8192x128xf32, #tpu.memory_space<hbm>>
    tpu.enqueue_indirect_dma source(%dma_start3A_6 : memref<8192x128xf32, #tpu.memory_space<hbm>>) target(%arg6 : memref<128x128xf32, #tpu.memory_space<vmem>>) offsets(%arg5 : memref<128xi32, #tpu.memory_space<vmem>>) semaphore(%arg7 : memref<!tpu.dma_semaphore, #tpu.memory_space<semaphore_mem>>)
    %dma_wait3A = arith.constant 0 : i32
    %dma_wait3A_7 = arith.constant 0 : i32
    %dma_wait3A_8 = tpu.memref_slice %arg2[%dma_wait3A, %dma_wait3A_7] : memref<8192x128xf32, #tpu.memory_space<hbm>> -> memref<8192x128xf32, #tpu.memory_space<hbm>>
    tpu.wait_indirect_dma semaphore(%arg7 : memref<!tpu.dma_semaphore, #tpu.memory_space<semaphore_mem>>) src(%dma_wait3A_8 : memref<8192x128xf32, #tpu.memory_space<hbm>>) dst(%arg6 : memref<128x128xf32, #tpu.memory_space<vmem>>)
    "tpu.region"() ({
      %run_scoped3A = tpu.sem_alloc : memref<!tpu.dma_semaphore, #tpu.memory_space<semaphore_mem>>
      %dma_start3A_639 = arith.constant 0 : i32
      %dma_start3A_640 = tpu.memref_slice %arg4[%add3A_4, %dma_start3A_639] : memref<262144x128xf32, #tpu.memory_space<hbm>> -> memref<128x128xf32, #tpu.memory_space<hbm>>
      %dma_start3A_641 = arith.constant 0 : i32
      %dma_start3A_642 = tpu.memref_slice %arg4[%add3A_4, %dma_start3A_641] : memref<262144x128xf32, #tpu.memory_space<hbm>> -> memref<128x128xf32, #tpu.memory_space<hbm>>
      tpu.enqueue_dma source(%arg6 : memref<128x128xf32, #tpu.memory_space<vmem>>) target(%dma_start3A_642 : memref<128x128xf32, #tpu.memory_space<hbm>>) target_semaphore(%run_scoped3A : memref<!tpu.dma_semaphore, #tpu.memory_space<semaphore_mem>>)
      %dma_wait3A_643 = arith.constant 0 : i32
      %dma_wait3A_644 = tpu.memref_slice %arg4[%add3A_4, %dma_wait3A_643] : memref<262144x128xf32, #tpu.memory_space<hbm>> -> memref<128x128xf32, #tpu.memory_space<hbm>>
      %dma_wait3A_645 = arith.constant 0 : i32
      %dma_wait3A_646 = tpu.memref_slice %arg4[%add3A_4, %dma_wait3A_645] : memref<262144x128xf32, #tpu.memory_space<hbm>> -> memref<128x128xf32, #tpu.memory_space<hbm>>
      tpu.wait_dma2 semaphore(%run_scoped3A : memref<!tpu.dma_semaphore, #tpu.memory_space<semaphore_mem>>) src(%arg6 : memref<128x128xf32, #tpu.memory_space<vmem>>) dst(%dma_wait3A_646 : memref<128x128xf32, #tpu.memory_space<hbm>>)
      tpu.yield
    }) : () -> ()
    %mul3A_9 = arith.constant 8192 : i32
    %mul3A_10 = arith.muli %add3A, %mul3A_9 : i32
    %add3A_11 = arith.constant 128 : i32
    %add3A_12 = arith.addi %mul3A_10, %add3A_11 : i32
    "tpu.region"() ({
      %run_scoped3A = tpu.sem_alloc : memref<!tpu.dma_semaphore, #tpu.memory_space<semaphore_mem>>
      %dma_start3A_639 = tpu.memref_slice %arg3[%add3A_12] : memref<262144xi32, #tpu.memory_space<hbm>> -> memref<128xi32, #tpu.memory_space<hbm>>
      %dma_start3A_640 = tpu.memref_slice %arg3[%add3A_12] : memref<262144xi32, #tpu.memory_space<hbm>> -> memref<128xi32, #tpu.memory_space<hbm>>
      tpu.enqueue_dma source(%dma_start3A_640 : memref<128xi32, #tpu.memory_space<hbm>>) target(%arg5 : memref<128xi32, #tpu.memory_space<vmem>>) target_semaphore(%run_scoped3A : memref<!tpu.dma_semaphore, #tpu.memory_space<semaphore_mem>>)
      %dma_wait3A_641 = tpu.memref_slice %arg3[%add3A_12] : memref<262144xi32, #tpu.memory_space<hbm>> -> memref<128xi32, #tpu.memory_space<hbm>>
      %dma_wait3A_642 = tpu.memref_slice %arg3[%add3A_12] : memref<262144xi32, #tpu.memory_space<hbm>> -> memref<128xi32, #tpu.memory_space<hbm>>
      tpu.wait_dma2 semaphore(%run_scoped3A : memref<!tpu.dma_semaphore, #tpu.memory_space<semaphore_mem>>) src(%dma_wait3A_642 : memref<128xi32, #tpu.memory_space<hbm>>) dst(%arg5 : memref<128xi32, #tpu.memory_space<vmem>>)
      tpu.yield
    }) : () -> ()
    %dma_start3A_13 = arith.constant 0 : i32
    %dma_start3A_14 = arith.constant 0 : i32
    %dma_start3A_15 = tpu.memref_slice %arg2[%dma_start3A_13, %dma_start3A_14] : memref<8192x128xf32, #tpu.memory_space<hbm>> -> memref<8192x128xf32, #tpu.memory_space<hbm>>
    tpu.enqueue_indirect_dma source(%dma_start3A_15 : memref<8192x128xf32, #tpu.memory_space<hbm>>) target(%arg6 : memref<128x128xf32, #tpu.memory_space<vmem>>) offsets(%arg5 : memref<128xi32, #tpu.memory_space<vmem>>) semaphore(%arg7 : memref<!tpu.dma_semaphore, #tpu.memory_space<semaphore_mem>>)
    %dma_wait3A_16 = arith.constant 0 : i32
    %dma_wait3A_17 = arith.constant 0 : i32
    %dma_wait3A_18 = tpu.memref_slice %arg2[%dma_wait3A_16, %dma_wait3A_17] : memref<8192x128xf32, #tpu.memory_space<hbm>> -> memref<8192x128xf32, #tpu.memory_space<hbm>>
    tpu.wait_indirect_dma semaphore(%arg7 : memref<!tpu.dma_semaphore, #tpu.memory_space<semaphore_mem>>) src(%dma_wait3A_18 : memref<8192x128xf32, #tpu.memory_space<hbm>>) dst(%arg6 : memref<128x128xf32, #tpu.memory_space<vmem>>)
    "tpu.region"() ({
      %run_scoped3A = tpu.sem_alloc : memref<!tpu.dma_semaphore, #tpu.memory_space<semaphore_mem>>
      %dma_start3A_639 = arith.constant 0 : i32
      %dma_start3A_640 = tpu.memref_slice %arg4[%add3A_12, %dma_start3A_639] : memref<262144x128xf32, #tpu.memory_space<hbm>> -> memref<128x128xf32, #tpu.memory_space<hbm>>
      %dma_start3A_641 = arith.constant 0 : i32
      %dma_start3A_642 = tpu.memref_slice %arg4[%add3A_12, %dma_start3A_641] : memref<262144x128xf32, #tpu.memory_space<hbm>> -> memref<128x128xf32, #tpu.memory_space<hbm>>
      tpu.enqueue_dma source(%arg6 : memref<128x128xf32, #tpu.memory_space<vmem>>) target(%dma_start3A_642 : memref<128x128xf32, #tpu.memory_space<hbm>>) target_semaphore(%run_scoped3A : memref<!tpu.dma_semaphore, #tpu.memory_space<semaphore_mem>>)
      %dma_wait3A_643 = arith.constant 0 : i32
      %dma_wait3A_644 = tpu.memref_slice %arg4[%add3A_12, %dma_wait3A_643] : memref<262144x128xf32, #tpu.memory_space<hbm>> -> memref<128x128xf32, #tpu.memory_space<hbm>>
      %dma_wait3A_645 = arith.constant 0 : i32
      %dma_wait3A_646 = tpu.memref_slice %arg4[%add3A_12, %dma_wait3A_645] : memref<262144x128xf32, #tpu.memory_space<hbm>> -> memref<128x128xf32, #tpu.memory_space<hbm>>
      tpu.wait_dma2 semaphore(%run_scoped3A : memref<!tpu.dma_semaphore, #tpu.memory_space<semaphore_mem>>) src(%arg6 : memref<128x128xf32, #tpu.memory_space<vmem>>) dst(%dma_wait3A_646 : memref<128x128xf32, #tpu.memory_space<hbm>>)
      tpu.yield
    }) : () -> ()
    %mul3A_19 = arith.constant 8192 : i32
    %mul3A_20 = arith.muli %add3A, %mul3A_19 : i32
    %add3A_21 = arith.constant 256 : i32
    %add3A_22 = arith.addi %mul3A_20, %add3A_21 : i32
    "tpu.region"() ({
      %run_scoped3A = tpu.sem_alloc : memref<!tpu.dma_semaphore, #tpu.memory_space<semaphore_mem>>
      %dma_start3A_639 = tpu.memref_slice %arg3[%add3A_22] : memref<262144xi32, #tpu.memory_space<hbm>> -> memref<128xi32, #tpu.memory_space<hbm>>
      %dma_start3A_640 = tpu.memref_slice %arg3[%add3A_22] : memref<262144xi32, #tpu.memory_space<hbm>> -> memref<128xi32, #tpu.memory_space<hbm>>
      tpu.enqueue_dma source(%dma_start3A_640 : memref<128xi32, #tpu.memory_space<hbm>>) target(%arg5 : memref<128xi32, #tpu.memory_space<vmem>>) target_semaphore(%run_scoped3A : memref<!tpu.dma_semaphore, #tpu.memory_space<semaphore_mem>>)
      %dma_wait3A_641 = tpu.memref_slice %arg3[%add3A_22] : memref<262144xi32, #tpu.memory_space<hbm>> -> memref<128xi32, #tpu.memory_space<hbm>>
      %dma_wait3A_642 = tpu.memref_slice %arg3[%add3A_22] : memref<262144xi32, #tpu.memory_space<hbm>> -> memref<128xi32, #tpu.memory_space<hbm>>
      tpu.wait_dma2 semaphore(%run_scoped3A : memref<!tpu.dma_semaphore, #tpu.memory_space<semaphore_mem>>) src(%dma_wait3A_642 : memref<128xi32, #tpu.memory_space<hbm>>) dst(%arg5 : memref<128xi32, #tpu.memory_space<vmem>>)
      tpu.yield
    }) : () -> ()
    %dma_start3A_23 = arith.constant 0 : i32
    %dma_start3A_24 = arith.constant 0 : i32
    %dma_start3A_25 = tpu.memref_slice %arg2[%dma_start3A_23, %dma_start3A_24] : memref<8192x128xf32, #tpu.memory_space<hbm>> -> memref<8192x128xf32, #tpu.memory_space<hbm>>
    tpu.enqueue_indirect_dma source(%dma_start3A_25 : memref<8192x128xf32, #tpu.memory_space<hbm>>) target(%arg6 : memref<128x128xf32, #tpu.memory_space<vmem>>) offsets(%arg5 : memref<128xi32, #tpu.memory_space<vmem>>) semaphore(%arg7 : memref<!tpu.dma_semaphore, #tpu.memory_space<semaphore_mem>>)
    %dma_wait3A_26 = arith.constant 0 : i32
    %dma_wait3A_27 = arith.constant 0 : i32
    %dma_wait3A_28 = tpu.memref_slice %arg2[%dma_wait3A_26, %dma_wait3A_27] : memref<8192x128xf32, #tpu.memory_space<hbm>> -> memref<8192x128xf32, #tpu.memory_space<hbm>>
    tpu.wait_indirect_dma semaphore(%arg7 : memref<!tpu.dma_semaphore, #tpu.memory_space<semaphore_mem>>) src(%dma_wait3A_28 : memref<8192x128xf32, #tpu.memory_space<hbm>>) dst(%arg6 : memref<128x128xf32, #tpu.memory_space<vmem>>)
    "tpu.region"() ({
      %run_scoped3A = tpu.sem_alloc : memref<!tpu.dma_semaphore, #tpu.memory_space<semaphore_mem>>
      %dma_start3A_639 = arith.constant 0 : i32
      %dma_start3A_640 = tpu.memref_slice %arg4[%add3A_22, %dma_start3A_639] : memref<262144x128xf32, #tpu.memory_space<hbm>> -> memref<128x128xf32, #tpu.memory_space<hbm>>
      %dma_start3A_641 = arith.constant 0 : i32
      %dma_start3A_642 = tpu.memref_slice %arg4[%add3A_22, %dma_start3A_641] : memref<262144x128xf32, #tpu.memory_space<hbm>> -> memref<128x128xf32, #tpu.memory_space<hbm>>
      tpu.enqueue_dma source(%arg6 : memref<128x128xf32, #tpu.memory_space<vmem>>) target(%dma_start3A_642 : memref<128x128xf32, #tpu.memory_space<hbm>>) target_semaphore(%run_scoped3A : memref<!tpu.dma_semaphore, #tpu.memory_space<semaphore_mem>>)
      %dma_wait3A_643 = arith.constant 0 : i32
      %dma_wait3A_644 = tpu.memref_slice %arg4[%add3A_22, %dma_wait3A_643] : memref<262144x128xf32, #tpu.memory_space<hbm>> -> memref<128x128xf32, #tpu.memory_space<hbm>>
      %dma_wait3A_645 = arith.constant 0 : i32
      %dma_wait3A_646 = tpu.memref_slice %arg4[%add3A_22, %dma_wait3A_645] : memref<262144x128xf32, #tpu.memory_space<hbm>> -> memref<128x128xf32, #tpu.memory_space<hbm>>
      tpu.wait_dma2 semaphore(%run_scoped3A : memref<!tpu.dma_semaphore, #tpu.memory_space<semaphore_mem>>) src(%arg6 : memref<128x128xf32, #tpu.memory_space<vmem>>) dst(%dma_wait3A_646 : memref<128x128xf32, #tpu.memory_space<hbm>>)
      tpu.yield
    }) : () -> ()
    %mul3A_29 = arith.constant 8192 : i32
    %mul3A_30 = arith.muli %add3A, %mul3A_29 : i32
    %add3A_31 = arith.constant 384 : i32
    %add3A_32 = arith.addi %mul3A_30, %add3A_31 : i32
    "tpu.region"() ({
      %run_scoped3A = tpu.sem_alloc : memref<!tpu.dma_semaphore, #tpu.memory_space<semaphore_mem>>
      %dma_start3A_639 = tpu.memref_slice %arg3[%add3A_32] : memref<262144xi32, #tpu.memory_space<hbm>> -> memref<128xi32, #tpu.memory_space<hbm>>
      %dma_start3A_640 = tpu.memref_slice %arg3[%add3A_32] : memref<262144xi32, #tpu.memory_space<hbm>> -> memref<128xi32, #tpu.memory_space<hbm>>
      tpu.enqueue_dma source(%dma_start3A_640 : memref<128xi32, #tpu.memory_space<hbm>>) target(%arg5 : memref<128xi32, #tpu.memory_space<vmem>>) target_semaphore(%run_scoped3A : memref<!tpu.dma_semaphore, #tpu.memory_space<semaphore_mem>>)
      %dma_wait3A_641 = tpu.memref_slice %arg3[%add3A_32] : memref<262144xi32, #tpu.memory_space<hbm>> -> memref<128xi32, #tpu.memory_space<hbm>>
      %dma_wait3A_642 = tpu.memref_slice %arg3[%add3A_32] : memref<262144xi32, #tpu.memory_space<hbm>> -> memref<128xi32, #tpu.memory_space<hbm>>
      tpu.wait_dma2 semaphore(%run_scoped3A : memref<!tpu.dma_semaphore, #tpu.memory_space<semaphore_mem>>) src(%dma_wait3A_642 : memref<128xi32, #tpu.memory_space<hbm>>) dst(%arg5 : memref<128xi32, #tpu.memory_space<vmem>>)
      tpu.yield
    }) : () -> ()
    %dma_start3A_33 = arith.constant 0 : i32
    %dma_start3A_34 = arith.constant 0 : i32
    %dma_start3A_35 = tpu.memref_slice %arg2[%dma_start3A_33, %dma_start3A_34] : memref<8192x128xf32, #tpu.memory_space<hbm>> -> memref<8192x128xf32, #tpu.memory_space<hbm>>
    tpu.enqueue_indirect_dma source(%dma_start3A_35 : memref<8192x128xf32, #tpu.memory_space<hbm>>) target(%arg6 : memref<128x128xf32, #tpu.memory_space<vmem>>) offsets(%arg5 : memref<128xi32, #tpu.memory_space<vmem>>) semaphore(%arg7 : memref<!tpu.dma_semaphore, #tpu.memory_space<semaphore_mem>>)
    %dma_wait3A_36 = arith.constant 0 : i32
    %dma_wait3A_37 = arith.constant 0 : i32
    %dma_wait3A_38 = tpu.memref_slice %arg2[%dma_wait3A_36, %dma_wait3A_37] : memref<8192x128xf32, #tpu.memory_space<hbm>> -> memref<8192x128xf32, #tpu.memory_space<hbm>>
    tpu.wait_indirect_dma semaphore(%arg7 : memref<!tpu.dma_semaphore, #tpu.memory_space<semaphore_mem>>) src(%dma_wait3A_38 : memref<8192x128xf32, #tpu.memory_space<hbm>>) dst(%arg6 : memref<128x128xf32, #tpu.memory_space<vmem>>)
    "tpu.region"() ({
      %run_scoped3A = tpu.sem_alloc : memref<!tpu.dma_semaphore, #tpu.memory_space<semaphore_mem>>
      %dma_start3A_639 = arith.constant 0 : i32
      %dma_start3A_640 = tpu.memref_slice %arg4[%add3A_32, %dma_start3A_639] : memref<262144x128xf32, #tpu.memory_space<hbm>> -> memref<128x128xf32, #tpu.memory_space<hbm>>
      %dma_start3A_641 = arith.constant 0 : i32
      %dma_start3A_642 = tpu.memref_slice %arg4[%add3A_32, %dma_start3A_641] : memref<262144x128xf32, #tpu.memory_space<hbm>> -> memref<128x128xf32, #tpu.memory_space<hbm>>
      tpu.enqueue_dma source(%arg6 : memref<128x128xf32, #tpu.memory_space<vmem>>) target(%dma_start3A_642 : memref<128x128xf32, #tpu.memory_space<hbm>>) target_semaphore(%run_scoped3A : memref<!tpu.dma_semaphore, #tpu.memory_space<semaphore_mem>>)
      %dma_wait3A_643 = arith.constant 0 : i32
      %dma_wait3A_644 = tpu.memref_slice %arg4[%add3A_32, %dma_wait3A_643] : memref<262144x128xf32, #tpu.memory_space<hbm>> -> memref<128x128xf32, #tpu.memory_space<hbm>>
      %dma_wait3A_645 = arith.constant 0 : i32
      %dma_wait3A_646 = tpu.memref_slice %arg4[%add3A_32, %dma_wait3A_645] : memref<262144x128xf32, #tpu.memory_space<hbm>> -> memref<128x128xf32, #tpu.memory_space<hbm>>
      tpu.wait_dma2 semaphore(%run_scoped3A : memref<!tpu.dma_semaphore, #tpu.memory_space<semaphore_mem>>) src(%arg6 : memref<128x128xf32, #tpu.memory_space<vmem>>) dst(%dma_wait3A_646 : memref<128x128xf32, #tpu.memory_space<hbm>>)
      tpu.yield
    }) : () -> ()
    %mul3A_39 = arith.constant 8192 : i32
    %mul3A_40 = arith.muli %add3A, %mul3A_39 : i32
    %add3A_41 = arith.constant 512 : i32
    %add3A_42 = arith.addi %mul3A_40, %add3A_41 : i32
    "tpu.region"() ({
      %run_scoped3A = tpu.sem_alloc : memref<!tpu.dma_semaphore, #tpu.memory_space<semaphore_mem>>
      %dma_start3A_639 = tpu.memref_slice %arg3[%add3A_42] : memref<262144xi32, #tpu.memory_space<hbm>> -> memref<128xi32, #tpu.memory_space<hbm>>
      %dma_start3A_640 = tpu.memref_slice %arg3[%add3A_42] : memref<262144xi32, #tpu.memory_space<hbm>> -> memref<128xi32, #tpu.memory_space<hbm>>
      tpu.enqueue_dma source(%dma_start3A_640 : memref<128xi32, #tpu.memory_space<hbm>>) target(%arg5 : memref<128xi32, #tpu.memory_space<vmem>>) target_semaphore(%run_scoped3A : memref<!tpu.dma_semaphore, #tpu.memory_space<semaphore_mem>>)
      %dma_wait3A_641 = tpu.memref_slice %arg3[%add3A_42] : memref<262144xi32, #tpu.memory_space<hbm>> -> memref<128xi32, #tpu.memory_space<hbm>>
      %dma_wait3A_642 = tpu.memref_slice %arg3[%add3A_42] : memref<262144xi32, #tpu.memory_space<hbm>> -> memref<128xi32, #tpu.memory_space<hbm>>
      tpu.wait_dma2 semaphore(%run_scoped3A : memref<!tpu.dma_semaphore, #tpu.memory_space<semaphore_mem>>) src(%dma_wait3A_642 : memref<128xi32, #tpu.memory_space<hbm>>) dst(%arg5 : memref<128xi32, #tpu.memory_space<vmem>>)
      tpu.yield
    }) : () -> ()
    %dma_start3A_43 = arith.constant 0 : i32
    %dma_start3A_44 = arith.constant 0 : i32
    %dma_start3A_45 = tpu.memref_slice %arg2[%dma_start3A_43, %dma_start3A_44] : memref<8192x128xf32, #tpu.memory_space<hbm>> -> memref<8192x128xf32, #tpu.memory_space<hbm>>
    tpu.enqueue_indirect_dma source(%dma_start3A_45 : memref<8192x128xf32, #tpu.memory_space<hbm>>) target(%arg6 : memref<128x128xf32, #tpu.memory_space<vmem>>) offsets(%arg5 : memref<128xi32, #tpu.memory_space<vmem>>) semaphore(%arg7 : memref<!tpu.dma_semaphore, #tpu.memory_space<semaphore_mem>>)
    %dma_wait3A_46 = arith.constant 0 : i32
    %dma_wait3A_47 = arith.constant 0 : i32
    %dma_wait3A_48 = tpu.memref_slice %arg2[%dma_wait3A_46, %dma_wait3A_47] : memref<8192x128xf32, #tpu.memory_space<hbm>> -> memref<8192x128xf32, #tpu.memory_space<hbm>>
    tpu.wait_indirect_dma semaphore(%arg7 : memref<!tpu.dma_semaphore, #tpu.memory_space<semaphore_mem>>) src(%dma_wait3A_48 : memref<8192x128xf32, #tpu.memory_space<hbm>>) dst(%arg6 : memref<128x128xf32, #tpu.memory_space<vmem>>)
    "tpu.region"() ({
      %run_scoped3A = tpu.sem_alloc : memref<!tpu.dma_semaphore, #tpu.memory_space<semaphore_mem>>
      %dma_start3A_639 = arith.constant 0 : i32
      %dma_start3A_640 = tpu.memref_slice %arg4[%add3A_42, %dma_start3A_639] : memref<262144x128xf32, #tpu.memory_space<hbm>> -> memref<128x128xf32, #tpu.memory_space<hbm>>
      %dma_start3A_641 = arith.constant 0 : i32
      %dma_start3A_642 = tpu.memref_slice %arg4[%add3A_42, %dma_start3A_641] : memref<262144x128xf32, #tpu.memory_space<hbm>> -> memref<128x128xf32, #tpu.memory_space<hbm>>
      tpu.enqueue_dma source(%arg6 : memref<128x128xf32, #tpu.memory_space<vmem>>) target(%dma_start3A_642 : memref<128x128xf32, #tpu.memory_space<hbm>>) target_semaphore(%run_scoped3A : memref<!tpu.dma_semaphore, #tpu.memory_space<semaphore_mem>>)
      %dma_wait3A_643 = arith.constant 0 : i32
      %dma_wait3A_644 = tpu.memref_slice %arg4[%add3A_42, %dma_wait3A_643] : memref<262144x128xf32, #tpu.memory_space<hbm>> -> memref<128x128xf32, #tpu.memory_space<hbm>>
      %dma_wait3A_645 = arith.constant 0 : i32
      %dma_wait3A_646 = tpu.memref_slice %arg4[%add3A_42, %dma_wait3A_645] : memref<262144x128xf32, #tpu.memory_space<hbm>> -> memref<128x128xf32, #tpu.memory_space<hbm>>
      tpu.wait_dma2 semaphore(%run_scoped3A : memref<!tpu.dma_semaphore, #tpu.memory_space<semaphore_mem>>) src(%arg6 : memref<128x128xf32, #tpu.memory_space<vmem>>) dst(%dma_wait3A_646 : memref<128x128xf32, #tpu.memory_space<hbm>>)
      tpu.yield
    }) : () -> ()
    %mul3A_49 = arith.constant 8192 : i32
    %mul3A_50 = arith.muli %add3A, %mul3A_49 : i32
    %add3A_51 = arith.constant 640 : i32
    %add3A_52 = arith.addi %mul3A_50, %add3A_51 : i32
    "tpu.region"() ({
      %run_scoped3A = tpu.sem_alloc : memref<!tpu.dma_semaphore, #tpu.memory_space<semaphore_mem>>
      %dma_start3A_639 = tpu.memref_slice %arg3[%add3A_52] : memref<262144xi32, #tpu.memory_space<hbm>> -> memref<128xi32, #tpu.memory_space<hbm>>
      %dma_start3A_640 = tpu.memref_slice %arg3[%add3A_52] : memref<262144xi32, #tpu.memory_space<hbm>> -> memref<128xi32, #tpu.memory_space<hbm>>
      tpu.enqueue_dma source(%dma_start3A_640 : memref<128xi32, #tpu.memory_space<hbm>>) target(%arg5 : memref<128xi32, #tpu.memory_space<vmem>>) target_semaphore(%run_scoped3A : memref<!tpu.dma_semaphore, #tpu.memory_space<semaphore_mem>>)
      %dma_wait3A_641 = tpu.memref_slice %arg3[%add3A_52] : memref<262144xi32, #tpu.memory_space<hbm>> -> memref<128xi32, #tpu.memory_space<hbm>>
      %dma_wait3A_642 = tpu.memref_slice %arg3[%add3A_52] : memref<262144xi32, #tpu.memory_space<hbm>> -> memref<128xi32, #tpu.memory_space<hbm>>
      tpu.wait_dma2 semaphore(%run_scoped3A : memref<!tpu.dma_semaphore, #tpu.memory_space<semaphore_mem>>) src(%dma_wait3A_642 : memref<128xi32, #tpu.memory_space<hbm>>) dst(%arg5 : memref<128xi32, #tpu.memory_space<vmem>>)
      tpu.yield
    }) : () -> ()
    %dma_start3A_53 = arith.constant 0 : i32
    %dma_start3A_54 = arith.constant 0 : i32
    %dma_start3A_55 = tpu.memref_slice %arg2[%dma_start3A_53, %dma_start3A_54] : memref<8192x128xf32, #tpu.memory_space<hbm>> -> memref<8192x128xf32, #tpu.memory_space<hbm>>
    tpu.enqueue_indirect_dma source(%dma_start3A_55 : memref<8192x128xf32, #tpu.memory_space<hbm>>) target(%arg6 : memref<128x128xf32, #tpu.memory_space<vmem>>) offsets(%arg5 : memref<128xi32, #tpu.memory_space<vmem>>) semaphore(%arg7 : memref<!tpu.dma_semaphore, #tpu.memory_space<semaphore_mem>>)
    %dma_wait3A_56 = arith.constant 0 : i32
    %dma_wait3A_57 = arith.constant 0 : i32
    %dma_wait3A_58 = tpu.memref_slice %arg2[%dma_wait3A_56, %dma_wait3A_57] : memref<8192x128xf32, #tpu.memory_space<hbm>> -> memref<8192x128xf32, #tpu.memory_space<hbm>>
    tpu.wait_indirect_dma semaphore(%arg7 : memref<!tpu.dma_semaphore, #tpu.memory_space<semaphore_mem>>) src(%dma_wait3A_58 : memref<8192x128xf32, #tpu.memory_space<hbm>>) dst(%arg6 : memref<128x128xf32, #tpu.memory_space<vmem>>)
    "tpu.region"() ({
      %run_scoped3A = tpu.sem_alloc : memref<!tpu.dma_semaphore, #tpu.memory_space<semaphore_mem>>
      %dma_start3A_639 = arith.constant 0 : i32
      %dma_start3A_640 = tpu.memref_slice %arg4[%add3A_52, %dma_start3A_639] : memref<262144x128xf32, #tpu.memory_space<hbm>> -> memref<128x128xf32, #tpu.memory_space<hbm>>
      %dma_start3A_641 = arith.constant 0 : i32
      %dma_start3A_642 = tpu.memref_slice %arg4[%add3A_52, %dma_start3A_641] : memref<262144x128xf32, #tpu.memory_space<hbm>> -> memref<128x128xf32, #tpu.memory_space<hbm>>
      tpu.enqueue_dma source(%arg6 : memref<128x128xf32, #tpu.memory_space<vmem>>) target(%dma_start3A_642 : memref<128x128xf32, #tpu.memory_space<hbm>>) target_semaphore(%run_scoped3A : memref<!tpu.dma_semaphore, #tpu.memory_space<semaphore_mem>>)
      %dma_wait3A_643 = arith.constant 0 : i32
      %dma_wait3A_644 = tpu.memref_slice %arg4[%add3A_52, %dma_wait3A_643] : memref<262144x128xf32, #tpu.memory_space<hbm>> -> memref<128x128xf32, #tpu.memory_space<hbm>>
      %dma_wait3A_645 = arith.constant 0 : i32
      %dma_wait3A_646 = tpu.memref_slice %arg4[%add3A_52, %dma_wait3A_645] : memref<262144x128xf32, #tpu.memory_space<hbm>> -> memref<128x128xf32, #tpu.memory_space<hbm>>
      tpu.wait_dma2 semaphore(%run_scoped3A : memref<!tpu.dma_semaphore, #tpu.memory_space<semaphore_mem>>) src(%arg6 : memref<128x128xf32, #tpu.memory_space<vmem>>) dst(%dma_wait3A_646 : memref<128x128xf32, #tpu.memory_space<hbm>>)
      tpu.yield
    }) : () -> ()
    %mul3A_59 = arith.constant 8192 : i32
    %mul3A_60 = arith.muli %add3A, %mul3A_59 : i32
    %add3A_61 = arith.constant 768 : i32
    %add3A_62 = arith.addi %mul3A_60, %add3A_61 : i32
    "tpu.region"() ({
      %run_scoped3A = tpu.sem_alloc : memref<!tpu.dma_semaphore, #tpu.memory_space<semaphore_mem>>
      %dma_start3A_639 = tpu.memref_slice %arg3[%add3A_62] : memref<262144xi32, #tpu.memory_space<hbm>> -> memref<128xi32, #tpu.memory_space<hbm>>
      %dma_start3A_640 = tpu.memref_slice %arg3[%add3A_62] : memref<262144xi32, #tpu.memory_space<hbm>> -> memref<128xi32, #tpu.memory_space<hbm>>
      tpu.enqueue_dma source(%dma_start3A_640 : memref<128xi32, #tpu.memory_space<hbm>>) target(%arg5 : memref<128xi32, #tpu.memory_space<vmem>>) target_semaphore(%run_scoped3A : memref<!tpu.dma_semaphore, #tpu.memory_space<semaphore_mem>>)
      %dma_wait3A_641 = tpu.memref_slice %arg3[%add3A_62] : memref<262144xi32, #tpu.memory_space<hbm>> -> memref<128xi32, #tpu.memory_space<hbm>>
      %dma_wait3A_642 = tpu.memref_slice %arg3[%add3A_62] : memref<262144xi32, #tpu.memory_space<hbm>> -> memref<128xi32, #tpu.memory_space<hbm>>
      tpu.wait_dma2 semaphore(%run_scoped3A : memref<!tpu.dma_semaphore, #tpu.memory_space<semaphore_mem>>) src(%dma_wait3A_642 : memref<128xi32, #tpu.memory_space<hbm>>) dst(%arg5 : memref<128xi32, #tpu.memory_space<vmem>>)
      tpu.yield
    }) : () -> ()
    %dma_start3A_63 = arith.constant 0 : i32
    %dma_start3A_64 = arith.constant 0 : i32
    %dma_start3A_65 = tpu.memref_slice %arg2[%dma_start3A_63, %dma_start3A_64] : memref<8192x128xf32, #tpu.memory_space<hbm>> -> memref<8192x128xf32, #tpu.memory_space<hbm>>
    tpu.enqueue_indirect_dma source(%dma_start3A_65 : memref<8192x128xf32, #tpu.memory_space<hbm>>) target(%arg6 : memref<128x128xf32, #tpu.memory_space<vmem>>) offsets(%arg5 : memref<128xi32, #tpu.memory_space<vmem>>) semaphore(%arg7 : memref<!tpu.dma_semaphore, #tpu.memory_space<semaphore_mem>>)
    %dma_wait3A_66 = arith.constant 0 : i32
    %dma_wait3A_67 = arith.constant 0 : i32
    %dma_wait3A_68 = tpu.memref_slice %arg2[%dma_wait3A_66, %dma_wait3A_67] : memref<8192x128xf32, #tpu.memory_space<hbm>> -> memref<8192x128xf32, #tpu.memory_space<hbm>>
    tpu.wait_indirect_dma semaphore(%arg7 : memref<!tpu.dma_semaphore, #tpu.memory_space<semaphore_mem>>) src(%dma_wait3A_68 : memref<8192x128xf32, #tpu.memory_space<hbm>>) dst(%arg6 : memref<128x128xf32, #tpu.memory_space<vmem>>)
    "tpu.region"() ({
      %run_scoped3A = tpu.sem_alloc : memref<!tpu.dma_semaphore, #tpu.memory_space<semaphore_mem>>
      %dma_start3A_639 = arith.constant 0 : i32
      %dma_start3A_640 = tpu.memref_slice %arg4[%add3A_62, %dma_start3A_639] : memref<262144x128xf32, #tpu.memory_space<hbm>> -> memref<128x128xf32, #tpu.memory_space<hbm>>
      %dma_start3A_641 = arith.constant 0 : i32
      %dma_start3A_642 = tpu.memref_slice %arg4[%add3A_62, %dma_start3A_641] : memref<262144x128xf32, #tpu.memory_space<hbm>> -> memref<128x128xf32, #tpu.memory_space<hbm>>
      tpu.enqueue_dma source(%arg6 : memref<128x128xf32, #tpu.memory_space<vmem>>) target(%dma_start3A_642 : memref<128x128xf32, #tpu.memory_space<hbm>>) target_semaphore(%run_scoped3A : memref<!tpu.dma_semaphore, #tpu.memory_space<semaphore_mem>>)
      %dma_wait3A_643 = arith.constant 0 : i32
      %dma_wait3A_644 = tpu.memref_slice %arg4[%add3A_62, %dma_wait3A_643] : memref<262144x128xf32, #tpu.memory_space<hbm>> -> memref<128x128xf32, #tpu.memory_space<hbm>>
      %dma_wait3A_645 = arith.constant 0 : i32
      %dma_wait3A_646 = tpu.memref_slice %arg4[%add3A_62, %dma_wait3A_645] : memref<262144x128xf32, #tpu.memory_space<hbm>> -> memref<128x128xf32, #tpu.memory_space<hbm>>
      tpu.wait_dma2 semaphore(%run_scoped3A : memref<!tpu.dma_semaphore, #tpu.memory_space<semaphore_mem>>) src(%arg6 : memref<128x128xf32, #tpu.memory_space<vmem>>) dst(%dma_wait3A_646 : memref<128x128xf32, #tpu.memory_space<hbm>>)
      tpu.yield
    }) : () -> ()
    %mul3A_69 = arith.constant 8192 : i32
    %mul3A_70 = arith.muli %add3A, %mul3A_69 : i32
    %add3A_71 = arith.constant 896 : i32
    %add3A_72 = arith.addi %mul3A_70, %add3A_71 : i32
    "tpu.region"() ({
      %run_scoped3A = tpu.sem_alloc : memref<!tpu.dma_semaphore, #tpu.memory_space<semaphore_mem>>
      %dma_start3A_639 = tpu.memref_slice %arg3[%add3A_72] : memref<262144xi32, #tpu.memory_space<hbm>> -> memref<128xi32, #tpu.memory_space<hbm>>
      %dma_start3A_640 = tpu.memref_slice %arg3[%add3A_72] : memref<262144xi32, #tpu.memory_space<hbm>> -> memref<128xi32, #tpu.memory_space<hbm>>
      tpu.enqueue_dma source(%dma_start3A_640 : memref<128xi32, #tpu.memory_space<hbm>>) target(%arg5 : memref<128xi32, #tpu.memory_space<vmem>>) target_semaphore(%run_scoped3A : memref<!tpu.dma_semaphore, #tpu.memory_space<semaphore_mem>>)
      %dma_wait3A_641 = tpu.memref_slice %arg3[%add3A_72] : memref<262144xi32, #tpu.memory_space<hbm>> -> memref<128xi32, #tpu.memory_space<hbm>>
      %dma_wait3A_642 = tpu.memref_slice %arg3[%add3A_72] : memref<262144xi32, #tpu.memory_space<hbm>> -> memref<128xi32, #tpu.memory_space<hbm>>
      tpu.wait_dma2 semaphore(%run_scoped3A : memref<!tpu.dma_semaphore, #tpu.memory_space<semaphore_mem>>) src(%dma_wait3A_642 : memref<128xi32, #tpu.memory_space<hbm>>) dst(%arg5 : memref<128xi32, #tpu.memory_space<vmem>>)
      tpu.yield
    }) : () -> ()
    %dma_start3A_73 = arith.constant 0 : i32
    %dma_start3A_74 = arith.constant 0 : i32
    %dma_start3A_75 = tpu.memref_slice %arg2[%dma_start3A_73, %dma_start3A_74] : memref<8192x128xf32, #tpu.memory_space<hbm>> -> memref<8192x128xf32, #tpu.memory_space<hbm>>
    tpu.enqueue_indirect_dma source(%dma_start3A_75 : memref<8192x128xf32, #tpu.memory_space<hbm>>) target(%arg6 : memref<128x128xf32, #tpu.memory_space<vmem>>) offsets(%arg5 : memref<128xi32, #tpu.memory_space<vmem>>) semaphore(%arg7 : memref<!tpu.dma_semaphore, #tpu.memory_space<semaphore_mem>>)
    %dma_wait3A_76 = arith.constant 0 : i32
    %dma_wait3A_77 = arith.constant 0 : i32
    %dma_wait3A_78 = tpu.memref_slice %arg2[%dma_wait3A_76, %dma_wait3A_77] : memref<8192x128xf32, #tpu.memory_space<hbm>> -> memref<8192x128xf32, #tpu.memory_space<hbm>>
    tpu.wait_indirect_dma semaphore(%arg7 : memref<!tpu.dma_semaphore, #tpu.memory_space<semaphore_mem>>) src(%dma_wait3A_78 : memref<8192x128xf32, #tpu.memory_space<hbm>>) dst(%arg6 : memref<128x128xf32, #tpu.memory_space<vmem>>)
    "tpu.region"() ({
      %run_scoped3A = tpu.sem_alloc : memref<!tpu.dma_semaphore, #tpu.memory_space<semaphore_mem>>
      %dma_start3A_639 = arith.constant 0 : i32
      %dma_start3A_640 = tpu.memref_slice %arg4[%add3A_72, %dma_start3A_639] : memref<262144x128xf32, #tpu.memory_space<hbm>> -> memref<128x128xf32, #tpu.memory_space<hbm>>
      %dma_start3A_641 = arith.constant 0 : i32
      %dma_start3A_642 = tpu.memref_slice %arg4[%add3A_72, %dma_start3A_641] : memref<262144x128xf32, #tpu.memory_space<hbm>> -> memref<128x128xf32, #tpu.memory_space<hbm>>
      tpu.enqueue_dma source(%arg6 : memref<128x128xf32, #tpu.memory_space<vmem>>) target(%dma_start3A_642 : memref<128x128xf32, #tpu.memory_space<hbm>>) target_semaphore(%run_scoped3A : memref<!tpu.dma_semaphore, #tpu.memory_space<semaphore_mem>>)
      %dma_wait3A_643 = arith.constant 0 : i32
      %dma_wait3A_644 = tpu.memref_slice %arg4[%add3A_72, %dma_wait3A_643] : memref<262144x128xf32, #tpu.memory_space<hbm>> -> memref<128x128xf32, #tpu.memory_space<hbm>>
      %dma_wait3A_645 = arith.constant 0 : i32
      %dma_wait3A_646 = tpu.memref_slice %arg4[%add3A_72, %dma_wait3A_645] : memref<262144x128xf32, #tpu.memory_space<hbm>> -> memref<128x128xf32, #tpu.memory_space<hbm>>
      tpu.wait_dma2 semaphore(%run_scoped3A : memref<!tpu.dma_semaphore, #tpu.memory_space<semaphore_mem>>) src(%arg6 : memref<128x128xf32, #tpu.memory_space<vmem>>) dst(%dma_wait3A_646 : memref<128x128xf32, #tpu.memory_space<hbm>>)
      tpu.yield
    }) : () -> ()
    %mul3A_79 = arith.constant 8192 : i32
    %mul3A_80 = arith.muli %add3A, %mul3A_79 : i32
    %add3A_81 = arith.constant 1024 : i32
    %add3A_82 = arith.addi %mul3A_80, %add3A_81 : i32
    "tpu.region"() ({
      %run_scoped3A = tpu.sem_alloc : memref<!tpu.dma_semaphore, #tpu.memory_space<semaphore_mem>>
      %dma_start3A_639 = tpu.memref_slice %arg3[%add3A_82] : memref<262144xi32, #tpu.memory_space<hbm>> -> memref<128xi32, #tpu.memory_space<hbm>>
      %dma_start3A_640 = tpu.memref_slice %arg3[%add3A_82] : memref<262144xi32, #tpu.memory_space<hbm>> -> memref<128xi32, #tpu.memory_space<hbm>>
      tpu.enqueue_dma source(%dma_start3A_640 : memref<128xi32, #tpu.memory_space<hbm>>) target(%arg5 : memref<128xi32, #tpu.memory_space<vmem>>) target_semaphore(%run_scoped3A : memref<!tpu.dma_semaphore, #tpu.memory_space<semaphore_mem>>)
      %dma_wait3A_641 = tpu.memref_slice %arg3[%add3A_82] : memref<262144xi32, #tpu.memory_space<hbm>> -> memref<128xi32, #tpu.memory_space<hbm>>
      %dma_wait3A_642 = tpu.memref_slice %arg3[%add3A_82] : memref<262144xi32, #tpu.memory_space<hbm>> -> memref<128xi32, #tpu.memory_space<hbm>>
      tpu.wait_dma2 semaphore(%run_scoped3A : memref<!tpu.dma_semaphore, #tpu.memory_space<semaphore_mem>>) src(%dma_wait3A_642 : memref<128xi32, #tpu.memory_space<hbm>>) dst(%arg5 : memref<128xi32, #tpu.memory_space<vmem>>)
      tpu.yield
    }) : () -> ()
    %dma_start3A_83 = arith.constant 0 : i32
    %dma_start3A_84 = arith.constant 0 : i32
    %dma_start3A_85 = tpu.memref_slice %arg2[%dma_start3A_83, %dma_start3A_84] : memref<8192x128xf32, #tpu.memory_space<hbm>> -> memref<8192x128xf32, #tpu.memory_space<hbm>>
    tpu.enqueue_indirect_dma source(%dma_start3A_85 : memref<8192x128xf32, #tpu.memory_space<hbm>>) target(%arg6 : memref<128x128xf32, #tpu.memory_space<vmem>>) offsets(%arg5 : memref<128xi32, #tpu.memory_space<vmem>>) semaphore(%arg7 : memref<!tpu.dma_semaphore, #tpu.memory_space<semaphore_mem>>)
    %dma_wait3A_86 = arith.constant 0 : i32
    %dma_wait3A_87 = arith.constant 0 : i32
    %dma_wait3A_88 = tpu.memref_slice %arg2[%dma_wait3A_86, %dma_wait3A_87] : memref<8192x128xf32, #tpu.memory_space<hbm>> -> memref<8192x128xf32, #tpu.memory_space<hbm>>
    tpu.wait_indirect_dma semaphore(%arg7 : memref<!tpu.dma_semaphore, #tpu.memory_space<semaphore_mem>>) src(%dma_wait3A_88 : memref<8192x128xf32, #tpu.memory_space<hbm>>) dst(%arg6 : memref<128x128xf32, #tpu.memory_space<vmem>>)
    "tpu.region"() ({
      %run_scoped3A = tpu.sem_alloc : memref<!tpu.dma_semaphore, #tpu.memory_space<semaphore_mem>>
      %dma_start3A_639 = arith.constant 0 : i32
      %dma_start3A_640 = tpu.memref_slice %arg4[%add3A_82, %dma_start3A_639] : memref<262144x128xf32, #tpu.memory_space<hbm>> -> memref<128x128xf32, #tpu.memory_space<hbm>>
      %dma_start3A_641 = arith.constant 0 : i32
      %dma_start3A_642 = tpu.memref_slice %arg4[%add3A_82, %dma_start3A_641] : memref<262144x128xf32, #tpu.memory_space<hbm>> -> memref<128x128xf32, #tpu.memory_space<hbm>>
      tpu.enqueue_dma source(%arg6 : memref<128x128xf32, #tpu.memory_space<vmem>>) target(%dma_start3A_642 : memref<128x128xf32, #tpu.memory_space<hbm>>) target_semaphore(%run_scoped3A : memref<!tpu.dma_semaphore, #tpu.memory_space<semaphore_mem>>)
      %dma_wait3A_643 = arith.constant 0 : i32
      %dma_wait3A_644 = tpu.memref_slice %arg4[%add3A_82, %dma_wait3A_643] : memref<262144x128xf32, #tpu.memory_space<hbm>> -> memref<128x128xf32, #tpu.memory_space<hbm>>
      %dma_wait3A_645 = arith.constant 0 : i32
      %dma_wait3A_646 = tpu.memref_slice %arg4[%add3A_82, %dma_wait3A_645] : memref<262144x128xf32, #tpu.memory_space<hbm>> -> memref<128x128xf32, #tpu.memory_space<hbm>>
      tpu.wait_dma2 semaphore(%run_scoped3A : memref<!tpu.dma_semaphore, #tpu.memory_space<semaphore_mem>>) src(%arg6 : memref<128x128xf32, #tpu.memory_space<vmem>>) dst(%dma_wait3A_646 : memref<128x128xf32, #tpu.memory_space<hbm>>)
      tpu.yield
    }) : () -> ()
    %mul3A_89 = arith.constant 8192 : i32
    %mul3A_90 = arith.muli %add3A, %mul3A_89 : i32
    %add3A_91 = arith.constant 1152 : i32
    %add3A_92 = arith.addi %mul3A_90, %add3A_91 : i32
    "tpu.region"() ({
      %run_scoped3A = tpu.sem_alloc : memref<!tpu.dma_semaphore, #tpu.memory_space<semaphore_mem>>
      %dma_start3A_639 = tpu.memref_slice %arg3[%add3A_92] : memref<262144xi32, #tpu.memory_space<hbm>> -> memref<128xi32, #tpu.memory_space<hbm>>
      %dma_start3A_640 = tpu.memref_slice %arg3[%add3A_92] : memref<262144xi32, #tpu.memory_space<hbm>> -> memref<128xi32, #tpu.memory_space<hbm>>
      tpu.enqueue_dma source(%dma_start3A_640 : memref<128xi32, #tpu.memory_space<hbm>>) target(%arg5 : memref<128xi32, #tpu.memory_space<vmem>>) target_semaphore(%run_scoped3A : memref<!tpu.dma_semaphore, #tpu.memory_space<semaphore_mem>>)
      %dma_wait3A_641 = tpu.memref_slice %arg3[%add3A_92] : memref<262144xi32, #tpu.memory_space<hbm>> -> memref<128xi32, #tpu.memory_space<hbm>>
      %dma_wait3A_642 = tpu.memref_slice %arg3[%add3A_92] : memref<262144xi32, #tpu.memory_space<hbm>> -> memref<128xi32, #tpu.memory_space<hbm>>
      tpu.wait_dma2 semaphore(%run_scoped3A : memref<!tpu.dma_semaphore, #tpu.memory_space<semaphore_mem>>) src(%dma_wait3A_642 : memref<128xi32, #tpu.memory_space<hbm>>) dst(%arg5 : memref<128xi32, #tpu.memory_space<vmem>>)
      tpu.yield
    }) : () -> ()
    %dma_start3A_93 = arith.constant 0 : i32
    %dma_start3A_94 = arith.constant 0 : i32
    %dma_start3A_95 = tpu.memref_slice %arg2[%dma_start3A_93, %dma_start3A_94] : memref<8192x128xf32, #tpu.memory_space<hbm>> -> memref<8192x128xf32, #tpu.memory_space<hbm>>
    tpu.enqueue_indirect_dma source(%dma_start3A_95 : memref<8192x128xf32, #tpu.memory_space<hbm>>) target(%arg6 : memref<128x128xf32, #tpu.memory_space<vmem>>) offsets(%arg5 : memref<128xi32, #tpu.memory_space<vmem>>) semaphore(%arg7 : memref<!tpu.dma_semaphore, #tpu.memory_space<semaphore_mem>>)
    %dma_wait3A_96 = arith.constant 0 : i32
    %dma_wait3A_97 = arith.constant 0 : i32
    %dma_wait3A_98 = tpu.memref_slice %arg2[%dma_wait3A_96, %dma_wait3A_97] : memref<8192x128xf32, #tpu.memory_space<hbm>> -> memref<8192x128xf32, #tpu.memory_space<hbm>>
    tpu.wait_indirect_dma semaphore(%arg7 : memref<!tpu.dma_semaphore, #tpu.memory_space<semaphore_mem>>) src(%dma_wait3A_98 : memref<8192x128xf32, #tpu.memory_space<hbm>>) dst(%arg6 : memref<128x128xf32, #tpu.memory_space<vmem>>)
    "tpu.region"() ({
      %run_scoped3A = tpu.sem_alloc : memref<!tpu.dma_semaphore, #tpu.memory_space<semaphore_mem>>
      %dma_start3A_639 = arith.constant 0 : i32
      %dma_start3A_640 = tpu.memref_slice %arg4[%add3A_92, %dma_start3A_639] : memref<262144x128xf32, #tpu.memory_space<hbm>> -> memref<128x128xf32, #tpu.memory_space<hbm>>
      %dma_start3A_641 = arith.constant 0 : i32
      %dma_start3A_642 = tpu.memref_slice %arg4[%add3A_92, %dma_start3A_641] : memref<262144x128xf32, #tpu.memory_space<hbm>> -> memref<128x128xf32, #tpu.memory_space<hbm>>
      tpu.enqueue_dma source(%arg6 : memref<128x128xf32, #tpu.memory_space<vmem>>) target(%dma_start3A_642 : memref<128x128xf32, #tpu.memory_space<hbm>>) target_semaphore(%run_scoped3A : memref<!tpu.dma_semaphore, #tpu.memory_space<semaphore_mem>>)
      %dma_wait3A_643 = arith.constant 0 : i32
      %dma_wait3A_644 = tpu.memref_slice %arg4[%add3A_92, %dma_wait3A_643] : memref<262144x128xf32, #tpu.memory_space<hbm>> -> memref<128x128xf32, #tpu.memory_space<hbm>>
      %dma_wait3A_645 = arith.constant 0 : i32
      %dma_wait3A_646 = tpu.memref_slice %arg4[%add3A_92, %dma_wait3A_645] : memref<262144x128xf32, #tpu.memory_space<hbm>> -> memref<128x128xf32, #tpu.memory_space<hbm>>
      tpu.wait_dma2 semaphore(%run_scoped3A : memref<!tpu.dma_semaphore, #tpu.memory_space<semaphore_mem>>) src(%arg6 : memref<128x128xf32, #tpu.memory_space<vmem>>) dst(%dma_wait3A_646 : memref<128x128xf32, #tpu.memory_space<hbm>>)
      tpu.yield
    }) : () -> ()
    %mul3A_99 = arith.constant 8192 : i32
    %mul3A_100 = arith.muli %add3A, %mul3A_99 : i32
    %add3A_101 = arith.constant 1280 : i32
    %add3A_102 = arith.addi %mul3A_100, %add3A_101 : i32
    "tpu.region"() ({
      %run_scoped3A = tpu.sem_alloc : memref<!tpu.dma_semaphore, #tpu.memory_space<semaphore_mem>>
      %dma_start3A_639 = tpu.memref_slice %arg3[%add3A_102] : memref<262144xi32, #tpu.memory_space<hbm>> -> memref<128xi32, #tpu.memory_space<hbm>>
      %dma_start3A_640 = tpu.memref_slice %arg3[%add3A_102] : memref<262144xi32, #tpu.memory_space<hbm>> -> memref<128xi32, #tpu.memory_space<hbm>>
      tpu.enqueue_dma source(%dma_start3A_640 : memref<128xi32, #tpu.memory_space<hbm>>) target(%arg5 : memref<128xi32, #tpu.memory_space<vmem>>) target_semaphore(%run_scoped3A : memref<!tpu.dma_semaphore, #tpu.memory_space<semaphore_mem>>)
      %dma_wait3A_641 = tpu.memref_slice %arg3[%add3A_102] : memref<262144xi32, #tpu.memory_space<hbm>> -> memref<128xi32, #tpu.memory_space<hbm>>
      %dma_wait3A_642 = tpu.memref_slice %arg3[%add3A_102] : memref<262144xi32, #tpu.memory_space<hbm>> -> memref<128xi32, #tpu.memory_space<hbm>>
      tpu.wait_dma2 semaphore(%run_scoped3A : memref<!tpu.dma_semaphore, #tpu.memory_space<semaphore_mem>>) src(%dma_wait3A_642 : memref<128xi32, #tpu.memory_space<hbm>>) dst(%arg5 : memref<128xi32, #tpu.memory_space<vmem>>)
      tpu.yield
    }) : () -> ()
    %dma_start3A_103 = arith.constant 0 : i32
    %dma_start3A_104 = arith.constant 0 : i32
    %dma_start3A_105 = tpu.memref_slice %arg2[%dma_start3A_103, %dma_start3A_104] : memref<8192x128xf32, #tpu.memory_space<hbm>> -> memref<8192x128xf32, #tpu.memory_space<hbm>>
    tpu.enqueue_indirect_dma source(%dma_start3A_105 : memref<8192x128xf32, #tpu.memory_space<hbm>>) target(%arg6 : memref<128x128xf32, #tpu.memory_space<vmem>>) offsets(%arg5 : memref<128xi32, #tpu.memory_space<vmem>>) semaphore(%arg7 : memref<!tpu.dma_semaphore, #tpu.memory_space<semaphore_mem>>)
    %dma_wait3A_106 = arith.constant 0 : i32
    %dma_wait3A_107 = arith.constant 0 : i32
    %dma_wait3A_108 = tpu.memref_slice %arg2[%dma_wait3A_106, %dma_wait3A_107] : memref<8192x128xf32, #tpu.memory_space<hbm>> -> memref<8192x128xf32, #tpu.memory_space<hbm>>
    tpu.wait_indirect_dma semaphore(%arg7 : memref<!tpu.dma_semaphore, #tpu.memory_space<semaphore_mem>>) src(%dma_wait3A_108 : memref<8192x128xf32, #tpu.memory_space<hbm>>) dst(%arg6 : memref<128x128xf32, #tpu.memory_space<vmem>>)
    "tpu.region"() ({
      %run_scoped3A = tpu.sem_alloc : memref<!tpu.dma_semaphore, #tpu.memory_space<semaphore_mem>>
      %dma_start3A_639 = arith.constant 0 : i32
      %dma_start3A_640 = tpu.memref_slice %arg4[%add3A_102, %dma_start3A_639] : memref<262144x128xf32, #tpu.memory_space<hbm>> -> memref<128x128xf32, #tpu.memory_space<hbm>>
      %dma_start3A_641 = arith.constant 0 : i32
      %dma_start3A_642 = tpu.memref_slice %arg4[%add3A_102, %dma_start3A_641] : memref<262144x128xf32, #tpu.memory_space<hbm>> -> memref<128x128xf32, #tpu.memory_space<hbm>>
      tpu.enqueue_dma source(%arg6 : memref<128x128xf32, #tpu.memory_space<vmem>>) target(%dma_start3A_642 : memref<128x128xf32, #tpu.memory_space<hbm>>) target_semaphore(%run_scoped3A : memref<!tpu.dma_semaphore, #tpu.memory_space<semaphore_mem>>)
      %dma_wait3A_643 = arith.constant 0 : i32
      %dma_wait3A_644 = tpu.memref_slice %arg4[%add3A_102, %dma_wait3A_643] : memref<262144x128xf32, #tpu.memory_space<hbm>> -> memref<128x128xf32, #tpu.memory_space<hbm>>
      %dma_wait3A_645 = arith.constant 0 : i32
      %dma_wait3A_646 = tpu.memref_slice %arg4[%add3A_102, %dma_wait3A_645] : memref<262144x128xf32, #tpu.memory_space<hbm>> -> memref<128x128xf32, #tpu.memory_space<hbm>>
      tpu.wait_dma2 semaphore(%run_scoped3A : memref<!tpu.dma_semaphore, #tpu.memory_space<semaphore_mem>>) src(%arg6 : memref<128x128xf32, #tpu.memory_space<vmem>>) dst(%dma_wait3A_646 : memref<128x128xf32, #tpu.memory_space<hbm>>)
      tpu.yield
    }) : () -> ()
    %mul3A_109 = arith.constant 8192 : i32
    %mul3A_110 = arith.muli %add3A, %mul3A_109 : i32
    %add3A_111 = arith.constant 1408 : i32
    %add3A_112 = arith.addi %mul3A_110, %add3A_111 : i32
    "tpu.region"() ({
      %run_scoped3A = tpu.sem_alloc : memref<!tpu.dma_semaphore, #tpu.memory_space<semaphore_mem>>
      %dma_start3A_639 = tpu.memref_slice %arg3[%add3A_112] : memref<262144xi32, #tpu.memory_space<hbm>> -> memref<128xi32, #tpu.memory_space<hbm>>
      %dma_start3A_640 = tpu.memref_slice %arg3[%add3A_112] : memref<262144xi32, #tpu.memory_space<hbm>> -> memref<128xi32, #tpu.memory_space<hbm>>
      tpu.enqueue_dma source(%dma_start3A_640 : memref<128xi32, #tpu.memory_space<hbm>>) target(%arg5 : memref<128xi32, #tpu.memory_space<vmem>>) target_semaphore(%run_scoped3A : memref<!tpu.dma_semaphore, #tpu.memory_space<semaphore_mem>>)
      %dma_wait3A_641 = tpu.memref_slice %arg3[%add3A_112] : memref<262144xi32, #tpu.memory_space<hbm>> -> memref<128xi32, #tpu.memory_space<hbm>>
      %dma_wait3A_642 = tpu.memref_slice %arg3[%add3A_112] : memref<262144xi32, #tpu.memory_space<hbm>> -> memref<128xi32, #tpu.memory_space<hbm>>
      tpu.wait_dma2 semaphore(%run_scoped3A : memref<!tpu.dma_semaphore, #tpu.memory_space<semaphore_mem>>) src(%dma_wait3A_642 : memref<128xi32, #tpu.memory_space<hbm>>) dst(%arg5 : memref<128xi32, #tpu.memory_space<vmem>>)
      tpu.yield
    }) : () -> ()
    %dma_start3A_113 = arith.constant 0 : i32
    %dma_start3A_114 = arith.constant 0 : i32
    %dma_start3A_115 = tpu.memref_slice %arg2[%dma_start3A_113, %dma_start3A_114] : memref<8192x128xf32, #tpu.memory_space<hbm>> -> memref<8192x128xf32, #tpu.memory_space<hbm>>
    tpu.enqueue_indirect_dma source(%dma_start3A_115 : memref<8192x128xf32, #tpu.memory_space<hbm>>) target(%arg6 : memref<128x128xf32, #tpu.memory_space<vmem>>) offsets(%arg5 : memref<128xi32, #tpu.memory_space<vmem>>) semaphore(%arg7 : memref<!tpu.dma_semaphore, #tpu.memory_space<semaphore_mem>>)
    %dma_wait3A_116 = arith.constant 0 : i32
    %dma_wait3A_117 = arith.constant 0 : i32
    %dma_wait3A_118 = tpu.memref_slice %arg2[%dma_wait3A_116, %dma_wait3A_117] : memref<8192x128xf32, #tpu.memory_space<hbm>> -> memref<8192x128xf32, #tpu.memory_space<hbm>>
    tpu.wait_indirect_dma semaphore(%arg7 : memref<!tpu.dma_semaphore, #tpu.memory_space<semaphore_mem>>) src(%dma_wait3A_118 : memref<8192x128xf32, #tpu.memory_space<hbm>>) dst(%arg6 : memref<128x128xf32, #tpu.memory_space<vmem>>)
    "tpu.region"() ({
      %run_scoped3A = tpu.sem_alloc : memref<!tpu.dma_semaphore, #tpu.memory_space<semaphore_mem>>
      %dma_start3A_639 = arith.constant 0 : i32
      %dma_start3A_640 = tpu.memref_slice %arg4[%add3A_112, %dma_start3A_639] : memref<262144x128xf32, #tpu.memory_space<hbm>> -> memref<128x128xf32, #tpu.memory_space<hbm>>
      %dma_start3A_641 = arith.constant 0 : i32
      %dma_start3A_642 = tpu.memref_slice %arg4[%add3A_112, %dma_start3A_641] : memref<262144x128xf32, #tpu.memory_space<hbm>> -> memref<128x128xf32, #tpu.memory_space<hbm>>
      tpu.enqueue_dma source(%arg6 : memref<128x128xf32, #tpu.memory_space<vmem>>) target(%dma_start3A_642 : memref<128x128xf32, #tpu.memory_space<hbm>>) target_semaphore(%run_scoped3A : memref<!tpu.dma_semaphore, #tpu.memory_space<semaphore_mem>>)
      %dma_wait3A_643 = arith.constant 0 : i32
      %dma_wait3A_644 = tpu.memref_slice %arg4[%add3A_112, %dma_wait3A_643] : memref<262144x128xf32, #tpu.memory_space<hbm>> -> memref<128x128xf32, #tpu.memory_space<hbm>>
      %dma_wait3A_645 = arith.constant 0 : i32
      %dma_wait3A_646 = tpu.memref_slice %arg4[%add3A_112, %dma_wait3A_645] : memref<262144x128xf32, #tpu.memory_space<hbm>> -> memref<128x128xf32, #tpu.memory_space<hbm>>
      tpu.wait_dma2 semaphore(%run_scoped3A : memref<!tpu.dma_semaphore, #tpu.memory_space<semaphore_mem>>) src(%arg6 : memref<128x128xf32, #tpu.memory_space<vmem>>) dst(%dma_wait3A_646 : memref<128x128xf32, #tpu.memory_space<hbm>>)
      tpu.yield
    }) : () -> ()
    %mul3A_119 = arith.constant 8192 : i32
    %mul3A_120 = arith.muli %add3A, %mul3A_119 : i32
    %add3A_121 = arith.constant 1536 : i32
    %add3A_122 = arith.addi %mul3A_120, %add3A_121 : i32
    "tpu.region"() ({
      %run_scoped3A = tpu.sem_alloc : memref<!tpu.dma_semaphore, #tpu.memory_space<semaphore_mem>>
      %dma_start3A_639 = tpu.memref_slice %arg3[%add3A_122] : memref<262144xi32, #tpu.memory_space<hbm>> -> memref<128xi32, #tpu.memory_space<hbm>>
      %dma_start3A_640 = tpu.memref_slice %arg3[%add3A_122] : memref<262144xi32, #tpu.memory_space<hbm>> -> memref<128xi32, #tpu.memory_space<hbm>>
      tpu.enqueue_dma source(%dma_start3A_640 : memref<128xi32, #tpu.memory_space<hbm>>) target(%arg5 : memref<128xi32, #tpu.memory_space<vmem>>) target_semaphore(%run_scoped3A : memref<!tpu.dma_semaphore, #tpu.memory_space<semaphore_mem>>)
      %dma_wait3A_641 = tpu.memref_slice %arg3[%add3A_122] : memref<262144xi32, #tpu.memory_space<hbm>> -> memref<128xi32, #tpu.memory_space<hbm>>
      %dma_wait3A_642 = tpu.memref_slice %arg3[%add3A_122] : memref<262144xi32, #tpu.memory_space<hbm>> -> memref<128xi32, #tpu.memory_space<hbm>>
      tpu.wait_dma2 semaphore(%run_scoped3A : memref<!tpu.dma_semaphore, #tpu.memory_space<semaphore_mem>>) src(%dma_wait3A_642 : memref<128xi32, #tpu.memory_space<hbm>>) dst(%arg5 : memref<128xi32, #tpu.memory_space<vmem>>)
      tpu.yield
    }) : () -> ()
    %dma_start3A_123 = arith.constant 0 : i32
    %dma_start3A_124 = arith.constant 0 : i32
    %dma_start3A_125 = tpu.memref_slice %arg2[%dma_start3A_123, %dma_start3A_124] : memref<8192x128xf32, #tpu.memory_space<hbm>> -> memref<8192x128xf32, #tpu.memory_space<hbm>>
    tpu.enqueue_indirect_dma source(%dma_start3A_125 : memref<8192x128xf32, #tpu.memory_space<hbm>>) target(%arg6 : memref<128x128xf32, #tpu.memory_space<vmem>>) offsets(%arg5 : memref<128xi32, #tpu.memory_space<vmem>>) semaphore(%arg7 : memref<!tpu.dma_semaphore, #tpu.memory_space<semaphore_mem>>)
    %dma_wait3A_126 = arith.constant 0 : i32
    %dma_wait3A_127 = arith.constant 0 : i32
    %dma_wait3A_128 = tpu.memref_slice %arg2[%dma_wait3A_126, %dma_wait3A_127] : memref<8192x128xf32, #tpu.memory_space<hbm>> -> memref<8192x128xf32, #tpu.memory_space<hbm>>
    tpu.wait_indirect_dma semaphore(%arg7 : memref<!tpu.dma_semaphore, #tpu.memory_space<semaphore_mem>>) src(%dma_wait3A_128 : memref<8192x128xf32, #tpu.memory_space<hbm>>) dst(%arg6 : memref<128x128xf32, #tpu.memory_space<vmem>>)
    "tpu.region"() ({
      %run_scoped3A = tpu.sem_alloc : memref<!tpu.dma_semaphore, #tpu.memory_space<semaphore_mem>>
      %dma_start3A_639 = arith.constant 0 : i32
      %dma_start3A_640 = tpu.memref_slice %arg4[%add3A_122, %dma_start3A_639] : memref<262144x128xf32, #tpu.memory_space<hbm>> -> memref<128x128xf32, #tpu.memory_space<hbm>>
      %dma_start3A_641 = arith.constant 0 : i32
      %dma_start3A_642 = tpu.memref_slice %arg4[%add3A_122, %dma_start3A_641] : memref<262144x128xf32, #tpu.memory_space<hbm>> -> memref<128x128xf32, #tpu.memory_space<hbm>>
      tpu.enqueue_dma source(%arg6 : memref<128x128xf32, #tpu.memory_space<vmem>>) target(%dma_start3A_642 : memref<128x128xf32, #tpu.memory_space<hbm>>) target_semaphore(%run_scoped3A : memref<!tpu.dma_semaphore, #tpu.memory_space<semaphore_mem>>)
      %dma_wait3A_643 = arith.constant 0 : i32
      %dma_wait3A_644 = tpu.memref_slice %arg4[%add3A_122, %dma_wait3A_643] : memref<262144x128xf32, #tpu.memory_space<hbm>> -> memref<128x128xf32, #tpu.memory_space<hbm>>
      %dma_wait3A_645 = arith.constant 0 : i32
      %dma_wait3A_646 = tpu.memref_slice %arg4[%add3A_122, %dma_wait3A_645] : memref<262144x128xf32, #tpu.memory_space<hbm>> -> memref<128x128xf32, #tpu.memory_space<hbm>>
      tpu.wait_dma2 semaphore(%run_scoped3A : memref<!tpu.dma_semaphore, #tpu.memory_space<semaphore_mem>>) src(%arg6 : memref<128x128xf32, #tpu.memory_space<vmem>>) dst(%dma_wait3A_646 : memref<128x128xf32, #tpu.memory_space<hbm>>)
      tpu.yield
    }) : () -> ()
    %mul3A_129 = arith.constant 8192 : i32
    %mul3A_130 = arith.muli %add3A, %mul3A_129 : i32
    %add3A_131 = arith.constant 1664 : i32
    %add3A_132 = arith.addi %mul3A_130, %add3A_131 : i32
    "tpu.region"() ({
      %run_scoped3A = tpu.sem_alloc : memref<!tpu.dma_semaphore, #tpu.memory_space<semaphore_mem>>
      %dma_start3A_639 = tpu.memref_slice %arg3[%add3A_132] : memref<262144xi32, #tpu.memory_space<hbm>> -> memref<128xi32, #tpu.memory_space<hbm>>
      %dma_start3A_640 = tpu.memref_slice %arg3[%add3A_132] : memref<262144xi32, #tpu.memory_space<hbm>> -> memref<128xi32, #tpu.memory_space<hbm>>
      tpu.enqueue_dma source(%dma_start3A_640 : memref<128xi32, #tpu.memory_space<hbm>>) target(%arg5 : memref<128xi32, #tpu.memory_space<vmem>>) target_semaphore(%run_scoped3A : memref<!tpu.dma_semaphore, #tpu.memory_space<semaphore_mem>>)
      %dma_wait3A_641 = tpu.memref_slice %arg3[%add3A_132] : memref<262144xi32, #tpu.memory_space<hbm>> -> memref<128xi32, #tpu.memory_space<hbm>>
      %dma_wait3A_642 = tpu.memref_slice %arg3[%add3A_132] : memref<262144xi32, #tpu.memory_space<hbm>> -> memref<128xi32, #tpu.memory_space<hbm>>
      tpu.wait_dma2 semaphore(%run_scoped3A : memref<!tpu.dma_semaphore, #tpu.memory_space<semaphore_mem>>) src(%dma_wait3A_642 : memref<128xi32, #tpu.memory_space<hbm>>) dst(%arg5 : memref<128xi32, #tpu.memory_space<vmem>>)
      tpu.yield
    }) : () -> ()
    %dma_start3A_133 = arith.constant 0 : i32
    %dma_start3A_134 = arith.constant 0 : i32
    %dma_start3A_135 = tpu.memref_slice %arg2[%dma_start3A_133, %dma_start3A_134] : memref<8192x128xf32, #tpu.memory_space<hbm>> -> memref<8192x128xf32, #tpu.memory_space<hbm>>
    tpu.enqueue_indirect_dma source(%dma_start3A_135 : memref<8192x128xf32, #tpu.memory_space<hbm>>) target(%arg6 : memref<128x128xf32, #tpu.memory_space<vmem>>) offsets(%arg5 : memref<128xi32, #tpu.memory_space<vmem>>) semaphore(%arg7 : memref<!tpu.dma_semaphore, #tpu.memory_space<semaphore_mem>>)
    %dma_wait3A_136 = arith.constant 0 : i32
    %dma_wait3A_137 = arith.constant 0 : i32
    %dma_wait3A_138 = tpu.memref_slice %arg2[%dma_wait3A_136, %dma_wait3A_137] : memref<8192x128xf32, #tpu.memory_space<hbm>> -> memref<8192x128xf32, #tpu.memory_space<hbm>>
    tpu.wait_indirect_dma semaphore(%arg7 : memref<!tpu.dma_semaphore, #tpu.memory_space<semaphore_mem>>) src(%dma_wait3A_138 : memref<8192x128xf32, #tpu.memory_space<hbm>>) dst(%arg6 : memref<128x128xf32, #tpu.memory_space<vmem>>)
    "tpu.region"() ({
      %run_scoped3A = tpu.sem_alloc : memref<!tpu.dma_semaphore, #tpu.memory_space<semaphore_mem>>
      %dma_start3A_639 = arith.constant 0 : i32
      %dma_start3A_640 = tpu.memref_slice %arg4[%add3A_132, %dma_start3A_639] : memref<262144x128xf32, #tpu.memory_space<hbm>> -> memref<128x128xf32, #tpu.memory_space<hbm>>
      %dma_start3A_641 = arith.constant 0 : i32
      %dma_start3A_642 = tpu.memref_slice %arg4[%add3A_132, %dma_start3A_641] : memref<262144x128xf32, #tpu.memory_space<hbm>> -> memref<128x128xf32, #tpu.memory_space<hbm>>
      tpu.enqueue_dma source(%arg6 : memref<128x128xf32, #tpu.memory_space<vmem>>) target(%dma_start3A_642 : memref<128x128xf32, #tpu.memory_space<hbm>>) target_semaphore(%run_scoped3A : memref<!tpu.dma_semaphore, #tpu.memory_space<semaphore_mem>>)
      %dma_wait3A_643 = arith.constant 0 : i32
      %dma_wait3A_644 = tpu.memref_slice %arg4[%add3A_132, %dma_wait3A_643] : memref<262144x128xf32, #tpu.memory_space<hbm>> -> memref<128x128xf32, #tpu.memory_space<hbm>>
      %dma_wait3A_645 = arith.constant 0 : i32
      %dma_wait3A_646 = tpu.memref_slice %arg4[%add3A_132, %dma_wait3A_645] : memref<262144x128xf32, #tpu.memory_space<hbm>> -> memref<128x128xf32, #tpu.memory_space<hbm>>
      tpu.wait_dma2 semaphore(%run_scoped3A : memref<!tpu.dma_semaphore, #tpu.memory_space<semaphore_mem>>) src(%arg6 : memref<128x128xf32, #tpu.memory_space<vmem>>) dst(%dma_wait3A_646 : memref<128x128xf32, #tpu.memory_space<hbm>>)
      tpu.yield
    }) : () -> ()
    %mul3A_139 = arith.constant 8192 : i32
    %mul3A_140 = arith.muli %add3A, %mul3A_139 : i32
    %add3A_141 = arith.constant 1792 : i32
    %add3A_142 = arith.addi %mul3A_140, %add3A_141 : i32
    "tpu.region"() ({
      %run_scoped3A = tpu.sem_alloc : memref<!tpu.dma_semaphore, #tpu.memory_space<semaphore_mem>>
      %dma_start3A_639 = tpu.memref_slice %arg3[%add3A_142] : memref<262144xi32, #tpu.memory_space<hbm>> -> memref<128xi32, #tpu.memory_space<hbm>>
      %dma_start3A_640 = tpu.memref_slice %arg3[%add3A_142] : memref<262144xi32, #tpu.memory_space<hbm>> -> memref<128xi32, #tpu.memory_space<hbm>>
      tpu.enqueue_dma source(%dma_start3A_640 : memref<128xi32, #tpu.memory_space<hbm>>) target(%arg5 : memref<128xi32, #tpu.memory_space<vmem>>) target_semaphore(%run_scoped3A : memref<!tpu.dma_semaphore, #tpu.memory_space<semaphore_mem>>)
      %dma_wait3A_641 = tpu.memref_slice %arg3[%add3A_142] : memref<262144xi32, #tpu.memory_space<hbm>> -> memref<128xi32, #tpu.memory_space<hbm>>
      %dma_wait3A_642 = tpu.memref_slice %arg3[%add3A_142] : memref<262144xi32, #tpu.memory_space<hbm>> -> memref<128xi32, #tpu.memory_space<hbm>>
      tpu.wait_dma2 semaphore(%run_scoped3A : memref<!tpu.dma_semaphore, #tpu.memory_space<semaphore_mem>>) src(%dma_wait3A_642 : memref<128xi32, #tpu.memory_space<hbm>>) dst(%arg5 : memref<128xi32, #tpu.memory_space<vmem>>)
      tpu.yield
    }) : () -> ()
    %dma_start3A_143 = arith.constant 0 : i32
    %dma_start3A_144 = arith.constant 0 : i32
    %dma_start3A_145 = tpu.memref_slice %arg2[%dma_start3A_143, %dma_start3A_144] : memref<8192x128xf32, #tpu.memory_space<hbm>> -> memref<8192x128xf32, #tpu.memory_space<hbm>>
    tpu.enqueue_indirect_dma source(%dma_start3A_145 : memref<8192x128xf32, #tpu.memory_space<hbm>>) target(%arg6 : memref<128x128xf32, #tpu.memory_space<vmem>>) offsets(%arg5 : memref<128xi32, #tpu.memory_space<vmem>>) semaphore(%arg7 : memref<!tpu.dma_semaphore, #tpu.memory_space<semaphore_mem>>)
    %dma_wait3A_146 = arith.constant 0 : i32
    %dma_wait3A_147 = arith.constant 0 : i32
    %dma_wait3A_148 = tpu.memref_slice %arg2[%dma_wait3A_146, %dma_wait3A_147] : memref<8192x128xf32, #tpu.memory_space<hbm>> -> memref<8192x128xf32, #tpu.memory_space<hbm>>
    tpu.wait_indirect_dma semaphore(%arg7 : memref<!tpu.dma_semaphore, #tpu.memory_space<semaphore_mem>>) src(%dma_wait3A_148 : memref<8192x128xf32, #tpu.memory_space<hbm>>) dst(%arg6 : memref<128x128xf32, #tpu.memory_space<vmem>>)
    "tpu.region"() ({
      %run_scoped3A = tpu.sem_alloc : memref<!tpu.dma_semaphore, #tpu.memory_space<semaphore_mem>>
      %dma_start3A_639 = arith.constant 0 : i32
      %dma_start3A_640 = tpu.memref_slice %arg4[%add3A_142, %dma_start3A_639] : memref<262144x128xf32, #tpu.memory_space<hbm>> -> memref<128x128xf32, #tpu.memory_space<hbm>>
      %dma_start3A_641 = arith.constant 0 : i32
      %dma_start3A_642 = tpu.memref_slice %arg4[%add3A_142, %dma_start3A_641] : memref<262144x128xf32, #tpu.memory_space<hbm>> -> memref<128x128xf32, #tpu.memory_space<hbm>>
      tpu.enqueue_dma source(%arg6 : memref<128x128xf32, #tpu.memory_space<vmem>>) target(%dma_start3A_642 : memref<128x128xf32, #tpu.memory_space<hbm>>) target_semaphore(%run_scoped3A : memref<!tpu.dma_semaphore, #tpu.memory_space<semaphore_mem>>)
      %dma_wait3A_643 = arith.constant 0 : i32
      %dma_wait3A_644 = tpu.memref_slice %arg4[%add3A_142, %dma_wait3A_643] : memref<262144x128xf32, #tpu.memory_space<hbm>> -> memref<128x128xf32, #tpu.memory_space<hbm>>
      %dma_wait3A_645 = arith.constant 0 : i32
      %dma_wait3A_646 = tpu.memref_slice %arg4[%add3A_142, %dma_wait3A_645] : memref<262144x128xf32, #tpu.memory_space<hbm>> -> memref<128x128xf32, #tpu.memory_space<hbm>>
      tpu.wait_dma2 semaphore(%run_scoped3A : memref<!tpu.dma_semaphore, #tpu.memory_space<semaphore_mem>>) src(%arg6 : memref<128x128xf32, #tpu.memory_space<vmem>>) dst(%dma_wait3A_646 : memref<128x128xf32, #tpu.memory_space<hbm>>)
      tpu.yield
    }) : () -> ()
    %mul3A_149 = arith.constant 8192 : i32
    %mul3A_150 = arith.muli %add3A, %mul3A_149 : i32
    %add3A_151 = arith.constant 1920 : i32
    %add3A_152 = arith.addi %mul3A_150, %add3A_151 : i32
    "tpu.region"() ({
      %run_scoped3A = tpu.sem_alloc : memref<!tpu.dma_semaphore, #tpu.memory_space<semaphore_mem>>
      %dma_start3A_639 = tpu.memref_slice %arg3[%add3A_152] : memref<262144xi32, #tpu.memory_space<hbm>> -> memref<128xi32, #tpu.memory_space<hbm>>
      %dma_start3A_640 = tpu.memref_slice %arg3[%add3A_152] : memref<262144xi32, #tpu.memory_space<hbm>> -> memref<128xi32, #tpu.memory_space<hbm>>
      tpu.enqueue_dma source(%dma_start3A_640 : memref<128xi32, #tpu.memory_space<hbm>>) target(%arg5 : memref<128xi32, #tpu.memory_space<vmem>>) target_semaphore(%run_scoped3A : memref<!tpu.dma_semaphore, #tpu.memory_space<semaphore_mem>>)
      %dma_wait3A_641 = tpu.memref_slice %arg3[%add3A_152] : memref<262144xi32, #tpu.memory_space<hbm>> -> memref<128xi32, #tpu.memory_space<hbm>>
      %dma_wait3A_642 = tpu.memref_slice %arg3[%add3A_152] : memref<262144xi32, #tpu.memory_space<hbm>> -> memref<128xi32, #tpu.memory_space<hbm>>
      tpu.wait_dma2 semaphore(%run_scoped3A : memref<!tpu.dma_semaphore, #tpu.memory_space<semaphore_mem>>) src(%dma_wait3A_642 : memref<128xi32, #tpu.memory_space<hbm>>) dst(%arg5 : memref<128xi32, #tpu.memory_space<vmem>>)
      tpu.yield
    }) : () -> ()
    %dma_start3A_153 = arith.constant 0 : i32
    %dma_start3A_154 = arith.constant 0 : i32
    %dma_start3A_155 = tpu.memref_slice %arg2[%dma_start3A_153, %dma_start3A_154] : memref<8192x128xf32, #tpu.memory_space<hbm>> -> memref<8192x128xf32, #tpu.memory_space<hbm>>
    tpu.enqueue_indirect_dma source(%dma_start3A_155 : memref<8192x128xf32, #tpu.memory_space<hbm>>) target(%arg6 : memref<128x128xf32, #tpu.memory_space<vmem>>) offsets(%arg5 : memref<128xi32, #tpu.memory_space<vmem>>) semaphore(%arg7 : memref<!tpu.dma_semaphore, #tpu.memory_space<semaphore_mem>>)
    %dma_wait3A_156 = arith.constant 0 : i32
    %dma_wait3A_157 = arith.constant 0 : i32
    %dma_wait3A_158 = tpu.memref_slice %arg2[%dma_wait3A_156, %dma_wait3A_157] : memref<8192x128xf32, #tpu.memory_space<hbm>> -> memref<8192x128xf32, #tpu.memory_space<hbm>>
    tpu.wait_indirect_dma semaphore(%arg7 : memref<!tpu.dma_semaphore, #tpu.memory_space<semaphore_mem>>) src(%dma_wait3A_158 : memref<8192x128xf32, #tpu.memory_space<hbm>>) dst(%arg6 : memref<128x128xf32, #tpu.memory_space<vmem>>)
    "tpu.region"() ({
      %run_scoped3A = tpu.sem_alloc : memref<!tpu.dma_semaphore, #tpu.memory_space<semaphore_mem>>
      %dma_start3A_639 = arith.constant 0 : i32
      %dma_start3A_640 = tpu.memref_slice %arg4[%add3A_152, %dma_start3A_639] : memref<262144x128xf32, #tpu.memory_space<hbm>> -> memref<128x128xf32, #tpu.memory_space<hbm>>
      %dma_start3A_641 = arith.constant 0 : i32
      %dma_start3A_642 = tpu.memref_slice %arg4[%add3A_152, %dma_start3A_641] : memref<262144x128xf32, #tpu.memory_space<hbm>> -> memref<128x128xf32, #tpu.memory_space<hbm>>
      tpu.enqueue_dma source(%arg6 : memref<128x128xf32, #tpu.memory_space<vmem>>) target(%dma_start3A_642 : memref<128x128xf32, #tpu.memory_space<hbm>>) target_semaphore(%run_scoped3A : memref<!tpu.dma_semaphore, #tpu.memory_space<semaphore_mem>>)
      %dma_wait3A_643 = arith.constant 0 : i32
      %dma_wait3A_644 = tpu.memref_slice %arg4[%add3A_152, %dma_wait3A_643] : memref<262144x128xf32, #tpu.memory_space<hbm>> -> memref<128x128xf32, #tpu.memory_space<hbm>>
      %dma_wait3A_645 = arith.constant 0 : i32
      %dma_wait3A_646 = tpu.memref_slice %arg4[%add3A_152, %dma_wait3A_645] : memref<262144x128xf32, #tpu.memory_space<hbm>> -> memref<128x128xf32, #tpu.memory_space<hbm>>
      tpu.wait_dma2 semaphore(%run_scoped3A : memref<!tpu.dma_semaphore, #tpu.memory_space<semaphore_mem>>) src(%arg6 : memref<128x128xf32, #tpu.memory_space<vmem>>) dst(%dma_wait3A_646 : memref<128x128xf32, #tpu.memory_space<hbm>>)
      tpu.yield
    }) : () -> ()
    %mul3A_159 = arith.constant 8192 : i32
    %mul3A_160 = arith.muli %add3A, %mul3A_159 : i32
    %add3A_161 = arith.constant 2048 : i32
    %add3A_162 = arith.addi %mul3A_160, %add3A_161 : i32
    "tpu.region"() ({
      %run_scoped3A = tpu.sem_alloc : memref<!tpu.dma_semaphore, #tpu.memory_space<semaphore_mem>>
      %dma_start3A_639 = tpu.memref_slice %arg3[%add3A_162] : memref<262144xi32, #tpu.memory_space<hbm>> -> memref<128xi32, #tpu.memory_space<hbm>>
      %dma_start3A_640 = tpu.memref_slice %arg3[%add3A_162] : memref<262144xi32, #tpu.memory_space<hbm>> -> memref<128xi32, #tpu.memory_space<hbm>>
      tpu.enqueue_dma source(%dma_start3A_640 : memref<128xi32, #tpu.memory_space<hbm>>) target(%arg5 : memref<128xi32, #tpu.memory_space<vmem>>) target_semaphore(%run_scoped3A : memref<!tpu.dma_semaphore, #tpu.memory_space<semaphore_mem>>)
      %dma_wait3A_641 = tpu.memref_slice %arg3[%add3A_162] : memref<262144xi32, #tpu.memory_space<hbm>> -> memref<128xi32, #tpu.memory_space<hbm>>
      %dma_wait3A_642 = tpu.memref_slice %arg3[%add3A_162] : memref<262144xi32, #tpu.memory_space<hbm>> -> memref<128xi32, #tpu.memory_space<hbm>>
      tpu.wait_dma2 semaphore(%run_scoped3A : memref<!tpu.dma_semaphore, #tpu.memory_space<semaphore_mem>>) src(%dma_wait3A_642 : memref<128xi32, #tpu.memory_space<hbm>>) dst(%arg5 : memref<128xi32, #tpu.memory_space<vmem>>)
      tpu.yield
    }) : () -> ()
    %dma_start3A_163 = arith.constant 0 : i32
    %dma_start3A_164 = arith.constant 0 : i32
    %dma_start3A_165 = tpu.memref_slice %arg2[%dma_start3A_163, %dma_start3A_164] : memref<8192x128xf32, #tpu.memory_space<hbm>> -> memref<8192x128xf32, #tpu.memory_space<hbm>>
    tpu.enqueue_indirect_dma source(%dma_start3A_165 : memref<8192x128xf32, #tpu.memory_space<hbm>>) target(%arg6 : memref<128x128xf32, #tpu.memory_space<vmem>>) offsets(%arg5 : memref<128xi32, #tpu.memory_space<vmem>>) semaphore(%arg7 : memref<!tpu.dma_semaphore, #tpu.memory_space<semaphore_mem>>)
    %dma_wait3A_166 = arith.constant 0 : i32
    %dma_wait3A_167 = arith.constant 0 : i32
    %dma_wait3A_168 = tpu.memref_slice %arg2[%dma_wait3A_166, %dma_wait3A_167] : memref<8192x128xf32, #tpu.memory_space<hbm>> -> memref<8192x128xf32, #tpu.memory_space<hbm>>
    tpu.wait_indirect_dma semaphore(%arg7 : memref<!tpu.dma_semaphore, #tpu.memory_space<semaphore_mem>>) src(%dma_wait3A_168 : memref<8192x128xf32, #tpu.memory_space<hbm>>) dst(%arg6 : memref<128x128xf32, #tpu.memory_space<vmem>>)
    "tpu.region"() ({
      %run_scoped3A = tpu.sem_alloc : memref<!tpu.dma_semaphore, #tpu.memory_space<semaphore_mem>>
      %dma_start3A_639 = arith.constant 0 : i32
      %dma_start3A_640 = tpu.memref_slice %arg4[%add3A_162, %dma_start3A_639] : memref<262144x128xf32, #tpu.memory_space<hbm>> -> memref<128x128xf32, #tpu.memory_space<hbm>>
      %dma_start3A_641 = arith.constant 0 : i32
      %dma_start3A_642 = tpu.memref_slice %arg4[%add3A_162, %dma_start3A_641] : memref<262144x128xf32, #tpu.memory_space<hbm>> -> memref<128x128xf32, #tpu.memory_space<hbm>>
      tpu.enqueue_dma source(%arg6 : memref<128x128xf32, #tpu.memory_space<vmem>>) target(%dma_start3A_642 : memref<128x128xf32, #tpu.memory_space<hbm>>) target_semaphore(%run_scoped3A : memref<!tpu.dma_semaphore, #tpu.memory_space<semaphore_mem>>)
      %dma_wait3A_643 = arith.constant 0 : i32
      %dma_wait3A_644 = tpu.memref_slice %arg4[%add3A_162, %dma_wait3A_643] : memref<262144x128xf32, #tpu.memory_space<hbm>> -> memref<128x128xf32, #tpu.memory_space<hbm>>
      %dma_wait3A_645 = arith.constant 0 : i32
      %dma_wait3A_646 = tpu.memref_slice %arg4[%add3A_162, %dma_wait3A_645] : memref<262144x128xf32, #tpu.memory_space<hbm>> -> memref<128x128xf32, #tpu.memory_space<hbm>>
      tpu.wait_dma2 semaphore(%run_scoped3A : memref<!tpu.dma_semaphore, #tpu.memory_space<semaphore_mem>>) src(%arg6 : memref<128x128xf32, #tpu.memory_space<vmem>>) dst(%dma_wait3A_646 : memref<128x128xf32, #tpu.memory_space<hbm>>)
      tpu.yield
    }) : () -> ()
    %mul3A_169 = arith.constant 8192 : i32
    %mul3A_170 = arith.muli %add3A, %mul3A_169 : i32
    %add3A_171 = arith.constant 2176 : i32
    %add3A_172 = arith.addi %mul3A_170, %add3A_171 : i32
    "tpu.region"() ({
      %run_scoped3A = tpu.sem_alloc : memref<!tpu.dma_semaphore, #tpu.memory_space<semaphore_mem>>
      %dma_start3A_639 = tpu.memref_slice %arg3[%add3A_172] : memref<262144xi32, #tpu.memory_space<hbm>> -> memref<128xi32, #tpu.memory_space<hbm>>
      %dma_start3A_640 = tpu.memref_slice %arg3[%add3A_172] : memref<262144xi32, #tpu.memory_space<hbm>> -> memref<128xi32, #tpu.memory_space<hbm>>
      tpu.enqueue_dma source(%dma_start3A_640 : memref<128xi32, #tpu.memory_space<hbm>>) target(%arg5 : memref<128xi32, #tpu.memory_space<vmem>>) target_semaphore(%run_scoped3A : memref<!tpu.dma_semaphore, #tpu.memory_space<semaphore_mem>>)
      %dma_wait3A_641 = tpu.memref_slice %arg3[%add3A_172] : memref<262144xi32, #tpu.memory_space<hbm>> -> memref<128xi32, #tpu.memory_space<hbm>>
      %dma_wait3A_642 = tpu.memref_slice %arg3[%add3A_172] : memref<262144xi32, #tpu.memory_space<hbm>> -> memref<128xi32, #tpu.memory_space<hbm>>
      tpu.wait_dma2 semaphore(%run_scoped3A : memref<!tpu.dma_semaphore, #tpu.memory_space<semaphore_mem>>) src(%dma_wait3A_642 : memref<128xi32, #tpu.memory_space<hbm>>) dst(%arg5 : memref<128xi32, #tpu.memory_space<vmem>>)
      tpu.yield
    }) : () -> ()
    %dma_start3A_173 = arith.constant 0 : i32
    %dma_start3A_174 = arith.constant 0 : i32
    %dma_start3A_175 = tpu.memref_slice %arg2[%dma_start3A_173, %dma_start3A_174] : memref<8192x128xf32, #tpu.memory_space<hbm>> -> memref<8192x128xf32, #tpu.memory_space<hbm>>
    tpu.enqueue_indirect_dma source(%dma_start3A_175 : memref<8192x128xf32, #tpu.memory_space<hbm>>) target(%arg6 : memref<128x128xf32, #tpu.memory_space<vmem>>) offsets(%arg5 : memref<128xi32, #tpu.memory_space<vmem>>) semaphore(%arg7 : memref<!tpu.dma_semaphore, #tpu.memory_space<semaphore_mem>>)
    %dma_wait3A_176 = arith.constant 0 : i32
    %dma_wait3A_177 = arith.constant 0 : i32
    %dma_wait3A_178 = tpu.memref_slice %arg2[%dma_wait3A_176, %dma_wait3A_177] : memref<8192x128xf32, #tpu.memory_space<hbm>> -> memref<8192x128xf32, #tpu.memory_space<hbm>>
    tpu.wait_indirect_dma semaphore(%arg7 : memref<!tpu.dma_semaphore, #tpu.memory_space<semaphore_mem>>) src(%dma_wait3A_178 : memref<8192x128xf32, #tpu.memory_space<hbm>>) dst(%arg6 : memref<128x128xf32, #tpu.memory_space<vmem>>)
    "tpu.region"() ({
      %run_scoped3A = tpu.sem_alloc : memref<!tpu.dma_semaphore, #tpu.memory_space<semaphore_mem>>
      %dma_start3A_639 = arith.constant 0 : i32
      %dma_start3A_640 = tpu.memref_slice %arg4[%add3A_172, %dma_start3A_639] : memref<262144x128xf32, #tpu.memory_space<hbm>> -> memref<128x128xf32, #tpu.memory_space<hbm>>
      %dma_start3A_641 = arith.constant 0 : i32
      %dma_start3A_642 = tpu.memref_slice %arg4[%add3A_172, %dma_start3A_641] : memref<262144x128xf32, #tpu.memory_space<hbm>> -> memref<128x128xf32, #tpu.memory_space<hbm>>
      tpu.enqueue_dma source(%arg6 : memref<128x128xf32, #tpu.memory_space<vmem>>) target(%dma_start3A_642 : memref<128x128xf32, #tpu.memory_space<hbm>>) target_semaphore(%run_scoped3A : memref<!tpu.dma_semaphore, #tpu.memory_space<semaphore_mem>>)
      %dma_wait3A_643 = arith.constant 0 : i32
      %dma_wait3A_644 = tpu.memref_slice %arg4[%add3A_172, %dma_wait3A_643] : memref<262144x128xf32, #tpu.memory_space<hbm>> -> memref<128x128xf32, #tpu.memory_space<hbm>>
      %dma_wait3A_645 = arith.constant 0 : i32
      %dma_wait3A_646 = tpu.memref_slice %arg4[%add3A_172, %dma_wait3A_645] : memref<262144x128xf32, #tpu.memory_space<hbm>> -> memref<128x128xf32, #tpu.memory_space<hbm>>
      tpu.wait_dma2 semaphore(%run_scoped3A : memref<!tpu.dma_semaphore, #tpu.memory_space<semaphore_mem>>) src(%arg6 : memref<128x128xf32, #tpu.memory_space<vmem>>) dst(%dma_wait3A_646 : memref<128x128xf32, #tpu.memory_space<hbm>>)
      tpu.yield
    }) : () -> ()
    %mul3A_179 = arith.constant 8192 : i32
    %mul3A_180 = arith.muli %add3A, %mul3A_179 : i32
    %add3A_181 = arith.constant 2304 : i32
    %add3A_182 = arith.addi %mul3A_180, %add3A_181 : i32
    "tpu.region"() ({
      %run_scoped3A = tpu.sem_alloc : memref<!tpu.dma_semaphore, #tpu.memory_space<semaphore_mem>>
      %dma_start3A_639 = tpu.memref_slice %arg3[%add3A_182] : memref<262144xi32, #tpu.memory_space<hbm>> -> memref<128xi32, #tpu.memory_space<hbm>>
      %dma_start3A_640 = tpu.memref_slice %arg3[%add3A_182] : memref<262144xi32, #tpu.memory_space<hbm>> -> memref<128xi32, #tpu.memory_space<hbm>>
      tpu.enqueue_dma source(%dma_start3A_640 : memref<128xi32, #tpu.memory_space<hbm>>) target(%arg5 : memref<128xi32, #tpu.memory_space<vmem>>) target_semaphore(%run_scoped3A : memref<!tpu.dma_semaphore, #tpu.memory_space<semaphore_mem>>)
      %dma_wait3A_641 = tpu.memref_slice %arg3[%add3A_182] : memref<262144xi32, #tpu.memory_space<hbm>> -> memref<128xi32, #tpu.memory_space<hbm>>
      %dma_wait3A_642 = tpu.memref_slice %arg3[%add3A_182] : memref<262144xi32, #tpu.memory_space<hbm>> -> memref<128xi32, #tpu.memory_space<hbm>>
      tpu.wait_dma2 semaphore(%run_scoped3A : memref<!tpu.dma_semaphore, #tpu.memory_space<semaphore_mem>>) src(%dma_wait3A_642 : memref<128xi32, #tpu.memory_space<hbm>>) dst(%arg5 : memref<128xi32, #tpu.memory_space<vmem>>)
      tpu.yield
    }) : () -> ()
    %dma_start3A_183 = arith.constant 0 : i32
    %dma_start3A_184 = arith.constant 0 : i32
    %dma_start3A_185 = tpu.memref_slice %arg2[%dma_start3A_183, %dma_start3A_184] : memref<8192x128xf32, #tpu.memory_space<hbm>> -> memref<8192x128xf32, #tpu.memory_space<hbm>>
    tpu.enqueue_indirect_dma source(%dma_start3A_185 : memref<8192x128xf32, #tpu.memory_space<hbm>>) target(%arg6 : memref<128x128xf32, #tpu.memory_space<vmem>>) offsets(%arg5 : memref<128xi32, #tpu.memory_space<vmem>>) semaphore(%arg7 : memref<!tpu.dma_semaphore, #tpu.memory_space<semaphore_mem>>)
    %dma_wait3A_186 = arith.constant 0 : i32
    %dma_wait3A_187 = arith.constant 0 : i32
    %dma_wait3A_188 = tpu.memref_slice %arg2[%dma_wait3A_186, %dma_wait3A_187] : memref<8192x128xf32, #tpu.memory_space<hbm>> -> memref<8192x128xf32, #tpu.memory_space<hbm>>
    tpu.wait_indirect_dma semaphore(%arg7 : memref<!tpu.dma_semaphore, #tpu.memory_space<semaphore_mem>>) src(%dma_wait3A_188 : memref<8192x128xf32, #tpu.memory_space<hbm>>) dst(%arg6 : memref<128x128xf32, #tpu.memory_space<vmem>>)
    "tpu.region"() ({
      %run_scoped3A = tpu.sem_alloc : memref<!tpu.dma_semaphore, #tpu.memory_space<semaphore_mem>>
      %dma_start3A_639 = arith.constant 0 : i32
      %dma_start3A_640 = tpu.memref_slice %arg4[%add3A_182, %dma_start3A_639] : memref<262144x128xf32, #tpu.memory_space<hbm>> -> memref<128x128xf32, #tpu.memory_space<hbm>>
      %dma_start3A_641 = arith.constant 0 : i32
      %dma_start3A_642 = tpu.memref_slice %arg4[%add3A_182, %dma_start3A_641] : memref<262144x128xf32, #tpu.memory_space<hbm>> -> memref<128x128xf32, #tpu.memory_space<hbm>>
      tpu.enqueue_dma source(%arg6 : memref<128x128xf32, #tpu.memory_space<vmem>>) target(%dma_start3A_642 : memref<128x128xf32, #tpu.memory_space<hbm>>) target_semaphore(%run_scoped3A : memref<!tpu.dma_semaphore, #tpu.memory_space<semaphore_mem>>)
      %dma_wait3A_643 = arith.constant 0 : i32
      %dma_wait3A_644 = tpu.memref_slice %arg4[%add3A_182, %dma_wait3A_643] : memref<262144x128xf32, #tpu.memory_space<hbm>> -> memref<128x128xf32, #tpu.memory_space<hbm>>
      %dma_wait3A_645 = arith.constant 0 : i32
      %dma_wait3A_646 = tpu.memref_slice %arg4[%add3A_182, %dma_wait3A_645] : memref<262144x128xf32, #tpu.memory_space<hbm>> -> memref<128x128xf32, #tpu.memory_space<hbm>>
      tpu.wait_dma2 semaphore(%run_scoped3A : memref<!tpu.dma_semaphore, #tpu.memory_space<semaphore_mem>>) src(%arg6 : memref<128x128xf32, #tpu.memory_space<vmem>>) dst(%dma_wait3A_646 : memref<128x128xf32, #tpu.memory_space<hbm>>)
      tpu.yield
    }) : () -> ()
    %mul3A_189 = arith.constant 8192 : i32
    %mul3A_190 = arith.muli %add3A, %mul3A_189 : i32
    %add3A_191 = arith.constant 2432 : i32
    %add3A_192 = arith.addi %mul3A_190, %add3A_191 : i32
    "tpu.region"() ({
      %run_scoped3A = tpu.sem_alloc : memref<!tpu.dma_semaphore, #tpu.memory_space<semaphore_mem>>
      %dma_start3A_639 = tpu.memref_slice %arg3[%add3A_192] : memref<262144xi32, #tpu.memory_space<hbm>> -> memref<128xi32, #tpu.memory_space<hbm>>
      %dma_start3A_640 = tpu.memref_slice %arg3[%add3A_192] : memref<262144xi32, #tpu.memory_space<hbm>> -> memref<128xi32, #tpu.memory_space<hbm>>
      tpu.enqueue_dma source(%dma_start3A_640 : memref<128xi32, #tpu.memory_space<hbm>>) target(%arg5 : memref<128xi32, #tpu.memory_space<vmem>>) target_semaphore(%run_scoped3A : memref<!tpu.dma_semaphore, #tpu.memory_space<semaphore_mem>>)
      %dma_wait3A_641 = tpu.memref_slice %arg3[%add3A_192] : memref<262144xi32, #tpu.memory_space<hbm>> -> memref<128xi32, #tpu.memory_space<hbm>>
      %dma_wait3A_642 = tpu.memref_slice %arg3[%add3A_192] : memref<262144xi32, #tpu.memory_space<hbm>> -> memref<128xi32, #tpu.memory_space<hbm>>
      tpu.wait_dma2 semaphore(%run_scoped3A : memref<!tpu.dma_semaphore, #tpu.memory_space<semaphore_mem>>) src(%dma_wait3A_642 : memref<128xi32, #tpu.memory_space<hbm>>) dst(%arg5 : memref<128xi32, #tpu.memory_space<vmem>>)
      tpu.yield
    }) : () -> ()
    %dma_start3A_193 = arith.constant 0 : i32
    %dma_start3A_194 = arith.constant 0 : i32
    %dma_start3A_195 = tpu.memref_slice %arg2[%dma_start3A_193, %dma_start3A_194] : memref<8192x128xf32, #tpu.memory_space<hbm>> -> memref<8192x128xf32, #tpu.memory_space<hbm>>
    tpu.enqueue_indirect_dma source(%dma_start3A_195 : memref<8192x128xf32, #tpu.memory_space<hbm>>) target(%arg6 : memref<128x128xf32, #tpu.memory_space<vmem>>) offsets(%arg5 : memref<128xi32, #tpu.memory_space<vmem>>) semaphore(%arg7 : memref<!tpu.dma_semaphore, #tpu.memory_space<semaphore_mem>>)
    %dma_wait3A_196 = arith.constant 0 : i32
    %dma_wait3A_197 = arith.constant 0 : i32
    %dma_wait3A_198 = tpu.memref_slice %arg2[%dma_wait3A_196, %dma_wait3A_197] : memref<8192x128xf32, #tpu.memory_space<hbm>> -> memref<8192x128xf32, #tpu.memory_space<hbm>>
    tpu.wait_indirect_dma semaphore(%arg7 : memref<!tpu.dma_semaphore, #tpu.memory_space<semaphore_mem>>) src(%dma_wait3A_198 : memref<8192x128xf32, #tpu.memory_space<hbm>>) dst(%arg6 : memref<128x128xf32, #tpu.memory_space<vmem>>)
    "tpu.region"() ({
      %run_scoped3A = tpu.sem_alloc : memref<!tpu.dma_semaphore, #tpu.memory_space<semaphore_mem>>
      %dma_start3A_639 = arith.constant 0 : i32
      %dma_start3A_640 = tpu.memref_slice %arg4[%add3A_192, %dma_start3A_639] : memref<262144x128xf32, #tpu.memory_space<hbm>> -> memref<128x128xf32, #tpu.memory_space<hbm>>
      %dma_start3A_641 = arith.constant 0 : i32
      %dma_start3A_642 = tpu.memref_slice %arg4[%add3A_192, %dma_start3A_641] : memref<262144x128xf32, #tpu.memory_space<hbm>> -> memref<128x128xf32, #tpu.memory_space<hbm>>
      tpu.enqueue_dma source(%arg6 : memref<128x128xf32, #tpu.memory_space<vmem>>) target(%dma_start3A_642 : memref<128x128xf32, #tpu.memory_space<hbm>>) target_semaphore(%run_scoped3A : memref<!tpu.dma_semaphore, #tpu.memory_space<semaphore_mem>>)
      %dma_wait3A_643 = arith.constant 0 : i32
      %dma_wait3A_644 = tpu.memref_slice %arg4[%add3A_192, %dma_wait3A_643] : memref<262144x128xf32, #tpu.memory_space<hbm>> -> memref<128x128xf32, #tpu.memory_space<hbm>>
      %dma_wait3A_645 = arith.constant 0 : i32
      %dma_wait3A_646 = tpu.memref_slice %arg4[%add3A_192, %dma_wait3A_645] : memref<262144x128xf32, #tpu.memory_space<hbm>> -> memref<128x128xf32, #tpu.memory_space<hbm>>
      tpu.wait_dma2 semaphore(%run_scoped3A : memref<!tpu.dma_semaphore, #tpu.memory_space<semaphore_mem>>) src(%arg6 : memref<128x128xf32, #tpu.memory_space<vmem>>) dst(%dma_wait3A_646 : memref<128x128xf32, #tpu.memory_space<hbm>>)
      tpu.yield
    }) : () -> ()
    %mul3A_199 = arith.constant 8192 : i32
    %mul3A_200 = arith.muli %add3A, %mul3A_199 : i32
    %add3A_201 = arith.constant 2560 : i32
    %add3A_202 = arith.addi %mul3A_200, %add3A_201 : i32
    "tpu.region"() ({
      %run_scoped3A = tpu.sem_alloc : memref<!tpu.dma_semaphore, #tpu.memory_space<semaphore_mem>>
      %dma_start3A_639 = tpu.memref_slice %arg3[%add3A_202] : memref<262144xi32, #tpu.memory_space<hbm>> -> memref<128xi32, #tpu.memory_space<hbm>>
      %dma_start3A_640 = tpu.memref_slice %arg3[%add3A_202] : memref<262144xi32, #tpu.memory_space<hbm>> -> memref<128xi32, #tpu.memory_space<hbm>>
      tpu.enqueue_dma source(%dma_start3A_640 : memref<128xi32, #tpu.memory_space<hbm>>) target(%arg5 : memref<128xi32, #tpu.memory_space<vmem>>) target_semaphore(%run_scoped3A : memref<!tpu.dma_semaphore, #tpu.memory_space<semaphore_mem>>)
      %dma_wait3A_641 = tpu.memref_slice %arg3[%add3A_202] : memref<262144xi32, #tpu.memory_space<hbm>> -> memref<128xi32, #tpu.memory_space<hbm>>
      %dma_wait3A_642 = tpu.memref_slice %arg3[%add3A_202] : memref<262144xi32, #tpu.memory_space<hbm>> -> memref<128xi32, #tpu.memory_space<hbm>>
      tpu.wait_dma2 semaphore(%run_scoped3A : memref<!tpu.dma_semaphore, #tpu.memory_space<semaphore_mem>>) src(%dma_wait3A_642 : memref<128xi32, #tpu.memory_space<hbm>>) dst(%arg5 : memref<128xi32, #tpu.memory_space<vmem>>)
      tpu.yield
    }) : () -> ()
    %dma_start3A_203 = arith.constant 0 : i32
    %dma_start3A_204 = arith.constant 0 : i32
    %dma_start3A_205 = tpu.memref_slice %arg2[%dma_start3A_203, %dma_start3A_204] : memref<8192x128xf32, #tpu.memory_space<hbm>> -> memref<8192x128xf32, #tpu.memory_space<hbm>>
    tpu.enqueue_indirect_dma source(%dma_start3A_205 : memref<8192x128xf32, #tpu.memory_space<hbm>>) target(%arg6 : memref<128x128xf32, #tpu.memory_space<vmem>>) offsets(%arg5 : memref<128xi32, #tpu.memory_space<vmem>>) semaphore(%arg7 : memref<!tpu.dma_semaphore, #tpu.memory_space<semaphore_mem>>)
    %dma_wait3A_206 = arith.constant 0 : i32
    %dma_wait3A_207 = arith.constant 0 : i32
    %dma_wait3A_208 = tpu.memref_slice %arg2[%dma_wait3A_206, %dma_wait3A_207] : memref<8192x128xf32, #tpu.memory_space<hbm>> -> memref<8192x128xf32, #tpu.memory_space<hbm>>
    tpu.wait_indirect_dma semaphore(%arg7 : memref<!tpu.dma_semaphore, #tpu.memory_space<semaphore_mem>>) src(%dma_wait3A_208 : memref<8192x128xf32, #tpu.memory_space<hbm>>) dst(%arg6 : memref<128x128xf32, #tpu.memory_space<vmem>>)
    "tpu.region"() ({
      %run_scoped3A = tpu.sem_alloc : memref<!tpu.dma_semaphore, #tpu.memory_space<semaphore_mem>>
      %dma_start3A_639 = arith.constant 0 : i32
      %dma_start3A_640 = tpu.memref_slice %arg4[%add3A_202, %dma_start3A_639] : memref<262144x128xf32, #tpu.memory_space<hbm>> -> memref<128x128xf32, #tpu.memory_space<hbm>>
      %dma_start3A_641 = arith.constant 0 : i32
      %dma_start3A_642 = tpu.memref_slice %arg4[%add3A_202, %dma_start3A_641] : memref<262144x128xf32, #tpu.memory_space<hbm>> -> memref<128x128xf32, #tpu.memory_space<hbm>>
      tpu.enqueue_dma source(%arg6 : memref<128x128xf32, #tpu.memory_space<vmem>>) target(%dma_start3A_642 : memref<128x128xf32, #tpu.memory_space<hbm>>) target_semaphore(%run_scoped3A : memref<!tpu.dma_semaphore, #tpu.memory_space<semaphore_mem>>)
      %dma_wait3A_643 = arith.constant 0 : i32
      %dma_wait3A_644 = tpu.memref_slice %arg4[%add3A_202, %dma_wait3A_643] : memref<262144x128xf32, #tpu.memory_space<hbm>> -> memref<128x128xf32, #tpu.memory_space<hbm>>
      %dma_wait3A_645 = arith.constant 0 : i32
      %dma_wait3A_646 = tpu.memref_slice %arg4[%add3A_202, %dma_wait3A_645] : memref<262144x128xf32, #tpu.memory_space<hbm>> -> memref<128x128xf32, #tpu.memory_space<hbm>>
      tpu.wait_dma2 semaphore(%run_scoped3A : memref<!tpu.dma_semaphore, #tpu.memory_space<semaphore_mem>>) src(%arg6 : memref<128x128xf32, #tpu.memory_space<vmem>>) dst(%dma_wait3A_646 : memref<128x128xf32, #tpu.memory_space<hbm>>)
      tpu.yield
    }) : () -> ()
    %mul3A_209 = arith.constant 8192 : i32
    %mul3A_210 = arith.muli %add3A, %mul3A_209 : i32
    %add3A_211 = arith.constant 2688 : i32
    %add3A_212 = arith.addi %mul3A_210, %add3A_211 : i32
    "tpu.region"() ({
      %run_scoped3A = tpu.sem_alloc : memref<!tpu.dma_semaphore, #tpu.memory_space<semaphore_mem>>
      %dma_start3A_639 = tpu.memref_slice %arg3[%add3A_212] : memref<262144xi32, #tpu.memory_space<hbm>> -> memref<128xi32, #tpu.memory_space<hbm>>
      %dma_start3A_640 = tpu.memref_slice %arg3[%add3A_212] : memref<262144xi32, #tpu.memory_space<hbm>> -> memref<128xi32, #tpu.memory_space<hbm>>
      tpu.enqueue_dma source(%dma_start3A_640 : memref<128xi32, #tpu.memory_space<hbm>>) target(%arg5 : memref<128xi32, #tpu.memory_space<vmem>>) target_semaphore(%run_scoped3A : memref<!tpu.dma_semaphore, #tpu.memory_space<semaphore_mem>>)
      %dma_wait3A_641 = tpu.memref_slice %arg3[%add3A_212] : memref<262144xi32, #tpu.memory_space<hbm>> -> memref<128xi32, #tpu.memory_space<hbm>>
      %dma_wait3A_642 = tpu.memref_slice %arg3[%add3A_212] : memref<262144xi32, #tpu.memory_space<hbm>> -> memref<128xi32, #tpu.memory_space<hbm>>
      tpu.wait_dma2 semaphore(%run_scoped3A : memref<!tpu.dma_semaphore, #tpu.memory_space<semaphore_mem>>) src(%dma_wait3A_642 : memref<128xi32, #tpu.memory_space<hbm>>) dst(%arg5 : memref<128xi32, #tpu.memory_space<vmem>>)
      tpu.yield
    }) : () -> ()
    %dma_start3A_213 = arith.constant 0 : i32
    %dma_start3A_214 = arith.constant 0 : i32
    %dma_start3A_215 = tpu.memref_slice %arg2[%dma_start3A_213, %dma_start3A_214] : memref<8192x128xf32, #tpu.memory_space<hbm>> -> memref<8192x128xf32, #tpu.memory_space<hbm>>
    tpu.enqueue_indirect_dma source(%dma_start3A_215 : memref<8192x128xf32, #tpu.memory_space<hbm>>) target(%arg6 : memref<128x128xf32, #tpu.memory_space<vmem>>) offsets(%arg5 : memref<128xi32, #tpu.memory_space<vmem>>) semaphore(%arg7 : memref<!tpu.dma_semaphore, #tpu.memory_space<semaphore_mem>>)
    %dma_wait3A_216 = arith.constant 0 : i32
    %dma_wait3A_217 = arith.constant 0 : i32
    %dma_wait3A_218 = tpu.memref_slice %arg2[%dma_wait3A_216, %dma_wait3A_217] : memref<8192x128xf32, #tpu.memory_space<hbm>> -> memref<8192x128xf32, #tpu.memory_space<hbm>>
    tpu.wait_indirect_dma semaphore(%arg7 : memref<!tpu.dma_semaphore, #tpu.memory_space<semaphore_mem>>) src(%dma_wait3A_218 : memref<8192x128xf32, #tpu.memory_space<hbm>>) dst(%arg6 : memref<128x128xf32, #tpu.memory_space<vmem>>)
    "tpu.region"() ({
      %run_scoped3A = tpu.sem_alloc : memref<!tpu.dma_semaphore, #tpu.memory_space<semaphore_mem>>
      %dma_start3A_639 = arith.constant 0 : i32
      %dma_start3A_640 = tpu.memref_slice %arg4[%add3A_212, %dma_start3A_639] : memref<262144x128xf32, #tpu.memory_space<hbm>> -> memref<128x128xf32, #tpu.memory_space<hbm>>
      %dma_start3A_641 = arith.constant 0 : i32
      %dma_start3A_642 = tpu.memref_slice %arg4[%add3A_212, %dma_start3A_641] : memref<262144x128xf32, #tpu.memory_space<hbm>> -> memref<128x128xf32, #tpu.memory_space<hbm>>
      tpu.enqueue_dma source(%arg6 : memref<128x128xf32, #tpu.memory_space<vmem>>) target(%dma_start3A_642 : memref<128x128xf32, #tpu.memory_space<hbm>>) target_semaphore(%run_scoped3A : memref<!tpu.dma_semaphore, #tpu.memory_space<semaphore_mem>>)
      %dma_wait3A_643 = arith.constant 0 : i32
      %dma_wait3A_644 = tpu.memref_slice %arg4[%add3A_212, %dma_wait3A_643] : memref<262144x128xf32, #tpu.memory_space<hbm>> -> memref<128x128xf32, #tpu.memory_space<hbm>>
      %dma_wait3A_645 = arith.constant 0 : i32
      %dma_wait3A_646 = tpu.memref_slice %arg4[%add3A_212, %dma_wait3A_645] : memref<262144x128xf32, #tpu.memory_space<hbm>> -> memref<128x128xf32, #tpu.memory_space<hbm>>
      tpu.wait_dma2 semaphore(%run_scoped3A : memref<!tpu.dma_semaphore, #tpu.memory_space<semaphore_mem>>) src(%arg6 : memref<128x128xf32, #tpu.memory_space<vmem>>) dst(%dma_wait3A_646 : memref<128x128xf32, #tpu.memory_space<hbm>>)
      tpu.yield
    }) : () -> ()
    %mul3A_219 = arith.constant 8192 : i32
    %mul3A_220 = arith.muli %add3A, %mul3A_219 : i32
    %add3A_221 = arith.constant 2816 : i32
    %add3A_222 = arith.addi %mul3A_220, %add3A_221 : i32
    "tpu.region"() ({
      %run_scoped3A = tpu.sem_alloc : memref<!tpu.dma_semaphore, #tpu.memory_space<semaphore_mem>>
      %dma_start3A_639 = tpu.memref_slice %arg3[%add3A_222] : memref<262144xi32, #tpu.memory_space<hbm>> -> memref<128xi32, #tpu.memory_space<hbm>>
      %dma_start3A_640 = tpu.memref_slice %arg3[%add3A_222] : memref<262144xi32, #tpu.memory_space<hbm>> -> memref<128xi32, #tpu.memory_space<hbm>>
      tpu.enqueue_dma source(%dma_start3A_640 : memref<128xi32, #tpu.memory_space<hbm>>) target(%arg5 : memref<128xi32, #tpu.memory_space<vmem>>) target_semaphore(%run_scoped3A : memref<!tpu.dma_semaphore, #tpu.memory_space<semaphore_mem>>)
      %dma_wait3A_641 = tpu.memref_slice %arg3[%add3A_222] : memref<262144xi32, #tpu.memory_space<hbm>> -> memref<128xi32, #tpu.memory_space<hbm>>
      %dma_wait3A_642 = tpu.memref_slice %arg3[%add3A_222] : memref<262144xi32, #tpu.memory_space<hbm>> -> memref<128xi32, #tpu.memory_space<hbm>>
      tpu.wait_dma2 semaphore(%run_scoped3A : memref<!tpu.dma_semaphore, #tpu.memory_space<semaphore_mem>>) src(%dma_wait3A_642 : memref<128xi32, #tpu.memory_space<hbm>>) dst(%arg5 : memref<128xi32, #tpu.memory_space<vmem>>)
      tpu.yield
    }) : () -> ()
    %dma_start3A_223 = arith.constant 0 : i32
    %dma_start3A_224 = arith.constant 0 : i32
    %dma_start3A_225 = tpu.memref_slice %arg2[%dma_start3A_223, %dma_start3A_224] : memref<8192x128xf32, #tpu.memory_space<hbm>> -> memref<8192x128xf32, #tpu.memory_space<hbm>>
    tpu.enqueue_indirect_dma source(%dma_start3A_225 : memref<8192x128xf32, #tpu.memory_space<hbm>>) target(%arg6 : memref<128x128xf32, #tpu.memory_space<vmem>>) offsets(%arg5 : memref<128xi32, #tpu.memory_space<vmem>>) semaphore(%arg7 : memref<!tpu.dma_semaphore, #tpu.memory_space<semaphore_mem>>)
    %dma_wait3A_226 = arith.constant 0 : i32
    %dma_wait3A_227 = arith.constant 0 : i32
    %dma_wait3A_228 = tpu.memref_slice %arg2[%dma_wait3A_226, %dma_wait3A_227] : memref<8192x128xf32, #tpu.memory_space<hbm>> -> memref<8192x128xf32, #tpu.memory_space<hbm>>
    tpu.wait_indirect_dma semaphore(%arg7 : memref<!tpu.dma_semaphore, #tpu.memory_space<semaphore_mem>>) src(%dma_wait3A_228 : memref<8192x128xf32, #tpu.memory_space<hbm>>) dst(%arg6 : memref<128x128xf32, #tpu.memory_space<vmem>>)
    "tpu.region"() ({
      %run_scoped3A = tpu.sem_alloc : memref<!tpu.dma_semaphore, #tpu.memory_space<semaphore_mem>>
      %dma_start3A_639 = arith.constant 0 : i32
      %dma_start3A_640 = tpu.memref_slice %arg4[%add3A_222, %dma_start3A_639] : memref<262144x128xf32, #tpu.memory_space<hbm>> -> memref<128x128xf32, #tpu.memory_space<hbm>>
      %dma_start3A_641 = arith.constant 0 : i32
      %dma_start3A_642 = tpu.memref_slice %arg4[%add3A_222, %dma_start3A_641] : memref<262144x128xf32, #tpu.memory_space<hbm>> -> memref<128x128xf32, #tpu.memory_space<hbm>>
      tpu.enqueue_dma source(%arg6 : memref<128x128xf32, #tpu.memory_space<vmem>>) target(%dma_start3A_642 : memref<128x128xf32, #tpu.memory_space<hbm>>) target_semaphore(%run_scoped3A : memref<!tpu.dma_semaphore, #tpu.memory_space<semaphore_mem>>)
      %dma_wait3A_643 = arith.constant 0 : i32
      %dma_wait3A_644 = tpu.memref_slice %arg4[%add3A_222, %dma_wait3A_643] : memref<262144x128xf32, #tpu.memory_space<hbm>> -> memref<128x128xf32, #tpu.memory_space<hbm>>
      %dma_wait3A_645 = arith.constant 0 : i32
      %dma_wait3A_646 = tpu.memref_slice %arg4[%add3A_222, %dma_wait3A_645] : memref<262144x128xf32, #tpu.memory_space<hbm>> -> memref<128x128xf32, #tpu.memory_space<hbm>>
      tpu.wait_dma2 semaphore(%run_scoped3A : memref<!tpu.dma_semaphore, #tpu.memory_space<semaphore_mem>>) src(%arg6 : memref<128x128xf32, #tpu.memory_space<vmem>>) dst(%dma_wait3A_646 : memref<128x128xf32, #tpu.memory_space<hbm>>)
      tpu.yield
    }) : () -> ()
    %mul3A_229 = arith.constant 8192 : i32
    %mul3A_230 = arith.muli %add3A, %mul3A_229 : i32
    %add3A_231 = arith.constant 2944 : i32
    %add3A_232 = arith.addi %mul3A_230, %add3A_231 : i32
    "tpu.region"() ({
      %run_scoped3A = tpu.sem_alloc : memref<!tpu.dma_semaphore, #tpu.memory_space<semaphore_mem>>
      %dma_start3A_639 = tpu.memref_slice %arg3[%add3A_232] : memref<262144xi32, #tpu.memory_space<hbm>> -> memref<128xi32, #tpu.memory_space<hbm>>
      %dma_start3A_640 = tpu.memref_slice %arg3[%add3A_232] : memref<262144xi32, #tpu.memory_space<hbm>> -> memref<128xi32, #tpu.memory_space<hbm>>
      tpu.enqueue_dma source(%dma_start3A_640 : memref<128xi32, #tpu.memory_space<hbm>>) target(%arg5 : memref<128xi32, #tpu.memory_space<vmem>>) target_semaphore(%run_scoped3A : memref<!tpu.dma_semaphore, #tpu.memory_space<semaphore_mem>>)
      %dma_wait3A_641 = tpu.memref_slice %arg3[%add3A_232] : memref<262144xi32, #tpu.memory_space<hbm>> -> memref<128xi32, #tpu.memory_space<hbm>>
      %dma_wait3A_642 = tpu.memref_slice %arg3[%add3A_232] : memref<262144xi32, #tpu.memory_space<hbm>> -> memref<128xi32, #tpu.memory_space<hbm>>
      tpu.wait_dma2 semaphore(%run_scoped3A : memref<!tpu.dma_semaphore, #tpu.memory_space<semaphore_mem>>) src(%dma_wait3A_642 : memref<128xi32, #tpu.memory_space<hbm>>) dst(%arg5 : memref<128xi32, #tpu.memory_space<vmem>>)
      tpu.yield
    }) : () -> ()
    %dma_start3A_233 = arith.constant 0 : i32
    %dma_start3A_234 = arith.constant 0 : i32
    %dma_start3A_235 = tpu.memref_slice %arg2[%dma_start3A_233, %dma_start3A_234] : memref<8192x128xf32, #tpu.memory_space<hbm>> -> memref<8192x128xf32, #tpu.memory_space<hbm>>
    tpu.enqueue_indirect_dma source(%dma_start3A_235 : memref<8192x128xf32, #tpu.memory_space<hbm>>) target(%arg6 : memref<128x128xf32, #tpu.memory_space<vmem>>) offsets(%arg5 : memref<128xi32, #tpu.memory_space<vmem>>) semaphore(%arg7 : memref<!tpu.dma_semaphore, #tpu.memory_space<semaphore_mem>>)
    %dma_wait3A_236 = arith.constant 0 : i32
    %dma_wait3A_237 = arith.constant 0 : i32
    %dma_wait3A_238 = tpu.memref_slice %arg2[%dma_wait3A_236, %dma_wait3A_237] : memref<8192x128xf32, #tpu.memory_space<hbm>> -> memref<8192x128xf32, #tpu.memory_space<hbm>>
    tpu.wait_indirect_dma semaphore(%arg7 : memref<!tpu.dma_semaphore, #tpu.memory_space<semaphore_mem>>) src(%dma_wait3A_238 : memref<8192x128xf32, #tpu.memory_space<hbm>>) dst(%arg6 : memref<128x128xf32, #tpu.memory_space<vmem>>)
    "tpu.region"() ({
      %run_scoped3A = tpu.sem_alloc : memref<!tpu.dma_semaphore, #tpu.memory_space<semaphore_mem>>
      %dma_start3A_639 = arith.constant 0 : i32
      %dma_start3A_640 = tpu.memref_slice %arg4[%add3A_232, %dma_start3A_639] : memref<262144x128xf32, #tpu.memory_space<hbm>> -> memref<128x128xf32, #tpu.memory_space<hbm>>
      %dma_start3A_641 = arith.constant 0 : i32
      %dma_start3A_642 = tpu.memref_slice %arg4[%add3A_232, %dma_start3A_641] : memref<262144x128xf32, #tpu.memory_space<hbm>> -> memref<128x128xf32, #tpu.memory_space<hbm>>
      tpu.enqueue_dma source(%arg6 : memref<128x128xf32, #tpu.memory_space<vmem>>) target(%dma_start3A_642 : memref<128x128xf32, #tpu.memory_space<hbm>>) target_semaphore(%run_scoped3A : memref<!tpu.dma_semaphore, #tpu.memory_space<semaphore_mem>>)
      %dma_wait3A_643 = arith.constant 0 : i32
      %dma_wait3A_644 = tpu.memref_slice %arg4[%add3A_232, %dma_wait3A_643] : memref<262144x128xf32, #tpu.memory_space<hbm>> -> memref<128x128xf32, #tpu.memory_space<hbm>>
      %dma_wait3A_645 = arith.constant 0 : i32
      %dma_wait3A_646 = tpu.memref_slice %arg4[%add3A_232, %dma_wait3A_645] : memref<262144x128xf32, #tpu.memory_space<hbm>> -> memref<128x128xf32, #tpu.memory_space<hbm>>
      tpu.wait_dma2 semaphore(%run_scoped3A : memref<!tpu.dma_semaphore, #tpu.memory_space<semaphore_mem>>) src(%arg6 : memref<128x128xf32, #tpu.memory_space<vmem>>) dst(%dma_wait3A_646 : memref<128x128xf32, #tpu.memory_space<hbm>>)
      tpu.yield
    }) : () -> ()
    %mul3A_239 = arith.constant 8192 : i32
    %mul3A_240 = arith.muli %add3A, %mul3A_239 : i32
    %add3A_241 = arith.constant 3072 : i32
    %add3A_242 = arith.addi %mul3A_240, %add3A_241 : i32
    "tpu.region"() ({
      %run_scoped3A = tpu.sem_alloc : memref<!tpu.dma_semaphore, #tpu.memory_space<semaphore_mem>>
      %dma_start3A_639 = tpu.memref_slice %arg3[%add3A_242] : memref<262144xi32, #tpu.memory_space<hbm>> -> memref<128xi32, #tpu.memory_space<hbm>>
      %dma_start3A_640 = tpu.memref_slice %arg3[%add3A_242] : memref<262144xi32, #tpu.memory_space<hbm>> -> memref<128xi32, #tpu.memory_space<hbm>>
      tpu.enqueue_dma source(%dma_start3A_640 : memref<128xi32, #tpu.memory_space<hbm>>) target(%arg5 : memref<128xi32, #tpu.memory_space<vmem>>) target_semaphore(%run_scoped3A : memref<!tpu.dma_semaphore, #tpu.memory_space<semaphore_mem>>)
      %dma_wait3A_641 = tpu.memref_slice %arg3[%add3A_242] : memref<262144xi32, #tpu.memory_space<hbm>> -> memref<128xi32, #tpu.memory_space<hbm>>
      %dma_wait3A_642 = tpu.memref_slice %arg3[%add3A_242] : memref<262144xi32, #tpu.memory_space<hbm>> -> memref<128xi32, #tpu.memory_space<hbm>>
      tpu.wait_dma2 semaphore(%run_scoped3A : memref<!tpu.dma_semaphore, #tpu.memory_space<semaphore_mem>>) src(%dma_wait3A_642 : memref<128xi32, #tpu.memory_space<hbm>>) dst(%arg5 : memref<128xi32, #tpu.memory_space<vmem>>)
      tpu.yield
    }) : () -> ()
    %dma_start3A_243 = arith.constant 0 : i32
    %dma_start3A_244 = arith.constant 0 : i32
    %dma_start3A_245 = tpu.memref_slice %arg2[%dma_start3A_243, %dma_start3A_244] : memref<8192x128xf32, #tpu.memory_space<hbm>> -> memref<8192x128xf32, #tpu.memory_space<hbm>>
    tpu.enqueue_indirect_dma source(%dma_start3A_245 : memref<8192x128xf32, #tpu.memory_space<hbm>>) target(%arg6 : memref<128x128xf32, #tpu.memory_space<vmem>>) offsets(%arg5 : memref<128xi32, #tpu.memory_space<vmem>>) semaphore(%arg7 : memref<!tpu.dma_semaphore, #tpu.memory_space<semaphore_mem>>)
    %dma_wait3A_246 = arith.constant 0 : i32
    %dma_wait3A_247 = arith.constant 0 : i32
    %dma_wait3A_248 = tpu.memref_slice %arg2[%dma_wait3A_246, %dma_wait3A_247] : memref<8192x128xf32, #tpu.memory_space<hbm>> -> memref<8192x128xf32, #tpu.memory_space<hbm>>
    tpu.wait_indirect_dma semaphore(%arg7 : memref<!tpu.dma_semaphore, #tpu.memory_space<semaphore_mem>>) src(%dma_wait3A_248 : memref<8192x128xf32, #tpu.memory_space<hbm>>) dst(%arg6 : memref<128x128xf32, #tpu.memory_space<vmem>>)
    "tpu.region"() ({
      %run_scoped3A = tpu.sem_alloc : memref<!tpu.dma_semaphore, #tpu.memory_space<semaphore_mem>>
      %dma_start3A_639 = arith.constant 0 : i32
      %dma_start3A_640 = tpu.memref_slice %arg4[%add3A_242, %dma_start3A_639] : memref<262144x128xf32, #tpu.memory_space<hbm>> -> memref<128x128xf32, #tpu.memory_space<hbm>>
      %dma_start3A_641 = arith.constant 0 : i32
      %dma_start3A_642 = tpu.memref_slice %arg4[%add3A_242, %dma_start3A_641] : memref<262144x128xf32, #tpu.memory_space<hbm>> -> memref<128x128xf32, #tpu.memory_space<hbm>>
      tpu.enqueue_dma source(%arg6 : memref<128x128xf32, #tpu.memory_space<vmem>>) target(%dma_start3A_642 : memref<128x128xf32, #tpu.memory_space<hbm>>) target_semaphore(%run_scoped3A : memref<!tpu.dma_semaphore, #tpu.memory_space<semaphore_mem>>)
      %dma_wait3A_643 = arith.constant 0 : i32
      %dma_wait3A_644 = tpu.memref_slice %arg4[%add3A_242, %dma_wait3A_643] : memref<262144x128xf32, #tpu.memory_space<hbm>> -> memref<128x128xf32, #tpu.memory_space<hbm>>
      %dma_wait3A_645 = arith.constant 0 : i32
      %dma_wait3A_646 = tpu.memref_slice %arg4[%add3A_242, %dma_wait3A_645] : memref<262144x128xf32, #tpu.memory_space<hbm>> -> memref<128x128xf32, #tpu.memory_space<hbm>>
      tpu.wait_dma2 semaphore(%run_scoped3A : memref<!tpu.dma_semaphore, #tpu.memory_space<semaphore_mem>>) src(%arg6 : memref<128x128xf32, #tpu.memory_space<vmem>>) dst(%dma_wait3A_646 : memref<128x128xf32, #tpu.memory_space<hbm>>)
      tpu.yield
    }) : () -> ()
    %mul3A_249 = arith.constant 8192 : i32
    %mul3A_250 = arith.muli %add3A, %mul3A_249 : i32
    %add3A_251 = arith.constant 3200 : i32
    %add3A_252 = arith.addi %mul3A_250, %add3A_251 : i32
    "tpu.region"() ({
      %run_scoped3A = tpu.sem_alloc : memref<!tpu.dma_semaphore, #tpu.memory_space<semaphore_mem>>
      %dma_start3A_639 = tpu.memref_slice %arg3[%add3A_252] : memref<262144xi32, #tpu.memory_space<hbm>> -> memref<128xi32, #tpu.memory_space<hbm>>
      %dma_start3A_640 = tpu.memref_slice %arg3[%add3A_252] : memref<262144xi32, #tpu.memory_space<hbm>> -> memref<128xi32, #tpu.memory_space<hbm>>
      tpu.enqueue_dma source(%dma_start3A_640 : memref<128xi32, #tpu.memory_space<hbm>>) target(%arg5 : memref<128xi32, #tpu.memory_space<vmem>>) target_semaphore(%run_scoped3A : memref<!tpu.dma_semaphore, #tpu.memory_space<semaphore_mem>>)
      %dma_wait3A_641 = tpu.memref_slice %arg3[%add3A_252] : memref<262144xi32, #tpu.memory_space<hbm>> -> memref<128xi32, #tpu.memory_space<hbm>>
      %dma_wait3A_642 = tpu.memref_slice %arg3[%add3A_252] : memref<262144xi32, #tpu.memory_space<hbm>> -> memref<128xi32, #tpu.memory_space<hbm>>
      tpu.wait_dma2 semaphore(%run_scoped3A : memref<!tpu.dma_semaphore, #tpu.memory_space<semaphore_mem>>) src(%dma_wait3A_642 : memref<128xi32, #tpu.memory_space<hbm>>) dst(%arg5 : memref<128xi32, #tpu.memory_space<vmem>>)
      tpu.yield
    }) : () -> ()
    %dma_start3A_253 = arith.constant 0 : i32
    %dma_start3A_254 = arith.constant 0 : i32
    %dma_start3A_255 = tpu.memref_slice %arg2[%dma_start3A_253, %dma_start3A_254] : memref<8192x128xf32, #tpu.memory_space<hbm>> -> memref<8192x128xf32, #tpu.memory_space<hbm>>
    tpu.enqueue_indirect_dma source(%dma_start3A_255 : memref<8192x128xf32, #tpu.memory_space<hbm>>) target(%arg6 : memref<128x128xf32, #tpu.memory_space<vmem>>) offsets(%arg5 : memref<128xi32, #tpu.memory_space<vmem>>) semaphore(%arg7 : memref<!tpu.dma_semaphore, #tpu.memory_space<semaphore_mem>>)
    %dma_wait3A_256 = arith.constant 0 : i32
    %dma_wait3A_257 = arith.constant 0 : i32
    %dma_wait3A_258 = tpu.memref_slice %arg2[%dma_wait3A_256, %dma_wait3A_257] : memref<8192x128xf32, #tpu.memory_space<hbm>> -> memref<8192x128xf32, #tpu.memory_space<hbm>>
    tpu.wait_indirect_dma semaphore(%arg7 : memref<!tpu.dma_semaphore, #tpu.memory_space<semaphore_mem>>) src(%dma_wait3A_258 : memref<8192x128xf32, #tpu.memory_space<hbm>>) dst(%arg6 : memref<128x128xf32, #tpu.memory_space<vmem>>)
    "tpu.region"() ({
      %run_scoped3A = tpu.sem_alloc : memref<!tpu.dma_semaphore, #tpu.memory_space<semaphore_mem>>
      %dma_start3A_639 = arith.constant 0 : i32
      %dma_start3A_640 = tpu.memref_slice %arg4[%add3A_252, %dma_start3A_639] : memref<262144x128xf32, #tpu.memory_space<hbm>> -> memref<128x128xf32, #tpu.memory_space<hbm>>
      %dma_start3A_641 = arith.constant 0 : i32
      %dma_start3A_642 = tpu.memref_slice %arg4[%add3A_252, %dma_start3A_641] : memref<262144x128xf32, #tpu.memory_space<hbm>> -> memref<128x128xf32, #tpu.memory_space<hbm>>
      tpu.enqueue_dma source(%arg6 : memref<128x128xf32, #tpu.memory_space<vmem>>) target(%dma_start3A_642 : memref<128x128xf32, #tpu.memory_space<hbm>>) target_semaphore(%run_scoped3A : memref<!tpu.dma_semaphore, #tpu.memory_space<semaphore_mem>>)
      %dma_wait3A_643 = arith.constant 0 : i32
      %dma_wait3A_644 = tpu.memref_slice %arg4[%add3A_252, %dma_wait3A_643] : memref<262144x128xf32, #tpu.memory_space<hbm>> -> memref<128x128xf32, #tpu.memory_space<hbm>>
      %dma_wait3A_645 = arith.constant 0 : i32
      %dma_wait3A_646 = tpu.memref_slice %arg4[%add3A_252, %dma_wait3A_645] : memref<262144x128xf32, #tpu.memory_space<hbm>> -> memref<128x128xf32, #tpu.memory_space<hbm>>
      tpu.wait_dma2 semaphore(%run_scoped3A : memref<!tpu.dma_semaphore, #tpu.memory_space<semaphore_mem>>) src(%arg6 : memref<128x128xf32, #tpu.memory_space<vmem>>) dst(%dma_wait3A_646 : memref<128x128xf32, #tpu.memory_space<hbm>>)
      tpu.yield
    }) : () -> ()
    %mul3A_259 = arith.constant 8192 : i32
    %mul3A_260 = arith.muli %add3A, %mul3A_259 : i32
    %add3A_261 = arith.constant 3328 : i32
    %add3A_262 = arith.addi %mul3A_260, %add3A_261 : i32
    "tpu.region"() ({
      %run_scoped3A = tpu.sem_alloc : memref<!tpu.dma_semaphore, #tpu.memory_space<semaphore_mem>>
      %dma_start3A_639 = tpu.memref_slice %arg3[%add3A_262] : memref<262144xi32, #tpu.memory_space<hbm>> -> memref<128xi32, #tpu.memory_space<hbm>>
      %dma_start3A_640 = tpu.memref_slice %arg3[%add3A_262] : memref<262144xi32, #tpu.memory_space<hbm>> -> memref<128xi32, #tpu.memory_space<hbm>>
      tpu.enqueue_dma source(%dma_start3A_640 : memref<128xi32, #tpu.memory_space<hbm>>) target(%arg5 : memref<128xi32, #tpu.memory_space<vmem>>) target_semaphore(%run_scoped3A : memref<!tpu.dma_semaphore, #tpu.memory_space<semaphore_mem>>)
      %dma_wait3A_641 = tpu.memref_slice %arg3[%add3A_262] : memref<262144xi32, #tpu.memory_space<hbm>> -> memref<128xi32, #tpu.memory_space<hbm>>
      %dma_wait3A_642 = tpu.memref_slice %arg3[%add3A_262] : memref<262144xi32, #tpu.memory_space<hbm>> -> memref<128xi32, #tpu.memory_space<hbm>>
      tpu.wait_dma2 semaphore(%run_scoped3A : memref<!tpu.dma_semaphore, #tpu.memory_space<semaphore_mem>>) src(%dma_wait3A_642 : memref<128xi32, #tpu.memory_space<hbm>>) dst(%arg5 : memref<128xi32, #tpu.memory_space<vmem>>)
      tpu.yield
    }) : () -> ()
    %dma_start3A_263 = arith.constant 0 : i32
    %dma_start3A_264 = arith.constant 0 : i32
    %dma_start3A_265 = tpu.memref_slice %arg2[%dma_start3A_263, %dma_start3A_264] : memref<8192x128xf32, #tpu.memory_space<hbm>> -> memref<8192x128xf32, #tpu.memory_space<hbm>>
    tpu.enqueue_indirect_dma source(%dma_start3A_265 : memref<8192x128xf32, #tpu.memory_space<hbm>>) target(%arg6 : memref<128x128xf32, #tpu.memory_space<vmem>>) offsets(%arg5 : memref<128xi32, #tpu.memory_space<vmem>>) semaphore(%arg7 : memref<!tpu.dma_semaphore, #tpu.memory_space<semaphore_mem>>)
    %dma_wait3A_266 = arith.constant 0 : i32
    %dma_wait3A_267 = arith.constant 0 : i32
    %dma_wait3A_268 = tpu.memref_slice %arg2[%dma_wait3A_266, %dma_wait3A_267] : memref<8192x128xf32, #tpu.memory_space<hbm>> -> memref<8192x128xf32, #tpu.memory_space<hbm>>
    tpu.wait_indirect_dma semaphore(%arg7 : memref<!tpu.dma_semaphore, #tpu.memory_space<semaphore_mem>>) src(%dma_wait3A_268 : memref<8192x128xf32, #tpu.memory_space<hbm>>) dst(%arg6 : memref<128x128xf32, #tpu.memory_space<vmem>>)
    "tpu.region"() ({
      %run_scoped3A = tpu.sem_alloc : memref<!tpu.dma_semaphore, #tpu.memory_space<semaphore_mem>>
      %dma_start3A_639 = arith.constant 0 : i32
      %dma_start3A_640 = tpu.memref_slice %arg4[%add3A_262, %dma_start3A_639] : memref<262144x128xf32, #tpu.memory_space<hbm>> -> memref<128x128xf32, #tpu.memory_space<hbm>>
      %dma_start3A_641 = arith.constant 0 : i32
      %dma_start3A_642 = tpu.memref_slice %arg4[%add3A_262, %dma_start3A_641] : memref<262144x128xf32, #tpu.memory_space<hbm>> -> memref<128x128xf32, #tpu.memory_space<hbm>>
      tpu.enqueue_dma source(%arg6 : memref<128x128xf32, #tpu.memory_space<vmem>>) target(%dma_start3A_642 : memref<128x128xf32, #tpu.memory_space<hbm>>) target_semaphore(%run_scoped3A : memref<!tpu.dma_semaphore, #tpu.memory_space<semaphore_mem>>)
      %dma_wait3A_643 = arith.constant 0 : i32
      %dma_wait3A_644 = tpu.memref_slice %arg4[%add3A_262, %dma_wait3A_643] : memref<262144x128xf32, #tpu.memory_space<hbm>> -> memref<128x128xf32, #tpu.memory_space<hbm>>
      %dma_wait3A_645 = arith.constant 0 : i32
      %dma_wait3A_646 = tpu.memref_slice %arg4[%add3A_262, %dma_wait3A_645] : memref<262144x128xf32, #tpu.memory_space<hbm>> -> memref<128x128xf32, #tpu.memory_space<hbm>>
      tpu.wait_dma2 semaphore(%run_scoped3A : memref<!tpu.dma_semaphore, #tpu.memory_space<semaphore_mem>>) src(%arg6 : memref<128x128xf32, #tpu.memory_space<vmem>>) dst(%dma_wait3A_646 : memref<128x128xf32, #tpu.memory_space<hbm>>)
      tpu.yield
    }) : () -> ()
    %mul3A_269 = arith.constant 8192 : i32
    %mul3A_270 = arith.muli %add3A, %mul3A_269 : i32
    %add3A_271 = arith.constant 3456 : i32
    %add3A_272 = arith.addi %mul3A_270, %add3A_271 : i32
    "tpu.region"() ({
      %run_scoped3A = tpu.sem_alloc : memref<!tpu.dma_semaphore, #tpu.memory_space<semaphore_mem>>
      %dma_start3A_639 = tpu.memref_slice %arg3[%add3A_272] : memref<262144xi32, #tpu.memory_space<hbm>> -> memref<128xi32, #tpu.memory_space<hbm>>
      %dma_start3A_640 = tpu.memref_slice %arg3[%add3A_272] : memref<262144xi32, #tpu.memory_space<hbm>> -> memref<128xi32, #tpu.memory_space<hbm>>
      tpu.enqueue_dma source(%dma_start3A_640 : memref<128xi32, #tpu.memory_space<hbm>>) target(%arg5 : memref<128xi32, #tpu.memory_space<vmem>>) target_semaphore(%run_scoped3A : memref<!tpu.dma_semaphore, #tpu.memory_space<semaphore_mem>>)
      %dma_wait3A_641 = tpu.memref_slice %arg3[%add3A_272] : memref<262144xi32, #tpu.memory_space<hbm>> -> memref<128xi32, #tpu.memory_space<hbm>>
      %dma_wait3A_642 = tpu.memref_slice %arg3[%add3A_272] : memref<262144xi32, #tpu.memory_space<hbm>> -> memref<128xi32, #tpu.memory_space<hbm>>
      tpu.wait_dma2 semaphore(%run_scoped3A : memref<!tpu.dma_semaphore, #tpu.memory_space<semaphore_mem>>) src(%dma_wait3A_642 : memref<128xi32, #tpu.memory_space<hbm>>) dst(%arg5 : memref<128xi32, #tpu.memory_space<vmem>>)
      tpu.yield
    }) : () -> ()
    %dma_start3A_273 = arith.constant 0 : i32
    %dma_start3A_274 = arith.constant 0 : i32
    %dma_start3A_275 = tpu.memref_slice %arg2[%dma_start3A_273, %dma_start3A_274] : memref<8192x128xf32, #tpu.memory_space<hbm>> -> memref<8192x128xf32, #tpu.memory_space<hbm>>
    tpu.enqueue_indirect_dma source(%dma_start3A_275 : memref<8192x128xf32, #tpu.memory_space<hbm>>) target(%arg6 : memref<128x128xf32, #tpu.memory_space<vmem>>) offsets(%arg5 : memref<128xi32, #tpu.memory_space<vmem>>) semaphore(%arg7 : memref<!tpu.dma_semaphore, #tpu.memory_space<semaphore_mem>>)
    %dma_wait3A_276 = arith.constant 0 : i32
    %dma_wait3A_277 = arith.constant 0 : i32
    %dma_wait3A_278 = tpu.memref_slice %arg2[%dma_wait3A_276, %dma_wait3A_277] : memref<8192x128xf32, #tpu.memory_space<hbm>> -> memref<8192x128xf32, #tpu.memory_space<hbm>>
    tpu.wait_indirect_dma semaphore(%arg7 : memref<!tpu.dma_semaphore, #tpu.memory_space<semaphore_mem>>) src(%dma_wait3A_278 : memref<8192x128xf32, #tpu.memory_space<hbm>>) dst(%arg6 : memref<128x128xf32, #tpu.memory_space<vmem>>)
    "tpu.region"() ({
      %run_scoped3A = tpu.sem_alloc : memref<!tpu.dma_semaphore, #tpu.memory_space<semaphore_mem>>
      %dma_start3A_639 = arith.constant 0 : i32
      %dma_start3A_640 = tpu.memref_slice %arg4[%add3A_272, %dma_start3A_639] : memref<262144x128xf32, #tpu.memory_space<hbm>> -> memref<128x128xf32, #tpu.memory_space<hbm>>
      %dma_start3A_641 = arith.constant 0 : i32
      %dma_start3A_642 = tpu.memref_slice %arg4[%add3A_272, %dma_start3A_641] : memref<262144x128xf32, #tpu.memory_space<hbm>> -> memref<128x128xf32, #tpu.memory_space<hbm>>
      tpu.enqueue_dma source(%arg6 : memref<128x128xf32, #tpu.memory_space<vmem>>) target(%dma_start3A_642 : memref<128x128xf32, #tpu.memory_space<hbm>>) target_semaphore(%run_scoped3A : memref<!tpu.dma_semaphore, #tpu.memory_space<semaphore_mem>>)
      %dma_wait3A_643 = arith.constant 0 : i32
      %dma_wait3A_644 = tpu.memref_slice %arg4[%add3A_272, %dma_wait3A_643] : memref<262144x128xf32, #tpu.memory_space<hbm>> -> memref<128x128xf32, #tpu.memory_space<hbm>>
      %dma_wait3A_645 = arith.constant 0 : i32
      %dma_wait3A_646 = tpu.memref_slice %arg4[%add3A_272, %dma_wait3A_645] : memref<262144x128xf32, #tpu.memory_space<hbm>> -> memref<128x128xf32, #tpu.memory_space<hbm>>
      tpu.wait_dma2 semaphore(%run_scoped3A : memref<!tpu.dma_semaphore, #tpu.memory_space<semaphore_mem>>) src(%arg6 : memref<128x128xf32, #tpu.memory_space<vmem>>) dst(%dma_wait3A_646 : memref<128x128xf32, #tpu.memory_space<hbm>>)
      tpu.yield
    }) : () -> ()
    %mul3A_279 = arith.constant 8192 : i32
    %mul3A_280 = arith.muli %add3A, %mul3A_279 : i32
    %add3A_281 = arith.constant 3584 : i32
    %add3A_282 = arith.addi %mul3A_280, %add3A_281 : i32
    "tpu.region"() ({
      %run_scoped3A = tpu.sem_alloc : memref<!tpu.dma_semaphore, #tpu.memory_space<semaphore_mem>>
      %dma_start3A_639 = tpu.memref_slice %arg3[%add3A_282] : memref<262144xi32, #tpu.memory_space<hbm>> -> memref<128xi32, #tpu.memory_space<hbm>>
      %dma_start3A_640 = tpu.memref_slice %arg3[%add3A_282] : memref<262144xi32, #tpu.memory_space<hbm>> -> memref<128xi32, #tpu.memory_space<hbm>>
      tpu.enqueue_dma source(%dma_start3A_640 : memref<128xi32, #tpu.memory_space<hbm>>) target(%arg5 : memref<128xi32, #tpu.memory_space<vmem>>) target_semaphore(%run_scoped3A : memref<!tpu.dma_semaphore, #tpu.memory_space<semaphore_mem>>)
      %dma_wait3A_641 = tpu.memref_slice %arg3[%add3A_282] : memref<262144xi32, #tpu.memory_space<hbm>> -> memref<128xi32, #tpu.memory_space<hbm>>
      %dma_wait3A_642 = tpu.memref_slice %arg3[%add3A_282] : memref<262144xi32, #tpu.memory_space<hbm>> -> memref<128xi32, #tpu.memory_space<hbm>>
      tpu.wait_dma2 semaphore(%run_scoped3A : memref<!tpu.dma_semaphore, #tpu.memory_space<semaphore_mem>>) src(%dma_wait3A_642 : memref<128xi32, #tpu.memory_space<hbm>>) dst(%arg5 : memref<128xi32, #tpu.memory_space<vmem>>)
      tpu.yield
    }) : () -> ()
    %dma_start3A_283 = arith.constant 0 : i32
    %dma_start3A_284 = arith.constant 0 : i32
    %dma_start3A_285 = tpu.memref_slice %arg2[%dma_start3A_283, %dma_start3A_284] : memref<8192x128xf32, #tpu.memory_space<hbm>> -> memref<8192x128xf32, #tpu.memory_space<hbm>>
    tpu.enqueue_indirect_dma source(%dma_start3A_285 : memref<8192x128xf32, #tpu.memory_space<hbm>>) target(%arg6 : memref<128x128xf32, #tpu.memory_space<vmem>>) offsets(%arg5 : memref<128xi32, #tpu.memory_space<vmem>>) semaphore(%arg7 : memref<!tpu.dma_semaphore, #tpu.memory_space<semaphore_mem>>)
    %dma_wait3A_286 = arith.constant 0 : i32
    %dma_wait3A_287 = arith.constant 0 : i32
    %dma_wait3A_288 = tpu.memref_slice %arg2[%dma_wait3A_286, %dma_wait3A_287] : memref<8192x128xf32, #tpu.memory_space<hbm>> -> memref<8192x128xf32, #tpu.memory_space<hbm>>
    tpu.wait_indirect_dma semaphore(%arg7 : memref<!tpu.dma_semaphore, #tpu.memory_space<semaphore_mem>>) src(%dma_wait3A_288 : memref<8192x128xf32, #tpu.memory_space<hbm>>) dst(%arg6 : memref<128x128xf32, #tpu.memory_space<vmem>>)
    "tpu.region"() ({
      %run_scoped3A = tpu.sem_alloc : memref<!tpu.dma_semaphore, #tpu.memory_space<semaphore_mem>>
      %dma_start3A_639 = arith.constant 0 : i32
      %dma_start3A_640 = tpu.memref_slice %arg4[%add3A_282, %dma_start3A_639] : memref<262144x128xf32, #tpu.memory_space<hbm>> -> memref<128x128xf32, #tpu.memory_space<hbm>>
      %dma_start3A_641 = arith.constant 0 : i32
      %dma_start3A_642 = tpu.memref_slice %arg4[%add3A_282, %dma_start3A_641] : memref<262144x128xf32, #tpu.memory_space<hbm>> -> memref<128x128xf32, #tpu.memory_space<hbm>>
      tpu.enqueue_dma source(%arg6 : memref<128x128xf32, #tpu.memory_space<vmem>>) target(%dma_start3A_642 : memref<128x128xf32, #tpu.memory_space<hbm>>) target_semaphore(%run_scoped3A : memref<!tpu.dma_semaphore, #tpu.memory_space<semaphore_mem>>)
      %dma_wait3A_643 = arith.constant 0 : i32
      %dma_wait3A_644 = tpu.memref_slice %arg4[%add3A_282, %dma_wait3A_643] : memref<262144x128xf32, #tpu.memory_space<hbm>> -> memref<128x128xf32, #tpu.memory_space<hbm>>
      %dma_wait3A_645 = arith.constant 0 : i32
      %dma_wait3A_646 = tpu.memref_slice %arg4[%add3A_282, %dma_wait3A_645] : memref<262144x128xf32, #tpu.memory_space<hbm>> -> memref<128x128xf32, #tpu.memory_space<hbm>>
      tpu.wait_dma2 semaphore(%run_scoped3A : memref<!tpu.dma_semaphore, #tpu.memory_space<semaphore_mem>>) src(%arg6 : memref<128x128xf32, #tpu.memory_space<vmem>>) dst(%dma_wait3A_646 : memref<128x128xf32, #tpu.memory_space<hbm>>)
      tpu.yield
    }) : () -> ()
    %mul3A_289 = arith.constant 8192 : i32
    %mul3A_290 = arith.muli %add3A, %mul3A_289 : i32
    %add3A_291 = arith.constant 3712 : i32
    %add3A_292 = arith.addi %mul3A_290, %add3A_291 : i32
    "tpu.region"() ({
      %run_scoped3A = tpu.sem_alloc : memref<!tpu.dma_semaphore, #tpu.memory_space<semaphore_mem>>
      %dma_start3A_639 = tpu.memref_slice %arg3[%add3A_292] : memref<262144xi32, #tpu.memory_space<hbm>> -> memref<128xi32, #tpu.memory_space<hbm>>
      %dma_start3A_640 = tpu.memref_slice %arg3[%add3A_292] : memref<262144xi32, #tpu.memory_space<hbm>> -> memref<128xi32, #tpu.memory_space<hbm>>
      tpu.enqueue_dma source(%dma_start3A_640 : memref<128xi32, #tpu.memory_space<hbm>>) target(%arg5 : memref<128xi32, #tpu.memory_space<vmem>>) target_semaphore(%run_scoped3A : memref<!tpu.dma_semaphore, #tpu.memory_space<semaphore_mem>>)
      %dma_wait3A_641 = tpu.memref_slice %arg3[%add3A_292] : memref<262144xi32, #tpu.memory_space<hbm>> -> memref<128xi32, #tpu.memory_space<hbm>>
      %dma_wait3A_642 = tpu.memref_slice %arg3[%add3A_292] : memref<262144xi32, #tpu.memory_space<hbm>> -> memref<128xi32, #tpu.memory_space<hbm>>
      tpu.wait_dma2 semaphore(%run_scoped3A : memref<!tpu.dma_semaphore, #tpu.memory_space<semaphore_mem>>) src(%dma_wait3A_642 : memref<128xi32, #tpu.memory_space<hbm>>) dst(%arg5 : memref<128xi32, #tpu.memory_space<vmem>>)
      tpu.yield
    }) : () -> ()
    %dma_start3A_293 = arith.constant 0 : i32
    %dma_start3A_294 = arith.constant 0 : i32
    %dma_start3A_295 = tpu.memref_slice %arg2[%dma_start3A_293, %dma_start3A_294] : memref<8192x128xf32, #tpu.memory_space<hbm>> -> memref<8192x128xf32, #tpu.memory_space<hbm>>
    tpu.enqueue_indirect_dma source(%dma_start3A_295 : memref<8192x128xf32, #tpu.memory_space<hbm>>) target(%arg6 : memref<128x128xf32, #tpu.memory_space<vmem>>) offsets(%arg5 : memref<128xi32, #tpu.memory_space<vmem>>) semaphore(%arg7 : memref<!tpu.dma_semaphore, #tpu.memory_space<semaphore_mem>>)
    %dma_wait3A_296 = arith.constant 0 : i32
    %dma_wait3A_297 = arith.constant 0 : i32
    %dma_wait3A_298 = tpu.memref_slice %arg2[%dma_wait3A_296, %dma_wait3A_297] : memref<8192x128xf32, #tpu.memory_space<hbm>> -> memref<8192x128xf32, #tpu.memory_space<hbm>>
    tpu.wait_indirect_dma semaphore(%arg7 : memref<!tpu.dma_semaphore, #tpu.memory_space<semaphore_mem>>) src(%dma_wait3A_298 : memref<8192x128xf32, #tpu.memory_space<hbm>>) dst(%arg6 : memref<128x128xf32, #tpu.memory_space<vmem>>)
    "tpu.region"() ({
      %run_scoped3A = tpu.sem_alloc : memref<!tpu.dma_semaphore, #tpu.memory_space<semaphore_mem>>
      %dma_start3A_639 = arith.constant 0 : i32
      %dma_start3A_640 = tpu.memref_slice %arg4[%add3A_292, %dma_start3A_639] : memref<262144x128xf32, #tpu.memory_space<hbm>> -> memref<128x128xf32, #tpu.memory_space<hbm>>
      %dma_start3A_641 = arith.constant 0 : i32
      %dma_start3A_642 = tpu.memref_slice %arg4[%add3A_292, %dma_start3A_641] : memref<262144x128xf32, #tpu.memory_space<hbm>> -> memref<128x128xf32, #tpu.memory_space<hbm>>
      tpu.enqueue_dma source(%arg6 : memref<128x128xf32, #tpu.memory_space<vmem>>) target(%dma_start3A_642 : memref<128x128xf32, #tpu.memory_space<hbm>>) target_semaphore(%run_scoped3A : memref<!tpu.dma_semaphore, #tpu.memory_space<semaphore_mem>>)
      %dma_wait3A_643 = arith.constant 0 : i32
      %dma_wait3A_644 = tpu.memref_slice %arg4[%add3A_292, %dma_wait3A_643] : memref<262144x128xf32, #tpu.memory_space<hbm>> -> memref<128x128xf32, #tpu.memory_space<hbm>>
      %dma_wait3A_645 = arith.constant 0 : i32
      %dma_wait3A_646 = tpu.memref_slice %arg4[%add3A_292, %dma_wait3A_645] : memref<262144x128xf32, #tpu.memory_space<hbm>> -> memref<128x128xf32, #tpu.memory_space<hbm>>
      tpu.wait_dma2 semaphore(%run_scoped3A : memref<!tpu.dma_semaphore, #tpu.memory_space<semaphore_mem>>) src(%arg6 : memref<128x128xf32, #tpu.memory_space<vmem>>) dst(%dma_wait3A_646 : memref<128x128xf32, #tpu.memory_space<hbm>>)
      tpu.yield
    }) : () -> ()
    %mul3A_299 = arith.constant 8192 : i32
    %mul3A_300 = arith.muli %add3A, %mul3A_299 : i32
    %add3A_301 = arith.constant 3840 : i32
    %add3A_302 = arith.addi %mul3A_300, %add3A_301 : i32
    "tpu.region"() ({
      %run_scoped3A = tpu.sem_alloc : memref<!tpu.dma_semaphore, #tpu.memory_space<semaphore_mem>>
      %dma_start3A_639 = tpu.memref_slice %arg3[%add3A_302] : memref<262144xi32, #tpu.memory_space<hbm>> -> memref<128xi32, #tpu.memory_space<hbm>>
      %dma_start3A_640 = tpu.memref_slice %arg3[%add3A_302] : memref<262144xi32, #tpu.memory_space<hbm>> -> memref<128xi32, #tpu.memory_space<hbm>>
      tpu.enqueue_dma source(%dma_start3A_640 : memref<128xi32, #tpu.memory_space<hbm>>) target(%arg5 : memref<128xi32, #tpu.memory_space<vmem>>) target_semaphore(%run_scoped3A : memref<!tpu.dma_semaphore, #tpu.memory_space<semaphore_mem>>)
      %dma_wait3A_641 = tpu.memref_slice %arg3[%add3A_302] : memref<262144xi32, #tpu.memory_space<hbm>> -> memref<128xi32, #tpu.memory_space<hbm>>
      %dma_wait3A_642 = tpu.memref_slice %arg3[%add3A_302] : memref<262144xi32, #tpu.memory_space<hbm>> -> memref<128xi32, #tpu.memory_space<hbm>>
      tpu.wait_dma2 semaphore(%run_scoped3A : memref<!tpu.dma_semaphore, #tpu.memory_space<semaphore_mem>>) src(%dma_wait3A_642 : memref<128xi32, #tpu.memory_space<hbm>>) dst(%arg5 : memref<128xi32, #tpu.memory_space<vmem>>)
      tpu.yield
    }) : () -> ()
    %dma_start3A_303 = arith.constant 0 : i32
    %dma_start3A_304 = arith.constant 0 : i32
    %dma_start3A_305 = tpu.memref_slice %arg2[%dma_start3A_303, %dma_start3A_304] : memref<8192x128xf32, #tpu.memory_space<hbm>> -> memref<8192x128xf32, #tpu.memory_space<hbm>>
    tpu.enqueue_indirect_dma source(%dma_start3A_305 : memref<8192x128xf32, #tpu.memory_space<hbm>>) target(%arg6 : memref<128x128xf32, #tpu.memory_space<vmem>>) offsets(%arg5 : memref<128xi32, #tpu.memory_space<vmem>>) semaphore(%arg7 : memref<!tpu.dma_semaphore, #tpu.memory_space<semaphore_mem>>)
    %dma_wait3A_306 = arith.constant 0 : i32
    %dma_wait3A_307 = arith.constant 0 : i32
    %dma_wait3A_308 = tpu.memref_slice %arg2[%dma_wait3A_306, %dma_wait3A_307] : memref<8192x128xf32, #tpu.memory_space<hbm>> -> memref<8192x128xf32, #tpu.memory_space<hbm>>
    tpu.wait_indirect_dma semaphore(%arg7 : memref<!tpu.dma_semaphore, #tpu.memory_space<semaphore_mem>>) src(%dma_wait3A_308 : memref<8192x128xf32, #tpu.memory_space<hbm>>) dst(%arg6 : memref<128x128xf32, #tpu.memory_space<vmem>>)
    "tpu.region"() ({
      %run_scoped3A = tpu.sem_alloc : memref<!tpu.dma_semaphore, #tpu.memory_space<semaphore_mem>>
      %dma_start3A_639 = arith.constant 0 : i32
      %dma_start3A_640 = tpu.memref_slice %arg4[%add3A_302, %dma_start3A_639] : memref<262144x128xf32, #tpu.memory_space<hbm>> -> memref<128x128xf32, #tpu.memory_space<hbm>>
      %dma_start3A_641 = arith.constant 0 : i32
      %dma_start3A_642 = tpu.memref_slice %arg4[%add3A_302, %dma_start3A_641] : memref<262144x128xf32, #tpu.memory_space<hbm>> -> memref<128x128xf32, #tpu.memory_space<hbm>>
      tpu.enqueue_dma source(%arg6 : memref<128x128xf32, #tpu.memory_space<vmem>>) target(%dma_start3A_642 : memref<128x128xf32, #tpu.memory_space<hbm>>) target_semaphore(%run_scoped3A : memref<!tpu.dma_semaphore, #tpu.memory_space<semaphore_mem>>)
      %dma_wait3A_643 = arith.constant 0 : i32
      %dma_wait3A_644 = tpu.memref_slice %arg4[%add3A_302, %dma_wait3A_643] : memref<262144x128xf32, #tpu.memory_space<hbm>> -> memref<128x128xf32, #tpu.memory_space<hbm>>
      %dma_wait3A_645 = arith.constant 0 : i32
      %dma_wait3A_646 = tpu.memref_slice %arg4[%add3A_302, %dma_wait3A_645] : memref<262144x128xf32, #tpu.memory_space<hbm>> -> memref<128x128xf32, #tpu.memory_space<hbm>>
      tpu.wait_dma2 semaphore(%run_scoped3A : memref<!tpu.dma_semaphore, #tpu.memory_space<semaphore_mem>>) src(%arg6 : memref<128x128xf32, #tpu.memory_space<vmem>>) dst(%dma_wait3A_646 : memref<128x128xf32, #tpu.memory_space<hbm>>)
      tpu.yield
    }) : () -> ()
    %mul3A_309 = arith.constant 8192 : i32
    %mul3A_310 = arith.muli %add3A, %mul3A_309 : i32
    %add3A_311 = arith.constant 3968 : i32
    %add3A_312 = arith.addi %mul3A_310, %add3A_311 : i32
    "tpu.region"() ({
      %run_scoped3A = tpu.sem_alloc : memref<!tpu.dma_semaphore, #tpu.memory_space<semaphore_mem>>
      %dma_start3A_639 = tpu.memref_slice %arg3[%add3A_312] : memref<262144xi32, #tpu.memory_space<hbm>> -> memref<128xi32, #tpu.memory_space<hbm>>
      %dma_start3A_640 = tpu.memref_slice %arg3[%add3A_312] : memref<262144xi32, #tpu.memory_space<hbm>> -> memref<128xi32, #tpu.memory_space<hbm>>
      tpu.enqueue_dma source(%dma_start3A_640 : memref<128xi32, #tpu.memory_space<hbm>>) target(%arg5 : memref<128xi32, #tpu.memory_space<vmem>>) target_semaphore(%run_scoped3A : memref<!tpu.dma_semaphore, #tpu.memory_space<semaphore_mem>>)
      %dma_wait3A_641 = tpu.memref_slice %arg3[%add3A_312] : memref<262144xi32, #tpu.memory_space<hbm>> -> memref<128xi32, #tpu.memory_space<hbm>>
      %dma_wait3A_642 = tpu.memref_slice %arg3[%add3A_312] : memref<262144xi32, #tpu.memory_space<hbm>> -> memref<128xi32, #tpu.memory_space<hbm>>
      tpu.wait_dma2 semaphore(%run_scoped3A : memref<!tpu.dma_semaphore, #tpu.memory_space<semaphore_mem>>) src(%dma_wait3A_642 : memref<128xi32, #tpu.memory_space<hbm>>) dst(%arg5 : memref<128xi32, #tpu.memory_space<vmem>>)
      tpu.yield
    }) : () -> ()
    %dma_start3A_313 = arith.constant 0 : i32
    %dma_start3A_314 = arith.constant 0 : i32
    %dma_start3A_315 = tpu.memref_slice %arg2[%dma_start3A_313, %dma_start3A_314] : memref<8192x128xf32, #tpu.memory_space<hbm>> -> memref<8192x128xf32, #tpu.memory_space<hbm>>
    tpu.enqueue_indirect_dma source(%dma_start3A_315 : memref<8192x128xf32, #tpu.memory_space<hbm>>) target(%arg6 : memref<128x128xf32, #tpu.memory_space<vmem>>) offsets(%arg5 : memref<128xi32, #tpu.memory_space<vmem>>) semaphore(%arg7 : memref<!tpu.dma_semaphore, #tpu.memory_space<semaphore_mem>>)
    %dma_wait3A_316 = arith.constant 0 : i32
    %dma_wait3A_317 = arith.constant 0 : i32
    %dma_wait3A_318 = tpu.memref_slice %arg2[%dma_wait3A_316, %dma_wait3A_317] : memref<8192x128xf32, #tpu.memory_space<hbm>> -> memref<8192x128xf32, #tpu.memory_space<hbm>>
    tpu.wait_indirect_dma semaphore(%arg7 : memref<!tpu.dma_semaphore, #tpu.memory_space<semaphore_mem>>) src(%dma_wait3A_318 : memref<8192x128xf32, #tpu.memory_space<hbm>>) dst(%arg6 : memref<128x128xf32, #tpu.memory_space<vmem>>)
    "tpu.region"() ({
      %run_scoped3A = tpu.sem_alloc : memref<!tpu.dma_semaphore, #tpu.memory_space<semaphore_mem>>
      %dma_start3A_639 = arith.constant 0 : i32
      %dma_start3A_640 = tpu.memref_slice %arg4[%add3A_312, %dma_start3A_639] : memref<262144x128xf32, #tpu.memory_space<hbm>> -> memref<128x128xf32, #tpu.memory_space<hbm>>
      %dma_start3A_641 = arith.constant 0 : i32
      %dma_start3A_642 = tpu.memref_slice %arg4[%add3A_312, %dma_start3A_641] : memref<262144x128xf32, #tpu.memory_space<hbm>> -> memref<128x128xf32, #tpu.memory_space<hbm>>
      tpu.enqueue_dma source(%arg6 : memref<128x128xf32, #tpu.memory_space<vmem>>) target(%dma_start3A_642 : memref<128x128xf32, #tpu.memory_space<hbm>>) target_semaphore(%run_scoped3A : memref<!tpu.dma_semaphore, #tpu.memory_space<semaphore_mem>>)
      %dma_wait3A_643 = arith.constant 0 : i32
      %dma_wait3A_644 = tpu.memref_slice %arg4[%add3A_312, %dma_wait3A_643] : memref<262144x128xf32, #tpu.memory_space<hbm>> -> memref<128x128xf32, #tpu.memory_space<hbm>>
      %dma_wait3A_645 = arith.constant 0 : i32
      %dma_wait3A_646 = tpu.memref_slice %arg4[%add3A_312, %dma_wait3A_645] : memref<262144x128xf32, #tpu.memory_space<hbm>> -> memref<128x128xf32, #tpu.memory_space<hbm>>
      tpu.wait_dma2 semaphore(%run_scoped3A : memref<!tpu.dma_semaphore, #tpu.memory_space<semaphore_mem>>) src(%arg6 : memref<128x128xf32, #tpu.memory_space<vmem>>) dst(%dma_wait3A_646 : memref<128x128xf32, #tpu.memory_space<hbm>>)
      tpu.yield
    }) : () -> ()
    %mul3A_319 = arith.constant 8192 : i32
    %mul3A_320 = arith.muli %add3A, %mul3A_319 : i32
    %add3A_321 = arith.constant 4096 : i32
    %add3A_322 = arith.addi %mul3A_320, %add3A_321 : i32
    "tpu.region"() ({
      %run_scoped3A = tpu.sem_alloc : memref<!tpu.dma_semaphore, #tpu.memory_space<semaphore_mem>>
      %dma_start3A_639 = tpu.memref_slice %arg3[%add3A_322] : memref<262144xi32, #tpu.memory_space<hbm>> -> memref<128xi32, #tpu.memory_space<hbm>>
      %dma_start3A_640 = tpu.memref_slice %arg3[%add3A_322] : memref<262144xi32, #tpu.memory_space<hbm>> -> memref<128xi32, #tpu.memory_space<hbm>>
      tpu.enqueue_dma source(%dma_start3A_640 : memref<128xi32, #tpu.memory_space<hbm>>) target(%arg5 : memref<128xi32, #tpu.memory_space<vmem>>) target_semaphore(%run_scoped3A : memref<!tpu.dma_semaphore, #tpu.memory_space<semaphore_mem>>)
      %dma_wait3A_641 = tpu.memref_slice %arg3[%add3A_322] : memref<262144xi32, #tpu.memory_space<hbm>> -> memref<128xi32, #tpu.memory_space<hbm>>
      %dma_wait3A_642 = tpu.memref_slice %arg3[%add3A_322] : memref<262144xi32, #tpu.memory_space<hbm>> -> memref<128xi32, #tpu.memory_space<hbm>>
      tpu.wait_dma2 semaphore(%run_scoped3A : memref<!tpu.dma_semaphore, #tpu.memory_space<semaphore_mem>>) src(%dma_wait3A_642 : memref<128xi32, #tpu.memory_space<hbm>>) dst(%arg5 : memref<128xi32, #tpu.memory_space<vmem>>)
      tpu.yield
    }) : () -> ()
    %dma_start3A_323 = arith.constant 0 : i32
    %dma_start3A_324 = arith.constant 0 : i32
    %dma_start3A_325 = tpu.memref_slice %arg2[%dma_start3A_323, %dma_start3A_324] : memref<8192x128xf32, #tpu.memory_space<hbm>> -> memref<8192x128xf32, #tpu.memory_space<hbm>>
    tpu.enqueue_indirect_dma source(%dma_start3A_325 : memref<8192x128xf32, #tpu.memory_space<hbm>>) target(%arg6 : memref<128x128xf32, #tpu.memory_space<vmem>>) offsets(%arg5 : memref<128xi32, #tpu.memory_space<vmem>>) semaphore(%arg7 : memref<!tpu.dma_semaphore, #tpu.memory_space<semaphore_mem>>)
    %dma_wait3A_326 = arith.constant 0 : i32
    %dma_wait3A_327 = arith.constant 0 : i32
    %dma_wait3A_328 = tpu.memref_slice %arg2[%dma_wait3A_326, %dma_wait3A_327] : memref<8192x128xf32, #tpu.memory_space<hbm>> -> memref<8192x128xf32, #tpu.memory_space<hbm>>
    tpu.wait_indirect_dma semaphore(%arg7 : memref<!tpu.dma_semaphore, #tpu.memory_space<semaphore_mem>>) src(%dma_wait3A_328 : memref<8192x128xf32, #tpu.memory_space<hbm>>) dst(%arg6 : memref<128x128xf32, #tpu.memory_space<vmem>>)
    "tpu.region"() ({
      %run_scoped3A = tpu.sem_alloc : memref<!tpu.dma_semaphore, #tpu.memory_space<semaphore_mem>>
      %dma_start3A_639 = arith.constant 0 : i32
      %dma_start3A_640 = tpu.memref_slice %arg4[%add3A_322, %dma_start3A_639] : memref<262144x128xf32, #tpu.memory_space<hbm>> -> memref<128x128xf32, #tpu.memory_space<hbm>>
      %dma_start3A_641 = arith.constant 0 : i32
      %dma_start3A_642 = tpu.memref_slice %arg4[%add3A_322, %dma_start3A_641] : memref<262144x128xf32, #tpu.memory_space<hbm>> -> memref<128x128xf32, #tpu.memory_space<hbm>>
      tpu.enqueue_dma source(%arg6 : memref<128x128xf32, #tpu.memory_space<vmem>>) target(%dma_start3A_642 : memref<128x128xf32, #tpu.memory_space<hbm>>) target_semaphore(%run_scoped3A : memref<!tpu.dma_semaphore, #tpu.memory_space<semaphore_mem>>)
      %dma_wait3A_643 = arith.constant 0 : i32
      %dma_wait3A_644 = tpu.memref_slice %arg4[%add3A_322, %dma_wait3A_643] : memref<262144x128xf32, #tpu.memory_space<hbm>> -> memref<128x128xf32, #tpu.memory_space<hbm>>
      %dma_wait3A_645 = arith.constant 0 : i32
      %dma_wait3A_646 = tpu.memref_slice %arg4[%add3A_322, %dma_wait3A_645] : memref<262144x128xf32, #tpu.memory_space<hbm>> -> memref<128x128xf32, #tpu.memory_space<hbm>>
      tpu.wait_dma2 semaphore(%run_scoped3A : memref<!tpu.dma_semaphore, #tpu.memory_space<semaphore_mem>>) src(%arg6 : memref<128x128xf32, #tpu.memory_space<vmem>>) dst(%dma_wait3A_646 : memref<128x128xf32, #tpu.memory_space<hbm>>)
      tpu.yield
    }) : () -> ()
    %mul3A_329 = arith.constant 8192 : i32
    %mul3A_330 = arith.muli %add3A, %mul3A_329 : i32
    %add3A_331 = arith.constant 4224 : i32
    %add3A_332 = arith.addi %mul3A_330, %add3A_331 : i32
    "tpu.region"() ({
      %run_scoped3A = tpu.sem_alloc : memref<!tpu.dma_semaphore, #tpu.memory_space<semaphore_mem>>
      %dma_start3A_639 = tpu.memref_slice %arg3[%add3A_332] : memref<262144xi32, #tpu.memory_space<hbm>> -> memref<128xi32, #tpu.memory_space<hbm>>
      %dma_start3A_640 = tpu.memref_slice %arg3[%add3A_332] : memref<262144xi32, #tpu.memory_space<hbm>> -> memref<128xi32, #tpu.memory_space<hbm>>
      tpu.enqueue_dma source(%dma_start3A_640 : memref<128xi32, #tpu.memory_space<hbm>>) target(%arg5 : memref<128xi32, #tpu.memory_space<vmem>>) target_semaphore(%run_scoped3A : memref<!tpu.dma_semaphore, #tpu.memory_space<semaphore_mem>>)
      %dma_wait3A_641 = tpu.memref_slice %arg3[%add3A_332] : memref<262144xi32, #tpu.memory_space<hbm>> -> memref<128xi32, #tpu.memory_space<hbm>>
      %dma_wait3A_642 = tpu.memref_slice %arg3[%add3A_332] : memref<262144xi32, #tpu.memory_space<hbm>> -> memref<128xi32, #tpu.memory_space<hbm>>
      tpu.wait_dma2 semaphore(%run_scoped3A : memref<!tpu.dma_semaphore, #tpu.memory_space<semaphore_mem>>) src(%dma_wait3A_642 : memref<128xi32, #tpu.memory_space<hbm>>) dst(%arg5 : memref<128xi32, #tpu.memory_space<vmem>>)
      tpu.yield
    }) : () -> ()
    %dma_start3A_333 = arith.constant 0 : i32
    %dma_start3A_334 = arith.constant 0 : i32
    %dma_start3A_335 = tpu.memref_slice %arg2[%dma_start3A_333, %dma_start3A_334] : memref<8192x128xf32, #tpu.memory_space<hbm>> -> memref<8192x128xf32, #tpu.memory_space<hbm>>
    tpu.enqueue_indirect_dma source(%dma_start3A_335 : memref<8192x128xf32, #tpu.memory_space<hbm>>) target(%arg6 : memref<128x128xf32, #tpu.memory_space<vmem>>) offsets(%arg5 : memref<128xi32, #tpu.memory_space<vmem>>) semaphore(%arg7 : memref<!tpu.dma_semaphore, #tpu.memory_space<semaphore_mem>>)
    %dma_wait3A_336 = arith.constant 0 : i32
    %dma_wait3A_337 = arith.constant 0 : i32
    %dma_wait3A_338 = tpu.memref_slice %arg2[%dma_wait3A_336, %dma_wait3A_337] : memref<8192x128xf32, #tpu.memory_space<hbm>> -> memref<8192x128xf32, #tpu.memory_space<hbm>>
    tpu.wait_indirect_dma semaphore(%arg7 : memref<!tpu.dma_semaphore, #tpu.memory_space<semaphore_mem>>) src(%dma_wait3A_338 : memref<8192x128xf32, #tpu.memory_space<hbm>>) dst(%arg6 : memref<128x128xf32, #tpu.memory_space<vmem>>)
    "tpu.region"() ({
      %run_scoped3A = tpu.sem_alloc : memref<!tpu.dma_semaphore, #tpu.memory_space<semaphore_mem>>
      %dma_start3A_639 = arith.constant 0 : i32
      %dma_start3A_640 = tpu.memref_slice %arg4[%add3A_332, %dma_start3A_639] : memref<262144x128xf32, #tpu.memory_space<hbm>> -> memref<128x128xf32, #tpu.memory_space<hbm>>
      %dma_start3A_641 = arith.constant 0 : i32
      %dma_start3A_642 = tpu.memref_slice %arg4[%add3A_332, %dma_start3A_641] : memref<262144x128xf32, #tpu.memory_space<hbm>> -> memref<128x128xf32, #tpu.memory_space<hbm>>
      tpu.enqueue_dma source(%arg6 : memref<128x128xf32, #tpu.memory_space<vmem>>) target(%dma_start3A_642 : memref<128x128xf32, #tpu.memory_space<hbm>>) target_semaphore(%run_scoped3A : memref<!tpu.dma_semaphore, #tpu.memory_space<semaphore_mem>>)
      %dma_wait3A_643 = arith.constant 0 : i32
      %dma_wait3A_644 = tpu.memref_slice %arg4[%add3A_332, %dma_wait3A_643] : memref<262144x128xf32, #tpu.memory_space<hbm>> -> memref<128x128xf32, #tpu.memory_space<hbm>>
      %dma_wait3A_645 = arith.constant 0 : i32
      %dma_wait3A_646 = tpu.memref_slice %arg4[%add3A_332, %dma_wait3A_645] : memref<262144x128xf32, #tpu.memory_space<hbm>> -> memref<128x128xf32, #tpu.memory_space<hbm>>
      tpu.wait_dma2 semaphore(%run_scoped3A : memref<!tpu.dma_semaphore, #tpu.memory_space<semaphore_mem>>) src(%arg6 : memref<128x128xf32, #tpu.memory_space<vmem>>) dst(%dma_wait3A_646 : memref<128x128xf32, #tpu.memory_space<hbm>>)
      tpu.yield
    }) : () -> ()
    %mul3A_339 = arith.constant 8192 : i32
    %mul3A_340 = arith.muli %add3A, %mul3A_339 : i32
    %add3A_341 = arith.constant 4352 : i32
    %add3A_342 = arith.addi %mul3A_340, %add3A_341 : i32
    "tpu.region"() ({
      %run_scoped3A = tpu.sem_alloc : memref<!tpu.dma_semaphore, #tpu.memory_space<semaphore_mem>>
      %dma_start3A_639 = tpu.memref_slice %arg3[%add3A_342] : memref<262144xi32, #tpu.memory_space<hbm>> -> memref<128xi32, #tpu.memory_space<hbm>>
      %dma_start3A_640 = tpu.memref_slice %arg3[%add3A_342] : memref<262144xi32, #tpu.memory_space<hbm>> -> memref<128xi32, #tpu.memory_space<hbm>>
      tpu.enqueue_dma source(%dma_start3A_640 : memref<128xi32, #tpu.memory_space<hbm>>) target(%arg5 : memref<128xi32, #tpu.memory_space<vmem>>) target_semaphore(%run_scoped3A : memref<!tpu.dma_semaphore, #tpu.memory_space<semaphore_mem>>)
      %dma_wait3A_641 = tpu.memref_slice %arg3[%add3A_342] : memref<262144xi32, #tpu.memory_space<hbm>> -> memref<128xi32, #tpu.memory_space<hbm>>
      %dma_wait3A_642 = tpu.memref_slice %arg3[%add3A_342] : memref<262144xi32, #tpu.memory_space<hbm>> -> memref<128xi32, #tpu.memory_space<hbm>>
      tpu.wait_dma2 semaphore(%run_scoped3A : memref<!tpu.dma_semaphore, #tpu.memory_space<semaphore_mem>>) src(%dma_wait3A_642 : memref<128xi32, #tpu.memory_space<hbm>>) dst(%arg5 : memref<128xi32, #tpu.memory_space<vmem>>)
      tpu.yield
    }) : () -> ()
    %dma_start3A_343 = arith.constant 0 : i32
    %dma_start3A_344 = arith.constant 0 : i32
    %dma_start3A_345 = tpu.memref_slice %arg2[%dma_start3A_343, %dma_start3A_344] : memref<8192x128xf32, #tpu.memory_space<hbm>> -> memref<8192x128xf32, #tpu.memory_space<hbm>>
    tpu.enqueue_indirect_dma source(%dma_start3A_345 : memref<8192x128xf32, #tpu.memory_space<hbm>>) target(%arg6 : memref<128x128xf32, #tpu.memory_space<vmem>>) offsets(%arg5 : memref<128xi32, #tpu.memory_space<vmem>>) semaphore(%arg7 : memref<!tpu.dma_semaphore, #tpu.memory_space<semaphore_mem>>)
    %dma_wait3A_346 = arith.constant 0 : i32
    %dma_wait3A_347 = arith.constant 0 : i32
    %dma_wait3A_348 = tpu.memref_slice %arg2[%dma_wait3A_346, %dma_wait3A_347] : memref<8192x128xf32, #tpu.memory_space<hbm>> -> memref<8192x128xf32, #tpu.memory_space<hbm>>
    tpu.wait_indirect_dma semaphore(%arg7 : memref<!tpu.dma_semaphore, #tpu.memory_space<semaphore_mem>>) src(%dma_wait3A_348 : memref<8192x128xf32, #tpu.memory_space<hbm>>) dst(%arg6 : memref<128x128xf32, #tpu.memory_space<vmem>>)
    "tpu.region"() ({
      %run_scoped3A = tpu.sem_alloc : memref<!tpu.dma_semaphore, #tpu.memory_space<semaphore_mem>>
      %dma_start3A_639 = arith.constant 0 : i32
      %dma_start3A_640 = tpu.memref_slice %arg4[%add3A_342, %dma_start3A_639] : memref<262144x128xf32, #tpu.memory_space<hbm>> -> memref<128x128xf32, #tpu.memory_space<hbm>>
      %dma_start3A_641 = arith.constant 0 : i32
      %dma_start3A_642 = tpu.memref_slice %arg4[%add3A_342, %dma_start3A_641] : memref<262144x128xf32, #tpu.memory_space<hbm>> -> memref<128x128xf32, #tpu.memory_space<hbm>>
      tpu.enqueue_dma source(%arg6 : memref<128x128xf32, #tpu.memory_space<vmem>>) target(%dma_start3A_642 : memref<128x128xf32, #tpu.memory_space<hbm>>) target_semaphore(%run_scoped3A : memref<!tpu.dma_semaphore, #tpu.memory_space<semaphore_mem>>)
      %dma_wait3A_643 = arith.constant 0 : i32
      %dma_wait3A_644 = tpu.memref_slice %arg4[%add3A_342, %dma_wait3A_643] : memref<262144x128xf32, #tpu.memory_space<hbm>> -> memref<128x128xf32, #tpu.memory_space<hbm>>
      %dma_wait3A_645 = arith.constant 0 : i32
      %dma_wait3A_646 = tpu.memref_slice %arg4[%add3A_342, %dma_wait3A_645] : memref<262144x128xf32, #tpu.memory_space<hbm>> -> memref<128x128xf32, #tpu.memory_space<hbm>>
      tpu.wait_dma2 semaphore(%run_scoped3A : memref<!tpu.dma_semaphore, #tpu.memory_space<semaphore_mem>>) src(%arg6 : memref<128x128xf32, #tpu.memory_space<vmem>>) dst(%dma_wait3A_646 : memref<128x128xf32, #tpu.memory_space<hbm>>)
      tpu.yield
    }) : () -> ()
    %mul3A_349 = arith.constant 8192 : i32
    %mul3A_350 = arith.muli %add3A, %mul3A_349 : i32
    %add3A_351 = arith.constant 4480 : i32
    %add3A_352 = arith.addi %mul3A_350, %add3A_351 : i32
    "tpu.region"() ({
      %run_scoped3A = tpu.sem_alloc : memref<!tpu.dma_semaphore, #tpu.memory_space<semaphore_mem>>
      %dma_start3A_639 = tpu.memref_slice %arg3[%add3A_352] : memref<262144xi32, #tpu.memory_space<hbm>> -> memref<128xi32, #tpu.memory_space<hbm>>
      %dma_start3A_640 = tpu.memref_slice %arg3[%add3A_352] : memref<262144xi32, #tpu.memory_space<hbm>> -> memref<128xi32, #tpu.memory_space<hbm>>
      tpu.enqueue_dma source(%dma_start3A_640 : memref<128xi32, #tpu.memory_space<hbm>>) target(%arg5 : memref<128xi32, #tpu.memory_space<vmem>>) target_semaphore(%run_scoped3A : memref<!tpu.dma_semaphore, #tpu.memory_space<semaphore_mem>>)
      %dma_wait3A_641 = tpu.memref_slice %arg3[%add3A_352] : memref<262144xi32, #tpu.memory_space<hbm>> -> memref<128xi32, #tpu.memory_space<hbm>>
      %dma_wait3A_642 = tpu.memref_slice %arg3[%add3A_352] : memref<262144xi32, #tpu.memory_space<hbm>> -> memref<128xi32, #tpu.memory_space<hbm>>
      tpu.wait_dma2 semaphore(%run_scoped3A : memref<!tpu.dma_semaphore, #tpu.memory_space<semaphore_mem>>) src(%dma_wait3A_642 : memref<128xi32, #tpu.memory_space<hbm>>) dst(%arg5 : memref<128xi32, #tpu.memory_space<vmem>>)
      tpu.yield
    }) : () -> ()
    %dma_start3A_353 = arith.constant 0 : i32
    %dma_start3A_354 = arith.constant 0 : i32
    %dma_start3A_355 = tpu.memref_slice %arg2[%dma_start3A_353, %dma_start3A_354] : memref<8192x128xf32, #tpu.memory_space<hbm>> -> memref<8192x128xf32, #tpu.memory_space<hbm>>
    tpu.enqueue_indirect_dma source(%dma_start3A_355 : memref<8192x128xf32, #tpu.memory_space<hbm>>) target(%arg6 : memref<128x128xf32, #tpu.memory_space<vmem>>) offsets(%arg5 : memref<128xi32, #tpu.memory_space<vmem>>) semaphore(%arg7 : memref<!tpu.dma_semaphore, #tpu.memory_space<semaphore_mem>>)
    %dma_wait3A_356 = arith.constant 0 : i32
    %dma_wait3A_357 = arith.constant 0 : i32
    %dma_wait3A_358 = tpu.memref_slice %arg2[%dma_wait3A_356, %dma_wait3A_357] : memref<8192x128xf32, #tpu.memory_space<hbm>> -> memref<8192x128xf32, #tpu.memory_space<hbm>>
    tpu.wait_indirect_dma semaphore(%arg7 : memref<!tpu.dma_semaphore, #tpu.memory_space<semaphore_mem>>) src(%dma_wait3A_358 : memref<8192x128xf32, #tpu.memory_space<hbm>>) dst(%arg6 : memref<128x128xf32, #tpu.memory_space<vmem>>)
    "tpu.region"() ({
      %run_scoped3A = tpu.sem_alloc : memref<!tpu.dma_semaphore, #tpu.memory_space<semaphore_mem>>
      %dma_start3A_639 = arith.constant 0 : i32
      %dma_start3A_640 = tpu.memref_slice %arg4[%add3A_352, %dma_start3A_639] : memref<262144x128xf32, #tpu.memory_space<hbm>> -> memref<128x128xf32, #tpu.memory_space<hbm>>
      %dma_start3A_641 = arith.constant 0 : i32
      %dma_start3A_642 = tpu.memref_slice %arg4[%add3A_352, %dma_start3A_641] : memref<262144x128xf32, #tpu.memory_space<hbm>> -> memref<128x128xf32, #tpu.memory_space<hbm>>
      tpu.enqueue_dma source(%arg6 : memref<128x128xf32, #tpu.memory_space<vmem>>) target(%dma_start3A_642 : memref<128x128xf32, #tpu.memory_space<hbm>>) target_semaphore(%run_scoped3A : memref<!tpu.dma_semaphore, #tpu.memory_space<semaphore_mem>>)
      %dma_wait3A_643 = arith.constant 0 : i32
      %dma_wait3A_644 = tpu.memref_slice %arg4[%add3A_352, %dma_wait3A_643] : memref<262144x128xf32, #tpu.memory_space<hbm>> -> memref<128x128xf32, #tpu.memory_space<hbm>>
      %dma_wait3A_645 = arith.constant 0 : i32
      %dma_wait3A_646 = tpu.memref_slice %arg4[%add3A_352, %dma_wait3A_645] : memref<262144x128xf32, #tpu.memory_space<hbm>> -> memref<128x128xf32, #tpu.memory_space<hbm>>
      tpu.wait_dma2 semaphore(%run_scoped3A : memref<!tpu.dma_semaphore, #tpu.memory_space<semaphore_mem>>) src(%arg6 : memref<128x128xf32, #tpu.memory_space<vmem>>) dst(%dma_wait3A_646 : memref<128x128xf32, #tpu.memory_space<hbm>>)
      tpu.yield
    }) : () -> ()
    %mul3A_359 = arith.constant 8192 : i32
    %mul3A_360 = arith.muli %add3A, %mul3A_359 : i32
    %add3A_361 = arith.constant 4608 : i32
    %add3A_362 = arith.addi %mul3A_360, %add3A_361 : i32
    "tpu.region"() ({
      %run_scoped3A = tpu.sem_alloc : memref<!tpu.dma_semaphore, #tpu.memory_space<semaphore_mem>>
      %dma_start3A_639 = tpu.memref_slice %arg3[%add3A_362] : memref<262144xi32, #tpu.memory_space<hbm>> -> memref<128xi32, #tpu.memory_space<hbm>>
      %dma_start3A_640 = tpu.memref_slice %arg3[%add3A_362] : memref<262144xi32, #tpu.memory_space<hbm>> -> memref<128xi32, #tpu.memory_space<hbm>>
      tpu.enqueue_dma source(%dma_start3A_640 : memref<128xi32, #tpu.memory_space<hbm>>) target(%arg5 : memref<128xi32, #tpu.memory_space<vmem>>) target_semaphore(%run_scoped3A : memref<!tpu.dma_semaphore, #tpu.memory_space<semaphore_mem>>)
      %dma_wait3A_641 = tpu.memref_slice %arg3[%add3A_362] : memref<262144xi32, #tpu.memory_space<hbm>> -> memref<128xi32, #tpu.memory_space<hbm>>
      %dma_wait3A_642 = tpu.memref_slice %arg3[%add3A_362] : memref<262144xi32, #tpu.memory_space<hbm>> -> memref<128xi32, #tpu.memory_space<hbm>>
      tpu.wait_dma2 semaphore(%run_scoped3A : memref<!tpu.dma_semaphore, #tpu.memory_space<semaphore_mem>>) src(%dma_wait3A_642 : memref<128xi32, #tpu.memory_space<hbm>>) dst(%arg5 : memref<128xi32, #tpu.memory_space<vmem>>)
      tpu.yield
    }) : () -> ()
    %dma_start3A_363 = arith.constant 0 : i32
    %dma_start3A_364 = arith.constant 0 : i32
    %dma_start3A_365 = tpu.memref_slice %arg2[%dma_start3A_363, %dma_start3A_364] : memref<8192x128xf32, #tpu.memory_space<hbm>> -> memref<8192x128xf32, #tpu.memory_space<hbm>>
    tpu.enqueue_indirect_dma source(%dma_start3A_365 : memref<8192x128xf32, #tpu.memory_space<hbm>>) target(%arg6 : memref<128x128xf32, #tpu.memory_space<vmem>>) offsets(%arg5 : memref<128xi32, #tpu.memory_space<vmem>>) semaphore(%arg7 : memref<!tpu.dma_semaphore, #tpu.memory_space<semaphore_mem>>)
    %dma_wait3A_366 = arith.constant 0 : i32
    %dma_wait3A_367 = arith.constant 0 : i32
    %dma_wait3A_368 = tpu.memref_slice %arg2[%dma_wait3A_366, %dma_wait3A_367] : memref<8192x128xf32, #tpu.memory_space<hbm>> -> memref<8192x128xf32, #tpu.memory_space<hbm>>
    tpu.wait_indirect_dma semaphore(%arg7 : memref<!tpu.dma_semaphore, #tpu.memory_space<semaphore_mem>>) src(%dma_wait3A_368 : memref<8192x128xf32, #tpu.memory_space<hbm>>) dst(%arg6 : memref<128x128xf32, #tpu.memory_space<vmem>>)
    "tpu.region"() ({
      %run_scoped3A = tpu.sem_alloc : memref<!tpu.dma_semaphore, #tpu.memory_space<semaphore_mem>>
      %dma_start3A_639 = arith.constant 0 : i32
      %dma_start3A_640 = tpu.memref_slice %arg4[%add3A_362, %dma_start3A_639] : memref<262144x128xf32, #tpu.memory_space<hbm>> -> memref<128x128xf32, #tpu.memory_space<hbm>>
      %dma_start3A_641 = arith.constant 0 : i32
      %dma_start3A_642 = tpu.memref_slice %arg4[%add3A_362, %dma_start3A_641] : memref<262144x128xf32, #tpu.memory_space<hbm>> -> memref<128x128xf32, #tpu.memory_space<hbm>>
      tpu.enqueue_dma source(%arg6 : memref<128x128xf32, #tpu.memory_space<vmem>>) target(%dma_start3A_642 : memref<128x128xf32, #tpu.memory_space<hbm>>) target_semaphore(%run_scoped3A : memref<!tpu.dma_semaphore, #tpu.memory_space<semaphore_mem>>)
      %dma_wait3A_643 = arith.constant 0 : i32
      %dma_wait3A_644 = tpu.memref_slice %arg4[%add3A_362, %dma_wait3A_643] : memref<262144x128xf32, #tpu.memory_space<hbm>> -> memref<128x128xf32, #tpu.memory_space<hbm>>
      %dma_wait3A_645 = arith.constant 0 : i32
      %dma_wait3A_646 = tpu.memref_slice %arg4[%add3A_362, %dma_wait3A_645] : memref<262144x128xf32, #tpu.memory_space<hbm>> -> memref<128x128xf32, #tpu.memory_space<hbm>>
      tpu.wait_dma2 semaphore(%run_scoped3A : memref<!tpu.dma_semaphore, #tpu.memory_space<semaphore_mem>>) src(%arg6 : memref<128x128xf32, #tpu.memory_space<vmem>>) dst(%dma_wait3A_646 : memref<128x128xf32, #tpu.memory_space<hbm>>)
      tpu.yield
    }) : () -> ()
    %mul3A_369 = arith.constant 8192 : i32
    %mul3A_370 = arith.muli %add3A, %mul3A_369 : i32
    %add3A_371 = arith.constant 4736 : i32
    %add3A_372 = arith.addi %mul3A_370, %add3A_371 : i32
    "tpu.region"() ({
      %run_scoped3A = tpu.sem_alloc : memref<!tpu.dma_semaphore, #tpu.memory_space<semaphore_mem>>
      %dma_start3A_639 = tpu.memref_slice %arg3[%add3A_372] : memref<262144xi32, #tpu.memory_space<hbm>> -> memref<128xi32, #tpu.memory_space<hbm>>
      %dma_start3A_640 = tpu.memref_slice %arg3[%add3A_372] : memref<262144xi32, #tpu.memory_space<hbm>> -> memref<128xi32, #tpu.memory_space<hbm>>
      tpu.enqueue_dma source(%dma_start3A_640 : memref<128xi32, #tpu.memory_space<hbm>>) target(%arg5 : memref<128xi32, #tpu.memory_space<vmem>>) target_semaphore(%run_scoped3A : memref<!tpu.dma_semaphore, #tpu.memory_space<semaphore_mem>>)
      %dma_wait3A_641 = tpu.memref_slice %arg3[%add3A_372] : memref<262144xi32, #tpu.memory_space<hbm>> -> memref<128xi32, #tpu.memory_space<hbm>>
      %dma_wait3A_642 = tpu.memref_slice %arg3[%add3A_372] : memref<262144xi32, #tpu.memory_space<hbm>> -> memref<128xi32, #tpu.memory_space<hbm>>
      tpu.wait_dma2 semaphore(%run_scoped3A : memref<!tpu.dma_semaphore, #tpu.memory_space<semaphore_mem>>) src(%dma_wait3A_642 : memref<128xi32, #tpu.memory_space<hbm>>) dst(%arg5 : memref<128xi32, #tpu.memory_space<vmem>>)
      tpu.yield
    }) : () -> ()
    %dma_start3A_373 = arith.constant 0 : i32
    %dma_start3A_374 = arith.constant 0 : i32
    %dma_start3A_375 = tpu.memref_slice %arg2[%dma_start3A_373, %dma_start3A_374] : memref<8192x128xf32, #tpu.memory_space<hbm>> -> memref<8192x128xf32, #tpu.memory_space<hbm>>
    tpu.enqueue_indirect_dma source(%dma_start3A_375 : memref<8192x128xf32, #tpu.memory_space<hbm>>) target(%arg6 : memref<128x128xf32, #tpu.memory_space<vmem>>) offsets(%arg5 : memref<128xi32, #tpu.memory_space<vmem>>) semaphore(%arg7 : memref<!tpu.dma_semaphore, #tpu.memory_space<semaphore_mem>>)
    %dma_wait3A_376 = arith.constant 0 : i32
    %dma_wait3A_377 = arith.constant 0 : i32
    %dma_wait3A_378 = tpu.memref_slice %arg2[%dma_wait3A_376, %dma_wait3A_377] : memref<8192x128xf32, #tpu.memory_space<hbm>> -> memref<8192x128xf32, #tpu.memory_space<hbm>>
    tpu.wait_indirect_dma semaphore(%arg7 : memref<!tpu.dma_semaphore, #tpu.memory_space<semaphore_mem>>) src(%dma_wait3A_378 : memref<8192x128xf32, #tpu.memory_space<hbm>>) dst(%arg6 : memref<128x128xf32, #tpu.memory_space<vmem>>)
    "tpu.region"() ({
      %run_scoped3A = tpu.sem_alloc : memref<!tpu.dma_semaphore, #tpu.memory_space<semaphore_mem>>
      %dma_start3A_639 = arith.constant 0 : i32
      %dma_start3A_640 = tpu.memref_slice %arg4[%add3A_372, %dma_start3A_639] : memref<262144x128xf32, #tpu.memory_space<hbm>> -> memref<128x128xf32, #tpu.memory_space<hbm>>
      %dma_start3A_641 = arith.constant 0 : i32
      %dma_start3A_642 = tpu.memref_slice %arg4[%add3A_372, %dma_start3A_641] : memref<262144x128xf32, #tpu.memory_space<hbm>> -> memref<128x128xf32, #tpu.memory_space<hbm>>
      tpu.enqueue_dma source(%arg6 : memref<128x128xf32, #tpu.memory_space<vmem>>) target(%dma_start3A_642 : memref<128x128xf32, #tpu.memory_space<hbm>>) target_semaphore(%run_scoped3A : memref<!tpu.dma_semaphore, #tpu.memory_space<semaphore_mem>>)
      %dma_wait3A_643 = arith.constant 0 : i32
      %dma_wait3A_644 = tpu.memref_slice %arg4[%add3A_372, %dma_wait3A_643] : memref<262144x128xf32, #tpu.memory_space<hbm>> -> memref<128x128xf32, #tpu.memory_space<hbm>>
      %dma_wait3A_645 = arith.constant 0 : i32
      %dma_wait3A_646 = tpu.memref_slice %arg4[%add3A_372, %dma_wait3A_645] : memref<262144x128xf32, #tpu.memory_space<hbm>> -> memref<128x128xf32, #tpu.memory_space<hbm>>
      tpu.wait_dma2 semaphore(%run_scoped3A : memref<!tpu.dma_semaphore, #tpu.memory_space<semaphore_mem>>) src(%arg6 : memref<128x128xf32, #tpu.memory_space<vmem>>) dst(%dma_wait3A_646 : memref<128x128xf32, #tpu.memory_space<hbm>>)
      tpu.yield
    }) : () -> ()
    %mul3A_379 = arith.constant 8192 : i32
    %mul3A_380 = arith.muli %add3A, %mul3A_379 : i32
    %add3A_381 = arith.constant 4864 : i32
    %add3A_382 = arith.addi %mul3A_380, %add3A_381 : i32
    "tpu.region"() ({
      %run_scoped3A = tpu.sem_alloc : memref<!tpu.dma_semaphore, #tpu.memory_space<semaphore_mem>>
      %dma_start3A_639 = tpu.memref_slice %arg3[%add3A_382] : memref<262144xi32, #tpu.memory_space<hbm>> -> memref<128xi32, #tpu.memory_space<hbm>>
      %dma_start3A_640 = tpu.memref_slice %arg3[%add3A_382] : memref<262144xi32, #tpu.memory_space<hbm>> -> memref<128xi32, #tpu.memory_space<hbm>>
      tpu.enqueue_dma source(%dma_start3A_640 : memref<128xi32, #tpu.memory_space<hbm>>) target(%arg5 : memref<128xi32, #tpu.memory_space<vmem>>) target_semaphore(%run_scoped3A : memref<!tpu.dma_semaphore, #tpu.memory_space<semaphore_mem>>)
      %dma_wait3A_641 = tpu.memref_slice %arg3[%add3A_382] : memref<262144xi32, #tpu.memory_space<hbm>> -> memref<128xi32, #tpu.memory_space<hbm>>
      %dma_wait3A_642 = tpu.memref_slice %arg3[%add3A_382] : memref<262144xi32, #tpu.memory_space<hbm>> -> memref<128xi32, #tpu.memory_space<hbm>>
      tpu.wait_dma2 semaphore(%run_scoped3A : memref<!tpu.dma_semaphore, #tpu.memory_space<semaphore_mem>>) src(%dma_wait3A_642 : memref<128xi32, #tpu.memory_space<hbm>>) dst(%arg5 : memref<128xi32, #tpu.memory_space<vmem>>)
      tpu.yield
    }) : () -> ()
    %dma_start3A_383 = arith.constant 0 : i32
    %dma_start3A_384 = arith.constant 0 : i32
    %dma_start3A_385 = tpu.memref_slice %arg2[%dma_start3A_383, %dma_start3A_384] : memref<8192x128xf32, #tpu.memory_space<hbm>> -> memref<8192x128xf32, #tpu.memory_space<hbm>>
    tpu.enqueue_indirect_dma source(%dma_start3A_385 : memref<8192x128xf32, #tpu.memory_space<hbm>>) target(%arg6 : memref<128x128xf32, #tpu.memory_space<vmem>>) offsets(%arg5 : memref<128xi32, #tpu.memory_space<vmem>>) semaphore(%arg7 : memref<!tpu.dma_semaphore, #tpu.memory_space<semaphore_mem>>)
    %dma_wait3A_386 = arith.constant 0 : i32
    %dma_wait3A_387 = arith.constant 0 : i32
    %dma_wait3A_388 = tpu.memref_slice %arg2[%dma_wait3A_386, %dma_wait3A_387] : memref<8192x128xf32, #tpu.memory_space<hbm>> -> memref<8192x128xf32, #tpu.memory_space<hbm>>
    tpu.wait_indirect_dma semaphore(%arg7 : memref<!tpu.dma_semaphore, #tpu.memory_space<semaphore_mem>>) src(%dma_wait3A_388 : memref<8192x128xf32, #tpu.memory_space<hbm>>) dst(%arg6 : memref<128x128xf32, #tpu.memory_space<vmem>>)
    "tpu.region"() ({
      %run_scoped3A = tpu.sem_alloc : memref<!tpu.dma_semaphore, #tpu.memory_space<semaphore_mem>>
      %dma_start3A_639 = arith.constant 0 : i32
      %dma_start3A_640 = tpu.memref_slice %arg4[%add3A_382, %dma_start3A_639] : memref<262144x128xf32, #tpu.memory_space<hbm>> -> memref<128x128xf32, #tpu.memory_space<hbm>>
      %dma_start3A_641 = arith.constant 0 : i32
      %dma_start3A_642 = tpu.memref_slice %arg4[%add3A_382, %dma_start3A_641] : memref<262144x128xf32, #tpu.memory_space<hbm>> -> memref<128x128xf32, #tpu.memory_space<hbm>>
      tpu.enqueue_dma source(%arg6 : memref<128x128xf32, #tpu.memory_space<vmem>>) target(%dma_start3A_642 : memref<128x128xf32, #tpu.memory_space<hbm>>) target_semaphore(%run_scoped3A : memref<!tpu.dma_semaphore, #tpu.memory_space<semaphore_mem>>)
      %dma_wait3A_643 = arith.constant 0 : i32
      %dma_wait3A_644 = tpu.memref_slice %arg4[%add3A_382, %dma_wait3A_643] : memref<262144x128xf32, #tpu.memory_space<hbm>> -> memref<128x128xf32, #tpu.memory_space<hbm>>
      %dma_wait3A_645 = arith.constant 0 : i32
      %dma_wait3A_646 = tpu.memref_slice %arg4[%add3A_382, %dma_wait3A_645] : memref<262144x128xf32, #tpu.memory_space<hbm>> -> memref<128x128xf32, #tpu.memory_space<hbm>>
      tpu.wait_dma2 semaphore(%run_scoped3A : memref<!tpu.dma_semaphore, #tpu.memory_space<semaphore_mem>>) src(%arg6 : memref<128x128xf32, #tpu.memory_space<vmem>>) dst(%dma_wait3A_646 : memref<128x128xf32, #tpu.memory_space<hbm>>)
      tpu.yield
    }) : () -> ()
    %mul3A_389 = arith.constant 8192 : i32
    %mul3A_390 = arith.muli %add3A, %mul3A_389 : i32
    %add3A_391 = arith.constant 4992 : i32
    %add3A_392 = arith.addi %mul3A_390, %add3A_391 : i32
    "tpu.region"() ({
      %run_scoped3A = tpu.sem_alloc : memref<!tpu.dma_semaphore, #tpu.memory_space<semaphore_mem>>
      %dma_start3A_639 = tpu.memref_slice %arg3[%add3A_392] : memref<262144xi32, #tpu.memory_space<hbm>> -> memref<128xi32, #tpu.memory_space<hbm>>
      %dma_start3A_640 = tpu.memref_slice %arg3[%add3A_392] : memref<262144xi32, #tpu.memory_space<hbm>> -> memref<128xi32, #tpu.memory_space<hbm>>
      tpu.enqueue_dma source(%dma_start3A_640 : memref<128xi32, #tpu.memory_space<hbm>>) target(%arg5 : memref<128xi32, #tpu.memory_space<vmem>>) target_semaphore(%run_scoped3A : memref<!tpu.dma_semaphore, #tpu.memory_space<semaphore_mem>>)
      %dma_wait3A_641 = tpu.memref_slice %arg3[%add3A_392] : memref<262144xi32, #tpu.memory_space<hbm>> -> memref<128xi32, #tpu.memory_space<hbm>>
      %dma_wait3A_642 = tpu.memref_slice %arg3[%add3A_392] : memref<262144xi32, #tpu.memory_space<hbm>> -> memref<128xi32, #tpu.memory_space<hbm>>
      tpu.wait_dma2 semaphore(%run_scoped3A : memref<!tpu.dma_semaphore, #tpu.memory_space<semaphore_mem>>) src(%dma_wait3A_642 : memref<128xi32, #tpu.memory_space<hbm>>) dst(%arg5 : memref<128xi32, #tpu.memory_space<vmem>>)
      tpu.yield
    }) : () -> ()
    %dma_start3A_393 = arith.constant 0 : i32
    %dma_start3A_394 = arith.constant 0 : i32
    %dma_start3A_395 = tpu.memref_slice %arg2[%dma_start3A_393, %dma_start3A_394] : memref<8192x128xf32, #tpu.memory_space<hbm>> -> memref<8192x128xf32, #tpu.memory_space<hbm>>
    tpu.enqueue_indirect_dma source(%dma_start3A_395 : memref<8192x128xf32, #tpu.memory_space<hbm>>) target(%arg6 : memref<128x128xf32, #tpu.memory_space<vmem>>) offsets(%arg5 : memref<128xi32, #tpu.memory_space<vmem>>) semaphore(%arg7 : memref<!tpu.dma_semaphore, #tpu.memory_space<semaphore_mem>>)
    %dma_wait3A_396 = arith.constant 0 : i32
    %dma_wait3A_397 = arith.constant 0 : i32
    %dma_wait3A_398 = tpu.memref_slice %arg2[%dma_wait3A_396, %dma_wait3A_397] : memref<8192x128xf32, #tpu.memory_space<hbm>> -> memref<8192x128xf32, #tpu.memory_space<hbm>>
    tpu.wait_indirect_dma semaphore(%arg7 : memref<!tpu.dma_semaphore, #tpu.memory_space<semaphore_mem>>) src(%dma_wait3A_398 : memref<8192x128xf32, #tpu.memory_space<hbm>>) dst(%arg6 : memref<128x128xf32, #tpu.memory_space<vmem>>)
    "tpu.region"() ({
      %run_scoped3A = tpu.sem_alloc : memref<!tpu.dma_semaphore, #tpu.memory_space<semaphore_mem>>
      %dma_start3A_639 = arith.constant 0 : i32
      %dma_start3A_640 = tpu.memref_slice %arg4[%add3A_392, %dma_start3A_639] : memref<262144x128xf32, #tpu.memory_space<hbm>> -> memref<128x128xf32, #tpu.memory_space<hbm>>
      %dma_start3A_641 = arith.constant 0 : i32
      %dma_start3A_642 = tpu.memref_slice %arg4[%add3A_392, %dma_start3A_641] : memref<262144x128xf32, #tpu.memory_space<hbm>> -> memref<128x128xf32, #tpu.memory_space<hbm>>
      tpu.enqueue_dma source(%arg6 : memref<128x128xf32, #tpu.memory_space<vmem>>) target(%dma_start3A_642 : memref<128x128xf32, #tpu.memory_space<hbm>>) target_semaphore(%run_scoped3A : memref<!tpu.dma_semaphore, #tpu.memory_space<semaphore_mem>>)
      %dma_wait3A_643 = arith.constant 0 : i32
      %dma_wait3A_644 = tpu.memref_slice %arg4[%add3A_392, %dma_wait3A_643] : memref<262144x128xf32, #tpu.memory_space<hbm>> -> memref<128x128xf32, #tpu.memory_space<hbm>>
      %dma_wait3A_645 = arith.constant 0 : i32
      %dma_wait3A_646 = tpu.memref_slice %arg4[%add3A_392, %dma_wait3A_645] : memref<262144x128xf32, #tpu.memory_space<hbm>> -> memref<128x128xf32, #tpu.memory_space<hbm>>
      tpu.wait_dma2 semaphore(%run_scoped3A : memref<!tpu.dma_semaphore, #tpu.memory_space<semaphore_mem>>) src(%arg6 : memref<128x128xf32, #tpu.memory_space<vmem>>) dst(%dma_wait3A_646 : memref<128x128xf32, #tpu.memory_space<hbm>>)
      tpu.yield
    }) : () -> ()
    %mul3A_399 = arith.constant 8192 : i32
    %mul3A_400 = arith.muli %add3A, %mul3A_399 : i32
    %add3A_401 = arith.constant 5120 : i32
    %add3A_402 = arith.addi %mul3A_400, %add3A_401 : i32
    "tpu.region"() ({
      %run_scoped3A = tpu.sem_alloc : memref<!tpu.dma_semaphore, #tpu.memory_space<semaphore_mem>>
      %dma_start3A_639 = tpu.memref_slice %arg3[%add3A_402] : memref<262144xi32, #tpu.memory_space<hbm>> -> memref<128xi32, #tpu.memory_space<hbm>>
      %dma_start3A_640 = tpu.memref_slice %arg3[%add3A_402] : memref<262144xi32, #tpu.memory_space<hbm>> -> memref<128xi32, #tpu.memory_space<hbm>>
      tpu.enqueue_dma source(%dma_start3A_640 : memref<128xi32, #tpu.memory_space<hbm>>) target(%arg5 : memref<128xi32, #tpu.memory_space<vmem>>) target_semaphore(%run_scoped3A : memref<!tpu.dma_semaphore, #tpu.memory_space<semaphore_mem>>)
      %dma_wait3A_641 = tpu.memref_slice %arg3[%add3A_402] : memref<262144xi32, #tpu.memory_space<hbm>> -> memref<128xi32, #tpu.memory_space<hbm>>
      %dma_wait3A_642 = tpu.memref_slice %arg3[%add3A_402] : memref<262144xi32, #tpu.memory_space<hbm>> -> memref<128xi32, #tpu.memory_space<hbm>>
      tpu.wait_dma2 semaphore(%run_scoped3A : memref<!tpu.dma_semaphore, #tpu.memory_space<semaphore_mem>>) src(%dma_wait3A_642 : memref<128xi32, #tpu.memory_space<hbm>>) dst(%arg5 : memref<128xi32, #tpu.memory_space<vmem>>)
      tpu.yield
    }) : () -> ()
    %dma_start3A_403 = arith.constant 0 : i32
    %dma_start3A_404 = arith.constant 0 : i32
    %dma_start3A_405 = tpu.memref_slice %arg2[%dma_start3A_403, %dma_start3A_404] : memref<8192x128xf32, #tpu.memory_space<hbm>> -> memref<8192x128xf32, #tpu.memory_space<hbm>>
    tpu.enqueue_indirect_dma source(%dma_start3A_405 : memref<8192x128xf32, #tpu.memory_space<hbm>>) target(%arg6 : memref<128x128xf32, #tpu.memory_space<vmem>>) offsets(%arg5 : memref<128xi32, #tpu.memory_space<vmem>>) semaphore(%arg7 : memref<!tpu.dma_semaphore, #tpu.memory_space<semaphore_mem>>)
    %dma_wait3A_406 = arith.constant 0 : i32
    %dma_wait3A_407 = arith.constant 0 : i32
    %dma_wait3A_408 = tpu.memref_slice %arg2[%dma_wait3A_406, %dma_wait3A_407] : memref<8192x128xf32, #tpu.memory_space<hbm>> -> memref<8192x128xf32, #tpu.memory_space<hbm>>
    tpu.wait_indirect_dma semaphore(%arg7 : memref<!tpu.dma_semaphore, #tpu.memory_space<semaphore_mem>>) src(%dma_wait3A_408 : memref<8192x128xf32, #tpu.memory_space<hbm>>) dst(%arg6 : memref<128x128xf32, #tpu.memory_space<vmem>>)
    "tpu.region"() ({
      %run_scoped3A = tpu.sem_alloc : memref<!tpu.dma_semaphore, #tpu.memory_space<semaphore_mem>>
      %dma_start3A_639 = arith.constant 0 : i32
      %dma_start3A_640 = tpu.memref_slice %arg4[%add3A_402, %dma_start3A_639] : memref<262144x128xf32, #tpu.memory_space<hbm>> -> memref<128x128xf32, #tpu.memory_space<hbm>>
      %dma_start3A_641 = arith.constant 0 : i32
      %dma_start3A_642 = tpu.memref_slice %arg4[%add3A_402, %dma_start3A_641] : memref<262144x128xf32, #tpu.memory_space<hbm>> -> memref<128x128xf32, #tpu.memory_space<hbm>>
      tpu.enqueue_dma source(%arg6 : memref<128x128xf32, #tpu.memory_space<vmem>>) target(%dma_start3A_642 : memref<128x128xf32, #tpu.memory_space<hbm>>) target_semaphore(%run_scoped3A : memref<!tpu.dma_semaphore, #tpu.memory_space<semaphore_mem>>)
      %dma_wait3A_643 = arith.constant 0 : i32
      %dma_wait3A_644 = tpu.memref_slice %arg4[%add3A_402, %dma_wait3A_643] : memref<262144x128xf32, #tpu.memory_space<hbm>> -> memref<128x128xf32, #tpu.memory_space<hbm>>
      %dma_wait3A_645 = arith.constant 0 : i32
      %dma_wait3A_646 = tpu.memref_slice %arg4[%add3A_402, %dma_wait3A_645] : memref<262144x128xf32, #tpu.memory_space<hbm>> -> memref<128x128xf32, #tpu.memory_space<hbm>>
      tpu.wait_dma2 semaphore(%run_scoped3A : memref<!tpu.dma_semaphore, #tpu.memory_space<semaphore_mem>>) src(%arg6 : memref<128x128xf32, #tpu.memory_space<vmem>>) dst(%dma_wait3A_646 : memref<128x128xf32, #tpu.memory_space<hbm>>)
      tpu.yield
    }) : () -> ()
    %mul3A_409 = arith.constant 8192 : i32
    %mul3A_410 = arith.muli %add3A, %mul3A_409 : i32
    %add3A_411 = arith.constant 5248 : i32
    %add3A_412 = arith.addi %mul3A_410, %add3A_411 : i32
    "tpu.region"() ({
      %run_scoped3A = tpu.sem_alloc : memref<!tpu.dma_semaphore, #tpu.memory_space<semaphore_mem>>
      %dma_start3A_639 = tpu.memref_slice %arg3[%add3A_412] : memref<262144xi32, #tpu.memory_space<hbm>> -> memref<128xi32, #tpu.memory_space<hbm>>
      %dma_start3A_640 = tpu.memref_slice %arg3[%add3A_412] : memref<262144xi32, #tpu.memory_space<hbm>> -> memref<128xi32, #tpu.memory_space<hbm>>
      tpu.enqueue_dma source(%dma_start3A_640 : memref<128xi32, #tpu.memory_space<hbm>>) target(%arg5 : memref<128xi32, #tpu.memory_space<vmem>>) target_semaphore(%run_scoped3A : memref<!tpu.dma_semaphore, #tpu.memory_space<semaphore_mem>>)
      %dma_wait3A_641 = tpu.memref_slice %arg3[%add3A_412] : memref<262144xi32, #tpu.memory_space<hbm>> -> memref<128xi32, #tpu.memory_space<hbm>>
      %dma_wait3A_642 = tpu.memref_slice %arg3[%add3A_412] : memref<262144xi32, #tpu.memory_space<hbm>> -> memref<128xi32, #tpu.memory_space<hbm>>
      tpu.wait_dma2 semaphore(%run_scoped3A : memref<!tpu.dma_semaphore, #tpu.memory_space<semaphore_mem>>) src(%dma_wait3A_642 : memref<128xi32, #tpu.memory_space<hbm>>) dst(%arg5 : memref<128xi32, #tpu.memory_space<vmem>>)
      tpu.yield
    }) : () -> ()
    %dma_start3A_413 = arith.constant 0 : i32
    %dma_start3A_414 = arith.constant 0 : i32
    %dma_start3A_415 = tpu.memref_slice %arg2[%dma_start3A_413, %dma_start3A_414] : memref<8192x128xf32, #tpu.memory_space<hbm>> -> memref<8192x128xf32, #tpu.memory_space<hbm>>
    tpu.enqueue_indirect_dma source(%dma_start3A_415 : memref<8192x128xf32, #tpu.memory_space<hbm>>) target(%arg6 : memref<128x128xf32, #tpu.memory_space<vmem>>) offsets(%arg5 : memref<128xi32, #tpu.memory_space<vmem>>) semaphore(%arg7 : memref<!tpu.dma_semaphore, #tpu.memory_space<semaphore_mem>>)
    %dma_wait3A_416 = arith.constant 0 : i32
    %dma_wait3A_417 = arith.constant 0 : i32
    %dma_wait3A_418 = tpu.memref_slice %arg2[%dma_wait3A_416, %dma_wait3A_417] : memref<8192x128xf32, #tpu.memory_space<hbm>> -> memref<8192x128xf32, #tpu.memory_space<hbm>>
    tpu.wait_indirect_dma semaphore(%arg7 : memref<!tpu.dma_semaphore, #tpu.memory_space<semaphore_mem>>) src(%dma_wait3A_418 : memref<8192x128xf32, #tpu.memory_space<hbm>>) dst(%arg6 : memref<128x128xf32, #tpu.memory_space<vmem>>)
    "tpu.region"() ({
      %run_scoped3A = tpu.sem_alloc : memref<!tpu.dma_semaphore, #tpu.memory_space<semaphore_mem>>
      %dma_start3A_639 = arith.constant 0 : i32
      %dma_start3A_640 = tpu.memref_slice %arg4[%add3A_412, %dma_start3A_639] : memref<262144x128xf32, #tpu.memory_space<hbm>> -> memref<128x128xf32, #tpu.memory_space<hbm>>
      %dma_start3A_641 = arith.constant 0 : i32
      %dma_start3A_642 = tpu.memref_slice %arg4[%add3A_412, %dma_start3A_641] : memref<262144x128xf32, #tpu.memory_space<hbm>> -> memref<128x128xf32, #tpu.memory_space<hbm>>
      tpu.enqueue_dma source(%arg6 : memref<128x128xf32, #tpu.memory_space<vmem>>) target(%dma_start3A_642 : memref<128x128xf32, #tpu.memory_space<hbm>>) target_semaphore(%run_scoped3A : memref<!tpu.dma_semaphore, #tpu.memory_space<semaphore_mem>>)
      %dma_wait3A_643 = arith.constant 0 : i32
      %dma_wait3A_644 = tpu.memref_slice %arg4[%add3A_412, %dma_wait3A_643] : memref<262144x128xf32, #tpu.memory_space<hbm>> -> memref<128x128xf32, #tpu.memory_space<hbm>>
      %dma_wait3A_645 = arith.constant 0 : i32
      %dma_wait3A_646 = tpu.memref_slice %arg4[%add3A_412, %dma_wait3A_645] : memref<262144x128xf32, #tpu.memory_space<hbm>> -> memref<128x128xf32, #tpu.memory_space<hbm>>
      tpu.wait_dma2 semaphore(%run_scoped3A : memref<!tpu.dma_semaphore, #tpu.memory_space<semaphore_mem>>) src(%arg6 : memref<128x128xf32, #tpu.memory_space<vmem>>) dst(%dma_wait3A_646 : memref<128x128xf32, #tpu.memory_space<hbm>>)
      tpu.yield
    }) : () -> ()
    %mul3A_419 = arith.constant 8192 : i32
    %mul3A_420 = arith.muli %add3A, %mul3A_419 : i32
    %add3A_421 = arith.constant 5376 : i32
    %add3A_422 = arith.addi %mul3A_420, %add3A_421 : i32
    "tpu.region"() ({
      %run_scoped3A = tpu.sem_alloc : memref<!tpu.dma_semaphore, #tpu.memory_space<semaphore_mem>>
      %dma_start3A_639 = tpu.memref_slice %arg3[%add3A_422] : memref<262144xi32, #tpu.memory_space<hbm>> -> memref<128xi32, #tpu.memory_space<hbm>>
      %dma_start3A_640 = tpu.memref_slice %arg3[%add3A_422] : memref<262144xi32, #tpu.memory_space<hbm>> -> memref<128xi32, #tpu.memory_space<hbm>>
      tpu.enqueue_dma source(%dma_start3A_640 : memref<128xi32, #tpu.memory_space<hbm>>) target(%arg5 : memref<128xi32, #tpu.memory_space<vmem>>) target_semaphore(%run_scoped3A : memref<!tpu.dma_semaphore, #tpu.memory_space<semaphore_mem>>)
      %dma_wait3A_641 = tpu.memref_slice %arg3[%add3A_422] : memref<262144xi32, #tpu.memory_space<hbm>> -> memref<128xi32, #tpu.memory_space<hbm>>
      %dma_wait3A_642 = tpu.memref_slice %arg3[%add3A_422] : memref<262144xi32, #tpu.memory_space<hbm>> -> memref<128xi32, #tpu.memory_space<hbm>>
      tpu.wait_dma2 semaphore(%run_scoped3A : memref<!tpu.dma_semaphore, #tpu.memory_space<semaphore_mem>>) src(%dma_wait3A_642 : memref<128xi32, #tpu.memory_space<hbm>>) dst(%arg5 : memref<128xi32, #tpu.memory_space<vmem>>)
      tpu.yield
    }) : () -> ()
    %dma_start3A_423 = arith.constant 0 : i32
    %dma_start3A_424 = arith.constant 0 : i32
    %dma_start3A_425 = tpu.memref_slice %arg2[%dma_start3A_423, %dma_start3A_424] : memref<8192x128xf32, #tpu.memory_space<hbm>> -> memref<8192x128xf32, #tpu.memory_space<hbm>>
    tpu.enqueue_indirect_dma source(%dma_start3A_425 : memref<8192x128xf32, #tpu.memory_space<hbm>>) target(%arg6 : memref<128x128xf32, #tpu.memory_space<vmem>>) offsets(%arg5 : memref<128xi32, #tpu.memory_space<vmem>>) semaphore(%arg7 : memref<!tpu.dma_semaphore, #tpu.memory_space<semaphore_mem>>)
    %dma_wait3A_426 = arith.constant 0 : i32
    %dma_wait3A_427 = arith.constant 0 : i32
    %dma_wait3A_428 = tpu.memref_slice %arg2[%dma_wait3A_426, %dma_wait3A_427] : memref<8192x128xf32, #tpu.memory_space<hbm>> -> memref<8192x128xf32, #tpu.memory_space<hbm>>
    tpu.wait_indirect_dma semaphore(%arg7 : memref<!tpu.dma_semaphore, #tpu.memory_space<semaphore_mem>>) src(%dma_wait3A_428 : memref<8192x128xf32, #tpu.memory_space<hbm>>) dst(%arg6 : memref<128x128xf32, #tpu.memory_space<vmem>>)
    "tpu.region"() ({
      %run_scoped3A = tpu.sem_alloc : memref<!tpu.dma_semaphore, #tpu.memory_space<semaphore_mem>>
      %dma_start3A_639 = arith.constant 0 : i32
      %dma_start3A_640 = tpu.memref_slice %arg4[%add3A_422, %dma_start3A_639] : memref<262144x128xf32, #tpu.memory_space<hbm>> -> memref<128x128xf32, #tpu.memory_space<hbm>>
      %dma_start3A_641 = arith.constant 0 : i32
      %dma_start3A_642 = tpu.memref_slice %arg4[%add3A_422, %dma_start3A_641] : memref<262144x128xf32, #tpu.memory_space<hbm>> -> memref<128x128xf32, #tpu.memory_space<hbm>>
      tpu.enqueue_dma source(%arg6 : memref<128x128xf32, #tpu.memory_space<vmem>>) target(%dma_start3A_642 : memref<128x128xf32, #tpu.memory_space<hbm>>) target_semaphore(%run_scoped3A : memref<!tpu.dma_semaphore, #tpu.memory_space<semaphore_mem>>)
      %dma_wait3A_643 = arith.constant 0 : i32
      %dma_wait3A_644 = tpu.memref_slice %arg4[%add3A_422, %dma_wait3A_643] : memref<262144x128xf32, #tpu.memory_space<hbm>> -> memref<128x128xf32, #tpu.memory_space<hbm>>
      %dma_wait3A_645 = arith.constant 0 : i32
      %dma_wait3A_646 = tpu.memref_slice %arg4[%add3A_422, %dma_wait3A_645] : memref<262144x128xf32, #tpu.memory_space<hbm>> -> memref<128x128xf32, #tpu.memory_space<hbm>>
      tpu.wait_dma2 semaphore(%run_scoped3A : memref<!tpu.dma_semaphore, #tpu.memory_space<semaphore_mem>>) src(%arg6 : memref<128x128xf32, #tpu.memory_space<vmem>>) dst(%dma_wait3A_646 : memref<128x128xf32, #tpu.memory_space<hbm>>)
      tpu.yield
    }) : () -> ()
    %mul3A_429 = arith.constant 8192 : i32
    %mul3A_430 = arith.muli %add3A, %mul3A_429 : i32
    %add3A_431 = arith.constant 5504 : i32
    %add3A_432 = arith.addi %mul3A_430, %add3A_431 : i32
    "tpu.region"() ({
      %run_scoped3A = tpu.sem_alloc : memref<!tpu.dma_semaphore, #tpu.memory_space<semaphore_mem>>
      %dma_start3A_639 = tpu.memref_slice %arg3[%add3A_432] : memref<262144xi32, #tpu.memory_space<hbm>> -> memref<128xi32, #tpu.memory_space<hbm>>
      %dma_start3A_640 = tpu.memref_slice %arg3[%add3A_432] : memref<262144xi32, #tpu.memory_space<hbm>> -> memref<128xi32, #tpu.memory_space<hbm>>
      tpu.enqueue_dma source(%dma_start3A_640 : memref<128xi32, #tpu.memory_space<hbm>>) target(%arg5 : memref<128xi32, #tpu.memory_space<vmem>>) target_semaphore(%run_scoped3A : memref<!tpu.dma_semaphore, #tpu.memory_space<semaphore_mem>>)
      %dma_wait3A_641 = tpu.memref_slice %arg3[%add3A_432] : memref<262144xi32, #tpu.memory_space<hbm>> -> memref<128xi32, #tpu.memory_space<hbm>>
      %dma_wait3A_642 = tpu.memref_slice %arg3[%add3A_432] : memref<262144xi32, #tpu.memory_space<hbm>> -> memref<128xi32, #tpu.memory_space<hbm>>
      tpu.wait_dma2 semaphore(%run_scoped3A : memref<!tpu.dma_semaphore, #tpu.memory_space<semaphore_mem>>) src(%dma_wait3A_642 : memref<128xi32, #tpu.memory_space<hbm>>) dst(%arg5 : memref<128xi32, #tpu.memory_space<vmem>>)
      tpu.yield
    }) : () -> ()
    %dma_start3A_433 = arith.constant 0 : i32
    %dma_start3A_434 = arith.constant 0 : i32
    %dma_start3A_435 = tpu.memref_slice %arg2[%dma_start3A_433, %dma_start3A_434] : memref<8192x128xf32, #tpu.memory_space<hbm>> -> memref<8192x128xf32, #tpu.memory_space<hbm>>
    tpu.enqueue_indirect_dma source(%dma_start3A_435 : memref<8192x128xf32, #tpu.memory_space<hbm>>) target(%arg6 : memref<128x128xf32, #tpu.memory_space<vmem>>) offsets(%arg5 : memref<128xi32, #tpu.memory_space<vmem>>) semaphore(%arg7 : memref<!tpu.dma_semaphore, #tpu.memory_space<semaphore_mem>>)
    %dma_wait3A_436 = arith.constant 0 : i32
    %dma_wait3A_437 = arith.constant 0 : i32
    %dma_wait3A_438 = tpu.memref_slice %arg2[%dma_wait3A_436, %dma_wait3A_437] : memref<8192x128xf32, #tpu.memory_space<hbm>> -> memref<8192x128xf32, #tpu.memory_space<hbm>>
    tpu.wait_indirect_dma semaphore(%arg7 : memref<!tpu.dma_semaphore, #tpu.memory_space<semaphore_mem>>) src(%dma_wait3A_438 : memref<8192x128xf32, #tpu.memory_space<hbm>>) dst(%arg6 : memref<128x128xf32, #tpu.memory_space<vmem>>)
    "tpu.region"() ({
      %run_scoped3A = tpu.sem_alloc : memref<!tpu.dma_semaphore, #tpu.memory_space<semaphore_mem>>
      %dma_start3A_639 = arith.constant 0 : i32
      %dma_start3A_640 = tpu.memref_slice %arg4[%add3A_432, %dma_start3A_639] : memref<262144x128xf32, #tpu.memory_space<hbm>> -> memref<128x128xf32, #tpu.memory_space<hbm>>
      %dma_start3A_641 = arith.constant 0 : i32
      %dma_start3A_642 = tpu.memref_slice %arg4[%add3A_432, %dma_start3A_641] : memref<262144x128xf32, #tpu.memory_space<hbm>> -> memref<128x128xf32, #tpu.memory_space<hbm>>
      tpu.enqueue_dma source(%arg6 : memref<128x128xf32, #tpu.memory_space<vmem>>) target(%dma_start3A_642 : memref<128x128xf32, #tpu.memory_space<hbm>>) target_semaphore(%run_scoped3A : memref<!tpu.dma_semaphore, #tpu.memory_space<semaphore_mem>>)
      %dma_wait3A_643 = arith.constant 0 : i32
      %dma_wait3A_644 = tpu.memref_slice %arg4[%add3A_432, %dma_wait3A_643] : memref<262144x128xf32, #tpu.memory_space<hbm>> -> memref<128x128xf32, #tpu.memory_space<hbm>>
      %dma_wait3A_645 = arith.constant 0 : i32
      %dma_wait3A_646 = tpu.memref_slice %arg4[%add3A_432, %dma_wait3A_645] : memref<262144x128xf32, #tpu.memory_space<hbm>> -> memref<128x128xf32, #tpu.memory_space<hbm>>
      tpu.wait_dma2 semaphore(%run_scoped3A : memref<!tpu.dma_semaphore, #tpu.memory_space<semaphore_mem>>) src(%arg6 : memref<128x128xf32, #tpu.memory_space<vmem>>) dst(%dma_wait3A_646 : memref<128x128xf32, #tpu.memory_space<hbm>>)
      tpu.yield
    }) : () -> ()
    %mul3A_439 = arith.constant 8192 : i32
    %mul3A_440 = arith.muli %add3A, %mul3A_439 : i32
    %add3A_441 = arith.constant 5632 : i32
    %add3A_442 = arith.addi %mul3A_440, %add3A_441 : i32
    "tpu.region"() ({
      %run_scoped3A = tpu.sem_alloc : memref<!tpu.dma_semaphore, #tpu.memory_space<semaphore_mem>>
      %dma_start3A_639 = tpu.memref_slice %arg3[%add3A_442] : memref<262144xi32, #tpu.memory_space<hbm>> -> memref<128xi32, #tpu.memory_space<hbm>>
      %dma_start3A_640 = tpu.memref_slice %arg3[%add3A_442] : memref<262144xi32, #tpu.memory_space<hbm>> -> memref<128xi32, #tpu.memory_space<hbm>>
      tpu.enqueue_dma source(%dma_start3A_640 : memref<128xi32, #tpu.memory_space<hbm>>) target(%arg5 : memref<128xi32, #tpu.memory_space<vmem>>) target_semaphore(%run_scoped3A : memref<!tpu.dma_semaphore, #tpu.memory_space<semaphore_mem>>)
      %dma_wait3A_641 = tpu.memref_slice %arg3[%add3A_442] : memref<262144xi32, #tpu.memory_space<hbm>> -> memref<128xi32, #tpu.memory_space<hbm>>
      %dma_wait3A_642 = tpu.memref_slice %arg3[%add3A_442] : memref<262144xi32, #tpu.memory_space<hbm>> -> memref<128xi32, #tpu.memory_space<hbm>>
      tpu.wait_dma2 semaphore(%run_scoped3A : memref<!tpu.dma_semaphore, #tpu.memory_space<semaphore_mem>>) src(%dma_wait3A_642 : memref<128xi32, #tpu.memory_space<hbm>>) dst(%arg5 : memref<128xi32, #tpu.memory_space<vmem>>)
      tpu.yield
    }) : () -> ()
    %dma_start3A_443 = arith.constant 0 : i32
    %dma_start3A_444 = arith.constant 0 : i32
    %dma_start3A_445 = tpu.memref_slice %arg2[%dma_start3A_443, %dma_start3A_444] : memref<8192x128xf32, #tpu.memory_space<hbm>> -> memref<8192x128xf32, #tpu.memory_space<hbm>>
    tpu.enqueue_indirect_dma source(%dma_start3A_445 : memref<8192x128xf32, #tpu.memory_space<hbm>>) target(%arg6 : memref<128x128xf32, #tpu.memory_space<vmem>>) offsets(%arg5 : memref<128xi32, #tpu.memory_space<vmem>>) semaphore(%arg7 : memref<!tpu.dma_semaphore, #tpu.memory_space<semaphore_mem>>)
    %dma_wait3A_446 = arith.constant 0 : i32
    %dma_wait3A_447 = arith.constant 0 : i32
    %dma_wait3A_448 = tpu.memref_slice %arg2[%dma_wait3A_446, %dma_wait3A_447] : memref<8192x128xf32, #tpu.memory_space<hbm>> -> memref<8192x128xf32, #tpu.memory_space<hbm>>
    tpu.wait_indirect_dma semaphore(%arg7 : memref<!tpu.dma_semaphore, #tpu.memory_space<semaphore_mem>>) src(%dma_wait3A_448 : memref<8192x128xf32, #tpu.memory_space<hbm>>) dst(%arg6 : memref<128x128xf32, #tpu.memory_space<vmem>>)
    "tpu.region"() ({
      %run_scoped3A = tpu.sem_alloc : memref<!tpu.dma_semaphore, #tpu.memory_space<semaphore_mem>>
      %dma_start3A_639 = arith.constant 0 : i32
      %dma_start3A_640 = tpu.memref_slice %arg4[%add3A_442, %dma_start3A_639] : memref<262144x128xf32, #tpu.memory_space<hbm>> -> memref<128x128xf32, #tpu.memory_space<hbm>>
      %dma_start3A_641 = arith.constant 0 : i32
      %dma_start3A_642 = tpu.memref_slice %arg4[%add3A_442, %dma_start3A_641] : memref<262144x128xf32, #tpu.memory_space<hbm>> -> memref<128x128xf32, #tpu.memory_space<hbm>>
      tpu.enqueue_dma source(%arg6 : memref<128x128xf32, #tpu.memory_space<vmem>>) target(%dma_start3A_642 : memref<128x128xf32, #tpu.memory_space<hbm>>) target_semaphore(%run_scoped3A : memref<!tpu.dma_semaphore, #tpu.memory_space<semaphore_mem>>)
      %dma_wait3A_643 = arith.constant 0 : i32
      %dma_wait3A_644 = tpu.memref_slice %arg4[%add3A_442, %dma_wait3A_643] : memref<262144x128xf32, #tpu.memory_space<hbm>> -> memref<128x128xf32, #tpu.memory_space<hbm>>
      %dma_wait3A_645 = arith.constant 0 : i32
      %dma_wait3A_646 = tpu.memref_slice %arg4[%add3A_442, %dma_wait3A_645] : memref<262144x128xf32, #tpu.memory_space<hbm>> -> memref<128x128xf32, #tpu.memory_space<hbm>>
      tpu.wait_dma2 semaphore(%run_scoped3A : memref<!tpu.dma_semaphore, #tpu.memory_space<semaphore_mem>>) src(%arg6 : memref<128x128xf32, #tpu.memory_space<vmem>>) dst(%dma_wait3A_646 : memref<128x128xf32, #tpu.memory_space<hbm>>)
      tpu.yield
    }) : () -> ()
    %mul3A_449 = arith.constant 8192 : i32
    %mul3A_450 = arith.muli %add3A, %mul3A_449 : i32
    %add3A_451 = arith.constant 5760 : i32
    %add3A_452 = arith.addi %mul3A_450, %add3A_451 : i32
    "tpu.region"() ({
      %run_scoped3A = tpu.sem_alloc : memref<!tpu.dma_semaphore, #tpu.memory_space<semaphore_mem>>
      %dma_start3A_639 = tpu.memref_slice %arg3[%add3A_452] : memref<262144xi32, #tpu.memory_space<hbm>> -> memref<128xi32, #tpu.memory_space<hbm>>
      %dma_start3A_640 = tpu.memref_slice %arg3[%add3A_452] : memref<262144xi32, #tpu.memory_space<hbm>> -> memref<128xi32, #tpu.memory_space<hbm>>
      tpu.enqueue_dma source(%dma_start3A_640 : memref<128xi32, #tpu.memory_space<hbm>>) target(%arg5 : memref<128xi32, #tpu.memory_space<vmem>>) target_semaphore(%run_scoped3A : memref<!tpu.dma_semaphore, #tpu.memory_space<semaphore_mem>>)
      %dma_wait3A_641 = tpu.memref_slice %arg3[%add3A_452] : memref<262144xi32, #tpu.memory_space<hbm>> -> memref<128xi32, #tpu.memory_space<hbm>>
      %dma_wait3A_642 = tpu.memref_slice %arg3[%add3A_452] : memref<262144xi32, #tpu.memory_space<hbm>> -> memref<128xi32, #tpu.memory_space<hbm>>
      tpu.wait_dma2 semaphore(%run_scoped3A : memref<!tpu.dma_semaphore, #tpu.memory_space<semaphore_mem>>) src(%dma_wait3A_642 : memref<128xi32, #tpu.memory_space<hbm>>) dst(%arg5 : memref<128xi32, #tpu.memory_space<vmem>>)
      tpu.yield
    }) : () -> ()
    %dma_start3A_453 = arith.constant 0 : i32
    %dma_start3A_454 = arith.constant 0 : i32
    %dma_start3A_455 = tpu.memref_slice %arg2[%dma_start3A_453, %dma_start3A_454] : memref<8192x128xf32, #tpu.memory_space<hbm>> -> memref<8192x128xf32, #tpu.memory_space<hbm>>
    tpu.enqueue_indirect_dma source(%dma_start3A_455 : memref<8192x128xf32, #tpu.memory_space<hbm>>) target(%arg6 : memref<128x128xf32, #tpu.memory_space<vmem>>) offsets(%arg5 : memref<128xi32, #tpu.memory_space<vmem>>) semaphore(%arg7 : memref<!tpu.dma_semaphore, #tpu.memory_space<semaphore_mem>>)
    %dma_wait3A_456 = arith.constant 0 : i32
    %dma_wait3A_457 = arith.constant 0 : i32
    %dma_wait3A_458 = tpu.memref_slice %arg2[%dma_wait3A_456, %dma_wait3A_457] : memref<8192x128xf32, #tpu.memory_space<hbm>> -> memref<8192x128xf32, #tpu.memory_space<hbm>>
    tpu.wait_indirect_dma semaphore(%arg7 : memref<!tpu.dma_semaphore, #tpu.memory_space<semaphore_mem>>) src(%dma_wait3A_458 : memref<8192x128xf32, #tpu.memory_space<hbm>>) dst(%arg6 : memref<128x128xf32, #tpu.memory_space<vmem>>)
    "tpu.region"() ({
      %run_scoped3A = tpu.sem_alloc : memref<!tpu.dma_semaphore, #tpu.memory_space<semaphore_mem>>
      %dma_start3A_639 = arith.constant 0 : i32
      %dma_start3A_640 = tpu.memref_slice %arg4[%add3A_452, %dma_start3A_639] : memref<262144x128xf32, #tpu.memory_space<hbm>> -> memref<128x128xf32, #tpu.memory_space<hbm>>
      %dma_start3A_641 = arith.constant 0 : i32
      %dma_start3A_642 = tpu.memref_slice %arg4[%add3A_452, %dma_start3A_641] : memref<262144x128xf32, #tpu.memory_space<hbm>> -> memref<128x128xf32, #tpu.memory_space<hbm>>
      tpu.enqueue_dma source(%arg6 : memref<128x128xf32, #tpu.memory_space<vmem>>) target(%dma_start3A_642 : memref<128x128xf32, #tpu.memory_space<hbm>>) target_semaphore(%run_scoped3A : memref<!tpu.dma_semaphore, #tpu.memory_space<semaphore_mem>>)
      %dma_wait3A_643 = arith.constant 0 : i32
      %dma_wait3A_644 = tpu.memref_slice %arg4[%add3A_452, %dma_wait3A_643] : memref<262144x128xf32, #tpu.memory_space<hbm>> -> memref<128x128xf32, #tpu.memory_space<hbm>>
      %dma_wait3A_645 = arith.constant 0 : i32
      %dma_wait3A_646 = tpu.memref_slice %arg4[%add3A_452, %dma_wait3A_645] : memref<262144x128xf32, #tpu.memory_space<hbm>> -> memref<128x128xf32, #tpu.memory_space<hbm>>
      tpu.wait_dma2 semaphore(%run_scoped3A : memref<!tpu.dma_semaphore, #tpu.memory_space<semaphore_mem>>) src(%arg6 : memref<128x128xf32, #tpu.memory_space<vmem>>) dst(%dma_wait3A_646 : memref<128x128xf32, #tpu.memory_space<hbm>>)
      tpu.yield
    }) : () -> ()
    %mul3A_459 = arith.constant 8192 : i32
    %mul3A_460 = arith.muli %add3A, %mul3A_459 : i32
    %add3A_461 = arith.constant 5888 : i32
    %add3A_462 = arith.addi %mul3A_460, %add3A_461 : i32
    "tpu.region"() ({
      %run_scoped3A = tpu.sem_alloc : memref<!tpu.dma_semaphore, #tpu.memory_space<semaphore_mem>>
      %dma_start3A_639 = tpu.memref_slice %arg3[%add3A_462] : memref<262144xi32, #tpu.memory_space<hbm>> -> memref<128xi32, #tpu.memory_space<hbm>>
      %dma_start3A_640 = tpu.memref_slice %arg3[%add3A_462] : memref<262144xi32, #tpu.memory_space<hbm>> -> memref<128xi32, #tpu.memory_space<hbm>>
      tpu.enqueue_dma source(%dma_start3A_640 : memref<128xi32, #tpu.memory_space<hbm>>) target(%arg5 : memref<128xi32, #tpu.memory_space<vmem>>) target_semaphore(%run_scoped3A : memref<!tpu.dma_semaphore, #tpu.memory_space<semaphore_mem>>)
      %dma_wait3A_641 = tpu.memref_slice %arg3[%add3A_462] : memref<262144xi32, #tpu.memory_space<hbm>> -> memref<128xi32, #tpu.memory_space<hbm>>
      %dma_wait3A_642 = tpu.memref_slice %arg3[%add3A_462] : memref<262144xi32, #tpu.memory_space<hbm>> -> memref<128xi32, #tpu.memory_space<hbm>>
      tpu.wait_dma2 semaphore(%run_scoped3A : memref<!tpu.dma_semaphore, #tpu.memory_space<semaphore_mem>>) src(%dma_wait3A_642 : memref<128xi32, #tpu.memory_space<hbm>>) dst(%arg5 : memref<128xi32, #tpu.memory_space<vmem>>)
      tpu.yield
    }) : () -> ()
    %dma_start3A_463 = arith.constant 0 : i32
    %dma_start3A_464 = arith.constant 0 : i32
    %dma_start3A_465 = tpu.memref_slice %arg2[%dma_start3A_463, %dma_start3A_464] : memref<8192x128xf32, #tpu.memory_space<hbm>> -> memref<8192x128xf32, #tpu.memory_space<hbm>>
    tpu.enqueue_indirect_dma source(%dma_start3A_465 : memref<8192x128xf32, #tpu.memory_space<hbm>>) target(%arg6 : memref<128x128xf32, #tpu.memory_space<vmem>>) offsets(%arg5 : memref<128xi32, #tpu.memory_space<vmem>>) semaphore(%arg7 : memref<!tpu.dma_semaphore, #tpu.memory_space<semaphore_mem>>)
    %dma_wait3A_466 = arith.constant 0 : i32
    %dma_wait3A_467 = arith.constant 0 : i32
    %dma_wait3A_468 = tpu.memref_slice %arg2[%dma_wait3A_466, %dma_wait3A_467] : memref<8192x128xf32, #tpu.memory_space<hbm>> -> memref<8192x128xf32, #tpu.memory_space<hbm>>
    tpu.wait_indirect_dma semaphore(%arg7 : memref<!tpu.dma_semaphore, #tpu.memory_space<semaphore_mem>>) src(%dma_wait3A_468 : memref<8192x128xf32, #tpu.memory_space<hbm>>) dst(%arg6 : memref<128x128xf32, #tpu.memory_space<vmem>>)
    "tpu.region"() ({
      %run_scoped3A = tpu.sem_alloc : memref<!tpu.dma_semaphore, #tpu.memory_space<semaphore_mem>>
      %dma_start3A_639 = arith.constant 0 : i32
      %dma_start3A_640 = tpu.memref_slice %arg4[%add3A_462, %dma_start3A_639] : memref<262144x128xf32, #tpu.memory_space<hbm>> -> memref<128x128xf32, #tpu.memory_space<hbm>>
      %dma_start3A_641 = arith.constant 0 : i32
      %dma_start3A_642 = tpu.memref_slice %arg4[%add3A_462, %dma_start3A_641] : memref<262144x128xf32, #tpu.memory_space<hbm>> -> memref<128x128xf32, #tpu.memory_space<hbm>>
      tpu.enqueue_dma source(%arg6 : memref<128x128xf32, #tpu.memory_space<vmem>>) target(%dma_start3A_642 : memref<128x128xf32, #tpu.memory_space<hbm>>) target_semaphore(%run_scoped3A : memref<!tpu.dma_semaphore, #tpu.memory_space<semaphore_mem>>)
      %dma_wait3A_643 = arith.constant 0 : i32
      %dma_wait3A_644 = tpu.memref_slice %arg4[%add3A_462, %dma_wait3A_643] : memref<262144x128xf32, #tpu.memory_space<hbm>> -> memref<128x128xf32, #tpu.memory_space<hbm>>
      %dma_wait3A_645 = arith.constant 0 : i32
      %dma_wait3A_646 = tpu.memref_slice %arg4[%add3A_462, %dma_wait3A_645] : memref<262144x128xf32, #tpu.memory_space<hbm>> -> memref<128x128xf32, #tpu.memory_space<hbm>>
      tpu.wait_dma2 semaphore(%run_scoped3A : memref<!tpu.dma_semaphore, #tpu.memory_space<semaphore_mem>>) src(%arg6 : memref<128x128xf32, #tpu.memory_space<vmem>>) dst(%dma_wait3A_646 : memref<128x128xf32, #tpu.memory_space<hbm>>)
      tpu.yield
    }) : () -> ()
    %mul3A_469 = arith.constant 8192 : i32
    %mul3A_470 = arith.muli %add3A, %mul3A_469 : i32
    %add3A_471 = arith.constant 6016 : i32
    %add3A_472 = arith.addi %mul3A_470, %add3A_471 : i32
    "tpu.region"() ({
      %run_scoped3A = tpu.sem_alloc : memref<!tpu.dma_semaphore, #tpu.memory_space<semaphore_mem>>
      %dma_start3A_639 = tpu.memref_slice %arg3[%add3A_472] : memref<262144xi32, #tpu.memory_space<hbm>> -> memref<128xi32, #tpu.memory_space<hbm>>
      %dma_start3A_640 = tpu.memref_slice %arg3[%add3A_472] : memref<262144xi32, #tpu.memory_space<hbm>> -> memref<128xi32, #tpu.memory_space<hbm>>
      tpu.enqueue_dma source(%dma_start3A_640 : memref<128xi32, #tpu.memory_space<hbm>>) target(%arg5 : memref<128xi32, #tpu.memory_space<vmem>>) target_semaphore(%run_scoped3A : memref<!tpu.dma_semaphore, #tpu.memory_space<semaphore_mem>>)
      %dma_wait3A_641 = tpu.memref_slice %arg3[%add3A_472] : memref<262144xi32, #tpu.memory_space<hbm>> -> memref<128xi32, #tpu.memory_space<hbm>>
      %dma_wait3A_642 = tpu.memref_slice %arg3[%add3A_472] : memref<262144xi32, #tpu.memory_space<hbm>> -> memref<128xi32, #tpu.memory_space<hbm>>
      tpu.wait_dma2 semaphore(%run_scoped3A : memref<!tpu.dma_semaphore, #tpu.memory_space<semaphore_mem>>) src(%dma_wait3A_642 : memref<128xi32, #tpu.memory_space<hbm>>) dst(%arg5 : memref<128xi32, #tpu.memory_space<vmem>>)
      tpu.yield
    }) : () -> ()
    %dma_start3A_473 = arith.constant 0 : i32
    %dma_start3A_474 = arith.constant 0 : i32
    %dma_start3A_475 = tpu.memref_slice %arg2[%dma_start3A_473, %dma_start3A_474] : memref<8192x128xf32, #tpu.memory_space<hbm>> -> memref<8192x128xf32, #tpu.memory_space<hbm>>
    tpu.enqueue_indirect_dma source(%dma_start3A_475 : memref<8192x128xf32, #tpu.memory_space<hbm>>) target(%arg6 : memref<128x128xf32, #tpu.memory_space<vmem>>) offsets(%arg5 : memref<128xi32, #tpu.memory_space<vmem>>) semaphore(%arg7 : memref<!tpu.dma_semaphore, #tpu.memory_space<semaphore_mem>>)
    %dma_wait3A_476 = arith.constant 0 : i32
    %dma_wait3A_477 = arith.constant 0 : i32
    %dma_wait3A_478 = tpu.memref_slice %arg2[%dma_wait3A_476, %dma_wait3A_477] : memref<8192x128xf32, #tpu.memory_space<hbm>> -> memref<8192x128xf32, #tpu.memory_space<hbm>>
    tpu.wait_indirect_dma semaphore(%arg7 : memref<!tpu.dma_semaphore, #tpu.memory_space<semaphore_mem>>) src(%dma_wait3A_478 : memref<8192x128xf32, #tpu.memory_space<hbm>>) dst(%arg6 : memref<128x128xf32, #tpu.memory_space<vmem>>)
    "tpu.region"() ({
      %run_scoped3A = tpu.sem_alloc : memref<!tpu.dma_semaphore, #tpu.memory_space<semaphore_mem>>
      %dma_start3A_639 = arith.constant 0 : i32
      %dma_start3A_640 = tpu.memref_slice %arg4[%add3A_472, %dma_start3A_639] : memref<262144x128xf32, #tpu.memory_space<hbm>> -> memref<128x128xf32, #tpu.memory_space<hbm>>
      %dma_start3A_641 = arith.constant 0 : i32
      %dma_start3A_642 = tpu.memref_slice %arg4[%add3A_472, %dma_start3A_641] : memref<262144x128xf32, #tpu.memory_space<hbm>> -> memref<128x128xf32, #tpu.memory_space<hbm>>
      tpu.enqueue_dma source(%arg6 : memref<128x128xf32, #tpu.memory_space<vmem>>) target(%dma_start3A_642 : memref<128x128xf32, #tpu.memory_space<hbm>>) target_semaphore(%run_scoped3A : memref<!tpu.dma_semaphore, #tpu.memory_space<semaphore_mem>>)
      %dma_wait3A_643 = arith.constant 0 : i32
      %dma_wait3A_644 = tpu.memref_slice %arg4[%add3A_472, %dma_wait3A_643] : memref<262144x128xf32, #tpu.memory_space<hbm>> -> memref<128x128xf32, #tpu.memory_space<hbm>>
      %dma_wait3A_645 = arith.constant 0 : i32
      %dma_wait3A_646 = tpu.memref_slice %arg4[%add3A_472, %dma_wait3A_645] : memref<262144x128xf32, #tpu.memory_space<hbm>> -> memref<128x128xf32, #tpu.memory_space<hbm>>
      tpu.wait_dma2 semaphore(%run_scoped3A : memref<!tpu.dma_semaphore, #tpu.memory_space<semaphore_mem>>) src(%arg6 : memref<128x128xf32, #tpu.memory_space<vmem>>) dst(%dma_wait3A_646 : memref<128x128xf32, #tpu.memory_space<hbm>>)
      tpu.yield
    }) : () -> ()
    %mul3A_479 = arith.constant 8192 : i32
    %mul3A_480 = arith.muli %add3A, %mul3A_479 : i32
    %add3A_481 = arith.constant 6144 : i32
    %add3A_482 = arith.addi %mul3A_480, %add3A_481 : i32
    "tpu.region"() ({
      %run_scoped3A = tpu.sem_alloc : memref<!tpu.dma_semaphore, #tpu.memory_space<semaphore_mem>>
      %dma_start3A_639 = tpu.memref_slice %arg3[%add3A_482] : memref<262144xi32, #tpu.memory_space<hbm>> -> memref<128xi32, #tpu.memory_space<hbm>>
      %dma_start3A_640 = tpu.memref_slice %arg3[%add3A_482] : memref<262144xi32, #tpu.memory_space<hbm>> -> memref<128xi32, #tpu.memory_space<hbm>>
      tpu.enqueue_dma source(%dma_start3A_640 : memref<128xi32, #tpu.memory_space<hbm>>) target(%arg5 : memref<128xi32, #tpu.memory_space<vmem>>) target_semaphore(%run_scoped3A : memref<!tpu.dma_semaphore, #tpu.memory_space<semaphore_mem>>)
      %dma_wait3A_641 = tpu.memref_slice %arg3[%add3A_482] : memref<262144xi32, #tpu.memory_space<hbm>> -> memref<128xi32, #tpu.memory_space<hbm>>
      %dma_wait3A_642 = tpu.memref_slice %arg3[%add3A_482] : memref<262144xi32, #tpu.memory_space<hbm>> -> memref<128xi32, #tpu.memory_space<hbm>>
      tpu.wait_dma2 semaphore(%run_scoped3A : memref<!tpu.dma_semaphore, #tpu.memory_space<semaphore_mem>>) src(%dma_wait3A_642 : memref<128xi32, #tpu.memory_space<hbm>>) dst(%arg5 : memref<128xi32, #tpu.memory_space<vmem>>)
      tpu.yield
    }) : () -> ()
    %dma_start3A_483 = arith.constant 0 : i32
    %dma_start3A_484 = arith.constant 0 : i32
    %dma_start3A_485 = tpu.memref_slice %arg2[%dma_start3A_483, %dma_start3A_484] : memref<8192x128xf32, #tpu.memory_space<hbm>> -> memref<8192x128xf32, #tpu.memory_space<hbm>>
    tpu.enqueue_indirect_dma source(%dma_start3A_485 : memref<8192x128xf32, #tpu.memory_space<hbm>>) target(%arg6 : memref<128x128xf32, #tpu.memory_space<vmem>>) offsets(%arg5 : memref<128xi32, #tpu.memory_space<vmem>>) semaphore(%arg7 : memref<!tpu.dma_semaphore, #tpu.memory_space<semaphore_mem>>)
    %dma_wait3A_486 = arith.constant 0 : i32
    %dma_wait3A_487 = arith.constant 0 : i32
    %dma_wait3A_488 = tpu.memref_slice %arg2[%dma_wait3A_486, %dma_wait3A_487] : memref<8192x128xf32, #tpu.memory_space<hbm>> -> memref<8192x128xf32, #tpu.memory_space<hbm>>
    tpu.wait_indirect_dma semaphore(%arg7 : memref<!tpu.dma_semaphore, #tpu.memory_space<semaphore_mem>>) src(%dma_wait3A_488 : memref<8192x128xf32, #tpu.memory_space<hbm>>) dst(%arg6 : memref<128x128xf32, #tpu.memory_space<vmem>>)
    "tpu.region"() ({
      %run_scoped3A = tpu.sem_alloc : memref<!tpu.dma_semaphore, #tpu.memory_space<semaphore_mem>>
      %dma_start3A_639 = arith.constant 0 : i32
      %dma_start3A_640 = tpu.memref_slice %arg4[%add3A_482, %dma_start3A_639] : memref<262144x128xf32, #tpu.memory_space<hbm>> -> memref<128x128xf32, #tpu.memory_space<hbm>>
      %dma_start3A_641 = arith.constant 0 : i32
      %dma_start3A_642 = tpu.memref_slice %arg4[%add3A_482, %dma_start3A_641] : memref<262144x128xf32, #tpu.memory_space<hbm>> -> memref<128x128xf32, #tpu.memory_space<hbm>>
      tpu.enqueue_dma source(%arg6 : memref<128x128xf32, #tpu.memory_space<vmem>>) target(%dma_start3A_642 : memref<128x128xf32, #tpu.memory_space<hbm>>) target_semaphore(%run_scoped3A : memref<!tpu.dma_semaphore, #tpu.memory_space<semaphore_mem>>)
      %dma_wait3A_643 = arith.constant 0 : i32
      %dma_wait3A_644 = tpu.memref_slice %arg4[%add3A_482, %dma_wait3A_643] : memref<262144x128xf32, #tpu.memory_space<hbm>> -> memref<128x128xf32, #tpu.memory_space<hbm>>
      %dma_wait3A_645 = arith.constant 0 : i32
      %dma_wait3A_646 = tpu.memref_slice %arg4[%add3A_482, %dma_wait3A_645] : memref<262144x128xf32, #tpu.memory_space<hbm>> -> memref<128x128xf32, #tpu.memory_space<hbm>>
      tpu.wait_dma2 semaphore(%run_scoped3A : memref<!tpu.dma_semaphore, #tpu.memory_space<semaphore_mem>>) src(%arg6 : memref<128x128xf32, #tpu.memory_space<vmem>>) dst(%dma_wait3A_646 : memref<128x128xf32, #tpu.memory_space<hbm>>)
      tpu.yield
    }) : () -> ()
    %mul3A_489 = arith.constant 8192 : i32
    %mul3A_490 = arith.muli %add3A, %mul3A_489 : i32
    %add3A_491 = arith.constant 6272 : i32
    %add3A_492 = arith.addi %mul3A_490, %add3A_491 : i32
    "tpu.region"() ({
      %run_scoped3A = tpu.sem_alloc : memref<!tpu.dma_semaphore, #tpu.memory_space<semaphore_mem>>
      %dma_start3A_639 = tpu.memref_slice %arg3[%add3A_492] : memref<262144xi32, #tpu.memory_space<hbm>> -> memref<128xi32, #tpu.memory_space<hbm>>
      %dma_start3A_640 = tpu.memref_slice %arg3[%add3A_492] : memref<262144xi32, #tpu.memory_space<hbm>> -> memref<128xi32, #tpu.memory_space<hbm>>
      tpu.enqueue_dma source(%dma_start3A_640 : memref<128xi32, #tpu.memory_space<hbm>>) target(%arg5 : memref<128xi32, #tpu.memory_space<vmem>>) target_semaphore(%run_scoped3A : memref<!tpu.dma_semaphore, #tpu.memory_space<semaphore_mem>>)
      %dma_wait3A_641 = tpu.memref_slice %arg3[%add3A_492] : memref<262144xi32, #tpu.memory_space<hbm>> -> memref<128xi32, #tpu.memory_space<hbm>>
      %dma_wait3A_642 = tpu.memref_slice %arg3[%add3A_492] : memref<262144xi32, #tpu.memory_space<hbm>> -> memref<128xi32, #tpu.memory_space<hbm>>
      tpu.wait_dma2 semaphore(%run_scoped3A : memref<!tpu.dma_semaphore, #tpu.memory_space<semaphore_mem>>) src(%dma_wait3A_642 : memref<128xi32, #tpu.memory_space<hbm>>) dst(%arg5 : memref<128xi32, #tpu.memory_space<vmem>>)
      tpu.yield
    }) : () -> ()
    %dma_start3A_493 = arith.constant 0 : i32
    %dma_start3A_494 = arith.constant 0 : i32
    %dma_start3A_495 = tpu.memref_slice %arg2[%dma_start3A_493, %dma_start3A_494] : memref<8192x128xf32, #tpu.memory_space<hbm>> -> memref<8192x128xf32, #tpu.memory_space<hbm>>
    tpu.enqueue_indirect_dma source(%dma_start3A_495 : memref<8192x128xf32, #tpu.memory_space<hbm>>) target(%arg6 : memref<128x128xf32, #tpu.memory_space<vmem>>) offsets(%arg5 : memref<128xi32, #tpu.memory_space<vmem>>) semaphore(%arg7 : memref<!tpu.dma_semaphore, #tpu.memory_space<semaphore_mem>>)
    %dma_wait3A_496 = arith.constant 0 : i32
    %dma_wait3A_497 = arith.constant 0 : i32
    %dma_wait3A_498 = tpu.memref_slice %arg2[%dma_wait3A_496, %dma_wait3A_497] : memref<8192x128xf32, #tpu.memory_space<hbm>> -> memref<8192x128xf32, #tpu.memory_space<hbm>>
    tpu.wait_indirect_dma semaphore(%arg7 : memref<!tpu.dma_semaphore, #tpu.memory_space<semaphore_mem>>) src(%dma_wait3A_498 : memref<8192x128xf32, #tpu.memory_space<hbm>>) dst(%arg6 : memref<128x128xf32, #tpu.memory_space<vmem>>)
    "tpu.region"() ({
      %run_scoped3A = tpu.sem_alloc : memref<!tpu.dma_semaphore, #tpu.memory_space<semaphore_mem>>
      %dma_start3A_639 = arith.constant 0 : i32
      %dma_start3A_640 = tpu.memref_slice %arg4[%add3A_492, %dma_start3A_639] : memref<262144x128xf32, #tpu.memory_space<hbm>> -> memref<128x128xf32, #tpu.memory_space<hbm>>
      %dma_start3A_641 = arith.constant 0 : i32
      %dma_start3A_642 = tpu.memref_slice %arg4[%add3A_492, %dma_start3A_641] : memref<262144x128xf32, #tpu.memory_space<hbm>> -> memref<128x128xf32, #tpu.memory_space<hbm>>
      tpu.enqueue_dma source(%arg6 : memref<128x128xf32, #tpu.memory_space<vmem>>) target(%dma_start3A_642 : memref<128x128xf32, #tpu.memory_space<hbm>>) target_semaphore(%run_scoped3A : memref<!tpu.dma_semaphore, #tpu.memory_space<semaphore_mem>>)
      %dma_wait3A_643 = arith.constant 0 : i32
      %dma_wait3A_644 = tpu.memref_slice %arg4[%add3A_492, %dma_wait3A_643] : memref<262144x128xf32, #tpu.memory_space<hbm>> -> memref<128x128xf32, #tpu.memory_space<hbm>>
      %dma_wait3A_645 = arith.constant 0 : i32
      %dma_wait3A_646 = tpu.memref_slice %arg4[%add3A_492, %dma_wait3A_645] : memref<262144x128xf32, #tpu.memory_space<hbm>> -> memref<128x128xf32, #tpu.memory_space<hbm>>
      tpu.wait_dma2 semaphore(%run_scoped3A : memref<!tpu.dma_semaphore, #tpu.memory_space<semaphore_mem>>) src(%arg6 : memref<128x128xf32, #tpu.memory_space<vmem>>) dst(%dma_wait3A_646 : memref<128x128xf32, #tpu.memory_space<hbm>>)
      tpu.yield
    }) : () -> ()
    %mul3A_499 = arith.constant 8192 : i32
    %mul3A_500 = arith.muli %add3A, %mul3A_499 : i32
    %add3A_501 = arith.constant 6400 : i32
    %add3A_502 = arith.addi %mul3A_500, %add3A_501 : i32
    "tpu.region"() ({
      %run_scoped3A = tpu.sem_alloc : memref<!tpu.dma_semaphore, #tpu.memory_space<semaphore_mem>>
      %dma_start3A_639 = tpu.memref_slice %arg3[%add3A_502] : memref<262144xi32, #tpu.memory_space<hbm>> -> memref<128xi32, #tpu.memory_space<hbm>>
      %dma_start3A_640 = tpu.memref_slice %arg3[%add3A_502] : memref<262144xi32, #tpu.memory_space<hbm>> -> memref<128xi32, #tpu.memory_space<hbm>>
      tpu.enqueue_dma source(%dma_start3A_640 : memref<128xi32, #tpu.memory_space<hbm>>) target(%arg5 : memref<128xi32, #tpu.memory_space<vmem>>) target_semaphore(%run_scoped3A : memref<!tpu.dma_semaphore, #tpu.memory_space<semaphore_mem>>)
      %dma_wait3A_641 = tpu.memref_slice %arg3[%add3A_502] : memref<262144xi32, #tpu.memory_space<hbm>> -> memref<128xi32, #tpu.memory_space<hbm>>
      %dma_wait3A_642 = tpu.memref_slice %arg3[%add3A_502] : memref<262144xi32, #tpu.memory_space<hbm>> -> memref<128xi32, #tpu.memory_space<hbm>>
      tpu.wait_dma2 semaphore(%run_scoped3A : memref<!tpu.dma_semaphore, #tpu.memory_space<semaphore_mem>>) src(%dma_wait3A_642 : memref<128xi32, #tpu.memory_space<hbm>>) dst(%arg5 : memref<128xi32, #tpu.memory_space<vmem>>)
      tpu.yield
    }) : () -> ()
    %dma_start3A_503 = arith.constant 0 : i32
    %dma_start3A_504 = arith.constant 0 : i32
    %dma_start3A_505 = tpu.memref_slice %arg2[%dma_start3A_503, %dma_start3A_504] : memref<8192x128xf32, #tpu.memory_space<hbm>> -> memref<8192x128xf32, #tpu.memory_space<hbm>>
    tpu.enqueue_indirect_dma source(%dma_start3A_505 : memref<8192x128xf32, #tpu.memory_space<hbm>>) target(%arg6 : memref<128x128xf32, #tpu.memory_space<vmem>>) offsets(%arg5 : memref<128xi32, #tpu.memory_space<vmem>>) semaphore(%arg7 : memref<!tpu.dma_semaphore, #tpu.memory_space<semaphore_mem>>)
    %dma_wait3A_506 = arith.constant 0 : i32
    %dma_wait3A_507 = arith.constant 0 : i32
    %dma_wait3A_508 = tpu.memref_slice %arg2[%dma_wait3A_506, %dma_wait3A_507] : memref<8192x128xf32, #tpu.memory_space<hbm>> -> memref<8192x128xf32, #tpu.memory_space<hbm>>
    tpu.wait_indirect_dma semaphore(%arg7 : memref<!tpu.dma_semaphore, #tpu.memory_space<semaphore_mem>>) src(%dma_wait3A_508 : memref<8192x128xf32, #tpu.memory_space<hbm>>) dst(%arg6 : memref<128x128xf32, #tpu.memory_space<vmem>>)
    "tpu.region"() ({
      %run_scoped3A = tpu.sem_alloc : memref<!tpu.dma_semaphore, #tpu.memory_space<semaphore_mem>>
      %dma_start3A_639 = arith.constant 0 : i32
      %dma_start3A_640 = tpu.memref_slice %arg4[%add3A_502, %dma_start3A_639] : memref<262144x128xf32, #tpu.memory_space<hbm>> -> memref<128x128xf32, #tpu.memory_space<hbm>>
      %dma_start3A_641 = arith.constant 0 : i32
      %dma_start3A_642 = tpu.memref_slice %arg4[%add3A_502, %dma_start3A_641] : memref<262144x128xf32, #tpu.memory_space<hbm>> -> memref<128x128xf32, #tpu.memory_space<hbm>>
      tpu.enqueue_dma source(%arg6 : memref<128x128xf32, #tpu.memory_space<vmem>>) target(%dma_start3A_642 : memref<128x128xf32, #tpu.memory_space<hbm>>) target_semaphore(%run_scoped3A : memref<!tpu.dma_semaphore, #tpu.memory_space<semaphore_mem>>)
      %dma_wait3A_643 = arith.constant 0 : i32
      %dma_wait3A_644 = tpu.memref_slice %arg4[%add3A_502, %dma_wait3A_643] : memref<262144x128xf32, #tpu.memory_space<hbm>> -> memref<128x128xf32, #tpu.memory_space<hbm>>
      %dma_wait3A_645 = arith.constant 0 : i32
      %dma_wait3A_646 = tpu.memref_slice %arg4[%add3A_502, %dma_wait3A_645] : memref<262144x128xf32, #tpu.memory_space<hbm>> -> memref<128x128xf32, #tpu.memory_space<hbm>>
      tpu.wait_dma2 semaphore(%run_scoped3A : memref<!tpu.dma_semaphore, #tpu.memory_space<semaphore_mem>>) src(%arg6 : memref<128x128xf32, #tpu.memory_space<vmem>>) dst(%dma_wait3A_646 : memref<128x128xf32, #tpu.memory_space<hbm>>)
      tpu.yield
    }) : () -> ()
    %mul3A_509 = arith.constant 8192 : i32
    %mul3A_510 = arith.muli %add3A, %mul3A_509 : i32
    %add3A_511 = arith.constant 6528 : i32
    %add3A_512 = arith.addi %mul3A_510, %add3A_511 : i32
    "tpu.region"() ({
      %run_scoped3A = tpu.sem_alloc : memref<!tpu.dma_semaphore, #tpu.memory_space<semaphore_mem>>
      %dma_start3A_639 = tpu.memref_slice %arg3[%add3A_512] : memref<262144xi32, #tpu.memory_space<hbm>> -> memref<128xi32, #tpu.memory_space<hbm>>
      %dma_start3A_640 = tpu.memref_slice %arg3[%add3A_512] : memref<262144xi32, #tpu.memory_space<hbm>> -> memref<128xi32, #tpu.memory_space<hbm>>
      tpu.enqueue_dma source(%dma_start3A_640 : memref<128xi32, #tpu.memory_space<hbm>>) target(%arg5 : memref<128xi32, #tpu.memory_space<vmem>>) target_semaphore(%run_scoped3A : memref<!tpu.dma_semaphore, #tpu.memory_space<semaphore_mem>>)
      %dma_wait3A_641 = tpu.memref_slice %arg3[%add3A_512] : memref<262144xi32, #tpu.memory_space<hbm>> -> memref<128xi32, #tpu.memory_space<hbm>>
      %dma_wait3A_642 = tpu.memref_slice %arg3[%add3A_512] : memref<262144xi32, #tpu.memory_space<hbm>> -> memref<128xi32, #tpu.memory_space<hbm>>
      tpu.wait_dma2 semaphore(%run_scoped3A : memref<!tpu.dma_semaphore, #tpu.memory_space<semaphore_mem>>) src(%dma_wait3A_642 : memref<128xi32, #tpu.memory_space<hbm>>) dst(%arg5 : memref<128xi32, #tpu.memory_space<vmem>>)
      tpu.yield
    }) : () -> ()
    %dma_start3A_513 = arith.constant 0 : i32
    %dma_start3A_514 = arith.constant 0 : i32
    %dma_start3A_515 = tpu.memref_slice %arg2[%dma_start3A_513, %dma_start3A_514] : memref<8192x128xf32, #tpu.memory_space<hbm>> -> memref<8192x128xf32, #tpu.memory_space<hbm>>
    tpu.enqueue_indirect_dma source(%dma_start3A_515 : memref<8192x128xf32, #tpu.memory_space<hbm>>) target(%arg6 : memref<128x128xf32, #tpu.memory_space<vmem>>) offsets(%arg5 : memref<128xi32, #tpu.memory_space<vmem>>) semaphore(%arg7 : memref<!tpu.dma_semaphore, #tpu.memory_space<semaphore_mem>>)
    %dma_wait3A_516 = arith.constant 0 : i32
    %dma_wait3A_517 = arith.constant 0 : i32
    %dma_wait3A_518 = tpu.memref_slice %arg2[%dma_wait3A_516, %dma_wait3A_517] : memref<8192x128xf32, #tpu.memory_space<hbm>> -> memref<8192x128xf32, #tpu.memory_space<hbm>>
    tpu.wait_indirect_dma semaphore(%arg7 : memref<!tpu.dma_semaphore, #tpu.memory_space<semaphore_mem>>) src(%dma_wait3A_518 : memref<8192x128xf32, #tpu.memory_space<hbm>>) dst(%arg6 : memref<128x128xf32, #tpu.memory_space<vmem>>)
    "tpu.region"() ({
      %run_scoped3A = tpu.sem_alloc : memref<!tpu.dma_semaphore, #tpu.memory_space<semaphore_mem>>
      %dma_start3A_639 = arith.constant 0 : i32
      %dma_start3A_640 = tpu.memref_slice %arg4[%add3A_512, %dma_start3A_639] : memref<262144x128xf32, #tpu.memory_space<hbm>> -> memref<128x128xf32, #tpu.memory_space<hbm>>
      %dma_start3A_641 = arith.constant 0 : i32
      %dma_start3A_642 = tpu.memref_slice %arg4[%add3A_512, %dma_start3A_641] : memref<262144x128xf32, #tpu.memory_space<hbm>> -> memref<128x128xf32, #tpu.memory_space<hbm>>
      tpu.enqueue_dma source(%arg6 : memref<128x128xf32, #tpu.memory_space<vmem>>) target(%dma_start3A_642 : memref<128x128xf32, #tpu.memory_space<hbm>>) target_semaphore(%run_scoped3A : memref<!tpu.dma_semaphore, #tpu.memory_space<semaphore_mem>>)
      %dma_wait3A_643 = arith.constant 0 : i32
      %dma_wait3A_644 = tpu.memref_slice %arg4[%add3A_512, %dma_wait3A_643] : memref<262144x128xf32, #tpu.memory_space<hbm>> -> memref<128x128xf32, #tpu.memory_space<hbm>>
      %dma_wait3A_645 = arith.constant 0 : i32
      %dma_wait3A_646 = tpu.memref_slice %arg4[%add3A_512, %dma_wait3A_645] : memref<262144x128xf32, #tpu.memory_space<hbm>> -> memref<128x128xf32, #tpu.memory_space<hbm>>
      tpu.wait_dma2 semaphore(%run_scoped3A : memref<!tpu.dma_semaphore, #tpu.memory_space<semaphore_mem>>) src(%arg6 : memref<128x128xf32, #tpu.memory_space<vmem>>) dst(%dma_wait3A_646 : memref<128x128xf32, #tpu.memory_space<hbm>>)
      tpu.yield
    }) : () -> ()
    %mul3A_519 = arith.constant 8192 : i32
    %mul3A_520 = arith.muli %add3A, %mul3A_519 : i32
    %add3A_521 = arith.constant 6656 : i32
    %add3A_522 = arith.addi %mul3A_520, %add3A_521 : i32
    "tpu.region"() ({
      %run_scoped3A = tpu.sem_alloc : memref<!tpu.dma_semaphore, #tpu.memory_space<semaphore_mem>>
      %dma_start3A_639 = tpu.memref_slice %arg3[%add3A_522] : memref<262144xi32, #tpu.memory_space<hbm>> -> memref<128xi32, #tpu.memory_space<hbm>>
      %dma_start3A_640 = tpu.memref_slice %arg3[%add3A_522] : memref<262144xi32, #tpu.memory_space<hbm>> -> memref<128xi32, #tpu.memory_space<hbm>>
      tpu.enqueue_dma source(%dma_start3A_640 : memref<128xi32, #tpu.memory_space<hbm>>) target(%arg5 : memref<128xi32, #tpu.memory_space<vmem>>) target_semaphore(%run_scoped3A : memref<!tpu.dma_semaphore, #tpu.memory_space<semaphore_mem>>)
      %dma_wait3A_641 = tpu.memref_slice %arg3[%add3A_522] : memref<262144xi32, #tpu.memory_space<hbm>> -> memref<128xi32, #tpu.memory_space<hbm>>
      %dma_wait3A_642 = tpu.memref_slice %arg3[%add3A_522] : memref<262144xi32, #tpu.memory_space<hbm>> -> memref<128xi32, #tpu.memory_space<hbm>>
      tpu.wait_dma2 semaphore(%run_scoped3A : memref<!tpu.dma_semaphore, #tpu.memory_space<semaphore_mem>>) src(%dma_wait3A_642 : memref<128xi32, #tpu.memory_space<hbm>>) dst(%arg5 : memref<128xi32, #tpu.memory_space<vmem>>)
      tpu.yield
    }) : () -> ()
    %dma_start3A_523 = arith.constant 0 : i32
    %dma_start3A_524 = arith.constant 0 : i32
    %dma_start3A_525 = tpu.memref_slice %arg2[%dma_start3A_523, %dma_start3A_524] : memref<8192x128xf32, #tpu.memory_space<hbm>> -> memref<8192x128xf32, #tpu.memory_space<hbm>>
    tpu.enqueue_indirect_dma source(%dma_start3A_525 : memref<8192x128xf32, #tpu.memory_space<hbm>>) target(%arg6 : memref<128x128xf32, #tpu.memory_space<vmem>>) offsets(%arg5 : memref<128xi32, #tpu.memory_space<vmem>>) semaphore(%arg7 : memref<!tpu.dma_semaphore, #tpu.memory_space<semaphore_mem>>)
    %dma_wait3A_526 = arith.constant 0 : i32
    %dma_wait3A_527 = arith.constant 0 : i32
    %dma_wait3A_528 = tpu.memref_slice %arg2[%dma_wait3A_526, %dma_wait3A_527] : memref<8192x128xf32, #tpu.memory_space<hbm>> -> memref<8192x128xf32, #tpu.memory_space<hbm>>
    tpu.wait_indirect_dma semaphore(%arg7 : memref<!tpu.dma_semaphore, #tpu.memory_space<semaphore_mem>>) src(%dma_wait3A_528 : memref<8192x128xf32, #tpu.memory_space<hbm>>) dst(%arg6 : memref<128x128xf32, #tpu.memory_space<vmem>>)
    "tpu.region"() ({
      %run_scoped3A = tpu.sem_alloc : memref<!tpu.dma_semaphore, #tpu.memory_space<semaphore_mem>>
      %dma_start3A_639 = arith.constant 0 : i32
      %dma_start3A_640 = tpu.memref_slice %arg4[%add3A_522, %dma_start3A_639] : memref<262144x128xf32, #tpu.memory_space<hbm>> -> memref<128x128xf32, #tpu.memory_space<hbm>>
      %dma_start3A_641 = arith.constant 0 : i32
      %dma_start3A_642 = tpu.memref_slice %arg4[%add3A_522, %dma_start3A_641] : memref<262144x128xf32, #tpu.memory_space<hbm>> -> memref<128x128xf32, #tpu.memory_space<hbm>>
      tpu.enqueue_dma source(%arg6 : memref<128x128xf32, #tpu.memory_space<vmem>>) target(%dma_start3A_642 : memref<128x128xf32, #tpu.memory_space<hbm>>) target_semaphore(%run_scoped3A : memref<!tpu.dma_semaphore, #tpu.memory_space<semaphore_mem>>)
      %dma_wait3A_643 = arith.constant 0 : i32
      %dma_wait3A_644 = tpu.memref_slice %arg4[%add3A_522, %dma_wait3A_643] : memref<262144x128xf32, #tpu.memory_space<hbm>> -> memref<128x128xf32, #tpu.memory_space<hbm>>
      %dma_wait3A_645 = arith.constant 0 : i32
      %dma_wait3A_646 = tpu.memref_slice %arg4[%add3A_522, %dma_wait3A_645] : memref<262144x128xf32, #tpu.memory_space<hbm>> -> memref<128x128xf32, #tpu.memory_space<hbm>>
      tpu.wait_dma2 semaphore(%run_scoped3A : memref<!tpu.dma_semaphore, #tpu.memory_space<semaphore_mem>>) src(%arg6 : memref<128x128xf32, #tpu.memory_space<vmem>>) dst(%dma_wait3A_646 : memref<128x128xf32, #tpu.memory_space<hbm>>)
      tpu.yield
    }) : () -> ()
    %mul3A_529 = arith.constant 8192 : i32
    %mul3A_530 = arith.muli %add3A, %mul3A_529 : i32
    %add3A_531 = arith.constant 6784 : i32
    %add3A_532 = arith.addi %mul3A_530, %add3A_531 : i32
    "tpu.region"() ({
      %run_scoped3A = tpu.sem_alloc : memref<!tpu.dma_semaphore, #tpu.memory_space<semaphore_mem>>
      %dma_start3A_639 = tpu.memref_slice %arg3[%add3A_532] : memref<262144xi32, #tpu.memory_space<hbm>> -> memref<128xi32, #tpu.memory_space<hbm>>
      %dma_start3A_640 = tpu.memref_slice %arg3[%add3A_532] : memref<262144xi32, #tpu.memory_space<hbm>> -> memref<128xi32, #tpu.memory_space<hbm>>
      tpu.enqueue_dma source(%dma_start3A_640 : memref<128xi32, #tpu.memory_space<hbm>>) target(%arg5 : memref<128xi32, #tpu.memory_space<vmem>>) target_semaphore(%run_scoped3A : memref<!tpu.dma_semaphore, #tpu.memory_space<semaphore_mem>>)
      %dma_wait3A_641 = tpu.memref_slice %arg3[%add3A_532] : memref<262144xi32, #tpu.memory_space<hbm>> -> memref<128xi32, #tpu.memory_space<hbm>>
      %dma_wait3A_642 = tpu.memref_slice %arg3[%add3A_532] : memref<262144xi32, #tpu.memory_space<hbm>> -> memref<128xi32, #tpu.memory_space<hbm>>
      tpu.wait_dma2 semaphore(%run_scoped3A : memref<!tpu.dma_semaphore, #tpu.memory_space<semaphore_mem>>) src(%dma_wait3A_642 : memref<128xi32, #tpu.memory_space<hbm>>) dst(%arg5 : memref<128xi32, #tpu.memory_space<vmem>>)
      tpu.yield
    }) : () -> ()
    %dma_start3A_533 = arith.constant 0 : i32
    %dma_start3A_534 = arith.constant 0 : i32
    %dma_start3A_535 = tpu.memref_slice %arg2[%dma_start3A_533, %dma_start3A_534] : memref<8192x128xf32, #tpu.memory_space<hbm>> -> memref<8192x128xf32, #tpu.memory_space<hbm>>
    tpu.enqueue_indirect_dma source(%dma_start3A_535 : memref<8192x128xf32, #tpu.memory_space<hbm>>) target(%arg6 : memref<128x128xf32, #tpu.memory_space<vmem>>) offsets(%arg5 : memref<128xi32, #tpu.memory_space<vmem>>) semaphore(%arg7 : memref<!tpu.dma_semaphore, #tpu.memory_space<semaphore_mem>>)
    %dma_wait3A_536 = arith.constant 0 : i32
    %dma_wait3A_537 = arith.constant 0 : i32
    %dma_wait3A_538 = tpu.memref_slice %arg2[%dma_wait3A_536, %dma_wait3A_537] : memref<8192x128xf32, #tpu.memory_space<hbm>> -> memref<8192x128xf32, #tpu.memory_space<hbm>>
    tpu.wait_indirect_dma semaphore(%arg7 : memref<!tpu.dma_semaphore, #tpu.memory_space<semaphore_mem>>) src(%dma_wait3A_538 : memref<8192x128xf32, #tpu.memory_space<hbm>>) dst(%arg6 : memref<128x128xf32, #tpu.memory_space<vmem>>)
    "tpu.region"() ({
      %run_scoped3A = tpu.sem_alloc : memref<!tpu.dma_semaphore, #tpu.memory_space<semaphore_mem>>
      %dma_start3A_639 = arith.constant 0 : i32
      %dma_start3A_640 = tpu.memref_slice %arg4[%add3A_532, %dma_start3A_639] : memref<262144x128xf32, #tpu.memory_space<hbm>> -> memref<128x128xf32, #tpu.memory_space<hbm>>
      %dma_start3A_641 = arith.constant 0 : i32
      %dma_start3A_642 = tpu.memref_slice %arg4[%add3A_532, %dma_start3A_641] : memref<262144x128xf32, #tpu.memory_space<hbm>> -> memref<128x128xf32, #tpu.memory_space<hbm>>
      tpu.enqueue_dma source(%arg6 : memref<128x128xf32, #tpu.memory_space<vmem>>) target(%dma_start3A_642 : memref<128x128xf32, #tpu.memory_space<hbm>>) target_semaphore(%run_scoped3A : memref<!tpu.dma_semaphore, #tpu.memory_space<semaphore_mem>>)
      %dma_wait3A_643 = arith.constant 0 : i32
      %dma_wait3A_644 = tpu.memref_slice %arg4[%add3A_532, %dma_wait3A_643] : memref<262144x128xf32, #tpu.memory_space<hbm>> -> memref<128x128xf32, #tpu.memory_space<hbm>>
      %dma_wait3A_645 = arith.constant 0 : i32
      %dma_wait3A_646 = tpu.memref_slice %arg4[%add3A_532, %dma_wait3A_645] : memref<262144x128xf32, #tpu.memory_space<hbm>> -> memref<128x128xf32, #tpu.memory_space<hbm>>
      tpu.wait_dma2 semaphore(%run_scoped3A : memref<!tpu.dma_semaphore, #tpu.memory_space<semaphore_mem>>) src(%arg6 : memref<128x128xf32, #tpu.memory_space<vmem>>) dst(%dma_wait3A_646 : memref<128x128xf32, #tpu.memory_space<hbm>>)
      tpu.yield
    }) : () -> ()
    %mul3A_539 = arith.constant 8192 : i32
    %mul3A_540 = arith.muli %add3A, %mul3A_539 : i32
    %add3A_541 = arith.constant 6912 : i32
    %add3A_542 = arith.addi %mul3A_540, %add3A_541 : i32
    "tpu.region"() ({
      %run_scoped3A = tpu.sem_alloc : memref<!tpu.dma_semaphore, #tpu.memory_space<semaphore_mem>>
      %dma_start3A_639 = tpu.memref_slice %arg3[%add3A_542] : memref<262144xi32, #tpu.memory_space<hbm>> -> memref<128xi32, #tpu.memory_space<hbm>>
      %dma_start3A_640 = tpu.memref_slice %arg3[%add3A_542] : memref<262144xi32, #tpu.memory_space<hbm>> -> memref<128xi32, #tpu.memory_space<hbm>>
      tpu.enqueue_dma source(%dma_start3A_640 : memref<128xi32, #tpu.memory_space<hbm>>) target(%arg5 : memref<128xi32, #tpu.memory_space<vmem>>) target_semaphore(%run_scoped3A : memref<!tpu.dma_semaphore, #tpu.memory_space<semaphore_mem>>)
      %dma_wait3A_641 = tpu.memref_slice %arg3[%add3A_542] : memref<262144xi32, #tpu.memory_space<hbm>> -> memref<128xi32, #tpu.memory_space<hbm>>
      %dma_wait3A_642 = tpu.memref_slice %arg3[%add3A_542] : memref<262144xi32, #tpu.memory_space<hbm>> -> memref<128xi32, #tpu.memory_space<hbm>>
      tpu.wait_dma2 semaphore(%run_scoped3A : memref<!tpu.dma_semaphore, #tpu.memory_space<semaphore_mem>>) src(%dma_wait3A_642 : memref<128xi32, #tpu.memory_space<hbm>>) dst(%arg5 : memref<128xi32, #tpu.memory_space<vmem>>)
      tpu.yield
    }) : () -> ()
    %dma_start3A_543 = arith.constant 0 : i32
    %dma_start3A_544 = arith.constant 0 : i32
    %dma_start3A_545 = tpu.memref_slice %arg2[%dma_start3A_543, %dma_start3A_544] : memref<8192x128xf32, #tpu.memory_space<hbm>> -> memref<8192x128xf32, #tpu.memory_space<hbm>>
    tpu.enqueue_indirect_dma source(%dma_start3A_545 : memref<8192x128xf32, #tpu.memory_space<hbm>>) target(%arg6 : memref<128x128xf32, #tpu.memory_space<vmem>>) offsets(%arg5 : memref<128xi32, #tpu.memory_space<vmem>>) semaphore(%arg7 : memref<!tpu.dma_semaphore, #tpu.memory_space<semaphore_mem>>)
    %dma_wait3A_546 = arith.constant 0 : i32
    %dma_wait3A_547 = arith.constant 0 : i32
    %dma_wait3A_548 = tpu.memref_slice %arg2[%dma_wait3A_546, %dma_wait3A_547] : memref<8192x128xf32, #tpu.memory_space<hbm>> -> memref<8192x128xf32, #tpu.memory_space<hbm>>
    tpu.wait_indirect_dma semaphore(%arg7 : memref<!tpu.dma_semaphore, #tpu.memory_space<semaphore_mem>>) src(%dma_wait3A_548 : memref<8192x128xf32, #tpu.memory_space<hbm>>) dst(%arg6 : memref<128x128xf32, #tpu.memory_space<vmem>>)
    "tpu.region"() ({
      %run_scoped3A = tpu.sem_alloc : memref<!tpu.dma_semaphore, #tpu.memory_space<semaphore_mem>>
      %dma_start3A_639 = arith.constant 0 : i32
      %dma_start3A_640 = tpu.memref_slice %arg4[%add3A_542, %dma_start3A_639] : memref<262144x128xf32, #tpu.memory_space<hbm>> -> memref<128x128xf32, #tpu.memory_space<hbm>>
      %dma_start3A_641 = arith.constant 0 : i32
      %dma_start3A_642 = tpu.memref_slice %arg4[%add3A_542, %dma_start3A_641] : memref<262144x128xf32, #tpu.memory_space<hbm>> -> memref<128x128xf32, #tpu.memory_space<hbm>>
      tpu.enqueue_dma source(%arg6 : memref<128x128xf32, #tpu.memory_space<vmem>>) target(%dma_start3A_642 : memref<128x128xf32, #tpu.memory_space<hbm>>) target_semaphore(%run_scoped3A : memref<!tpu.dma_semaphore, #tpu.memory_space<semaphore_mem>>)
      %dma_wait3A_643 = arith.constant 0 : i32
      %dma_wait3A_644 = tpu.memref_slice %arg4[%add3A_542, %dma_wait3A_643] : memref<262144x128xf32, #tpu.memory_space<hbm>> -> memref<128x128xf32, #tpu.memory_space<hbm>>
      %dma_wait3A_645 = arith.constant 0 : i32
      %dma_wait3A_646 = tpu.memref_slice %arg4[%add3A_542, %dma_wait3A_645] : memref<262144x128xf32, #tpu.memory_space<hbm>> -> memref<128x128xf32, #tpu.memory_space<hbm>>
      tpu.wait_dma2 semaphore(%run_scoped3A : memref<!tpu.dma_semaphore, #tpu.memory_space<semaphore_mem>>) src(%arg6 : memref<128x128xf32, #tpu.memory_space<vmem>>) dst(%dma_wait3A_646 : memref<128x128xf32, #tpu.memory_space<hbm>>)
      tpu.yield
    }) : () -> ()
    %mul3A_549 = arith.constant 8192 : i32
    %mul3A_550 = arith.muli %add3A, %mul3A_549 : i32
    %add3A_551 = arith.constant 7040 : i32
    %add3A_552 = arith.addi %mul3A_550, %add3A_551 : i32
    "tpu.region"() ({
      %run_scoped3A = tpu.sem_alloc : memref<!tpu.dma_semaphore, #tpu.memory_space<semaphore_mem>>
      %dma_start3A_639 = tpu.memref_slice %arg3[%add3A_552] : memref<262144xi32, #tpu.memory_space<hbm>> -> memref<128xi32, #tpu.memory_space<hbm>>
      %dma_start3A_640 = tpu.memref_slice %arg3[%add3A_552] : memref<262144xi32, #tpu.memory_space<hbm>> -> memref<128xi32, #tpu.memory_space<hbm>>
      tpu.enqueue_dma source(%dma_start3A_640 : memref<128xi32, #tpu.memory_space<hbm>>) target(%arg5 : memref<128xi32, #tpu.memory_space<vmem>>) target_semaphore(%run_scoped3A : memref<!tpu.dma_semaphore, #tpu.memory_space<semaphore_mem>>)
      %dma_wait3A_641 = tpu.memref_slice %arg3[%add3A_552] : memref<262144xi32, #tpu.memory_space<hbm>> -> memref<128xi32, #tpu.memory_space<hbm>>
      %dma_wait3A_642 = tpu.memref_slice %arg3[%add3A_552] : memref<262144xi32, #tpu.memory_space<hbm>> -> memref<128xi32, #tpu.memory_space<hbm>>
      tpu.wait_dma2 semaphore(%run_scoped3A : memref<!tpu.dma_semaphore, #tpu.memory_space<semaphore_mem>>) src(%dma_wait3A_642 : memref<128xi32, #tpu.memory_space<hbm>>) dst(%arg5 : memref<128xi32, #tpu.memory_space<vmem>>)
      tpu.yield
    }) : () -> ()
    %dma_start3A_553 = arith.constant 0 : i32
    %dma_start3A_554 = arith.constant 0 : i32
    %dma_start3A_555 = tpu.memref_slice %arg2[%dma_start3A_553, %dma_start3A_554] : memref<8192x128xf32, #tpu.memory_space<hbm>> -> memref<8192x128xf32, #tpu.memory_space<hbm>>
    tpu.enqueue_indirect_dma source(%dma_start3A_555 : memref<8192x128xf32, #tpu.memory_space<hbm>>) target(%arg6 : memref<128x128xf32, #tpu.memory_space<vmem>>) offsets(%arg5 : memref<128xi32, #tpu.memory_space<vmem>>) semaphore(%arg7 : memref<!tpu.dma_semaphore, #tpu.memory_space<semaphore_mem>>)
    %dma_wait3A_556 = arith.constant 0 : i32
    %dma_wait3A_557 = arith.constant 0 : i32
    %dma_wait3A_558 = tpu.memref_slice %arg2[%dma_wait3A_556, %dma_wait3A_557] : memref<8192x128xf32, #tpu.memory_space<hbm>> -> memref<8192x128xf32, #tpu.memory_space<hbm>>
    tpu.wait_indirect_dma semaphore(%arg7 : memref<!tpu.dma_semaphore, #tpu.memory_space<semaphore_mem>>) src(%dma_wait3A_558 : memref<8192x128xf32, #tpu.memory_space<hbm>>) dst(%arg6 : memref<128x128xf32, #tpu.memory_space<vmem>>)
    "tpu.region"() ({
      %run_scoped3A = tpu.sem_alloc : memref<!tpu.dma_semaphore, #tpu.memory_space<semaphore_mem>>
      %dma_start3A_639 = arith.constant 0 : i32
      %dma_start3A_640 = tpu.memref_slice %arg4[%add3A_552, %dma_start3A_639] : memref<262144x128xf32, #tpu.memory_space<hbm>> -> memref<128x128xf32, #tpu.memory_space<hbm>>
      %dma_start3A_641 = arith.constant 0 : i32
      %dma_start3A_642 = tpu.memref_slice %arg4[%add3A_552, %dma_start3A_641] : memref<262144x128xf32, #tpu.memory_space<hbm>> -> memref<128x128xf32, #tpu.memory_space<hbm>>
      tpu.enqueue_dma source(%arg6 : memref<128x128xf32, #tpu.memory_space<vmem>>) target(%dma_start3A_642 : memref<128x128xf32, #tpu.memory_space<hbm>>) target_semaphore(%run_scoped3A : memref<!tpu.dma_semaphore, #tpu.memory_space<semaphore_mem>>)
      %dma_wait3A_643 = arith.constant 0 : i32
      %dma_wait3A_644 = tpu.memref_slice %arg4[%add3A_552, %dma_wait3A_643] : memref<262144x128xf32, #tpu.memory_space<hbm>> -> memref<128x128xf32, #tpu.memory_space<hbm>>
      %dma_wait3A_645 = arith.constant 0 : i32
      %dma_wait3A_646 = tpu.memref_slice %arg4[%add3A_552, %dma_wait3A_645] : memref<262144x128xf32, #tpu.memory_space<hbm>> -> memref<128x128xf32, #tpu.memory_space<hbm>>
      tpu.wait_dma2 semaphore(%run_scoped3A : memref<!tpu.dma_semaphore, #tpu.memory_space<semaphore_mem>>) src(%arg6 : memref<128x128xf32, #tpu.memory_space<vmem>>) dst(%dma_wait3A_646 : memref<128x128xf32, #tpu.memory_space<hbm>>)
      tpu.yield
    }) : () -> ()
    %mul3A_559 = arith.constant 8192 : i32
    %mul3A_560 = arith.muli %add3A, %mul3A_559 : i32
    %add3A_561 = arith.constant 7168 : i32
    %add3A_562 = arith.addi %mul3A_560, %add3A_561 : i32
    "tpu.region"() ({
      %run_scoped3A = tpu.sem_alloc : memref<!tpu.dma_semaphore, #tpu.memory_space<semaphore_mem>>
      %dma_start3A_639 = tpu.memref_slice %arg3[%add3A_562] : memref<262144xi32, #tpu.memory_space<hbm>> -> memref<128xi32, #tpu.memory_space<hbm>>
      %dma_start3A_640 = tpu.memref_slice %arg3[%add3A_562] : memref<262144xi32, #tpu.memory_space<hbm>> -> memref<128xi32, #tpu.memory_space<hbm>>
      tpu.enqueue_dma source(%dma_start3A_640 : memref<128xi32, #tpu.memory_space<hbm>>) target(%arg5 : memref<128xi32, #tpu.memory_space<vmem>>) target_semaphore(%run_scoped3A : memref<!tpu.dma_semaphore, #tpu.memory_space<semaphore_mem>>)
      %dma_wait3A_641 = tpu.memref_slice %arg3[%add3A_562] : memref<262144xi32, #tpu.memory_space<hbm>> -> memref<128xi32, #tpu.memory_space<hbm>>
      %dma_wait3A_642 = tpu.memref_slice %arg3[%add3A_562] : memref<262144xi32, #tpu.memory_space<hbm>> -> memref<128xi32, #tpu.memory_space<hbm>>
      tpu.wait_dma2 semaphore(%run_scoped3A : memref<!tpu.dma_semaphore, #tpu.memory_space<semaphore_mem>>) src(%dma_wait3A_642 : memref<128xi32, #tpu.memory_space<hbm>>) dst(%arg5 : memref<128xi32, #tpu.memory_space<vmem>>)
      tpu.yield
    }) : () -> ()
    %dma_start3A_563 = arith.constant 0 : i32
    %dma_start3A_564 = arith.constant 0 : i32
    %dma_start3A_565 = tpu.memref_slice %arg2[%dma_start3A_563, %dma_start3A_564] : memref<8192x128xf32, #tpu.memory_space<hbm>> -> memref<8192x128xf32, #tpu.memory_space<hbm>>
    tpu.enqueue_indirect_dma source(%dma_start3A_565 : memref<8192x128xf32, #tpu.memory_space<hbm>>) target(%arg6 : memref<128x128xf32, #tpu.memory_space<vmem>>) offsets(%arg5 : memref<128xi32, #tpu.memory_space<vmem>>) semaphore(%arg7 : memref<!tpu.dma_semaphore, #tpu.memory_space<semaphore_mem>>)
    %dma_wait3A_566 = arith.constant 0 : i32
    %dma_wait3A_567 = arith.constant 0 : i32
    %dma_wait3A_568 = tpu.memref_slice %arg2[%dma_wait3A_566, %dma_wait3A_567] : memref<8192x128xf32, #tpu.memory_space<hbm>> -> memref<8192x128xf32, #tpu.memory_space<hbm>>
    tpu.wait_indirect_dma semaphore(%arg7 : memref<!tpu.dma_semaphore, #tpu.memory_space<semaphore_mem>>) src(%dma_wait3A_568 : memref<8192x128xf32, #tpu.memory_space<hbm>>) dst(%arg6 : memref<128x128xf32, #tpu.memory_space<vmem>>)
    "tpu.region"() ({
      %run_scoped3A = tpu.sem_alloc : memref<!tpu.dma_semaphore, #tpu.memory_space<semaphore_mem>>
      %dma_start3A_639 = arith.constant 0 : i32
      %dma_start3A_640 = tpu.memref_slice %arg4[%add3A_562, %dma_start3A_639] : memref<262144x128xf32, #tpu.memory_space<hbm>> -> memref<128x128xf32, #tpu.memory_space<hbm>>
      %dma_start3A_641 = arith.constant 0 : i32
      %dma_start3A_642 = tpu.memref_slice %arg4[%add3A_562, %dma_start3A_641] : memref<262144x128xf32, #tpu.memory_space<hbm>> -> memref<128x128xf32, #tpu.memory_space<hbm>>
      tpu.enqueue_dma source(%arg6 : memref<128x128xf32, #tpu.memory_space<vmem>>) target(%dma_start3A_642 : memref<128x128xf32, #tpu.memory_space<hbm>>) target_semaphore(%run_scoped3A : memref<!tpu.dma_semaphore, #tpu.memory_space<semaphore_mem>>)
      %dma_wait3A_643 = arith.constant 0 : i32
      %dma_wait3A_644 = tpu.memref_slice %arg4[%add3A_562, %dma_wait3A_643] : memref<262144x128xf32, #tpu.memory_space<hbm>> -> memref<128x128xf32, #tpu.memory_space<hbm>>
      %dma_wait3A_645 = arith.constant 0 : i32
      %dma_wait3A_646 = tpu.memref_slice %arg4[%add3A_562, %dma_wait3A_645] : memref<262144x128xf32, #tpu.memory_space<hbm>> -> memref<128x128xf32, #tpu.memory_space<hbm>>
      tpu.wait_dma2 semaphore(%run_scoped3A : memref<!tpu.dma_semaphore, #tpu.memory_space<semaphore_mem>>) src(%arg6 : memref<128x128xf32, #tpu.memory_space<vmem>>) dst(%dma_wait3A_646 : memref<128x128xf32, #tpu.memory_space<hbm>>)
      tpu.yield
    }) : () -> ()
    %mul3A_569 = arith.constant 8192 : i32
    %mul3A_570 = arith.muli %add3A, %mul3A_569 : i32
    %add3A_571 = arith.constant 7296 : i32
    %add3A_572 = arith.addi %mul3A_570, %add3A_571 : i32
    "tpu.region"() ({
      %run_scoped3A = tpu.sem_alloc : memref<!tpu.dma_semaphore, #tpu.memory_space<semaphore_mem>>
      %dma_start3A_639 = tpu.memref_slice %arg3[%add3A_572] : memref<262144xi32, #tpu.memory_space<hbm>> -> memref<128xi32, #tpu.memory_space<hbm>>
      %dma_start3A_640 = tpu.memref_slice %arg3[%add3A_572] : memref<262144xi32, #tpu.memory_space<hbm>> -> memref<128xi32, #tpu.memory_space<hbm>>
      tpu.enqueue_dma source(%dma_start3A_640 : memref<128xi32, #tpu.memory_space<hbm>>) target(%arg5 : memref<128xi32, #tpu.memory_space<vmem>>) target_semaphore(%run_scoped3A : memref<!tpu.dma_semaphore, #tpu.memory_space<semaphore_mem>>)
      %dma_wait3A_641 = tpu.memref_slice %arg3[%add3A_572] : memref<262144xi32, #tpu.memory_space<hbm>> -> memref<128xi32, #tpu.memory_space<hbm>>
      %dma_wait3A_642 = tpu.memref_slice %arg3[%add3A_572] : memref<262144xi32, #tpu.memory_space<hbm>> -> memref<128xi32, #tpu.memory_space<hbm>>
      tpu.wait_dma2 semaphore(%run_scoped3A : memref<!tpu.dma_semaphore, #tpu.memory_space<semaphore_mem>>) src(%dma_wait3A_642 : memref<128xi32, #tpu.memory_space<hbm>>) dst(%arg5 : memref<128xi32, #tpu.memory_space<vmem>>)
      tpu.yield
    }) : () -> ()
    %dma_start3A_573 = arith.constant 0 : i32
    %dma_start3A_574 = arith.constant 0 : i32
    %dma_start3A_575 = tpu.memref_slice %arg2[%dma_start3A_573, %dma_start3A_574] : memref<8192x128xf32, #tpu.memory_space<hbm>> -> memref<8192x128xf32, #tpu.memory_space<hbm>>
    tpu.enqueue_indirect_dma source(%dma_start3A_575 : memref<8192x128xf32, #tpu.memory_space<hbm>>) target(%arg6 : memref<128x128xf32, #tpu.memory_space<vmem>>) offsets(%arg5 : memref<128xi32, #tpu.memory_space<vmem>>) semaphore(%arg7 : memref<!tpu.dma_semaphore, #tpu.memory_space<semaphore_mem>>)
    %dma_wait3A_576 = arith.constant 0 : i32
    %dma_wait3A_577 = arith.constant 0 : i32
    %dma_wait3A_578 = tpu.memref_slice %arg2[%dma_wait3A_576, %dma_wait3A_577] : memref<8192x128xf32, #tpu.memory_space<hbm>> -> memref<8192x128xf32, #tpu.memory_space<hbm>>
    tpu.wait_indirect_dma semaphore(%arg7 : memref<!tpu.dma_semaphore, #tpu.memory_space<semaphore_mem>>) src(%dma_wait3A_578 : memref<8192x128xf32, #tpu.memory_space<hbm>>) dst(%arg6 : memref<128x128xf32, #tpu.memory_space<vmem>>)
    "tpu.region"() ({
      %run_scoped3A = tpu.sem_alloc : memref<!tpu.dma_semaphore, #tpu.memory_space<semaphore_mem>>
      %dma_start3A_639 = arith.constant 0 : i32
      %dma_start3A_640 = tpu.memref_slice %arg4[%add3A_572, %dma_start3A_639] : memref<262144x128xf32, #tpu.memory_space<hbm>> -> memref<128x128xf32, #tpu.memory_space<hbm>>
      %dma_start3A_641 = arith.constant 0 : i32
      %dma_start3A_642 = tpu.memref_slice %arg4[%add3A_572, %dma_start3A_641] : memref<262144x128xf32, #tpu.memory_space<hbm>> -> memref<128x128xf32, #tpu.memory_space<hbm>>
      tpu.enqueue_dma source(%arg6 : memref<128x128xf32, #tpu.memory_space<vmem>>) target(%dma_start3A_642 : memref<128x128xf32, #tpu.memory_space<hbm>>) target_semaphore(%run_scoped3A : memref<!tpu.dma_semaphore, #tpu.memory_space<semaphore_mem>>)
      %dma_wait3A_643 = arith.constant 0 : i32
      %dma_wait3A_644 = tpu.memref_slice %arg4[%add3A_572, %dma_wait3A_643] : memref<262144x128xf32, #tpu.memory_space<hbm>> -> memref<128x128xf32, #tpu.memory_space<hbm>>
      %dma_wait3A_645 = arith.constant 0 : i32
      %dma_wait3A_646 = tpu.memref_slice %arg4[%add3A_572, %dma_wait3A_645] : memref<262144x128xf32, #tpu.memory_space<hbm>> -> memref<128x128xf32, #tpu.memory_space<hbm>>
      tpu.wait_dma2 semaphore(%run_scoped3A : memref<!tpu.dma_semaphore, #tpu.memory_space<semaphore_mem>>) src(%arg6 : memref<128x128xf32, #tpu.memory_space<vmem>>) dst(%dma_wait3A_646 : memref<128x128xf32, #tpu.memory_space<hbm>>)
      tpu.yield
    }) : () -> ()
    %mul3A_579 = arith.constant 8192 : i32
    %mul3A_580 = arith.muli %add3A, %mul3A_579 : i32
    %add3A_581 = arith.constant 7424 : i32
    %add3A_582 = arith.addi %mul3A_580, %add3A_581 : i32
    "tpu.region"() ({
      %run_scoped3A = tpu.sem_alloc : memref<!tpu.dma_semaphore, #tpu.memory_space<semaphore_mem>>
      %dma_start3A_639 = tpu.memref_slice %arg3[%add3A_582] : memref<262144xi32, #tpu.memory_space<hbm>> -> memref<128xi32, #tpu.memory_space<hbm>>
      %dma_start3A_640 = tpu.memref_slice %arg3[%add3A_582] : memref<262144xi32, #tpu.memory_space<hbm>> -> memref<128xi32, #tpu.memory_space<hbm>>
      tpu.enqueue_dma source(%dma_start3A_640 : memref<128xi32, #tpu.memory_space<hbm>>) target(%arg5 : memref<128xi32, #tpu.memory_space<vmem>>) target_semaphore(%run_scoped3A : memref<!tpu.dma_semaphore, #tpu.memory_space<semaphore_mem>>)
      %dma_wait3A_641 = tpu.memref_slice %arg3[%add3A_582] : memref<262144xi32, #tpu.memory_space<hbm>> -> memref<128xi32, #tpu.memory_space<hbm>>
      %dma_wait3A_642 = tpu.memref_slice %arg3[%add3A_582] : memref<262144xi32, #tpu.memory_space<hbm>> -> memref<128xi32, #tpu.memory_space<hbm>>
      tpu.wait_dma2 semaphore(%run_scoped3A : memref<!tpu.dma_semaphore, #tpu.memory_space<semaphore_mem>>) src(%dma_wait3A_642 : memref<128xi32, #tpu.memory_space<hbm>>) dst(%arg5 : memref<128xi32, #tpu.memory_space<vmem>>)
      tpu.yield
    }) : () -> ()
    %dma_start3A_583 = arith.constant 0 : i32
    %dma_start3A_584 = arith.constant 0 : i32
    %dma_start3A_585 = tpu.memref_slice %arg2[%dma_start3A_583, %dma_start3A_584] : memref<8192x128xf32, #tpu.memory_space<hbm>> -> memref<8192x128xf32, #tpu.memory_space<hbm>>
    tpu.enqueue_indirect_dma source(%dma_start3A_585 : memref<8192x128xf32, #tpu.memory_space<hbm>>) target(%arg6 : memref<128x128xf32, #tpu.memory_space<vmem>>) offsets(%arg5 : memref<128xi32, #tpu.memory_space<vmem>>) semaphore(%arg7 : memref<!tpu.dma_semaphore, #tpu.memory_space<semaphore_mem>>)
    %dma_wait3A_586 = arith.constant 0 : i32
    %dma_wait3A_587 = arith.constant 0 : i32
    %dma_wait3A_588 = tpu.memref_slice %arg2[%dma_wait3A_586, %dma_wait3A_587] : memref<8192x128xf32, #tpu.memory_space<hbm>> -> memref<8192x128xf32, #tpu.memory_space<hbm>>
    tpu.wait_indirect_dma semaphore(%arg7 : memref<!tpu.dma_semaphore, #tpu.memory_space<semaphore_mem>>) src(%dma_wait3A_588 : memref<8192x128xf32, #tpu.memory_space<hbm>>) dst(%arg6 : memref<128x128xf32, #tpu.memory_space<vmem>>)
    "tpu.region"() ({
      %run_scoped3A = tpu.sem_alloc : memref<!tpu.dma_semaphore, #tpu.memory_space<semaphore_mem>>
      %dma_start3A_639 = arith.constant 0 : i32
      %dma_start3A_640 = tpu.memref_slice %arg4[%add3A_582, %dma_start3A_639] : memref<262144x128xf32, #tpu.memory_space<hbm>> -> memref<128x128xf32, #tpu.memory_space<hbm>>
      %dma_start3A_641 = arith.constant 0 : i32
      %dma_start3A_642 = tpu.memref_slice %arg4[%add3A_582, %dma_start3A_641] : memref<262144x128xf32, #tpu.memory_space<hbm>> -> memref<128x128xf32, #tpu.memory_space<hbm>>
      tpu.enqueue_dma source(%arg6 : memref<128x128xf32, #tpu.memory_space<vmem>>) target(%dma_start3A_642 : memref<128x128xf32, #tpu.memory_space<hbm>>) target_semaphore(%run_scoped3A : memref<!tpu.dma_semaphore, #tpu.memory_space<semaphore_mem>>)
      %dma_wait3A_643 = arith.constant 0 : i32
      %dma_wait3A_644 = tpu.memref_slice %arg4[%add3A_582, %dma_wait3A_643] : memref<262144x128xf32, #tpu.memory_space<hbm>> -> memref<128x128xf32, #tpu.memory_space<hbm>>
      %dma_wait3A_645 = arith.constant 0 : i32
      %dma_wait3A_646 = tpu.memref_slice %arg4[%add3A_582, %dma_wait3A_645] : memref<262144x128xf32, #tpu.memory_space<hbm>> -> memref<128x128xf32, #tpu.memory_space<hbm>>
      tpu.wait_dma2 semaphore(%run_scoped3A : memref<!tpu.dma_semaphore, #tpu.memory_space<semaphore_mem>>) src(%arg6 : memref<128x128xf32, #tpu.memory_space<vmem>>) dst(%dma_wait3A_646 : memref<128x128xf32, #tpu.memory_space<hbm>>)
      tpu.yield
    }) : () -> ()
    %mul3A_589 = arith.constant 8192 : i32
    %mul3A_590 = arith.muli %add3A, %mul3A_589 : i32
    %add3A_591 = arith.constant 7552 : i32
    %add3A_592 = arith.addi %mul3A_590, %add3A_591 : i32
    "tpu.region"() ({
      %run_scoped3A = tpu.sem_alloc : memref<!tpu.dma_semaphore, #tpu.memory_space<semaphore_mem>>
      %dma_start3A_639 = tpu.memref_slice %arg3[%add3A_592] : memref<262144xi32, #tpu.memory_space<hbm>> -> memref<128xi32, #tpu.memory_space<hbm>>
      %dma_start3A_640 = tpu.memref_slice %arg3[%add3A_592] : memref<262144xi32, #tpu.memory_space<hbm>> -> memref<128xi32, #tpu.memory_space<hbm>>
      tpu.enqueue_dma source(%dma_start3A_640 : memref<128xi32, #tpu.memory_space<hbm>>) target(%arg5 : memref<128xi32, #tpu.memory_space<vmem>>) target_semaphore(%run_scoped3A : memref<!tpu.dma_semaphore, #tpu.memory_space<semaphore_mem>>)
      %dma_wait3A_641 = tpu.memref_slice %arg3[%add3A_592] : memref<262144xi32, #tpu.memory_space<hbm>> -> memref<128xi32, #tpu.memory_space<hbm>>
      %dma_wait3A_642 = tpu.memref_slice %arg3[%add3A_592] : memref<262144xi32, #tpu.memory_space<hbm>> -> memref<128xi32, #tpu.memory_space<hbm>>
      tpu.wait_dma2 semaphore(%run_scoped3A : memref<!tpu.dma_semaphore, #tpu.memory_space<semaphore_mem>>) src(%dma_wait3A_642 : memref<128xi32, #tpu.memory_space<hbm>>) dst(%arg5 : memref<128xi32, #tpu.memory_space<vmem>>)
      tpu.yield
    }) : () -> ()
    %dma_start3A_593 = arith.constant 0 : i32
    %dma_start3A_594 = arith.constant 0 : i32
    %dma_start3A_595 = tpu.memref_slice %arg2[%dma_start3A_593, %dma_start3A_594] : memref<8192x128xf32, #tpu.memory_space<hbm>> -> memref<8192x128xf32, #tpu.memory_space<hbm>>
    tpu.enqueue_indirect_dma source(%dma_start3A_595 : memref<8192x128xf32, #tpu.memory_space<hbm>>) target(%arg6 : memref<128x128xf32, #tpu.memory_space<vmem>>) offsets(%arg5 : memref<128xi32, #tpu.memory_space<vmem>>) semaphore(%arg7 : memref<!tpu.dma_semaphore, #tpu.memory_space<semaphore_mem>>)
    %dma_wait3A_596 = arith.constant 0 : i32
    %dma_wait3A_597 = arith.constant 0 : i32
    %dma_wait3A_598 = tpu.memref_slice %arg2[%dma_wait3A_596, %dma_wait3A_597] : memref<8192x128xf32, #tpu.memory_space<hbm>> -> memref<8192x128xf32, #tpu.memory_space<hbm>>
    tpu.wait_indirect_dma semaphore(%arg7 : memref<!tpu.dma_semaphore, #tpu.memory_space<semaphore_mem>>) src(%dma_wait3A_598 : memref<8192x128xf32, #tpu.memory_space<hbm>>) dst(%arg6 : memref<128x128xf32, #tpu.memory_space<vmem>>)
    "tpu.region"() ({
      %run_scoped3A = tpu.sem_alloc : memref<!tpu.dma_semaphore, #tpu.memory_space<semaphore_mem>>
      %dma_start3A_639 = arith.constant 0 : i32
      %dma_start3A_640 = tpu.memref_slice %arg4[%add3A_592, %dma_start3A_639] : memref<262144x128xf32, #tpu.memory_space<hbm>> -> memref<128x128xf32, #tpu.memory_space<hbm>>
      %dma_start3A_641 = arith.constant 0 : i32
      %dma_start3A_642 = tpu.memref_slice %arg4[%add3A_592, %dma_start3A_641] : memref<262144x128xf32, #tpu.memory_space<hbm>> -> memref<128x128xf32, #tpu.memory_space<hbm>>
      tpu.enqueue_dma source(%arg6 : memref<128x128xf32, #tpu.memory_space<vmem>>) target(%dma_start3A_642 : memref<128x128xf32, #tpu.memory_space<hbm>>) target_semaphore(%run_scoped3A : memref<!tpu.dma_semaphore, #tpu.memory_space<semaphore_mem>>)
      %dma_wait3A_643 = arith.constant 0 : i32
      %dma_wait3A_644 = tpu.memref_slice %arg4[%add3A_592, %dma_wait3A_643] : memref<262144x128xf32, #tpu.memory_space<hbm>> -> memref<128x128xf32, #tpu.memory_space<hbm>>
      %dma_wait3A_645 = arith.constant 0 : i32
      %dma_wait3A_646 = tpu.memref_slice %arg4[%add3A_592, %dma_wait3A_645] : memref<262144x128xf32, #tpu.memory_space<hbm>> -> memref<128x128xf32, #tpu.memory_space<hbm>>
      tpu.wait_dma2 semaphore(%run_scoped3A : memref<!tpu.dma_semaphore, #tpu.memory_space<semaphore_mem>>) src(%arg6 : memref<128x128xf32, #tpu.memory_space<vmem>>) dst(%dma_wait3A_646 : memref<128x128xf32, #tpu.memory_space<hbm>>)
      tpu.yield
    }) : () -> ()
    %mul3A_599 = arith.constant 8192 : i32
    %mul3A_600 = arith.muli %add3A, %mul3A_599 : i32
    %add3A_601 = arith.constant 7680 : i32
    %add3A_602 = arith.addi %mul3A_600, %add3A_601 : i32
    "tpu.region"() ({
      %run_scoped3A = tpu.sem_alloc : memref<!tpu.dma_semaphore, #tpu.memory_space<semaphore_mem>>
      %dma_start3A_639 = tpu.memref_slice %arg3[%add3A_602] : memref<262144xi32, #tpu.memory_space<hbm>> -> memref<128xi32, #tpu.memory_space<hbm>>
      %dma_start3A_640 = tpu.memref_slice %arg3[%add3A_602] : memref<262144xi32, #tpu.memory_space<hbm>> -> memref<128xi32, #tpu.memory_space<hbm>>
      tpu.enqueue_dma source(%dma_start3A_640 : memref<128xi32, #tpu.memory_space<hbm>>) target(%arg5 : memref<128xi32, #tpu.memory_space<vmem>>) target_semaphore(%run_scoped3A : memref<!tpu.dma_semaphore, #tpu.memory_space<semaphore_mem>>)
      %dma_wait3A_641 = tpu.memref_slice %arg3[%add3A_602] : memref<262144xi32, #tpu.memory_space<hbm>> -> memref<128xi32, #tpu.memory_space<hbm>>
      %dma_wait3A_642 = tpu.memref_slice %arg3[%add3A_602] : memref<262144xi32, #tpu.memory_space<hbm>> -> memref<128xi32, #tpu.memory_space<hbm>>
      tpu.wait_dma2 semaphore(%run_scoped3A : memref<!tpu.dma_semaphore, #tpu.memory_space<semaphore_mem>>) src(%dma_wait3A_642 : memref<128xi32, #tpu.memory_space<hbm>>) dst(%arg5 : memref<128xi32, #tpu.memory_space<vmem>>)
      tpu.yield
    }) : () -> ()
    %dma_start3A_603 = arith.constant 0 : i32
    %dma_start3A_604 = arith.constant 0 : i32
    %dma_start3A_605 = tpu.memref_slice %arg2[%dma_start3A_603, %dma_start3A_604] : memref<8192x128xf32, #tpu.memory_space<hbm>> -> memref<8192x128xf32, #tpu.memory_space<hbm>>
    tpu.enqueue_indirect_dma source(%dma_start3A_605 : memref<8192x128xf32, #tpu.memory_space<hbm>>) target(%arg6 : memref<128x128xf32, #tpu.memory_space<vmem>>) offsets(%arg5 : memref<128xi32, #tpu.memory_space<vmem>>) semaphore(%arg7 : memref<!tpu.dma_semaphore, #tpu.memory_space<semaphore_mem>>)
    %dma_wait3A_606 = arith.constant 0 : i32
    %dma_wait3A_607 = arith.constant 0 : i32
    %dma_wait3A_608 = tpu.memref_slice %arg2[%dma_wait3A_606, %dma_wait3A_607] : memref<8192x128xf32, #tpu.memory_space<hbm>> -> memref<8192x128xf32, #tpu.memory_space<hbm>>
    tpu.wait_indirect_dma semaphore(%arg7 : memref<!tpu.dma_semaphore, #tpu.memory_space<semaphore_mem>>) src(%dma_wait3A_608 : memref<8192x128xf32, #tpu.memory_space<hbm>>) dst(%arg6 : memref<128x128xf32, #tpu.memory_space<vmem>>)
    "tpu.region"() ({
      %run_scoped3A = tpu.sem_alloc : memref<!tpu.dma_semaphore, #tpu.memory_space<semaphore_mem>>
      %dma_start3A_639 = arith.constant 0 : i32
      %dma_start3A_640 = tpu.memref_slice %arg4[%add3A_602, %dma_start3A_639] : memref<262144x128xf32, #tpu.memory_space<hbm>> -> memref<128x128xf32, #tpu.memory_space<hbm>>
      %dma_start3A_641 = arith.constant 0 : i32
      %dma_start3A_642 = tpu.memref_slice %arg4[%add3A_602, %dma_start3A_641] : memref<262144x128xf32, #tpu.memory_space<hbm>> -> memref<128x128xf32, #tpu.memory_space<hbm>>
      tpu.enqueue_dma source(%arg6 : memref<128x128xf32, #tpu.memory_space<vmem>>) target(%dma_start3A_642 : memref<128x128xf32, #tpu.memory_space<hbm>>) target_semaphore(%run_scoped3A : memref<!tpu.dma_semaphore, #tpu.memory_space<semaphore_mem>>)
      %dma_wait3A_643 = arith.constant 0 : i32
      %dma_wait3A_644 = tpu.memref_slice %arg4[%add3A_602, %dma_wait3A_643] : memref<262144x128xf32, #tpu.memory_space<hbm>> -> memref<128x128xf32, #tpu.memory_space<hbm>>
      %dma_wait3A_645 = arith.constant 0 : i32
      %dma_wait3A_646 = tpu.memref_slice %arg4[%add3A_602, %dma_wait3A_645] : memref<262144x128xf32, #tpu.memory_space<hbm>> -> memref<128x128xf32, #tpu.memory_space<hbm>>
      tpu.wait_dma2 semaphore(%run_scoped3A : memref<!tpu.dma_semaphore, #tpu.memory_space<semaphore_mem>>) src(%arg6 : memref<128x128xf32, #tpu.memory_space<vmem>>) dst(%dma_wait3A_646 : memref<128x128xf32, #tpu.memory_space<hbm>>)
      tpu.yield
    }) : () -> ()
    %mul3A_609 = arith.constant 8192 : i32
    %mul3A_610 = arith.muli %add3A, %mul3A_609 : i32
    %add3A_611 = arith.constant 7808 : i32
    %add3A_612 = arith.addi %mul3A_610, %add3A_611 : i32
    "tpu.region"() ({
      %run_scoped3A = tpu.sem_alloc : memref<!tpu.dma_semaphore, #tpu.memory_space<semaphore_mem>>
      %dma_start3A_639 = tpu.memref_slice %arg3[%add3A_612] : memref<262144xi32, #tpu.memory_space<hbm>> -> memref<128xi32, #tpu.memory_space<hbm>>
      %dma_start3A_640 = tpu.memref_slice %arg3[%add3A_612] : memref<262144xi32, #tpu.memory_space<hbm>> -> memref<128xi32, #tpu.memory_space<hbm>>
      tpu.enqueue_dma source(%dma_start3A_640 : memref<128xi32, #tpu.memory_space<hbm>>) target(%arg5 : memref<128xi32, #tpu.memory_space<vmem>>) target_semaphore(%run_scoped3A : memref<!tpu.dma_semaphore, #tpu.memory_space<semaphore_mem>>)
      %dma_wait3A_641 = tpu.memref_slice %arg3[%add3A_612] : memref<262144xi32, #tpu.memory_space<hbm>> -> memref<128xi32, #tpu.memory_space<hbm>>
      %dma_wait3A_642 = tpu.memref_slice %arg3[%add3A_612] : memref<262144xi32, #tpu.memory_space<hbm>> -> memref<128xi32, #tpu.memory_space<hbm>>
      tpu.wait_dma2 semaphore(%run_scoped3A : memref<!tpu.dma_semaphore, #tpu.memory_space<semaphore_mem>>) src(%dma_wait3A_642 : memref<128xi32, #tpu.memory_space<hbm>>) dst(%arg5 : memref<128xi32, #tpu.memory_space<vmem>>)
      tpu.yield
    }) : () -> ()
    %dma_start3A_613 = arith.constant 0 : i32
    %dma_start3A_614 = arith.constant 0 : i32
    %dma_start3A_615 = tpu.memref_slice %arg2[%dma_start3A_613, %dma_start3A_614] : memref<8192x128xf32, #tpu.memory_space<hbm>> -> memref<8192x128xf32, #tpu.memory_space<hbm>>
    tpu.enqueue_indirect_dma source(%dma_start3A_615 : memref<8192x128xf32, #tpu.memory_space<hbm>>) target(%arg6 : memref<128x128xf32, #tpu.memory_space<vmem>>) offsets(%arg5 : memref<128xi32, #tpu.memory_space<vmem>>) semaphore(%arg7 : memref<!tpu.dma_semaphore, #tpu.memory_space<semaphore_mem>>)
    %dma_wait3A_616 = arith.constant 0 : i32
    %dma_wait3A_617 = arith.constant 0 : i32
    %dma_wait3A_618 = tpu.memref_slice %arg2[%dma_wait3A_616, %dma_wait3A_617] : memref<8192x128xf32, #tpu.memory_space<hbm>> -> memref<8192x128xf32, #tpu.memory_space<hbm>>
    tpu.wait_indirect_dma semaphore(%arg7 : memref<!tpu.dma_semaphore, #tpu.memory_space<semaphore_mem>>) src(%dma_wait3A_618 : memref<8192x128xf32, #tpu.memory_space<hbm>>) dst(%arg6 : memref<128x128xf32, #tpu.memory_space<vmem>>)
    "tpu.region"() ({
      %run_scoped3A = tpu.sem_alloc : memref<!tpu.dma_semaphore, #tpu.memory_space<semaphore_mem>>
      %dma_start3A_639 = arith.constant 0 : i32
      %dma_start3A_640 = tpu.memref_slice %arg4[%add3A_612, %dma_start3A_639] : memref<262144x128xf32, #tpu.memory_space<hbm>> -> memref<128x128xf32, #tpu.memory_space<hbm>>
      %dma_start3A_641 = arith.constant 0 : i32
      %dma_start3A_642 = tpu.memref_slice %arg4[%add3A_612, %dma_start3A_641] : memref<262144x128xf32, #tpu.memory_space<hbm>> -> memref<128x128xf32, #tpu.memory_space<hbm>>
      tpu.enqueue_dma source(%arg6 : memref<128x128xf32, #tpu.memory_space<vmem>>) target(%dma_start3A_642 : memref<128x128xf32, #tpu.memory_space<hbm>>) target_semaphore(%run_scoped3A : memref<!tpu.dma_semaphore, #tpu.memory_space<semaphore_mem>>)
      %dma_wait3A_643 = arith.constant 0 : i32
      %dma_wait3A_644 = tpu.memref_slice %arg4[%add3A_612, %dma_wait3A_643] : memref<262144x128xf32, #tpu.memory_space<hbm>> -> memref<128x128xf32, #tpu.memory_space<hbm>>
      %dma_wait3A_645 = arith.constant 0 : i32
      %dma_wait3A_646 = tpu.memref_slice %arg4[%add3A_612, %dma_wait3A_645] : memref<262144x128xf32, #tpu.memory_space<hbm>> -> memref<128x128xf32, #tpu.memory_space<hbm>>
      tpu.wait_dma2 semaphore(%run_scoped3A : memref<!tpu.dma_semaphore, #tpu.memory_space<semaphore_mem>>) src(%arg6 : memref<128x128xf32, #tpu.memory_space<vmem>>) dst(%dma_wait3A_646 : memref<128x128xf32, #tpu.memory_space<hbm>>)
      tpu.yield
    }) : () -> ()
    %mul3A_619 = arith.constant 8192 : i32
    %mul3A_620 = arith.muli %add3A, %mul3A_619 : i32
    %add3A_621 = arith.constant 7936 : i32
    %add3A_622 = arith.addi %mul3A_620, %add3A_621 : i32
    "tpu.region"() ({
      %run_scoped3A = tpu.sem_alloc : memref<!tpu.dma_semaphore, #tpu.memory_space<semaphore_mem>>
      %dma_start3A_639 = tpu.memref_slice %arg3[%add3A_622] : memref<262144xi32, #tpu.memory_space<hbm>> -> memref<128xi32, #tpu.memory_space<hbm>>
      %dma_start3A_640 = tpu.memref_slice %arg3[%add3A_622] : memref<262144xi32, #tpu.memory_space<hbm>> -> memref<128xi32, #tpu.memory_space<hbm>>
      tpu.enqueue_dma source(%dma_start3A_640 : memref<128xi32, #tpu.memory_space<hbm>>) target(%arg5 : memref<128xi32, #tpu.memory_space<vmem>>) target_semaphore(%run_scoped3A : memref<!tpu.dma_semaphore, #tpu.memory_space<semaphore_mem>>)
      %dma_wait3A_641 = tpu.memref_slice %arg3[%add3A_622] : memref<262144xi32, #tpu.memory_space<hbm>> -> memref<128xi32, #tpu.memory_space<hbm>>
      %dma_wait3A_642 = tpu.memref_slice %arg3[%add3A_622] : memref<262144xi32, #tpu.memory_space<hbm>> -> memref<128xi32, #tpu.memory_space<hbm>>
      tpu.wait_dma2 semaphore(%run_scoped3A : memref<!tpu.dma_semaphore, #tpu.memory_space<semaphore_mem>>) src(%dma_wait3A_642 : memref<128xi32, #tpu.memory_space<hbm>>) dst(%arg5 : memref<128xi32, #tpu.memory_space<vmem>>)
      tpu.yield
    }) : () -> ()
    %dma_start3A_623 = arith.constant 0 : i32
    %dma_start3A_624 = arith.constant 0 : i32
    %dma_start3A_625 = tpu.memref_slice %arg2[%dma_start3A_623, %dma_start3A_624] : memref<8192x128xf32, #tpu.memory_space<hbm>> -> memref<8192x128xf32, #tpu.memory_space<hbm>>
    tpu.enqueue_indirect_dma source(%dma_start3A_625 : memref<8192x128xf32, #tpu.memory_space<hbm>>) target(%arg6 : memref<128x128xf32, #tpu.memory_space<vmem>>) offsets(%arg5 : memref<128xi32, #tpu.memory_space<vmem>>) semaphore(%arg7 : memref<!tpu.dma_semaphore, #tpu.memory_space<semaphore_mem>>)
    %dma_wait3A_626 = arith.constant 0 : i32
    %dma_wait3A_627 = arith.constant 0 : i32
    %dma_wait3A_628 = tpu.memref_slice %arg2[%dma_wait3A_626, %dma_wait3A_627] : memref<8192x128xf32, #tpu.memory_space<hbm>> -> memref<8192x128xf32, #tpu.memory_space<hbm>>
    tpu.wait_indirect_dma semaphore(%arg7 : memref<!tpu.dma_semaphore, #tpu.memory_space<semaphore_mem>>) src(%dma_wait3A_628 : memref<8192x128xf32, #tpu.memory_space<hbm>>) dst(%arg6 : memref<128x128xf32, #tpu.memory_space<vmem>>)
    "tpu.region"() ({
      %run_scoped3A = tpu.sem_alloc : memref<!tpu.dma_semaphore, #tpu.memory_space<semaphore_mem>>
      %dma_start3A_639 = arith.constant 0 : i32
      %dma_start3A_640 = tpu.memref_slice %arg4[%add3A_622, %dma_start3A_639] : memref<262144x128xf32, #tpu.memory_space<hbm>> -> memref<128x128xf32, #tpu.memory_space<hbm>>
      %dma_start3A_641 = arith.constant 0 : i32
      %dma_start3A_642 = tpu.memref_slice %arg4[%add3A_622, %dma_start3A_641] : memref<262144x128xf32, #tpu.memory_space<hbm>> -> memref<128x128xf32, #tpu.memory_space<hbm>>
      tpu.enqueue_dma source(%arg6 : memref<128x128xf32, #tpu.memory_space<vmem>>) target(%dma_start3A_642 : memref<128x128xf32, #tpu.memory_space<hbm>>) target_semaphore(%run_scoped3A : memref<!tpu.dma_semaphore, #tpu.memory_space<semaphore_mem>>)
      %dma_wait3A_643 = arith.constant 0 : i32
      %dma_wait3A_644 = tpu.memref_slice %arg4[%add3A_622, %dma_wait3A_643] : memref<262144x128xf32, #tpu.memory_space<hbm>> -> memref<128x128xf32, #tpu.memory_space<hbm>>
      %dma_wait3A_645 = arith.constant 0 : i32
      %dma_wait3A_646 = tpu.memref_slice %arg4[%add3A_622, %dma_wait3A_645] : memref<262144x128xf32, #tpu.memory_space<hbm>> -> memref<128x128xf32, #tpu.memory_space<hbm>>
      tpu.wait_dma2 semaphore(%run_scoped3A : memref<!tpu.dma_semaphore, #tpu.memory_space<semaphore_mem>>) src(%arg6 : memref<128x128xf32, #tpu.memory_space<vmem>>) dst(%dma_wait3A_646 : memref<128x128xf32, #tpu.memory_space<hbm>>)
      tpu.yield
    }) : () -> ()
    %mul3A_629 = arith.constant 8192 : i32
    %mul3A_630 = arith.muli %add3A, %mul3A_629 : i32
    %add3A_631 = arith.constant 8064 : i32
    %add3A_632 = arith.addi %mul3A_630, %add3A_631 : i32
    "tpu.region"() ({
      %run_scoped3A = tpu.sem_alloc : memref<!tpu.dma_semaphore, #tpu.memory_space<semaphore_mem>>
      %dma_start3A_639 = tpu.memref_slice %arg3[%add3A_632] : memref<262144xi32, #tpu.memory_space<hbm>> -> memref<128xi32, #tpu.memory_space<hbm>>
      %dma_start3A_640 = tpu.memref_slice %arg3[%add3A_632] : memref<262144xi32, #tpu.memory_space<hbm>> -> memref<128xi32, #tpu.memory_space<hbm>>
      tpu.enqueue_dma source(%dma_start3A_640 : memref<128xi32, #tpu.memory_space<hbm>>) target(%arg5 : memref<128xi32, #tpu.memory_space<vmem>>) target_semaphore(%run_scoped3A : memref<!tpu.dma_semaphore, #tpu.memory_space<semaphore_mem>>)
      %dma_wait3A_641 = tpu.memref_slice %arg3[%add3A_632] : memref<262144xi32, #tpu.memory_space<hbm>> -> memref<128xi32, #tpu.memory_space<hbm>>
      %dma_wait3A_642 = tpu.memref_slice %arg3[%add3A_632] : memref<262144xi32, #tpu.memory_space<hbm>> -> memref<128xi32, #tpu.memory_space<hbm>>
      tpu.wait_dma2 semaphore(%run_scoped3A : memref<!tpu.dma_semaphore, #tpu.memory_space<semaphore_mem>>) src(%dma_wait3A_642 : memref<128xi32, #tpu.memory_space<hbm>>) dst(%arg5 : memref<128xi32, #tpu.memory_space<vmem>>)
      tpu.yield
    }) : () -> ()
    %dma_start3A_633 = arith.constant 0 : i32
    %dma_start3A_634 = arith.constant 0 : i32
    %dma_start3A_635 = tpu.memref_slice %arg2[%dma_start3A_633, %dma_start3A_634] : memref<8192x128xf32, #tpu.memory_space<hbm>> -> memref<8192x128xf32, #tpu.memory_space<hbm>>
    tpu.enqueue_indirect_dma source(%dma_start3A_635 : memref<8192x128xf32, #tpu.memory_space<hbm>>) target(%arg6 : memref<128x128xf32, #tpu.memory_space<vmem>>) offsets(%arg5 : memref<128xi32, #tpu.memory_space<vmem>>) semaphore(%arg7 : memref<!tpu.dma_semaphore, #tpu.memory_space<semaphore_mem>>)
    %dma_wait3A_636 = arith.constant 0 : i32
    %dma_wait3A_637 = arith.constant 0 : i32
    %dma_wait3A_638 = tpu.memref_slice %arg2[%dma_wait3A_636, %dma_wait3A_637] : memref<8192x128xf32, #tpu.memory_space<hbm>> -> memref<8192x128xf32, #tpu.memory_space<hbm>>
    tpu.wait_indirect_dma semaphore(%arg7 : memref<!tpu.dma_semaphore, #tpu.memory_space<semaphore_mem>>) src(%dma_wait3A_638 : memref<8192x128xf32, #tpu.memory_space<hbm>>) dst(%arg6 : memref<128x128xf32, #tpu.memory_space<vmem>>)
    "tpu.region"() ({
      %run_scoped3A = tpu.sem_alloc : memref<!tpu.dma_semaphore, #tpu.memory_space<semaphore_mem>>
      %dma_start3A_639 = arith.constant 0 : i32
      %dma_start3A_640 = tpu.memref_slice %arg4[%add3A_632, %dma_start3A_639] : memref<262144x128xf32, #tpu.memory_space<hbm>> -> memref<128x128xf32, #tpu.memory_space<hbm>>
      %dma_start3A_641 = arith.constant 0 : i32
      %dma_start3A_642 = tpu.memref_slice %arg4[%add3A_632, %dma_start3A_641] : memref<262144x128xf32, #tpu.memory_space<hbm>> -> memref<128x128xf32, #tpu.memory_space<hbm>>
      tpu.enqueue_dma source(%arg6 : memref<128x128xf32, #tpu.memory_space<vmem>>) target(%dma_start3A_642 : memref<128x128xf32, #tpu.memory_space<hbm>>) target_semaphore(%run_scoped3A : memref<!tpu.dma_semaphore, #tpu.memory_space<semaphore_mem>>)
      %dma_wait3A_643 = arith.constant 0 : i32
      %dma_wait3A_644 = tpu.memref_slice %arg4[%add3A_632, %dma_wait3A_643] : memref<262144x128xf32, #tpu.memory_space<hbm>> -> memref<128x128xf32, #tpu.memory_space<hbm>>
      %dma_wait3A_645 = arith.constant 0 : i32
      %dma_wait3A_646 = tpu.memref_slice %arg4[%add3A_632, %dma_wait3A_645] : memref<262144x128xf32, #tpu.memory_space<hbm>> -> memref<128x128xf32, #tpu.memory_space<hbm>>
      tpu.wait_dma2 semaphore(%run_scoped3A : memref<!tpu.dma_semaphore, #tpu.memory_space<semaphore_mem>>) src(%arg6 : memref<128x128xf32, #tpu.memory_space<vmem>>) dst(%dma_wait3A_646 : memref<128x128xf32, #tpu.memory_space<hbm>>)
      tpu.yield
    }) : () -> ()
    return
  }
}

module attributes {stable_mosaic.version = 14 : i64} {
  func.func @_topk_kernel(%arg0: i32, %arg1: i32, %arg2: memref<1x3x256xf32, #tpu.memory_space<vmem>>, %arg3: memref<1x3x4096xf32, #tpu.memory_space<vmem>>, %arg4: memref<1x256x32xi32, #tpu.memory_space<vmem>>) attributes {dimension_semantics = [#tpu.dimension_semantics<arbitrary>, #tpu.dimension_semantics<arbitrary>], iteration_bounds = array<i64: 2, 16>, scalar_prefetch = 0 : i64, scratch_operands = 0 : i64, tpu.core_type = #tpu.core_type<tc>, window_params = [{transform_indices = @transform_0, window_bounds = array<i64: 1, 3, 256>}, {transform_indices = @transform_1, window_bounds = array<i64: 1, 3, 4096>}, {transform_indices = @transform_2, window_bounds = array<i64: 1, 256, 32>}]} {
    %get3A = arith.constant 0 : index
    %get3A_0 = arith.constant 0 : index
    %get3A_1 = arith.constant 0 : index
    %get3A_2 = vector.load %arg2[%get3A, %get3A_0, %get3A_1] : memref<1x3x256xf32, #tpu.memory_space<vmem>>, vector<1x3x256xf32>
    %get3A_3 = vector.shape_cast %get3A_2 : vector<1x3x256xf32> to vector<3x256xf32>
    %get3A_4 = arith.constant 0 : index
    %get3A_5 = arith.constant 0 : index
    %get3A_6 = arith.constant 0 : index
    %get3A_7 = vector.load %arg3[%get3A_4, %get3A_5, %get3A_6] : memref<1x3x4096xf32, #tpu.memory_space<vmem>>, vector<1x3x4096xf32>
    %get3A_8 = vector.shape_cast %get3A_7 : vector<1x3x4096xf32> to vector<3x4096xf32>
    %dot_general3A = arith.constant dense<0.000000e+00> : vector<256x4096xf32>
    %dot_general3A_9 = tpu.matmul %get3A_3, %get3A_8, %dot_general3A {dimension_numbers = #tpu.dot_dimension_numbers<[0], [0], [1], [1], [0, 1, 1, 1], [], []>, transpose_lhs_hint = false} : vector<3x256xf32>, vector<3x4096xf32>, vector<256x4096xf32> -> vector<256x4096xf32>
    %mul3A = arith.mulf %get3A_8, %get3A_8 : vector<3x4096xf32>
    %reduce_sum3A = arith.constant dense<0.000000e+00> : vector<4096xf32>
    %reduce_sum3A_10 = vector.multi_reduction <add>, %mul3A, %reduce_sum3A [0] : vector<3x4096xf32> to vector<4096xf32>
    %broadcast_in_dim3A = vector.shape_cast %reduce_sum3A_10 : vector<4096xf32> to vector<1x4096xf32>
    %mul3A_11 = arith.constant 2.000000e+00 : f32
    %mul3A_12 = vector.broadcast %mul3A_11 : f32 to vector<256x4096xf32>
    %mul3A_13 = arith.mulf %mul3A_12, %dot_general3A_9 : vector<256x4096xf32>
    %sub3A = vector.broadcast %broadcast_in_dim3A : vector<1x4096xf32> to vector<256x4096xf32>
    %sub3A_14 = arith.subf %sub3A, %mul3A_13 : vector<256x4096xf32>
    %iota3A = tpu.iota {dimensions = array<i32: 1>} : vector<256x4096xi32>
    %iota3A_15 = tpu.iota {dimensions = array<i32: 1>} : vector<1x32xi32>
    %broadcast_in_dim3A_16 = arith.constant 0 : i32
    %broadcast_in_dim3A_17 = vector.broadcast %broadcast_in_dim3A_16 : i32 to vector<256x32xi32>
    %scan3A = arith.constant 0x7F800000 : f32
    %scan3A_18 = arith.constant 0 : i32
    %scan3A_19 = arith.constant 32 : i32
    %scan3A_20 = arith.addi %scan3A_18, %scan3A_19 : i32
    %scan3A_21 = arith.constant 1 : i32
    %scan3A_22:2 = scf.for %scan3A_29 = %scan3A_18 to %scan3A_20 step %scan3A_21 iter_args(%scan3A_30 = %sub3A_14, %scan3A_31 = %broadcast_in_dim3A_17) -> (vector<256x4096xf32>, vector<256x32xi32>)  : i32 {
      %argmin3A = tpu.reduce_index %scan3A_30 {axis = 1 : i32, kind = #tpu.reduction_kind<arg_min>} : vector<256x4096xf32> -> vector<256xi32>
      %broadcast_in_dim3A_32 = vector.shape_cast %argmin3A : vector<256xi32> to vector<256x1xi32>
      %eq3A = vector.broadcast %broadcast_in_dim3A_32 : vector<256x1xi32> to vector<256x4096xi32>
      %eq3A_33 = arith.cmpi eq, %iota3A, %eq3A : vector<256x4096xi32>
      %broadcast_in_dim3A_34 = vector.broadcast %scan3A : f32 to vector<256x4096xf32>
      %select_n3A = arith.select %eq3A_33, %broadcast_in_dim3A_34, %scan3A_30 : vector<256x4096xi1>, vector<256x4096xf32>
      %mul3A_35 = arith.constant 4096 : i32
      %mul3A_36 = arith.muli %arg0, %mul3A_35 : i32
      %add3A = vector.broadcast %mul3A_36 : i32 to vector<256x1xi32>
      %add3A_37 = arith.addi %broadcast_in_dim3A_32, %add3A : vector<256x1xi32>
      %eq3A_38 = vector.broadcast %scan3A_29 : i32 to vector<1x32xi32>
      %eq3A_39 = arith.cmpi eq, %iota3A_15, %eq3A_38 : vector<1x32xi32>
      %broadcast_in_dim3A_40 = vector.shape_cast %eq3A_39 : vector<1x32xi1> to vector<1x32xi1>
      %broadcast_in_dim3A_41 = vector.broadcast %broadcast_in_dim3A_40 : vector<1x32xi1> to vector<256x32xi1>
      %broadcast_in_dim3A_42 = vector.shape_cast %add3A_37 : vector<256x1xi32> to vector<256x1xi32>
      %broadcast_in_dim3A_43 = vector.broadcast %broadcast_in_dim3A_42 : vector<256x1xi32> to vector<256x32xi32>
      %select_n3A_44 = arith.select %broadcast_in_dim3A_41, %broadcast_in_dim3A_43, %scan3A_31 : vector<256x32xi1>, vector<256x32xi32>
      scf.yield %select_n3A, %select_n3A_44 : vector<256x4096xf32>, vector<256x32xi32>
    }
    %scan3A_23 = arith.constant 32 : i32
    %swap3A = arith.constant 0 : index
    %swap3A_24 = arith.constant 0 : index
    %swap3A_25 = arith.constant 0 : index
    %swap3A_26 = vector.load %arg4[%swap3A, %swap3A_24, %swap3A_25] : memref<1x256x32xi32, #tpu.memory_space<vmem>>, vector<1x256x32xi32>
    %swap3A_27 = vector.shape_cast %swap3A_26 : vector<1x256x32xi32> to vector<256x32xi32>
    %swap3A_28 = vector.shape_cast %scan3A_22#1 : vector<256x32xi32> to vector<1x256x32xi32>
    tpu.vector_store %arg4[%swap3A, %swap3A_24, %swap3A_25], %swap3A_28 {strides = array<i32>} : memref<1x256x32xi32, #tpu.memory_space<vmem>>, vector<1x256x32xi32>,
    return
  }
  func.func @transform_0(%arg0: i32, %arg1: i32) -> (i32, i32, i32) {
    %c0_i32 = arith.constant 0 : i32
    %c0_i32_0 = arith.constant 0 : i32
    return %arg0, %c0_i32, %arg1 : i32, i32, i32
  }
  func.func @transform_1(%arg0: i32, %arg1: i32) -> (i32, i32, i32) {
    %c0_i32 = arith.constant 0 : i32
    %c0_i32_0 = arith.constant 0 : i32
    %c0_i32_1 = arith.constant 0 : i32
    return %arg0, %c0_i32, %c0_i32_0 : i32, i32, i32
  }
  func.func @transform_2(%arg0: i32, %arg1: i32) -> (i32, i32, i32) {
    %c0_i32 = arith.constant 0 : i32
    %c0_i32_0 = arith.constant 0 : i32
    return %arg0, %arg1, %c0_i32 : i32, i32, i32
  }
}

module attributes {stable_mosaic.version = 14 : i64} {
  func.func @_tables_kernel(%arg0: i32, %arg1: memref<1x64x4096xf32, #tpu.memory_space<vmem>>, %arg2: memref<1x64x4096xf32, #tpu.memory_space<vmem>>, %arg3: memref<1x3x4096xf32, #tpu.memory_space<vmem>>, %arg4: memref<1x3x4096xf32, #tpu.memory_space<vmem>>, %arg5: memref<64x64xf32, #tpu.memory_space<vmem>>, %arg6: memref<64x64xf32, #tpu.memory_space<vmem>>, %arg7: memref<64x3xf32, #tpu.memory_space<vmem>>, %arg8: memref<1x64xf32, #tpu.memory_space<vmem>>, %arg9: memref<1x64xf32, #tpu.memory_space<vmem>>, %arg10: memref<1x4096x64xf32, #tpu.memory_space<vmem>>, %arg11: memref<1x4096x128xf32, #tpu.memory_space<vmem>>) attributes {dimension_semantics = [#tpu.dimension_semantics<arbitrary>], iteration_bounds = array<i64: 2>, scalar_prefetch = 0 : i64, scratch_operands = 0 : i64, tpu.core_type = #tpu.core_type<tc>, window_params = [{transform_indices = @transform_0, window_bounds = array<i64: 1, 64, 4096>}, {transform_indices = @transform_1, window_bounds = array<i64: 1, 64, 4096>}, {transform_indices = @transform_2, window_bounds = array<i64: 1, 3, 4096>}, {transform_indices = @transform_3, window_bounds = array<i64: 1, 3, 4096>}, {pipeline_mode = #tpu.pipeline_mode<synchronous>, transform_indices = @transform_4, window_bounds = array<i64: 64, 64>}, {pipeline_mode = #tpu.pipeline_mode<synchronous>, transform_indices = @transform_5, window_bounds = array<i64: 64, 64>}, {pipeline_mode = #tpu.pipeline_mode<synchronous>, transform_indices = @transform_6, window_bounds = array<i64: 64, 3>}, {pipeline_mode = #tpu.pipeline_mode<synchronous>, transform_indices = @transform_7, window_bounds = array<i64: 1, 64>}, {pipeline_mode = #tpu.pipeline_mode<synchronous>, transform_indices = @transform_8, window_bounds = array<i64: 1, 64>}, {transform_indices = @transform_9, window_bounds = array<i64: 1, 4096, 64>}, {transform_indices = @transform_10, window_bounds = array<i64: 1, 4096, 128>}]} {
    %get3A = arith.constant 0 : index
    %get3A_0 = arith.constant 0 : index
    %get3A_1 = arith.constant 0 : index
    %get3A_2 = vector.load %arg1[%get3A, %get3A_0, %get3A_1] : memref<1x64x4096xf32, #tpu.memory_space<vmem>>, vector<1x64x4096xf32>
    %get3A_3 = vector.shape_cast %get3A_2 : vector<1x64x4096xf32> to vector<64x4096xf32>
    %get3A_4 = arith.constant 0 : index
    %get3A_5 = arith.constant 0 : index
    %get3A_6 = arith.constant 0 : index
    %get3A_7 = vector.load %arg2[%get3A_4, %get3A_5, %get3A_6] : memref<1x64x4096xf32, #tpu.memory_space<vmem>>, vector<1x64x4096xf32>
    %get3A_8 = vector.shape_cast %get3A_7 : vector<1x64x4096xf32> to vector<64x4096xf32>
    %get3A_9 = arith.constant 0 : index
    %get3A_10 = arith.constant 0 : index
    %get3A_11 = arith.constant 0 : index
    %get3A_12 = vector.load %arg3[%get3A_9, %get3A_10, %get3A_11] : memref<1x3x4096xf32, #tpu.memory_space<vmem>>, vector<1x3x4096xf32>
    %get3A_13 = vector.shape_cast %get3A_12 : vector<1x3x4096xf32> to vector<3x4096xf32>
    %get3A_14 = arith.constant 0 : index
    %get3A_15 = arith.constant 0 : index
    %get3A_16 = arith.constant 0 : index
    %get3A_17 = vector.load %arg4[%get3A_14, %get3A_15, %get3A_16] : memref<1x3x4096xf32, #tpu.memory_space<vmem>>, vector<1x3x4096xf32>
    %get3A_18 = vector.shape_cast %get3A_17 : vector<1x3x4096xf32> to vector<3x4096xf32>
    %get3A_19 = arith.constant 0 : index
    %get3A_20 = arith.constant 0 : index
    %get3A_21 = vector.load %arg5[%get3A_19, %get3A_20] : memref<64x64xf32, #tpu.memory_space<vmem>>, vector<64x64xf32>
    %dot_general3A = arith.constant dense<0.000000e+00> : vector<4096x64xf32>
    %dot_general3A_22 = tpu.matmul %get3A_3, %get3A_21, %dot_general3A {dimension_numbers = #tpu.dot_dimension_numbers<[0], [1], [1], [0], [0, 1, 1, 0], [], []>, transpose_lhs_hint = false} : vector<64x4096xf32>, vector<64x64xf32>, vector<4096x64xf32> -> vector<4096x64xf32>
    %get3A_23 = arith.constant 0 : index
    %get3A_24 = arith.constant 0 : index
    %get3A_25 = vector.load %arg7[%get3A_23, %get3A_24] : memref<64x3xf32, #tpu.memory_space<vmem>>, vector<64x3xf32>
    %dot_general3A_26 = arith.constant dense<0.000000e+00> : vector<4096x64xf32>
    %dot_general3A_27 = tpu.matmul %get3A_13, %get3A_25, %dot_general3A_26 {dimension_numbers = #tpu.dot_dimension_numbers<[0], [1], [1], [0], [0, 1, 1, 0], [], []>, transpose_lhs_hint = false} : vector<3x4096xf32>, vector<64x3xf32>, vector<4096x64xf32> -> vector<4096x64xf32>
    %sub3A = arith.subf %dot_general3A_22, %dot_general3A_27 : vector<4096x64xf32>
    %get3A_28 = arith.constant 0 : index
    %get3A_29 = arith.constant 0 : index
    %get3A_30 = vector.load %arg8[%get3A_28, %get3A_29] : memref<1x64xf32, #tpu.memory_space<vmem>>, vector<1x64xf32>
    %add3A = vector.broadcast %get3A_30 : vector<1x64xf32> to vector<4096x64xf32>
    %add3A_31 = arith.addf %sub3A, %add3A : vector<4096x64xf32>
    %swap3A = arith.constant 0 : index
    %swap3A_32 = arith.constant 0 : index
    %swap3A_33 = arith.constant 0 : index
    %swap3A_34 = vector.load %arg10[%swap3A, %swap3A_32, %swap3A_33] : memref<1x4096x64xf32, #tpu.memory_space<vmem>>, vector<1x4096x64xf32>
    %swap3A_35 = vector.shape_cast %swap3A_34 : vector<1x4096x64xf32> to vector<4096x64xf32>
    %swap3A_36 = vector.shape_cast %add3A_31 : vector<4096x64xf32> to vector<1x4096x64xf32>
    tpu.vector_store %arg10[%swap3A, %swap3A_32, %swap3A_33], %swap3A_36 {strides = array<i32>} : memref<1x4096x64xf32, #tpu.memory_space<vmem>>, vector<1x4096x64xf32>,
    %get3A_37 = arith.constant 0 : index
    %get3A_38 = arith.constant 0 : index
    %get3A_39 = vector.load %arg6[%get3A_37, %get3A_38] : memref<64x64xf32, #tpu.memory_space<vmem>>, vector<64x64xf32>
    %dot_general3A_40 = arith.constant dense<0.000000e+00> : vector<4096x64xf32>
    %dot_general3A_41 = tpu.matmul %get3A_8, %get3A_39, %dot_general3A_40 {dimension_numbers = #tpu.dot_dimension_numbers<[0], [1], [1], [0], [0, 1, 1, 0], [], []>, transpose_lhs_hint = false} : vector<64x4096xf32>, vector<64x64xf32>, vector<4096x64xf32> -> vector<4096x64xf32>
    %get3A_42 = arith.constant 0 : index
    %get3A_43 = arith.constant 0 : index
    %get3A_44 = vector.load %arg7[%get3A_42, %get3A_43] : memref<64x3xf32, #tpu.memory_space<vmem>>, vector<64x3xf32>
    %dot_general3A_45 = arith.constant dense<0.000000e+00> : vector<4096x64xf32>
    %dot_general3A_46 = tpu.matmul %get3A_18, %get3A_44, %dot_general3A_45 {dimension_numbers = #tpu.dot_dimension_numbers<[0], [1], [1], [0], [0, 1, 1, 0], [], []>, transpose_lhs_hint = false} : vector<3x4096xf32>, vector<64x3xf32>, vector<4096x64xf32> -> vector<4096x64xf32>
    %add3A_47 = arith.addf %dot_general3A_41, %dot_general3A_46 : vector<4096x64xf32>
    %get3A_48 = arith.constant 0 : index
    %get3A_49 = arith.constant 0 : index
    %get3A_50 = vector.load %arg9[%get3A_48, %get3A_49] : memref<1x64xf32, #tpu.memory_space<vmem>>, vector<1x64xf32>
    %add3A_51 = vector.broadcast %get3A_50 : vector<1x64xf32> to vector<4096x64xf32>
    %add3A_52 = arith.addf %add3A_47, %add3A_51 : vector<4096x64xf32>
    %broadcast_in_dim3A = arith.constant 0.000000e+00 : f32
    %broadcast_in_dim3A_53 = vector.broadcast %broadcast_in_dim3A : f32 to vector<4096x64xf32>
    %concatenate3A = tpu.concatenate %add3A_52, %broadcast_in_dim3A_53 in 1 : vector<4096x64xf32>, vector<4096x64xf32> -> vector<4096x128xf32>
    %swap3A_54 = arith.constant 0 : index
    %swap3A_55 = arith.constant 0 : index
    %swap3A_56 = arith.constant 0 : index
    %swap3A_57 = vector.load %arg11[%swap3A_54, %swap3A_55, %swap3A_56] : memref<1x4096x128xf32, #tpu.memory_space<vmem>>, vector<1x4096x128xf32>
    %swap3A_58 = vector.shape_cast %swap3A_57 : vector<1x4096x128xf32> to vector<4096x128xf32>
    %swap3A_59 = vector.shape_cast %concatenate3A : vector<4096x128xf32> to vector<1x4096x128xf32>
    tpu.vector_store %arg11[%swap3A_54, %swap3A_55, %swap3A_56], %swap3A_59 {strides = array<i32>} : memref<1x4096x128xf32, #tpu.memory_space<vmem>>, vector<1x4096x128xf32>,
    return
  }
  func.func @transform_0(%arg0: i32) -> (i32, i32, i32) {
    %c0_i32 = arith.constant 0 : i32
    %c0_i32_0 = arith.constant 0 : i32
    %c0_i32_1 = arith.constant 0 : i32
    return %arg0, %c0_i32, %c0_i32_0 : i32, i32, i32
  }
  func.func @transform_1(%arg0: i32) -> (i32, i32, i32) {
    %c0_i32 = arith.constant 0 : i32
    %c0_i32_0 = arith.constant 0 : i32
    %c0_i32_1 = arith.constant 0 : i32
    return %arg0, %c0_i32, %c0_i32_0 : i32, i32, i32
  }
  func.func @transform_2(%arg0: i32) -> (i32, i32, i32) {
    %c0_i32 = arith.constant 0 : i32
    %c0_i32_0 = arith.constant 0 : i32
    %c0_i32_1 = arith.constant 0 : i32
    return %arg0, %c0_i32, %c0_i32_0 : i32, i32, i32
  }
  func.func @transform_3(%arg0: i32) -> (i32, i32, i32) {
    %c0_i32 = arith.constant 0 : i32
    %c0_i32_0 = arith.constant 0 : i32
    %c0_i32_1 = arith.constant 0 : i32
    return %arg0, %c0_i32, %c0_i32_0 : i32, i32, i32
  }
  func.func @transform_4(%arg0: i32) -> (i32, i32) {
    %c0_i32 = arith.constant 0 : i32
    %c0_i32_0 = arith.constant 0 : i32
    %c0_i32_1 = arith.constant 0 : i32
    return %c0_i32, %c0_i32_0 : i32, i32
  }
  func.func @transform_5(%arg0: i32) -> (i32, i32) {
    %c0_i32 = arith.constant 0 : i32
    %c0_i32_0 = arith.constant 0 : i32
    %c0_i32_1 = arith.constant 0 : i32
    return %c0_i32, %c0_i32_0 : i32, i32
  }
  func.func @transform_6(%arg0: i32) -> (i32, i32) {
    %c0_i32 = arith.constant 0 : i32
    %c0_i32_0 = arith.constant 0 : i32
    %c0_i32_1 = arith.constant 0 : i32
    return %c0_i32, %c0_i32_0 : i32, i32
  }
  func.func @transform_7(%arg0: i32) -> (i32, i32) {
    %c0_i32 = arith.constant 0 : i32
    %c0_i32_0 = arith.constant 0 : i32
    %c0_i32_1 = arith.constant 0 : i32
    return %c0_i32, %c0_i32_0 : i32, i32
  }
  func.func @transform_8(%arg0: i32) -> (i32, i32) {
    %c0_i32 = arith.constant 0 : i32
    %c0_i32_0 = arith.constant 0 : i32
    %c0_i32_1 = arith.constant 0 : i32
    return %c0_i32, %c0_i32_0 : i32, i32
  }
  func.func @transform_9(%arg0: i32) -> (i32, i32, i32) {
    %c0_i32 = arith.constant 0 : i32
    %c0_i32_0 = arith.constant 0 : i32
    %c0_i32_1 = arith.constant 0 : i32
    return %arg0, %c0_i32, %c0_i32_0 : i32, i32, i32
  }
  func.func @transform_10(%arg0: i32) -> (i32, i32, i32) {
    %c0_i32 = arith.constant 0 : i32
    %c0_i32_0 = arith.constant 0 : i32
    %c0_i32_1 = arith.constant 0 : i32
    return %arg0, %c0_i32, %c0_i32_0 : i32, i32, i32
  }
}

module attributes {stable_mosaic.version = 14 : i64} {
  func.func @_mlp_kernel(%arg0: i32, %arg1: i32, %arg2: memref<16384x128xf32, #tpu.memory_space<vmem>>, %arg3: memref<1x512x64xf32, #tpu.memory_space<vmem>>, %arg4: memref<64x64xf32, #tpu.memory_space<vmem>>, %arg5: memref<64x64xf32, #tpu.memory_space<vmem>>, %arg6: memref<1x64xf32, #tpu.memory_space<vmem>>, %arg7: memref<1x64xf32, #tpu.memory_space<vmem>>, %arg8: memref<1x64x512xf32, #tpu.memory_space<vmem>>) attributes {dimension_semantics = [#tpu.dimension_semantics<arbitrary>, #tpu.dimension_semantics<arbitrary>], iteration_bounds = array<i64: 2, 8>, scalar_prefetch = 0 : i64, scratch_operands = 0 : i64, tpu.core_type = #tpu.core_type<tc>, window_params = [{transform_indices = @transform_0, window_bounds = array<i64: 16384, 128>}, {transform_indices = @transform_1, window_bounds = array<i64: 1, 512, 64>}, {pipeline_mode = #tpu.pipeline_mode<synchronous>, transform_indices = @transform_2, window_bounds = array<i64: 64, 64>}, {pipeline_mode = #tpu.pipeline_mode<synchronous>, transform_indices = @transform_3, window_bounds = array<i64: 64, 64>}, {pipeline_mode = #tpu.pipeline_mode<synchronous>, transform_indices = @transform_4, window_bounds = array<i64: 1, 64>}, {pipeline_mode = #tpu.pipeline_mode<synchronous>, transform_indices = @transform_5, window_bounds = array<i64: 1, 64>}, {transform_indices = @transform_6, window_bounds = array<i64: 1, 64, 512>}]} {
    %get3A = arith.constant 0 : index
    %get3A_0 = arith.constant 0 : index
    %get3A_1 = vector.load %arg2[%get3A, %get3A_0] : memref<16384x128xf32, #tpu.memory_space<vmem>>, vector<16384x64xf32>
    %reshape3A = vector.shape_cast %get3A_1 : vector<16384x64xf32> to vector<512x32x64xf32>
    %get3A_2 = arith.constant 0 : index
    %get3A_3 = arith.constant 0 : index
    %get3A_4 = arith.constant 0 : index
    %get3A_5 = vector.load %arg3[%get3A_2, %get3A_3, %get3A_4] : memref<1x512x64xf32, #tpu.memory_space<vmem>>, vector<1x512x64xf32>
    %get3A_6 = vector.shape_cast %get3A_5 : vector<1x512x64xf32> to vector<512x64xf32>
    %broadcast_in_dim3A = vector.shape_cast %get3A_6 : vector<512x64xf32> to vector<512x1x64xf32>
    %add3A = vector.broadcast %broadcast_in_dim3A : vector<512x1x64xf32> to vector<512x32x64xf32>
    %add3A_7 = arith.addf %reshape3A, %add3A : vector<512x32x64xf32>
    %ge3A = arith.constant 0.000000e+00 : f32
    %ge3A_8 = vector.broadcast %ge3A : f32 to vector<512x32x64xf32>
    %ge3A_9 = arith.cmpf oge, %add3A_7, %ge3A_8 : vector<512x32x64xf32>
    %mul3A = arith.constant 1.000000e-01 : f32
    %mul3A_10 = vector.broadcast %mul3A : f32 to vector<512x32x64xf32>
    %mul3A_11 = arith.mulf %mul3A_10, %add3A_7 : vector<512x32x64xf32>
    %select_n3A = arith.select %ge3A_9, %add3A_7, %mul3A_11 : vector<512x32x64xi1>, vector<512x32x64xf32>
    %reshape3A_12 = vector.shape_cast %select_n3A : vector<512x32x64xf32> to vector<16384x64xf32>
    %get3A_13 = arith.constant 0 : index
    %get3A_14 = arith.constant 0 : index
    %get3A_15 = vector.load %arg4[%get3A_13, %get3A_14] : memref<64x64xf32, #tpu.memory_space<vmem>>, vector<64x64xf32>
    %dot_general3A = arith.constant dense<0.000000e+00> : vector<16384x64xf32>
    %dot_general3A_16 = tpu.matmul %reshape3A_12, %get3A_15, %dot_general3A {dimension_numbers = #tpu.dot_dimension_numbers<[1], [1], [0], [0], [0, 0, 1, 0], [], []>, transpose_lhs_hint = false} : vector<16384x64xf32>, vector<64x64xf32>, vector<16384x64xf32> -> vector<16384x64xf32>
    %get3A_17 = arith.constant 0 : index
    %get3A_18 = arith.constant 0 : index
    %get3A_19 = vector.load %arg6[%get3A_17, %get3A_18] : memref<1x64xf32, #tpu.memory_space<vmem>>, vector<1x64xf32>
    %add3A_20 = vector.broadcast %get3A_19 : vector<1x64xf32> to vector<16384x64xf32>
    %add3A_21 = arith.addf %dot_general3A_16, %add3A_20 : vector<16384x64xf32>
    %ge3A_22 = arith.constant 0.000000e+00 : f32
    %ge3A_23 = vector.broadcast %ge3A_22 : f32 to vector<16384x64xf32>
    %ge3A_24 = arith.cmpf oge, %add3A_21, %ge3A_23 : vector<16384x64xf32>
    %mul3A_25 = arith.constant 1.000000e-01 : f32
    %mul3A_26 = vector.broadcast %mul3A_25 : f32 to vector<16384x64xf32>
    %mul3A_27 = arith.mulf %mul3A_26, %add3A_21 : vector<16384x64xf32>
    %select_n3A_28 = arith.select %ge3A_24, %add3A_21, %mul3A_27 : vector<16384x64xi1>, vector<16384x64xf32>
    %get3A_29 = arith.constant 0 : index
    %get3A_30 = arith.constant 0 : index
    %get3A_31 = vector.load %arg5[%get3A_29, %get3A_30] : memref<64x64xf32, #tpu.memory_space<vmem>>, vector<64x64xf32>
    %dot_general3A_32 = arith.constant dense<0.000000e+00> : vector<16384x64xf32>
    %dot_general3A_33 = tpu.matmul %select_n3A_28, %get3A_31, %dot_general3A_32 {dimension_numbers = #tpu.dot_dimension_numbers<[1], [1], [0], [0], [0, 0, 1, 0], [], []>, transpose_lhs_hint = false} : vector<16384x64xf32>, vector<64x64xf32>, vector<16384x64xf32> -> vector<16384x64xf32>
    %get3A_34 = arith.constant 0 : index
    %get3A_35 = arith.constant 0 : index
    %get3A_36 = vector.load %arg7[%get3A_34, %get3A_35] : memref<1x64xf32, #tpu.memory_space<vmem>>, vector<1x64xf32>
    %add3A_37 = vector.broadcast %get3A_36 : vector<1x64xf32> to vector<16384x64xf32>
    %add3A_38 = arith.addf %dot_general3A_33, %add3A_37 : vector<16384x64xf32>
    %ge3A_39 = arith.constant 0.000000e+00 : f32
    %ge3A_40 = vector.broadcast %ge3A_39 : f32 to vector<16384x64xf32>
    %ge3A_41 = arith.cmpf oge, %add3A_38, %ge3A_40 : vector<16384x64xf32>
    %mul3A_42 = arith.constant 1.000000e-01 : f32
    %mul3A_43 = vector.broadcast %mul3A_42 : f32 to vector<16384x64xf32>
    %mul3A_44 = arith.mulf %mul3A_43, %add3A_38 : vector<16384x64xf32>
    %select_n3A_45 = arith.select %ge3A_41, %add3A_38, %mul3A_44 : vector<16384x64xi1>, vector<16384x64xf32>
    %reshape3A_46 = vector.shape_cast %select_n3A_45 : vector<16384x64xf32> to vector<512x32x64xf32>
    %reduce_max3A = arith.constant dense<0xFF800000> : vector<512x64xf32>
    %reduce_max3A_47 = vector.multi_reduction <maximumf>, %reshape3A_46, %reduce_max3A [1] : vector<512x32x64xf32> to vector<512x64xf32>
    %transpose3A = tpu.transpose %reduce_max3A_47, [1, 0] : vector<512x64xf32> -> vector<64x512xf32>
    %swap3A = arith.constant 0 : index
    %swap3A_48 = arith.constant 0 : index
    %swap3A_49 = arith.constant 0 : index
    %swap3A_50 = vector.load %arg8[%swap3A, %swap3A_48, %swap3A_49] : memref<1x64x512xf32, #tpu.memory_space<vmem>>, vector<1x64x512xf32>
    %swap3A_51 = vector.shape_cast %swap3A_50 : vector<1x64x512xf32> to vector<64x512xf32>
    %swap3A_52 = vector.shape_cast %transpose3A : vector<64x512xf32> to vector<1x64x512xf32>
    tpu.vector_store %arg8[%swap3A, %swap3A_48, %swap3A_49], %swap3A_52 {strides = array<i32>} : memref<1x64x512xf32, #tpu.memory_space<vmem>>, vector<1x64x512xf32>,
    return
  }
  func.func @transform_0(%arg0: i32, %arg1: i32) -> (i32, i32) {
    %mul3A = arith.constant 8 : i32
    %mul3A_0 = arith.muli %arg0, %mul3A : i32
    %add3A = arith.addi %mul3A_0, %arg1 : i32
    %c0_i32 = arith.constant 0 : i32
    %c0_i32_1 = arith.constant 0 : i32
    return %add3A, %c0_i32 : i32, i32
  }
  func.func @transform_1(%arg0: i32, %arg1: i32) -> (i32, i32, i32) {
    %c0_i32 = arith.constant 0 : i32
    %c0_i32_0 = arith.constant 0 : i32
    return %arg0, %arg1, %c0_i32 : i32, i32, i32
  }
  func.func @transform_2(%arg0: i32, %arg1: i32) -> (i32, i32) {
    %c0_i32 = arith.constant 0 : i32
    %c0_i32_0 = arith.constant 0 : i32
    %c0_i32_1 = arith.constant 0 : i32
    return %c0_i32, %c0_i32_0 : i32, i32
  }
  func.func @transform_3(%arg0: i32, %arg1: i32) -> (i32, i32) {
    %c0_i32 = arith.constant 0 : i32
    %c0_i32_0 = arith.constant 0 : i32
    %c0_i32_1 = arith.constant 0 : i32
    return %c0_i32, %c0_i32_0 : i32, i32
  }
  func.func @transform_4(%arg0: i32, %arg1: i32) -> (i32, i32) {
    %c0_i32 = arith.constant 0 : i32
    %c0_i32_0 = arith.constant 0 : i32
    %c0_i32_1 = arith.constant 0 : i32
    return %c0_i32, %c0_i32_0 : i32, i32
  }
  func.func @transform_5(%arg0: i32, %arg1: i32) -> (i32, i32) {
    %c0_i32 = arith.constant 0 : i32
    %c0_i32_0 = arith.constant 0 : i32
    %c0_i32_1 = arith.constant 0 : i32
    return %c0_i32, %c0_i32_0 : i32, i32
  }
  func.func @transform_6(%arg0: i32, %arg1: i32) -> (i32, i32, i32) {
    %c0_i32 = arith.constant 0 : i32
    %c0_i32_0 = arith.constant 0 : i32
    return %arg0, %c0_i32, %arg1 : i32, i32, i32
  }
}

</mosaic_0001>

<sc_bundles>
// kernel: kernel.6.cloned.1.call-start
scs
__scs_entry_jumppad:
0x0: {  	(pc) =	sbr.rel $0x88, $3  }
0x1: {  	(tag) =	ssettag $0x0;
	lr =	simm.s32 $0x1  }
0x2: {  	[smem:$0x3F93] =	sst lr;
	_ =	strace $0xD0000000  }
0x3: {  	_ = 	snop  }
0x4: {  	_ = 	snop  }
0x5: {  	_ = 	snop  }
0x6: {  	_ = 	snop  }
0x7: {  	_ = 	snop  }
__scs_overlays_trampoline_lowered:
0x8: {  	[smem:$0x3FA2] =	sst s0  }
0x9: {  	[smem:$0x3FA3] =	sst s1  }
0xa: {  	[smem:$0x3FA4] =	sst s2  }
0xb: {  	[smem:$0x3FA5] =	sst s3  }
0xc: {  	[smem:$0x3FA6] =	sst s4  }
0xd: {  	[smem:$0x3FA7] =	sst s5  }
0xe: {  	[smem:$0x3FA8] =	sst s6  }
0xf: {  	[smem:$0x3FA9] =	sst s7  }
0x10: {  	[smem:$0x3FAA] =	sst s8  }
0x11: {  	[smem:$0x3FAB] =	sst s9;
	s0 =	simm.s32 @!p0 $0x0  }
0x12: {  	s1 =	sld [smem:$0x3F91];
	s0 =	simm.s32 @p0 $0x1  }
0x13: {  	[smem:$0x3FAC] =	sst s0;
	s0 =	simm.s32 @!p1 $0x0  }
0x14: {  	s2 =	sld [smem:$0x3F90];
	s0 =	simm.s32 @p1 $0x1  }
0x15: {  	[smem:$0x3FAD] =	sst s0;
	s0 =	simm.s32 @!p2 $0x0  }
0x16: {  	s3 =	sld [smem:$0x3FDB];
	s0 =	simm.s32 @p2 $0x1  }
0x17: {  	s4 =	simm.s32 $0x1BF5;
	[smem:$0x3FAF] =	sst s0  }
0x18: {  	s0 =	sld [smem:$0x3F92];
	_ =	swait.ge [sflag:s4], $0x0  }
0x19: {  	s7 =	sld [smem:$0x3F93]  }
0x1a: {  	s8 =	sadd.s32 $0xFFFFE003, lr  }
0x1b: {  	s9 =	sadd.s32 $0xFFFFFEF7, lr;
	s5 =	simm.s32 $0xFFFFFFFF;
	p2 =	slt.u32 s8, $0xFFFFF086  }
0x1c: {  	p1 =	slt.u32 s9, $0xF7A;
	s5 =	simm.s32 @!p2 $0x0  }
0x1d: {  	s5 =	simm.s32 @p1 $0x1;
	p0 =	seq.s32 s7, s2  }
0x1e: {  	s7 =	smul.u32 @!p0 $0xF7A, s2;
	p2 =	seq.s32 @!p0 s5, $0x0  }
0x1f: {  	s9 =	smul.u32 $0xF7A, s1;
	s8 =	simm.s32 @!p0 $0x1BF5;
	p2 =	por !p2, p0  }
0x20: {  	[sflag:s8] =	ssyncset.s32 @!p0 $0xFFFFF086;
	s6 =	sadd.s32 @!p0 s3, s7;
	s7 =	simm.s32 @!p0 $0x108  }
0x21: {  	s3 =	sadd.s32 s3, s9;
	s6 =	sadd.s32 @!p0 $0x88, s6;
	s7 =	simm.s32 @p2 $0x1082  }
0x22: {  	[simem:s7], [sflag:s8] =	dma.local @!p0 [hbm:s6], $0xF7A  }
0x23: {  	s9 =	sor.u32 $0xD0000000, s2;
	s6 =	simm.s32 $0x108;
	_ =	swait.ge @!p0 [sflag:s8], $0x0  }
0x24: {  	s3 =	sadd.s32 $0x88, s3;
	s6 =	simm.s32 @!p1 $0x1082;
	[sflag:s4] =	ssyncset.s32 $0xFFFFF086  }
0x25: {  	[simem:s6], [sflag:s4] =	dma.local [hbm:s3], $0xF7A  }
0x26: {  	[smem:$0x3F93] =	sst s1;
	(tag) =	ssettag s2;
	_ =	strace s9  }
0x27: {  	s1 =	sld [smem:$0x3FA3]  }
0x28: {  	s2 =	sld [smem:$0x3FA4]  }
0x29: {  	s4 =	sld [smem:$0x3FA6]  }
0x2a: {  	p0 =	seq.s32 s5, $0x0;
	s5 =	sld [smem:$0x3FA7]  }
0x2b: {  	s6 =	sld [smem:$0x3FA8]  }
0x2c: {  	s7 =	sld [smem:$0x3FA9]  }
0x2d: {  	s3 =	simm.s32 $0x108;
	s8 =	sld [smem:$0x3FAA]  }
0x2e: {  	s3 =	simm.s32 @!p0 $0x1082;
	s9 =	sld [smem:$0x3FAB]  }
0x2f: {  	lr =	sadd.s32 s0, s3;
	s0 =	sld [smem:$0x3FA2]  }
0x30: {  	s3 =	sld [smem:$0x3FA5]  }
0x31: {  	[smem:$0x3FAE] =	sst s10  }
0x32: {  	s10 =	sld [smem:$0x3FAC];
	_ =	sdelay $0x3  }
0x33: {  	p0 =	seq.s32 s10, $0x1;
	s10 =	sld [smem:$0x3FAE];
	_ =	sdelay $0x3  }
0x34: {  	[smem:$0x3FAE] =	sst s10  }
0x35: {  	s10 =	sld [smem:$0x3FAD];
	_ =	sdelay $0x3  }
0x36: {  	p1 =	seq.s32 s10, $0x1;
	s10 =	sld [smem:$0x3FAE];
	_ =	sdelay $0x3  }
0x37: {  	[smem:$0x3FAE] =	sst s10  }
0x38: {  	s10 =	sld [smem:$0x3FAF]  }
0x39: {  	_ = 	snop;
	(pc) =	sbr.ind lr, $3  }
0x3a: {  	_ = 	snop  }
0x3b: {  	_ = 	snop  }
0x3c: {  	p2 =	seq.s32 s10, $0x1;
	s10 =	sld [smem:$0x3FAE]  }
0x3d: {  	_ =	shalt  }
0x3e: {  	_ =	shalt  }
0x3f: {  	_ =	shalt  }
0x40: {  	_ =	shalt  }
0x41: {  	_ =	shalt  }
0x42: {  	_ =	shalt  }
0x43: {  	_ =	shalt  }
0x44: {  	_ =	shalt  }
0x45: {  	_ =	shalt  }
0x46: {  	_ =	shalt  }
0x47: {  	_ =	shalt  }
0x48: {  	_ =	shalt  }
0x49: {  	_ =	shalt  }
0x4a: {  	_ =	shalt  }
0x4b: {  	_ =	shalt  }
0x4c: {  	_ =	shalt  }
0x4d: {  	_ =	shalt  }
0x4e: {  	_ =	shalt  }
0x4f: {  	_ =	shalt  }
0x50: {  	_ =	shalt  }
0x51: {  	_ =	shalt  }
0x52: {  	_ =	shalt  }
0x53: {  	_ =	shalt  }
0x54: {  	_ =	shalt  }
0x55: {  	_ =	shalt  }
0x56: {  	_ =	shalt  }
0x57: {  	_ =	shalt  }
0x58: {  	_ =	shalt  }
0x59: {  	_ =	shalt  }
0x5a: {  	_ =	shalt  }
0x5b: {  	_ =	shalt  }
0x5c: {  	_ =	shalt  }
0x5d: {  	_ =	shalt  }
0x5e: {  	_ =	shalt  }
0x5f: {  	_ =	shalt  }
0x60: {  	_ =	shalt  }
0x61: {  	_ =	shalt  }
0x62: {  	_ =	shalt  }
0x63: {  	_ =	shalt  }
0x64: {  	_ =	shalt  }
0x65: {  	_ =	shalt  }
0x66: {  	_ =	shalt  }
0x67: {  	_ =	shalt  }
0x68: {  	_ =	shalt  }
0x69: {  	_ =	shalt  }
0x6a: {  	_ =	shalt  }
0x6b: {  	_ =	shalt  }
0x6c: {  	_ =	shalt  }
0x6d: {  	_ =	shalt  }
0x6e: {  	_ =	shalt  }
0x6f: {  	_ =	shalt  }
0x70: {  	_ =	shalt  }
0x71: {  	_ =	shalt  }
0x72: {  	_ =	shalt  }
0x73: {  	_ =	shalt  }
0x74: {  	_ =	shalt  }
0x75: {  	_ =	shalt  }
0x76: {  	_ =	shalt  }
0x77: {  	_ =	shalt  }
0x78: {  	_ =	shalt  }
0x79: {  	_ =	shalt  }
0x7a: {  	_ =	shalt  }
0x7b: {  	_ =	shalt  }
0x7c: {  	_ =	shalt  }
0x7d: {  	_ =	shalt  }
0x7e: {  	_ =	shalt  }
0x7f: {  	_ =	shalt  }
0x80: {  	_ =	shalt  }
0x81: {  	_ =	shalt  }
0x82: {  	_ =	shalt  }
0x83: {  	_ =	shalt  }
0x84: {  	_ =	shalt  }
0x85: {  	_ =	shalt  }
0x86: {  	_ =	shalt  }
0x87: {  	_ =	shalt  }
.Lfunc_end0:
.L_simem_size_0:
called_computation_lowered:
.L_overlay_start_0:
0x88: {  	s2 =	sld [smem:$0x3FD9]  }
0x89: {  	s3 =	sld [smem:$0x3FFE];
	_ =	sdelay $0x1  }
0x8a: {  	s1 =	srdreg.scid  }
0x8b: {  	s0 =	sand.u32 $0x1, s1  }
0x8c: {  	s17 =	sshll.u32 s0, $0xA;
	s2 =	sadd.s32 s3, s2  }
0x8d: {  	s2 =	sadd.s32 s2, s17  }
0x8e: {  	[smem:$0x3FBA] =	sst s2  }
0x8f: {  	_ = 	snop  }
0x90: {  	s2 =	sld [smem:$0x3FD0];
	(tm) =	ssettm $0x1  }
0x91: {  	s18 =	sld [smem:$0x3FFB];
	_ =	sdelay $0x3  }
0x92: {  	_ =	strace s18  }
0x93: {  	s3 =	sld [smem:$0x3FFC];
	_ =	sdelay $0x3  }
0x94: {  	_ =	strace s3  }
0x95: {  	s3 =	sld [smem:$0x3FFD];
	_ =	sdelay $0x3  }
0x96: {  	_ =	strace s3  }
0x97: {  	_ =	strace $0x8FFFFFFF  }
0x98: {  	s19 =	sld [smem:$0x3FDB];
	_ =	sdelay $0x1  }
0x99: {  	s4 =	simm.s32 $_scs_section_size  }
0x9a: {  	s5 =	simm.s32 $_size__tile_overlayer_lowered;
	s6 =	simm.s32 $_tile_overlayer_lowered  }
0x9b: {  	s22 =	simm.s32 $0x1BFF;
	s21 =	sshll.u32 s6, $0x1;
	s3 =	sadd.s32 s4, s19  }
0x9c: {  	s7 =	simm.s32 $0x0;
	s20 =	sshll.u32 s5, $0x1;
	s5 =	sadd.s32 s21, s3  }
0x9d: {  	[timem:s7], [sflag:s22] =	dma.local [hbm:s5], s20  }
0x9e: {  	_ =	swait.ge [sflag:s22], s20  }
0x9f: {  	s4 =	ssub.s32 $0x0, s20;
	[sflag:s22] =	ssyncset.done $0x0  }
0xa0: {  	[sflag:s22] =	ssyncadd.s32 s4;
	_ =	sdelay $0x1  }
0xa1: {  	s23 =	simm.s32 $0x1B8B  }
0xa2: {  	_ =	swait.ge [sflag:s23], $0x1  }
0xa3: {  	[sflag:s23] =	ssyncset.done $0x0  }
0xa4: {  	s25 =	simm.s32 $0x1B8E;
	s24 =	sld [smem:$0x3FFE];
	[sflag:s23] =	ssyncadd.s32 $0xFFFFFFFF  }
0xa5: {  	s26 =	simm.s32 $execute0_lowered;
	[smem:$0x3FD2] =	sst s25  }
0xa6: {  	s5 =	sshll.u32 s26, $0x1;
	_ =	strace $0x80000046;
	[dreg:$0x1] =	wrdreg $0xFFFFFFFF  }
0xa7: {  	s28 =	simm.s32 $_size_execute0_lowered;
	s3 =	sadd.s32 s3, s5;
	[dreg:$0x0] =	wrdreg $0x0  }
0xa8: {  	s5 =	sshll.u32 s28, $0x1;
	[dreg:$0x2] =	wrdreg s3  }
0xa9: {  	[dreg:$0x3] =	wrdreg s5  }
0xaa: {  	[dreg:$0x4] =	wrdreg $0xC0  }
0xab: {  	_ =	task [dreg:s7], $0x5FFFF  }
0xac: {  	[dreg:$0x1] =	wrdreg $0xFFFFFFFF  }
0xad: {  	[dreg:$0x0] =	wrdreg $0x60  }
0xae: {  	[dreg:$0x2] =	wrdreg s24  }
0xaf: {  	[dreg:$0x3] =	wrdreg s2  }
0xb0: {  	[dreg:$0x4] =	wrdreg $0x9  }
0xb1: {  	_ =	task.clear_ibuf [dreg:s7], $0x5FFFF;
	_ =	strace $0x90000046  }
0xb2: {  	s29 =	simm.s32 $0x9;
	_ =	strace $0x80000048  }
0xb3: {  	_ =	swait.ge [sflag:s29], $0x1  }
0xb4: {  	[sflag:s29] =	ssyncadd.s32 $0xFFFFFFFF  }
0xb5: {  	_ =	strace $0x90000048  }
0xb6: {  	_ =	sfence  }
0xb7: {  	s30 =	sld [smem:$0x0];
	_ =	sdelay $0x2  }
0xb8: {  	s31 =	sshll.u32 s1, $0xD;
	s1 =	sshrl.u32 s1, $0x2  }
0xb9: {  	s3 =	sand.u32 $0x4000, s31;
	s1 =	sadd.s32 s1, s30  }
0xba: {  	s0 =	sor.u32 s3, s0;
	s1 =	sshll.u32 s1, $0x11  }
0xbb: {  	s0 =	sor.u32 s1, s0  }
0xbc: {  	s0 =	sadd.s32 $0x8F2B, s0  }
0xbd: {  	[sflag:s0] =	ssyncadd.remote.s32 $0x1  }
0xbe: {  	_ =	sfence.sel $0xFFFF  }
0xbf: {  	[dreg:$0x0] =	wrdreg $0xFFFFFFFF;
	(pc) =	sbr.abs _section_cstart, $3  }
0xc0: {  	[dreg:$0x1] =	wrdreg $0xFFFFFFFF  }
0xc1: {  	_ =	task.clear_ibuf [dreg:s7], $0x2FFFF;
	_ =	strace $0x9FFFFFFF  }
0xc2: {  	(tm) =	ssettm $0x7FFFFFFF  }
0xc3: {  	_ =	shalt  }
tec
execute0_lowered:
.L_overlay_start_1:
0x0: {  	(tag) =	ssettag $0x1  }
0x1: {  	s5 =	rddreg [dreg:$0x0]  }
0x2: {  	s3 =	rddreg [dreg:$0x1]  }
0x3: {  	s1 =	srdreg.scid;
	s0 =	stileid.u32;
	s2 =	simm.s32 $0x0  }
0x4: {  	p0 =	por $0x0, $0x0;
	s6 =	sand.u32 $0x1, s1;
	s25 =	sshll.u32 s0, $0xE  }
0x5: {  	[smem:$0x7FF] =	sst s2;
	s5 =	sadd.s32 $0x42200, s5;
	s4 =	sshll.u32 s6, $0xD  }
0x6: {  	_ =	strace $0x80000047;
	s6 =	ssub.s32 $0x2, s6;
	s4 =	sor.u32 s4, s25  }
0x7: {  	s1 =	sshrl.u32 s4, $0x3;
	s7 =	sshll.u32 s4, $0x4;
	s8 =	sor.u32 $0x80, s4  }
0x8: {  	s11 =	sor.u32 $0x100, s4;
	s13 =	sor.u32 $0x180, s4;
	s19 =	sor.u32 $0x200, s4  }
0x9: {  	s21 =	sor.u32 $0x280, s4;
	s1 =	sadd.s32 s3, s1;
	s26 =	sadd.s32 s5, s7  }
0xa: {  	s0 =	sshrl.u32 s8, $0x3;
	s9 =	sshll.u32 s8, $0x4;
	s12 =	sshrl.u32 s11, $0x3  }
0xb: {  	s15 =	sshrl.u32 s13, $0x3;
	s17 =	sshll.u32 s13, $0x4;
	s20 =	sshrl.u32 s19, $0x3  }
0xc: {  	s23 =	sshrl.u32 s21, $0x3;
	s25 =	sshll.u32 s21, $0x4;
	[dreg:$0x3] =	wrdreg s1  }
0xd: {  	[dreg:$0x4] =	wrdreg s26;
	s7 =	sadd.s32 s3, s0;
	s10 =	sadd.s32 s5, s9  }
0xe: {  	s1 =	sadd.s32 s3, s12;
	s16 =	sadd.s32 s3, s15;
	[dreg:$0x5] =	wrdreg s7  }
0xf: {  	s18 =	sadd.s32 s5, s17;
	s24 =	sadd.s32 s3, s23;
	[dreg:$0x6] =	wrdreg s10  }
0x10: {  	s26 =	sadd.s32 s5, s25;
	s0 =	sor.u32 $0x300, s4;
	[dreg:$0x7] =	wrdreg s1  }
0x11: {  	s9 =	sor.u32 $0x380, s4;
	s15 =	sor.u32 $0x400, s4;
	[dreg:$0x9] =	wrdreg s16  }
0x12: {  	s17 =	sor.u32 $0x480, s4;
	s23 =	sor.u32 $0x500, s4;
	[dreg:$0xa] =	wrdreg s18  }
0x13: {  	s25 =	sor.u32 $0x580, s4;
	s7 =	sshll.u32 s11, $0x4;
	[dreg:$0xd] =	wrdreg s24  }
0x14: {  	s1 =	sadd.s32 s3, s20;
	[dreg:$0xe] =	wrdreg s26;
	s8 =	sshrl.u32 s0, $0x3  }
0x15: {  	s11 =	sshrl.u32 s9, $0x3;
	s13 =	sshll.u32 s9, $0x4;
	s16 =	sshrl.u32 s15, $0x3  }
0x16: {  	s21 =	sshll.u32 s17, $0x4;
	s24 =	sshrl.u32 s23, $0x3;
	s9 =	sshll.u32 s25, $0x4  }
0x17: {  	s14 =	sadd.s32 s5, s7;
	s7 =	sshll.u32 s19, $0x4;
	[dreg:$0xb] =	wrdreg s1  }
0x18: {  	s1 =	sadd.s32 s3, s8;
	s12 =	sadd.s32 s3, s11;
	[dreg:$0x8] =	wrdreg s14  }
0x19: {  	s19 =	sshrl.u32 s17, $0x3;
	s11 =	sor.u32 $0x600, s4;
	[dreg:$0xf] =	wrdreg s1  }
0x1a: {  	s22 =	sadd.s32 s5, s7;
	s7 =	sshll.u32 s0, $0x4;
	[dreg:$0x11] =	wrdreg s12  }
0x1b: {  	s14 =	sadd.s32 s5, s13;
	s1 =	sadd.s32 s3, s16;
	s20 =	sadd.s32 s3, s19  }
0x1c: {  	s0 =	sshrl.u32 s25, $0x3;
	s12 =	sshrl.u32 s11, $0x3;
	[dreg:$0xc] =	wrdreg s22  }
0x1d: {  	s13 =	sor.u32 $0x680, s4;
	s19 =	sor.u32 $0x700, s4;
	[dreg:$0x12] =	wrdreg s14  }
0x1e: {  	s10 =	sadd.s32 s5, s7;
	s7 =	sshll.u32 s15, $0x4;
	[dreg:$0x13] =	wrdreg s1  }
0x1f: {  	[dreg:$0x15] =	wrdreg s20;
	s22 =	sadd.s32 s5, s21;
	s1 =	sadd.s32 s3, s24  }
0x20: {  	s15 =	sshrl.u32 s13, $0x3;
	s17 =	sshll.u32 s13, $0x4;
	[dreg:$0x10] =	wrdreg s10  }
0x21: {  	s20 =	sshrl.u32 s19, $0x3;
	s21 =	sor.u32 $0x780, s4;
	[dreg:$0x16] =	wrdreg s22  }
0x22: {  	s18 =	sadd.s32 s5, s7;
	s7 =	sshll.u32 s23, $0x4;
	[dreg:$0x17] =	wrdreg s1  }
0x23: {  	s10 =	sadd.s32 s5, s9;
	s1 =	sadd.s32 s3, s12;
	[dreg:$0x14] =	wrdreg s18  }
0x24: {  	s16 =	sadd.s32 s3, s15;
	s23 =	sshrl.u32 s21, $0x3;
	[dreg:$0x1a] =	wrdreg s10  }
0x25: {  	s25 =	sshll.u32 s21, $0x4;
	s9 =	sor.u32 $0x880, s4;
	[dreg:$0x1b] =	wrdreg s1  }
0x26: {  	s15 =	sor.u32 $0x900, s4;
	s26 =	sadd.s32 s5, s7;
	[dreg:$0x1d] =	wrdreg s16  }
0x27: {  	s7 =	sadd.s32 s3, s0;
	s18 =	sadd.s32 s5, s17;
	[dreg:$0x18] =	wrdreg s26  }
0x28: {  	s1 =	sadd.s32 s3, s20;
	s24 =	sadd.s32 s3, s23;
	[dreg:$0x19] =	wrdreg s7  }
0x29: {  	s0 =	sor.u32 $0x800, s4;
	s13 =	sshll.u32 s9, $0x4;
	[dreg:$0x1e] =	wrdreg s18  }
0x2a: {  	s16 =	sshrl.u32 s15, $0x3;
	s17 =	sor.u32 $0x980, s4;
	[dreg:$0x1f] =	wrdreg s1  }
0x2b: {  	s23 =	sor.u32 $0xA00, s4;
	s7 =	sshll.u32 s11, $0x4;
	[smem:$0x7B4] =	sst s24  }
0x2c: {  	s26 =	sadd.s32 s5, s25;
	s8 =	sshrl.u32 s0, $0x3;
	s11 =	sshrl.u32 s9, $0x3  }
0x2d: {  	s21 =	sshll.u32 s17, $0x4;
	s24 =	sshrl.u32 s23, $0x3;
	s25 =	sor.u32 $0xA80, s4  }
0x2e: {  	s14 =	sadd.s32 s5, s7;
	s7 =	sshll.u32 s19, $0x4;
	[smem:$0x7B5] =	sst s26  }
0x2f: {  	s1 =	sadd.s32 s3, s8;
	s12 =	sadd.s32 s3, s11;
	s19 =	sshrl.u32 s17, $0x3  }
0x30: {  	s9 =	sshll.u32 s25, $0x4;
	s11 =	sor.u32 $0xB00, s4;
	[dreg:$0x1c] =	wrdreg s14  }
0x31: {  	s22 =	sadd.s32 s5, s7;
	s7 =	sshll.u32 s0, $0x4;
	[smem:$0x7B6] =	sst s1  }
0x32: {  	[smem:$0x7B8] =	sst s12;
	s14 =	sadd.s32 s5, s13;
	s1 =	sadd.s32 s3, s16  }
0x33: {  	s20 =	sadd.s32 s3, s19;
	s0 =	sshrl.u32 s25, $0x3;
	[smem:$0x7B3] =	sst s22  }
0x34: {  	s12 =	sshrl.u32 s11, $0x3;
	s13 =	sor.u32 $0xB80, s4;
	[smem:$0x7B9] =	sst s14  }
0x35: {  	s19 =	sor.u32 $0xC00, s4;
	s10 =	sadd.s32 s5, s7;
	[smem:$0x7BA] =	sst s1  }
0x36: {  	s7 =	sshll.u32 s15, $0x4;
	[smem:$0x7BC] =	sst s20;
	s22 =	sadd.s32 s5, s21  }
0x37: {  	s1 =	sadd.s32 s3, s24;
	s15 =	sshrl.u32 s13, $0x3;
	s17 =	sshll.u32 s13, $0x4  }
0x38: {  	s20 =	sshrl.u32 s19, $0x3;
	s21 =	sor.u32 $0xC80, s4;
	[smem:$0x7B7] =	sst s10  }
0x39: {  	s18 =	sadd.s32 s5, s7;
	[smem:$0x7BD] =	sst s22;
	s7 =	sshll.u32 s23, $0x4  }
0x3a: {  	[smem:$0x7BE] =	sst s1;
	s10 =	sadd.s32 s5, s9;
	s1 =	sadd.s32 s3, s12  }
0x3b: {  	s16 =	sadd.s32 s3, s15;
	s23 =	sshrl.u32 s21, $0x3;
	[smem:$0x7BB] =	sst s18  }
0x3c: {  	s25 =	sshll.u32 s21, $0x4;
	s9 =	sor.u32 $0xD80, s4;
	[smem:$0x7C1] =	sst s10  }
0x3d: {  	s15 =	sor.u32 $0xE00, s4;
	s26 =	sadd.s32 s5, s7;
	[smem:$0x7C2] =	sst s1  }
0x3e: {  	s7 =	sadd.s32 s3, s0;
	[smem:$0x7C4] =	sst s16;
	s18 =	sadd.s32 s5, s17  }
0x3f: {  	s1 =	sadd.s32 s3, s20;
	s24 =	sadd.s32 s3, s23;
	[smem:$0x7BF] =	sst s26  }
0x40: {  	s0 =	sor.u32 $0xD00, s4;
	s13 =	sshll.u32 s9, $0x4;
	[smem:$0x7C0] =	sst s7  }
0x41: {  	s16 =	sshrl.u32 s15, $0x3;
	s17 =	sor.u32 $0xE80, s4;
	[smem:$0x7C5] =	sst s18  }
0x42: {  	s23 =	sor.u32 $0xF00, s4;
	s7 =	sshll.u32 s11, $0x4;
	[smem:$0x7C6] =	sst s1  }
0x43: {  	[smem:$0x7C8] =	sst s24;
	s26 =	sadd.s32 s5, s25;
	s8 =	sshrl.u32 s0, $0x3  }
0x44: {  	s11 =	sshrl.u32 s9, $0x3;
	s21 =	sshll.u32 s17, $0x4;
	s24 =	sshrl.u32 s23, $0x3  }
0x45: {  	s25 =	sor.u32 $0xF80, s4;
	s14 =	sadd.s32 s5, s7;
	s7 =	sshll.u32 s19, $0x4  }
0x46: {  	[smem:$0x7C9] =	sst s26;
	s1 =	sadd.s32 s3, s8;
	s12 =	sadd.s32 s3, s11  }
0x47: {  	s19 =	sshrl.u32 s17, $0x3;
	s9 =	sshll.u32 s25, $0x4;
	[smem:$0x7C3] =	sst s14  }
0x48: {  	s11 =	sor.u32 $0x1000, s4;
	s22 =	sadd.s32 s5, s7;
	[smem:$0x7CA] =	sst s1  }
0x49: {  	s7 =	sshll.u32 s0, $0x4;
	[smem:$0x7CC] =	sst s12;
	s14 =	sadd.s32 s5, s13  }
0x4a: {  	s1 =	sadd.s32 s3, s16;
	s20 =	sadd.s32 s3, s19;
	[smem:$0x7C7] =	sst s22  }
0x4b: {  	s0 =	sshrl.u32 s25, $0x3;
	s12 =	sshrl.u32 s11, $0x3;
	[smem:$0x7CD] =	sst s14  }
0x4c: {  	s13 =	sor.u32 $0x1080, s4;
	s19 =	sor.u32 $0x1100, s4;
	[smem:$0x7CE] =	sst s1  }
0x4d: {  	s10 =	sadd.s32 s5, s7;
	s7 =	sshll.u32 s15, $0x4;
	[smem:$0x7D0] =	sst s20  }
0x4e: {  	s22 =	sadd.s32 s5, s21;
	s1 =	sadd.s32 s3, s24;
	s15 =	sshrl.u32 s13, $0x3  }
0x4f: {  	s17 =	sshll.u32 s13, $0x4;
	s20 =	sshrl.u32 s19, $0x3;
	[smem:$0x7CB] =	sst s10  }
0x50: {  	s21 =	sor.u32 $0x1180, s4;
	s18 =	sadd.s32 s5, s7;
	[smem:$0x7D1] =	sst s22  }
0x51: {  	s7 =	sshll.u32 s23, $0x4;
	[smem:$0x7D2] =	sst s1;
	s10 =	sadd.s32 s5, s9  }
0x52: {  	s1 =	sadd.s32 s3, s12;
	s16 =	sadd.s32 s3, s15;
	[smem:$0x7CF] =	sst s18  }
0x53: {  	s23 =	sshrl.u32 s21, $0x3;
	s25 =	sshll.u32 s21, $0x4;
	[smem:$0x7D5] =	sst s10  }
0x54: {  	s9 =	sor.u32 $0x1280, s4;
	s15 =	sor.u32 $0x1300, s4;
	[smem:$0x7D6] =	sst s1  }
0x55: {  	s26 =	sadd.s32 s5, s7;
	s7 =	sadd.s32 s3, s0;
	[smem:$0x7D8] =	sst s16  }
0x56: {  	s18 =	sadd.s32 s5, s17;
	s1 =	sadd.s32 s3, s20;
	[smem:$0x7D3] =	sst s26  }
0x57: {  	s24 =	sadd.s32 s3, s23;
	s0 =	sor.u32 $0x1200, s4;
	[smem:$0x7D4] =	sst s7  }
0x58: {  	s13 =	sshll.u32 s9, $0x4;
	s16 =	sshrl.u32 s15, $0x3;
	[smem:$0x7D9] =	sst s18  }
0x59: {  	s17 =	sor.u32 $0x1380, s4;
	s23 =	sor.u32 $0x1400, s4;
	[smem:$0x7DA] =	sst s1  }
0x5a: {  	s7 =	sshll.u32 s11, $0x4;
	[smem:$0x7DC] =	sst s24;
	s26 =	sadd.s32 s5, s25  }
0x5b: {  	s8 =	sshrl.u32 s0, $0x3;
	s11 =	sshrl.u32 s9, $0x3;
	s21 =	sshll.u32 s17, $0x4  }
0x5c: {  	s24 =	sshrl.u32 s23, $0x3;
	s25 =	sor.u32 $0x1480, s4;
	s14 =	sadd.s32 s5, s7  }
0x5d: {  	s7 =	sshll.u32 s19, $0x4;
	[smem:$0x7DD] =	sst s26;
	s1 =	sadd.s32 s3, s8  }
0x5e: {  	s12 =	sadd.s32 s3, s11;
	s19 =	sshrl.u32 s17, $0x3;
	[smem:$0x7D7] =	sst s14  }
0x5f: {  	s9 =	sshll.u32 s25, $0x4;
	s11 =	sor.u32 $0x1500, s4;
	[smem:$0x7DE] =	sst s1  }
0x60: {  	s22 =	sadd.s32 s5, s7;
	s7 =	sshll.u32 s0, $0x4;
	[smem:$0x7E0] =	sst s12  }
0x61: {  	s14 =	sadd.s32 s5, s13;
	s1 =	sadd.s32 s3, s16;
	s20 =	sadd.s32 s3, s19  }
0x62: {  	s0 =	sshrl.u32 s25, $0x3;
	s12 =	sshrl.u32 s11, $0x3;
	[smem:$0x7DB] =	sst s22  }
0x63: {  	s13 =	sor.u32 $0x1580, s4;
	s19 =	sor.u32 $0x1600, s4;
	[smem:$0x7E1] =	sst s14  }
0x64: {  	s10 =	sadd.s32 s5, s7;
	s7 =	sshll.u32 s15, $0x4;
	[smem:$0x7E2] =	sst s1  }
0x65: {  	[smem:$0x7E4] =	sst s20;
	s22 =	sadd.s32 s5, s21;
	s1 =	sadd.s32 s3, s24  }
0x66: {  	s15 =	sshrl.u32 s13, $0x3;
	s17 =	sshll.u32 s13, $0x4;
	[smem:$0x7DF] =	sst s10  }
0x67: {  	s20 =	sshrl.u32 s19, $0x3;
	s21 =	sor.u32 $0x1680, s4;
	[smem:$0x7E5] =	sst s22  }
0x68: {  	s18 =	sadd.s32 s5, s7;
	s7 =	sshll.u32 s23, $0x4;
	[smem:$0x7E6] =	sst s1  }
0x69: {  	s10 =	sadd.s32 s5, s9;
	s1 =	sadd.s32 s3, s12;
	[smem:$0x7E3] =	sst s18  }
0x6a: {  	s16 =	sadd.s32 s3, s15;
	s23 =	sshrl.u32 s21, $0x3;
	[smem:$0x7E9] =	sst s10  }
0x6b: {  	s25 =	sshll.u32 s21, $0x4;
	s9 =	sor.u32 $0x1780, s4;
	[smem:$0x7EA] =	sst s1  }
0x6c: {  	s15 =	sor.u32 $0x1800, s4;
	s26 =	sadd.s32 s5, s7;
	[smem:$0x7EC] =	sst s16  }
0x6d: {  	s7 =	sadd.s32 s3, s0;
	s18 =	sadd.s32 s5, s17;
	[smem:$0x7E7] =	sst s26  }
0x6e: {  	s1 =	sadd.s32 s3, s20;
	s24 =	sadd.s32 s3, s23;
	[smem:$0x7E8] =	sst s7  }
0x6f: {  	s0 =	sor.u32 $0x1700, s4;
	s13 =	sshll.u32 s9, $0x4;
	[smem:$0x7ED] =	sst s18  }
0x70: {  	s16 =	sshrl.u32 s6, $0x1;
	s17 =	sshrl.u32 s15, $0x3;
	[smem:$0x7EE] =	sst s1  }
0x71: {  	s23 =	sor.u32 $0x1900, s4;
	s7 =	sshll.u32 s11, $0x4;
	[smem:$0x7F0] =	sst s24  }
0x72: {  	s26 =	sadd.s32 s5, s25;
	s8 =	sshrl.u32 s0, $0x3;
	s11 =	sshrl.u32 s9, $0x3  }
0x73: {  	s9 =	sor.u32 $0x1880, s4;
	s6 =	ssub.s32 s6, s16;
	s24 =	sshrl.u32 s23, $0x3  }
0x74: {  	s25 =	sor.u32 $0x1980, s4;
	s14 =	sadd.s32 s5, s7;
	[smem:$0x7F1] =	sst s26  }
0x75: {  	s7 =	sshll.u32 s19, $0x4;
	s1 =	sadd.s32 s3, s8;
	[smem:$0x7EB] =	sst s14  }
0x76: {  	s12 =	sadd.s32 s3, s11;
	s19 =	sshrl.u32 s9, $0x3;
	[smem:$0x7F2] =	sst s1  }
0x77: {  	s21 =	sshll.u32 s9, $0x4;
	s22 =	sadd.s32 s5, s7;
	[smem:$0x7F4] =	sst s12  }
0x78: {  	s8 =	sshll.u32 s25, $0x4;
	s14 =	sadd.s32 s5, s13;
	[smem:$0x7EF] =	sst s22  }
0x79: {  	s7 =	sshll.u32 s0, $0x4;
	s1 =	sadd.s32 s3, s17;
	[smem:$0x7F5] =	sst s14  }
0x7a: {  	s20 =	sadd.s32 s3, s19;
	s0 =	sshrl.u32 s25, $0x3;
	[smem:$0x7F6] =	sst s1  }
0x7b: {  	s9 =	sadd.s32 s5, s8;
	s10 =	sadd.s32 s5, s7;
	[smem:$0x7F8] =	sst s20  }
0x7c: {  	s7 =	sshll.u32 s15, $0x4;
	s22 =	sadd.s32 s5, s21;
	[smem:$0x7FD] =	sst s9  }
0x7d: {  	s1 =	sadd.s32 s3, s24;
	s24 =	sor.u32 $0x1B00, s4;
	[smem:$0x7F3] =	sst s10  }
0x7e: {  	s9 =	sor.u32 $0x1F00, s4;
	s18 =	sadd.s32 s5, s7;
	[smem:$0x7F9] =	sst s22  }
0x7f: {  	s7 =	sshll.u32 s23, $0x4;
	[smem:$0x7FA] =	sst s1;
	s10 =	sor.u32 $0x1A00, s4  }
0x80: {  	s22 =	sor.u32 $0x1A80, s4;
	s13 =	sshrl.u32 s24, $0x3;
	s1 =	sor.u32 $0x1B80, s4  }
0x81: {  	[smem:$0x7F7] =	sst s18;
	s26 =	sadd.s32 s5, s7;
	s7 =	sadd.s32 s3, s0  }
0x82: {  	s11 =	sshrl.u32 s10, $0x3;
	s12 =	sshrl.u32 s22, $0x3;
	s20 =	sshll.u32 s10, $0x4  }
0x83: {  	s23 =	sadd.s32 s3, s13;
	s14 =	sshrl.u32 s1, $0x3;
	s13 =	sor.u32 $0x1C80, s4  }
0x84: {  	s18 =	sor.u32 $0x1D80, s4;
	s0 =	sor.u32 $0x1E00, s4;
	s10 =	sor.u32 $0x1F80, s4  }
0x85: {  	s22 =	sshll.u32 s22, $0x4;
	s1 =	sshll.u32 s1, $0x4;
	[smem:$0x7FB] =	sst s26  }
0x86: {  	[smem:$0x7FC] =	sst s7;
	s28 =	sadd.s32 s3, s11;
	s25 =	sadd.s32 s3, s12  }
0x87: {  	s11 =	sor.u32 $0x1C00, s4;
	s21 =	sadd.s32 s3, s14;
	s15 =	sshrl.u32 s13, $0x3  }
0x88: {  	s26 =	sshrl.u32 s18, $0x3;
	s7 =	sshrl.u32 s0, $0x3;
	s31 =	sadd.s32 s5, s20  }
0x89: {  	s30 =	sadd.s32 s5, s22;
	s13 =	sshll.u32 s13, $0x4;
	s0 =	sshll.u32 s0, $0x4  }
0x8a: {  	s12 =	sshrl.u32 s11, $0x3;
	s17 =	sadd.s32 s3, s15;
	s15 =	sor.u32 $0x1D00, s4  }
0x8b: {  	s14 =	sadd.s32 s3, s26;
	s26 =	sshrl.u32 s9, $0x3;
	s11 =	sshll.u32 s11, $0x4  }
0x8c: {  	s22 =	sadd.s32 s5, s13;
	s19 =	sadd.s32 s3, s12;
	s16 =	sshrl.u32 s15, $0x3  }
0x8d: {  	s12 =	sadd.s32 s3, s7;
	s7 =	sor.u32 $0x1E80, s4;
	s4 =	sadd.s32 s3, s26  }
0x8e: {  	s26 =	sshrl.u32 s10, $0x3;
	s16 =	sadd.s32 s3, s16;
	s8 =	sshrl.u32 s7, $0x3  }
0x8f: {  	s8 =	sadd.s32 s3, s8;
	s3 =	sadd.s32 s3, s26;
	s26 =	sshll.u32 s24, $0x4  }
0x90: {  	s20 =	sshll.u32 s15, $0x4;
	s15 =	sadd.s32 s5, s0;
	s29 =	sadd.s32 s5, s26  }
0x91: {  	s26 =	sadd.s32 s5, s1;
	s1 =	sshll.u32 s9, $0x4;
	s9 =	smax.u32 s6, $0x1  }
0x92: {  	s20 =	sadd.s32 s5, s20;
	s13 =	sshll.u32 s7, $0x4;
	p1 =	sne.s32 s9, $0x1  }
.Ltmp0:
0x93: {  	s7 =	sshll.u32 s10, $0x4;
	s10 =	rddreg [dreg:$0x0];
	(pc) =	sbr.rel @!p1 .LBB2_3-.Ltmp0, $4  }
0x94: {  	s24 =	sadd.s32 s5, s11;
	s11 =	sshll.u32 s18, $0x4;
	s13 =	sadd.s32 s5, s13  }
0x95: {  	s18 =	sadd.s32 s5, s11;
	s6 =	simm.s32 $0x2;
	s11 =	sadd.s32 s5, s1  }
0x96: {  	s5 =	sadd.s32 s5, s7;
	s7 =	sadd.s32 $0x2200, s10;
	s0 =	sadd.s32 $0xFFFFFFFF, s9  }
0x97: {  	s9 =	simm.s32 $0x80;
	s10 =	simm.s32 $0x1;
	s1 =	rddreg [dreg:$0x3]  }
0x98: {  	[tilespmem:s2], [sflag:$0x2] =	stream.linear.gather [hbm4b:s1+s2], $0x80, $0x38;
	[tilespmem:$0x4080] =	vst v63  }
0x99: {  	_ =	swait.ge [sflag:s6], $0x80  }
0x9a: {  	[sflag:s6] =	ssyncset.done $0x0  }
0x9b: {  	[sflag:s6] =	ssyncadd.s32 $0xFFFFFF80  }
0x9c: {  	[tilespmem:s9], [sflag:$0x1] =	stream.indirect.gather [hbm4b:s7+s9], $0x80, s2, s9, $0xb8;
	[tilespmem:$0x4080] =	vst v63  }
0x9d: {  	_ =	swait.ge [sflag:s10], $0x4000  }
0x9e: {  	[sflag:s10] =	ssyncset.done $0x0  }
0x9f: {  	s1 =	rddreg [dreg:$0x4];
	[sflag:s10] =	ssyncadd.s32 $0xFFFFC000  }
0xa0: {  	[hbm4b:s1+s2] =	stream.linear.scatter [tilespmem:s9], [sflag:$0x2], $0x4000, $0x38;
	[tilespmem:$0x4080] =	vst v63  }
0xa1: {  	_ =	swait.ge [sflag:s6], $0x4000  }
0xa2: {  	[sflag:s6] =	ssyncset.done $0x0  }
0xa3: {  	s1 =	rddreg [dreg:$0x5];
	[sflag:s6] =	ssyncadd.s32 $0xFFFFC000  }
0xa4: {  	[tilespmem:s2], [sflag:$0x2] =	stream.linear.gather [hbm4b:s1+s2], $0x80, $0x38;
	[tilespmem:$0x4080] =	vst v63  }
0xa5: {  	_ =	swait.ge [sflag:s6], $0x80  }
0xa6: {  	[sflag:s6] =	ssyncset.done $0x0  }
0xa7: {  	[sflag:s6] =	ssyncadd.s32 $0xFFFFFF80  }
0xa8: {  	[tilespmem:s9], [sflag:$0x1] =	stream.indirect.gather [hbm4b:s7+s9], $0x80, s2, s9, $0xb8;
	[tilespmem:$0x4080] =	vst v63  }
0xa9: {  	_ =	swait.ge [sflag:s10], $0x4000  }
0xaa: {  	[sflag:s10] =	ssyncset.done $0x0  }
0xab: {  	s1 =	rddreg [dreg:$0x6];
	[sflag:s10] =	ssyncadd.s32 $0xFFFFC000  }
0xac: {  	[hbm4b:s1+s2] =	stream.linear.scatter [tilespmem:s9], [sflag:$0x2], $0x4000, $0x38;
	[tilespmem:$0x4080] =	vst v63  }
0xad: {  	_ =	swait.ge [sflag:s6], $0x4000  }
0xae: {  	[sflag:s6] =	ssyncset.done $0x0  }
0xaf: {  	s1 =	rddreg [dreg:$0x7];
	[sflag:s6] =	ssyncadd.s32 $0xFFFFC000  }
0xb0: {  	[tilespmem:s2], [sflag:$0x2] =	stream.linear.gather [hbm4b:s1+s2], $0x80, $0x38;
	[tilespmem:$0x4080] =	vst v63  }
0xb1: {  	_ =	swait.ge [sflag:s6], $0x80  }
0xb2: {  	[sflag:s6] =	ssyncset.done $0x0  }
0xb3: {  	[sflag:s6] =	ssyncadd.s32 $0xFFFFFF80  }
0xb4: {  	[tilespmem:s9], [sflag:$0x1] =	stream.indirect.gather [hbm4b:s7+s9], $0x80, s2, s9, $0xb8;
	[tilespmem:$0x4080] =	vst v63  }
0xb5: {  	_ =	swait.ge [sflag:s10], $0x4000  }
0xb6: {  	[sflag:s10] =	ssyncset.done $0x0  }
0xb7: {  	s1 =	rddreg [dreg:$0x8];
	[sflag:s10] =	ssyncadd.s32 $0xFFFFC000  }
0xb8: {  	[hbm4b:s1+s2] =	stream.linear.scatter [tilespmem:s9], [sflag:$0x2], $0x4000, $0x38;
	[tilespmem:$0x4080] =	vst v63  }
0xb9: {  	_ =	swait.ge [sflag:s6], $0x4000  }
0xba: {  	[sflag:s6] =	ssyncset.done $0x0  }
0xbb: {  	s1 =	rddreg [dreg:$0x9];
	[sflag:s6] =	ssyncadd.s32 $0xFFFFC000  }
0xbc: {  	[tilespmem:s2], [sflag:$0x2] =	stream.linear.gather [hbm4b:s1+s2], $0x80, $0x38;
	[tilespmem:$0x4080] =	vst v63  }
0xbd: {  	_ =	swait.ge [sflag:s6], $0x80  }
0xbe: {  	[sflag:s6] =	ssyncset.done $0x0  }
0xbf: {  	[sflag:s6] =	ssyncadd.s32 $0xFFFFFF80  }
0xc0: {  	[tilespmem:s9], [sflag:$0x1] =	stream.indirect.gather [hbm4b:s7+s9], $0x80, s2, s9, $0xb8;
	[tilespmem:$0x4080] =	vst v63  }
0xc1: {  	_ =	swait.ge [sflag:s10], $0x4000  }
0xc2: {  	[sflag:s10] =	ssyncset.done $0x0  }
0xc3: {  	s1 =	rddreg [dreg:$0xa];
	[sflag:s10] =	ssyncadd.s32 $0xFFFFC000  }
0xc4: {  	[hbm4b:s1+s2] =	stream.linear.scatter [tilespmem:s9], [sflag:$0x2], $0x4000, $0x38;
	[tilespmem:$0x4080] =	vst v63  }
0xc5: {  	_ =	swait.ge [sflag:s6], $0x4000  }
0xc6: {  	[sflag:s6] =	ssyncset.done $0x0  }
0xc7: {  	s1 =	rddreg [dreg:$0xb];
	[sflag:s6] =	ssyncadd.s32 $0xFFFFC000  }
0xc8: {  	[tilespmem:s2], [sflag:$0x2] =	stream.linear.gather [hbm4b:s1+s2], $0x80, $0x38;
	[tilespmem:$0x4080] =	vst v63  }
0xc9: {  	_ =	swait.ge [sflag:s6], $0x80  }
0xca: {  	[sflag:s6] =	ssyncset.done $0x0  }
0xcb: {  	[sflag:s6] =	ssyncadd.s32 $0xFFFFFF80  }
0xcc: {  	[tilespmem:s9], [sflag:$0x1] =	stream.indirect.gather [hbm4b:s7+s9], $0x80, s2, s9, $0xb8;
	[tilespmem:$0x4080] =	vst v63  }
0xcd: {  	_ =	swait.ge [sflag:s10], $0x4000  }
0xce: {  	[sflag:s10] =	ssyncset.done $0x0  }
0xcf: {  	s1 =	rddreg [dreg:$0xc];
	[sflag:s10] =	ssyncadd.s32 $0xFFFFC000  }
0xd0: {  	[hbm4b:s1+s2] =	stream.linear.scatter [tilespmem:s9], [sflag:$0x2], $0x4000, $0x38;
	[tilespmem:$0x4080] =	vst v63  }
0xd1: {  	_ =	swait.ge [sflag:s6], $0x4000  }
0xd2: {  	[sflag:s6] =	ssyncset.done $0x0  }
0xd3: {  	s1 =	rddreg [dreg:$0xd];
	[sflag:s6] =	ssyncadd.s32 $0xFFFFC000  }
0xd4: {  	[tilespmem:s2], [sflag:$0x2] =	stream.linear.gather [hbm4b:s1+s2], $0x80, $0x38;
	[tilespmem:$0x4080] =	vst v63  }
0xd5: {  	_ =	swait.ge [sflag:s6], $0x80  }
0xd6: {  	[sflag:s6] =	ssyncset.done $0x0  }
0xd7: {  	[sflag:s6] =	ssyncadd.s32 $0xFFFFFF80  }
0xd8: {  	[tilespmem:s9], [sflag:$0x1] =	stream.indirect.gather [hbm4b:s7+s9], $0x80, s2, s9, $0xb8;
	[tilespmem:$0x4080] =	vst v63  }
0xd9: {  	_ =	swait.ge [sflag:s10], $0x4000  }
0xda: {  	[sflag:s10] =	ssyncset.done $0x0  }
0xdb: {  	s1 =	rddreg [dreg:$0xe];
	[sflag:s10] =	ssyncadd.s32 $0xFFFFC000  }
0xdc: {  	[hbm4b:s1+s2] =	stream.linear.scatter [tilespmem:s9], [sflag:$0x2], $0x4000, $0x38;
	[tilespmem:$0x4080] =	vst v63  }
0xdd: {  	_ =	swait.ge [sflag:s6], $0x4000  }
0xde: {  	[sflag:s6] =	ssyncset.done $0x0  }
0xdf: {  	s1 =	rddreg [dreg:$0xf];
	[sflag:s6] =	ssyncadd.s32 $0xFFFFC000  }
0xe0: {  	[tilespmem:s2], [sflag:$0x2] =	stream.linear.gather [hbm4b:s1+s2], $0x80, $0x38;
	[tilespmem:$0x4080] =	vst v63  }
0xe1: {  	_ =	swait.ge [sflag:s6], $0x80  }
0xe2: {  	[sflag:s6] =	ssyncset.done $0x0  }
0xe3: {  	[sflag:s6] =	ssyncadd.s32 $0xFFFFFF80  }
0xe4: {  	[tilespmem:s9], [sflag:$0x1] =	stream.indirect.gather [hbm4b:s7+s9], $0x80, s2, s9, $0xb8;
	[tilespmem:$0x4080] =	vst v63  }
0xe5: {  	_ =	swait.ge [sflag:s10], $0x4000  }
0xe6: {  	[sflag:s10] =	ssyncset.done $0x0  }
0xe7: {  	s1 =	rddreg [dreg:$0x10];
	[sflag:s10] =	ssyncadd.s32 $0xFFFFC000  }
0xe8: {  	[hbm4b:s1+s2] =	stream.linear.scatter [tilespmem:s9], [sflag:$0x2], $0x4000, $0x38;
	[tilespmem:$0x4080] =	vst v63  }
0xe9: {  	_ =	swait.ge [sflag:s6], $0x4000  }
0xea: {  	[sflag:s6] =	ssyncset.done $0x0  }
0xeb: {  	s1 =	rddreg [dreg:$0x11];
	[sflag:s6] =	ssyncadd.s32 $0xFFFFC000  }
0xec: {  	[tilespmem:s2], [sflag:$0x2] =	stream.linear.gather [hbm4b:s1+s2], $0x80, $0x38;
	[tilespmem:$0x4080] =	vst v63  }
0xed: {  	_ =	swait.ge [sflag:s6], $0x80  }
0xee: {  	[sflag:s6] =	ssyncset.done $0x0  }
0xef: {  	[sflag:s6] =	ssyncadd.s32 $0xFFFFFF80  }
0xf0: {  	[tilespmem:s9], [sflag:$0x1] =	stream.indirect.gather [hbm4b:s7+s9], $0x80, s2, s9, $0xb8;
	[tilespmem:$0x4080] =	vst v63  }
0xf1: {  	_ =	swait.ge [sflag:s10], $0x4000  }
0xf2: {  	[sflag:s10] =	ssyncset.done $0x0  }
0xf3: {  	s1 =	rddreg [dreg:$0x12];
	[sflag:s10] =	ssyncadd.s32 $0xFFFFC000  }
0xf4: {  	[hbm4b:s1+s2] =	stream.linear.scatter [tilespmem:s9], [sflag:$0x2], $0x4000, $0x38;
	[tilespmem:$0x4080] =	vst v63  }
0xf5: {  	_ =	swait.ge [sflag:s6], $0x4000  }
0xf6: {  	[sflag:s6] =	ssyncset.done $0x0  }
0xf7: {  	s1 =	rddreg [dreg:$0x13];
	[sflag:s6] =	ssyncadd.s32 $0xFFFFC000  }
0xf8: {  	[tilespmem:s2], [sflag:$0x2] =	stream.linear.gather [hbm4b:s1+s2], $0x80, $0x38;
	[tilespmem:$0x4080] =	vst v63  }
0xf9: {  	_ =	swait.ge [sflag:s6], $0x80  }
0xfa: {  	[sflag:s6] =	ssyncset.done $0x0  }
0xfb: {  	[sflag:s6] =	ssyncadd.s32 $0xFFFFFF80  }
0xfc: {  	[tilespmem:s9], [sflag:$0x1] =	stream.indirect.gather [hbm4b:s7+s9], $0x80, s2, s9, $0xb8;
	[tilespmem:$0x4080] =	vst v63  }
0xfd: {  	_ =	swait.ge [sflag:s10], $0x4000  }
0xfe: {  	[sflag:s10] =	ssyncset.done $0x0  }
0xff: {  	s1 =	rddreg [dreg:$0x14];
	[sflag:s10] =	ssyncadd.s32 $0xFFFFC000  }
0x100: {  	[hbm4b:s1+s2] =	stream.linear.scatter [tilespmem:s9], [sflag:$0x2], $0x4000, $0x38;
	[tilespmem:$0x4080] =	vst v63  }
0x101: {  	_ =	swait.ge [sflag:s6], $0x4000  }
0x102: {  	[sflag:s6] =	ssyncset.done $0x0  }
0x103: {  	s1 =	rddreg [dreg:$0x15];
	[sflag:s6] =	ssyncadd.s32 $0xFFFFC000  }
0x104: {  	[tilespmem:s2], [sflag:$0x2] =	stream.linear.gather [hbm4b:s1+s2], $0x80, $0x38;
	[tilespmem:$0x4080] =	vst v63  }
0x105: {  	_ =	swait.ge [sflag:s6], $0x80  }
0x106: {  	[sflag:s6] =	ssyncset.done $0x0  }
0x107: {  	[sflag:s6] =	ssyncadd.s32 $0xFFFFFF80  }
0x108: {  	[tilespmem:s9], [sflag:$0x1] =	stream.indirect.gather [hbm4b:s7+s9], $0x80, s2, s9, $0xb8;
	[tilespmem:$0x4080] =	vst v63  }
0x109: {  	_ =	swait.ge [sflag:s10], $0x4000  }
0x10a: {  	[sflag:s10] =	ssyncset.done $0x0  }
0x10b: {  	s1 =	rddreg [dreg:$0x16];
	[sflag:s10] =	ssyncadd.s32 $0xFFFFC000  }
0x10c: {  	[hbm4b:s1+s2] =	stream.linear.scatter [tilespmem:s9], [sflag:$0x2], $0x4000, $0x38;
	[tilespmem:$0x4080] =	vst v63  }
0x10d: {  	_ =	swait.ge [sflag:s6], $0x4000  }
0x10e: {  	[sflag:s6] =	ssyncset.done $0x0  }
0x10f: {  	s1 =	rddreg [dreg:$0x17];
	[sflag:s6] =	ssyncadd.s32 $0xFFFFC000  }
0x110: {  	[tilespmem:s2], [sflag:$0x2] =	stream.linear.gather [hbm4b:s1+s2], $0x80, $0x38;
	[tilespmem:$0x4080] =	vst v63  }
0x111: {  	_ =	swait.ge [sflag:s6], $0x80  }
0x112: {  	[sflag:s6] =	ssyncset.done $0x0  }
0x113: {  	[sflag:s6] =	ssyncadd.s32 $0xFFFFFF80  }
0x114: {  	[tilespmem:s9], [sflag:$0x1] =	stream.indirect.gather [hbm4b:s7+s9], $0x80, s2, s9, $0xb8;
	[tilespmem:$0x4080] =	vst v63  }
0x115: {  	_ =	swait.ge [sflag:s10], $0x4000  }
0x116: {  	[sflag:s10] =	ssyncset.done $0x0  }
0x117: {  	s1 =	rddreg [dreg:$0x18];
	[sflag:s10] =	ssyncadd.s32 $0xFFFFC000  }
0x118: {  	[hbm4b:s1+s2] =	stream.linear.scatter [tilespmem:s9], [sflag:$0x2], $0x4000, $0x38;
	[tilespmem:$0x4080] =	vst v63  }
0x119: {  	_ =	swait.ge [sflag:s6], $0x4000  }
0x11a: {  	[sflag:s6] =	ssyncset.done $0x0  }
0x11b: {  	s1 =	rddreg [dreg:$0x19];
	[sflag:s6] =	ssyncadd.s32 $0xFFFFC000  }
0x11c: {  	[tilespmem:s2], [sflag:$0x2] =	stream.linear.gather [hbm4b:s1+s2], $0x80, $0x38;
	[tilespmem:$0x4080] =	vst v63  }
0x11d: {  	_ =	swait.ge [sflag:s6], $0x80  }
0x11e: {  	[sflag:s6] =	ssyncset.done $0x0  }
0x11f: {  	[sflag:s6] =	ssyncadd.s32 $0xFFFFFF80  }
0x120: {  	[tilespmem:s9], [sflag:$0x1] =	stream.indirect.gather [hbm4b:s7+s9], $0x80, s2, s9, $0xb8;
	[tilespmem:$0x4080] =	vst v63  }
0x121: {  	_ =	swait.ge [sflag:s10], $0x4000  }
0x122: {  	[sflag:s10] =	ssyncset.done $0x0  }
0x123: {  	s1 =	rddreg [dreg:$0x1a];
	[sflag:s10] =	ssyncadd.s32 $0xFFFFC000  }
0x124: {  	[hbm4b:s1+s2] =	stream.linear.scatter [tilespmem:s9], [sflag:$0x2], $0x4000, $0x38;
	[tilespmem:$0x4080] =	vst v63  }
0x125: {  	_ =	swait.ge [sflag:s6], $0x4000  }
0x126: {  	[sflag:s6] =	ssyncset.done $0x0  }
0x127: {  	s1 =	rddreg [dreg:$0x1b];
	[sflag:s6] =	ssyncadd.s32 $0xFFFFC000  }
0x128: {  	[tilespmem:s2], [sflag:$0x2] =	stream.linear.gather [hbm4b:s1+s2], $0x80, $0x38;
	[tilespmem:$0x4080] =	vst v63  }
0x129: {  	_ =	swait.ge [sflag:s6], $0x80  }
0x12a: {  	[sflag:s6] =	ssyncset.done $0x0  }
0x12b: {  	[sflag:s6] =	ssyncadd.s32 $0xFFFFFF80  }
0x12c: {  	[tilespmem:s9], [sflag:$0x1] =	stream.indirect.gather [hbm4b:s7+s9], $0x80, s2, s9, $0xb8;
	[tilespmem:$0x4080] =	vst v63  }
0x12d: {  	_ =	swait.ge [sflag:s10], $0x4000  }
0x12e: {  	[sflag:s10] =	ssyncset.done $0x0  }
0x12f: {  	s1 =	rddreg [dreg:$0x1c];
	[sflag:s10] =	ssyncadd.s32 $0xFFFFC000  }
0x130: {  	[hbm4b:s1+s2] =	stream.linear.scatter [tilespmem:s9], [sflag:$0x2], $0x4000, $0x38;
	[tilespmem:$0x4080] =	vst v63  }
0x131: {  	_ =	swait.ge [sflag:s6], $0x4000  }
0x132: {  	[sflag:s6] =	ssyncset.done $0x0  }
0x133: {  	s1 =	rddreg [dreg:$0x1d];
	[sflag:s6] =	ssyncadd.s32 $0xFFFFC000  }
0x134: {  	[tilespmem:s2], [sflag:$0x2] =	stream.linear.gather [hbm4b:s1+s2], $0x80, $0x38;
	[tilespmem:$0x4080] =	vst v63  }
0x135: {  	_ =	swait.ge [sflag:s6], $0x80  }
0x136: {  	[sflag:s6] =	ssyncset.done $0x0  }
0x137: {  	[sflag:s6] =	ssyncadd.s32 $0xFFFFFF80  }
0x138: {  	[tilespmem:s9], [sflag:$0x1] =	stream.indirect.gather [hbm4b:s7+s9], $0x80, s2, s9, $0xb8;
	[tilespmem:$0x4080] =	vst v63  }
0x139: {  	_ =	swait.ge [sflag:s10], $0x4000  }
0x13a: {  	[sflag:s10] =	ssyncset.done $0x0  }
0x13b: {  	s1 =	rddreg [dreg:$0x1e];
	[sflag:s10] =	ssyncadd.s32 $0xFFFFC000  }
0x13c: {  	[hbm4b:s1+s2] =	stream.linear.scatter [tilespmem:s9], [sflag:$0x2], $0x4000, $0x38;
	[tilespmem:$0x4080] =	vst v63  }
0x13d: {  	_ =	swait.ge [sflag:s6], $0x4000  }
0x13e: {  	[sflag:s6] =	ssyncset.done $0x0  }
0x13f: {  	s1 =	rddreg [dreg:$0x1f];
	[sflag:s6] =	ssyncadd.s32 $0xFFFFC000  }
0x140: {  	[tilespmem:s2], [sflag:$0x2] =	stream.linear.gather [hbm4b:s1+s2], $0x80, $0x38;
	[tilespmem:$0x4080] =	vst v63  }
0x141: {  	_ =	swait.ge [sflag:s6], $0x80  }
0x142: {  	[sflag:s6] =	ssyncset.done $0x0  }
0x143: {  	[sflag:s6] =	ssyncadd.s32 $0xFFFFFF80  }
0x144: {  	[tilespmem:s9], [sflag:$0x1] =	stream.indirect.gather [hbm4b:s7+s9], $0x80, s2, s9, $0xb8;
	[tilespmem:$0x4080] =	vst v63  }
0x145: {  	_ =	swait.ge [sflag:s10], $0x4000  }
0x146: {  	s1 =	sld [smem:$0x7B3]  }
0x147: {  	[sflag:s10] =	ssyncset.done $0x0  }
0x148: {  	[sflag:s10] =	ssyncadd.s32 $0xFFFFC000  }
0x149: {  	[hbm4b:s1+s2] =	stream.linear.scatter [tilespmem:s9], [sflag:$0x2], $0x4000, $0x38;
	[tilespmem:$0x4080] =	vst v63  }
0x14a: {  	_ =	swait.ge [sflag:s6], $0x4000  }
0x14b: {  	s1 =	sld [smem:$0x7B4]  }
0x14c: {  	[sflag:s6] =	ssyncset.done $0x0  }
0x14d: {  	[sflag:s6] =	ssyncadd.s32 $0xFFFFC000  }
0x14e: {  	[tilespmem:s2], [sflag:$0x2] =	stream.linear.gather [hbm4b:s1+s2], $0x80, $0x38;
	[tilespmem:$0x4080] =	vst v63  }
0x14f: {  	_ =	swait.ge [sflag:s6], $0x80  }
0x150: {  	[sflag:s6] =	ssyncset.done $0x0  }
0x151: {  	[sflag:s6] =	ssyncadd.s32 $0xFFFFFF80  }
0x152: {  	[tilespmem:s9], [sflag:$0x1] =	stream.indirect.gather [hbm4b:s7+s9], $0x80, s2, s9, $0xb8;
	[tilespmem:$0x4080] =	vst v63  }
0x153: {  	_ =	swait.ge [sflag:s10], $0x4000  }
0x154: {  	s1 =	sld [smem:$0x7B5]  }
0x155: {  	[sflag:s10] =	ssyncset.done $0x0  }
0x156: {  	[sflag:s10] =	ssyncadd.s32 $0xFFFFC000  }
0x157: {  	[hbm4b:s1+s2] =	stream.linear.scatter [tilespmem:s9], [sflag:$0x2], $0x4000, $0x38;
	[tilespmem:$0x4080] =	vst v63  }
0x158: {  	_ =	swait.ge [sflag:s6], $0x4000  }
0x159: {  	s1 =	sld [smem:$0x7B6]  }
0x15a: {  	[sflag:s6] =	ssyncset.done $0x0  }
0x15b: {  	[sflag:s6] =	ssyncadd.s32 $0xFFFFC000  }
0x15c: {  	[tilespmem:s2], [sflag:$0x2] =	stream.linear.gather [hbm4b:s1+s2], $0x80, $0x38;
	[tilespmem:$0x4080] =	vst v63  }
0x15d: {  	_ =	swait.ge [sflag:s6], $0x80  }
0x15e: {  	[sflag:s6] =	ssyncset.done $0x0  }
0x15f: {  	[sflag:s6] =	ssyncadd.s32 $0xFFFFFF80  }
0x160: {  	[tilespmem:s9], [sflag:$0x1] =	stream.indirect.gather [hbm4b:s7+s9], $0x80, s2, s9, $0xb8;
	[tilespmem:$0x4080] =	vst v63  }
0x161: {  	_ =	swait.ge [sflag:s10], $0x4000  }
0x162: {  	s1 =	sld [smem:$0x7B7]  }
0x163: {  	[sflag:s10] =	ssyncset.done $0x0  }
0x164: {  	[sflag:s10] =	ssyncadd.s32 $0xFFFFC000  }
0x165: {  	[hbm4b:s1+s2] =	stream.linear.scatter [tilespmem:s9], [sflag:$0x2], $0x4000, $0x38;
	[tilespmem:$0x4080] =	vst v63  }
0x166: {  	_ =	swait.ge [sflag:s6], $0x4000  }
0x167: {  	s1 =	sld [smem:$0x7B8]  }
0x168: {  	[sflag:s6] =	ssyncset.done $0x0  }
0x169: {  	[sflag:s6] =	ssyncadd.s32 $0xFFFFC000  }
0x16a: {  	[tilespmem:s2], [sflag:$0x2] =	stream.linear.gather [hbm4b:s1+s2], $0x80, $0x38;
	[tilespmem:$0x4080] =	vst v63  }
0x16b: {  	_ =	swait.ge [sflag:s6], $0x80  }
0x16c: {  	[sflag:s6] =	ssyncset.done $0x0  }
0x16d: {  	[sflag:s6] =	ssyncadd.s32 $0xFFFFFF80  }
0x16e: {  	[tilespmem:s9], [sflag:$0x1] =	stream.indirect.gather [hbm4b:s7+s9], $0x80, s2, s9, $0xb8;
	[tilespmem:$0x4080] =	vst v63  }
0x16f: {  	_ =	swait.ge [sflag:s10], $0x4000  }
0x170: {  	s1 =	sld [smem:$0x7B9]  }
0x171: {  	[sflag:s10] =	ssyncset.done $0x0  }
0x172: {  	[sflag:s10] =	ssyncadd.s32 $0xFFFFC000  }
0x173: {  	[hbm4b:s1+s2] =	stream.linear.scatter [tilespmem:s9], [sflag:$0x2], $0x4000, $0x38;
	[tilespmem:$0x4080] =	vst v63  }
0x174: {  	_ =	swait.ge [sflag:s6], $0x4000  }
0x175: {  	s1 =	sld [smem:$0x7BA]  }
0x176: {  	[sflag:s6] =	ssyncset.done $0x0  }
0x177: {  	[sflag:s6] =	ssyncadd.s32 $0xFFFFC000  }
0x178: {  	[tilespmem:s2], [sflag:$0x2] =	stream.linear.gather [hbm4b:s1+s2], $0x80, $0x38;
	[tilespmem:$0x4080] =	vst v63  }
0x179: {  	_ =	swait.ge [sflag:s6], $0x80  }
0x17a: {  	[sflag:s6] =	ssyncset.done $0x0  }
0x17b: {  	[sflag:s6] =	ssyncadd.s32 $0xFFFFFF80  }
0x17c: {  	[tilespmem:s9], [sflag:$0x1] =	stream.indirect.gather [hbm4b:s7+s9], $0x80, s2, s9, $0xb8;
	[tilespmem:$0x4080] =	vst v63  }
0x17d: {  	_ =	swait.ge [sflag:s10], $0x4000  }
0x17e: {  	s1 =	sld [smem:$0x7BB]  }
0x17f: {  	[sflag:s10] =	ssyncset.done $0x0  }
0x180: {  	[sflag:s10] =	ssyncadd.s32 $0xFFFFC000  }
0x181: {  	[hbm4b:s1+s2] =	stream.linear.scatter [tilespmem:s9], [sflag:$0x2], $0x4000, $0x38;
	[tilespmem:$0x4080] =	vst v63  }
0x182: {  	_ =	swait.ge [sflag:s6], $0x4000  }
0x183: {  	s1 =	sld [smem:$0x7BC]  }
0x184: {  	[sflag:s6] =	ssyncset.done $0x0  }
0x185: {  	[sflag:s6] =	ssyncadd.s32 $0xFFFFC000  }
0x186: {  	[tilespmem:s2], [sflag:$0x2] =	stream.linear.gather [hbm4b:s1+s2], $0x80, $0x38;
	[tilespmem:$0x4080] =	vst v63  }
0x187: {  	_ =	swait.ge [sflag:s6], $0x80  }
0x188: {  	[sflag:s6] =	ssyncset.done $0x0  }
0x189: {  	[sflag:s6] =	ssyncadd.s32 $0xFFFFFF80  }
0x18a: {  	[tilespmem:s9], [sflag:$0x1] =	stream.indirect.gather [hbm4b:s7+s9], $0x80, s2, s9, $0xb8;
	[tilespmem:$0x4080] =	vst v63  }
0x18b: {  	_ =	swait.ge [sflag:s10], $0x4000  }
0x18c: {  	s1 =	sld [smem:$0x7BD]  }
0x18d: {  	[sflag:s10] =	ssyncset.done $0x0  }
0x18e: {  	[sflag:s10] =	ssyncadd.s32 $0xFFFFC000  }
0x18f: {  	[hbm4b:s1+s2] =	stream.linear.scatter [tilespmem:s9], [sflag:$0x2], $0x4000, $0x38;
	[tilespmem:$0x4080] =	vst v63  }
0x190: {  	_ =	swait.ge [sflag:s6], $0x4000  }
0x191: {  	s1 =	sld [smem:$0x7BE]  }
0x192: {  	[sflag:s6] =	ssyncset.done $0x0  }
0x193: {  	[sflag:s6] =	ssyncadd.s32 $0xFFFFC000  }
0x194: {  	[tilespmem:s2], [sflag:$0x2] =	stream.linear.gather [hbm4b:s1+s2], $0x80, $0x38;
	[tilespmem:$0x4080] =	vst v63  }
0x195: {  	_ =	swait.ge [sflag:s6], $0x80  }
0x196: {  	[sflag:s6] =	ssyncset.done $0x0  }
0x197: {  	[sflag:s6] =	ssyncadd.s32 $0xFFFFFF80  }
0x198: {  	[tilespmem:s9], [sflag:$0x1] =	stream.indirect.gather [hbm4b:s7+s9], $0x80, s2, s9, $0xb8;
	[tilespmem:$0x4080] =	vst v63  }
0x199: {  	_ =	swait.ge [sflag:s10], $0x4000  }
0x19a: {  	s1 =	sld [smem:$0x7BF]  }
0x19b: {  	[sflag:s10] =	ssyncset.done $0x0  }
0x19c: {  	[sflag:s10] =	ssyncadd.s32 $0xFFFFC000  }
0x19d: {  	[hbm4b:s1+s2] =	stream.linear.scatter [tilespmem:s9], [sflag:$0x2], $0x4000, $0x38;
	[tilespmem:$0x4080] =	vst v63  }
0x19e: {  	_ =	swait.ge [sflag:s6], $0x4000  }
0x19f: {  	s1 =	sld [smem:$0x7C0]  }
0x1a0: {  	[sflag:s6] =	ssyncset.done $0x0  }
0x1a1: {  	[sflag:s6] =	ssyncadd.s32 $0xFFFFC000  }
0x1a2: {  	[tilespmem:s2], [sflag:$0x2] =	stream.linear.gather [hbm4b:s1+s2], $0x80, $0x38;
	[tilespmem:$0x4080] =	vst v63  }
0x1a3: {  	_ =	swait.ge [sflag:s6], $0x80  }
0x1a4: {  	[sflag:s6] =	ssyncset.done $0x0  }
0x1a5: {  	[sflag:s6] =	ssyncadd.s32 $0xFFFFFF80  }
0x1a6: {  	[tilespmem:s9], [sflag:$0x1] =	stream.indirect.gather [hbm4b:s7+s9], $0x80, s2, s9, $0xb8;
	[tilespmem:$0x4080] =	vst v63  }
0x1a7: {  	_ =	swait.ge [sflag:s10], $0x4000  }
0x1a8: {  	s1 =	sld [smem:$0x7C1]  }
0x1a9: {  	[sflag:s10] =	ssyncset.done $0x0  }
0x1aa: {  	[sflag:s10] =	ssyncadd.s32 $0xFFFFC000  }
0x1ab: {  	[hbm4b:s1+s2] =	stream.linear.scatter [tilespmem:s9], [sflag:$0x2], $0x4000, $0x38;
	[tilespmem:$0x4080] =	vst v63  }
0x1ac: {  	_ =	swait.ge [sflag:s6], $0x4000  }
0x1ad: {  	s1 =	sld [smem:$0x7C2]  }
0x1ae: {  	[sflag:s6] =	ssyncset.done $0x0  }
0x1af: {  	[sflag:s6] =	ssyncadd.s32 $0xFFFFC000  }
0x1b0: {  	[tilespmem:s2], [sflag:$0x2] =	stream.linear.gather [hbm4b:s1+s2], $0x80, $0x38;
	[tilespmem:$0x4080] =	vst v63  }
0x1b1: {  	_ =	swait.ge [sflag:s6], $0x80  }
0x1b2: {  	[sflag:s6] =	ssyncset.done $0x0  }
0x1b3: {  	[sflag:s6] =	ssyncadd.s32 $0xFFFFFF80  }
0x1b4: {  	[tilespmem:s9], [sflag:$0x1] =	stream.indirect.gather [hbm4b:s7+s9], $0x80, s2, s9, $0xb8;
	[tilespmem:$0x4080] =	vst v63  }
0x1b5: {  	_ =	swait.ge [sflag:s10], $0x4000  }
0x1b6: {  	s1 =	sld [smem:$0x7C3]  }
0x1b7: {  	[sflag:s10] =	ssyncset.done $0x0  }
0x1b8: {  	[sflag:s10] =	ssyncadd.s32 $0xFFFFC000  }
0x1b9: {  	[hbm4b:s1+s2] =	stream.linear.scatter [tilespmem:s9], [sflag:$0x2], $0x4000, $0x38;
	[tilespmem:$0x4080] =	vst v63  }
0x1ba: {  	_ =	swait.ge [sflag:s6], $0x4000  }
0x1bb: {  	s1 =	sld [smem:$0x7C4]  }
0x1bc: {  	[sflag:s6] =	ssyncset.done $0x0  }
0x1bd: {  	[sflag:s6] =	ssyncadd.s32 $0xFFFFC000  }
0x1be: {  	[tilespmem:s2], [sflag:$0x2] =	stream.linear.gather [hbm4b:s1+s2], $0x80, $0x38;
	[tilespmem:$0x4080] =	vst v63  }
0x1bf: {  	_ =	swait.ge [sflag:s6], $0x80  }
0x1c0: {  	[sflag:s6] =	ssyncset.done $0x0  }
0x1c1: {  	[sflag:s6] =	ssyncadd.s32 $0xFFFFFF80  }
0x1c2: {  	[tilespmem:s9], [sflag:$0x1] =	stream.indirect.gather [hbm4b:s7+s9], $0x80, s2, s9, $0xb8;
	[tilespmem:$0x4080] =	vst v63  }
0x1c3: {  	_ =	swait.ge [sflag:s10], $0x4000  }
0x1c4: {  	s1 =	sld [smem:$0x7C5]  }
0x1c5: {  	[sflag:s10] =	ssyncset.done $0x0  }
0x1c6: {  	[sflag:s10] =	ssyncadd.s32 $0xFFFFC000  }
0x1c7: {  	[hbm4b:s1+s2] =	stream.linear.scatter [tilespmem:s9], [sflag:$0x2], $0x4000, $0x38;
	[tilespmem:$0x4080] =	vst v63  }
0x1c8: {  	_ =	swait.ge [sflag:s6], $0x4000  }
0x1c9: {  	s1 =	sld [smem:$0x7C6]  }
0x1ca: {  	[sflag:s6] =	ssyncset.done $0x0  }
0x1cb: {  	[sflag:s6] =	ssyncadd.s32 $0xFFFFC000  }
0x1cc: {  	[tilespmem:s2], [sflag:$0x2] =	stream.linear.gather [hbm4b:s1+s2], $0x80, $0x38;
	[tilespmem:$0x4080] =	vst v63  }
0x1cd: {  	_ =	swait.ge [sflag:s6], $0x80  }
0x1ce: {  	[sflag:s6] =	ssyncset.done $0x0  }
0x1cf: {  	[sflag:s6] =	ssyncadd.s32 $0xFFFFFF80  }
0x1d0: {  	[tilespmem:s9], [sflag:$0x1] =	stream.indirect.gather [hbm4b:s7+s9], $0x80, s2, s9, $0xb8;
	[tilespmem:$0x4080] =	vst v63  }
0x1d1: {  	_ =	swait.ge [sflag:s10], $0x4000  }
0x1d2: {  	s1 =	sld [smem:$0x7C7]  }
0x1d3: {  	[sflag:s10] =	ssyncset.done $0x0  }
0x1d4: {  	[sflag:s10] =	ssyncadd.s32 $0xFFFFC000  }
0x1d5: {  	[hbm4b:s1+s2] =	stream.linear.scatter [tilespmem:s9], [sflag:$0x2], $0x4000, $0x38;
	[tilespmem:$0x4080] =	vst v63  }
0x1d6: {  	_ =	swait.ge [sflag:s6], $0x4000  }
0x1d7: {  	s1 =	sld [smem:$0x7C8]  }
0x1d8: {  	[sflag:s6] =	ssyncset.done $0x0  }
0x1d9: {  	[sflag:s6] =	ssyncadd.s32 $0xFFFFC000  }
0x1da: {  	[tilespmem:s2], [sflag:$0x2] =	stream.linear.gather [hbm4b:s1+s2], $0x80, $0x38;
	[tilespmem:$0x4080] =	vst v63  }
0x1db: {  	_ =	swait.ge [sflag:s6], $0x80  }
0x1dc: {  	[sflag:s6] =	ssyncset.done $0x0  }
0x1dd: {  	[sflag:s6] =	ssyncadd.s32 $0xFFFFFF80  }
0x1de: {  	[tilespmem:s9], [sflag:$0x1] =	stream.indirect.gather [hbm4b:s7+s9], $0x80, s2, s9, $0xb8;
	[tilespmem:$0x4080] =	vst v63  }
0x1df: {  	_ =	swait.ge [sflag:s10], $0x4000  }
0x1e0: {  	s1 =	sld [smem:$0x7C9]  }
0x1e1: {  	[sflag:s10] =	ssyncset.done $0x0  }
0x1e2: {  	[sflag:s10] =	ssyncadd.s32 $0xFFFFC000  }
0x1e3: {  	[hbm4b:s1+s2] =	stream.linear.scatter [tilespmem:s9], [sflag:$0x2], $0x4000, $0x38;
	[tilespmem:$0x4080] =	vst v63  }
0x1e4: {  	_ =	swait.ge [sflag:s6], $0x4000  }
0x1e5: {  	s1 =	sld [smem:$0x7CA]  }
0x1e6: {  	[sflag:s6] =	ssyncset.done $0x0  }
0x1e7: {  	[sflag:s6] =	ssyncadd.s32 $0xFFFFC000  }
0x1e8: {  	[tilespmem:s2], [sflag:$0x2] =	stream.linear.gather [hbm4b:s1+s2], $0x80, $0x38;
	[tilespmem:$0x4080] =	vst v63  }
0x1e9: {  	_ =	swait.ge [sflag:s6], $0x80  }
0x1ea: {  	[sflag:s6] =	ssyncset.done $0x0  }
0x1eb: {  	[sflag:s6] =	ssyncadd.s32 $0xFFFFFF80  }
0x1ec: {  	[tilespmem:s9], [sflag:$0x1] =	stream.indirect.gather [hbm4b:s7+s9], $0x80, s2, s9, $0xb8;
	[tilespmem:$0x4080] =	vst v63  }
0x1ed: {  	_ =	swait.ge [sflag:s10], $0x4000  }
0x1ee: {  	s1 =	sld [smem:$0x7CB]  }
0x1ef: {  	[sflag:s10] =	ssyncset.done $0x0  }
0x1f0: {  	[sflag:s10] =	ssyncadd.s32 $0xFFFFC000  }
0x1f1: {  	[hbm4b:s1+s2] =	stream.linear.scatter [tilespmem:s9], [sflag:$0x2], $0x4000, $0x38;
	[tilespmem:$0x4080] =	vst v63  }
0x1f2: {  	_ =	swait.ge [sflag:s6], $0x4000  }
0x1f3: {  	s1 =	sld [smem:$0x7CC]  }
0x1f4: {  	[sflag:s6] =	ssyncset.done $0x0  }
0x1f5: {  	[sflag:s6] =	ssyncadd.s32 $0xFFFFC000  }
0x1f6: {  	[tilespmem:s2], [sflag:$0x2] =	stream.linear.gather [hbm4b:s1+s2], $0x80, $0x38;
	[tilespmem:$0x4080] =	vst v63  }
0x1f7: {  	_ =	swait.ge [sflag:s6], $0x80  }
0x1f8: {  	[sflag:s6] =	ssyncset.done $0x0  }
0x1f9: {  	[sflag:s6] =	ssyncadd.s32 $0xFFFFFF80  }
0x1fa: {  	[tilespmem:s9], [sflag:$0x1] =	stream.indirect.gather [hbm4b:s7+s9], $0x80, s2, s9, $0xb8;
	[tilespmem:$0x4080] =	vst v63  }
0x1fb: {  	_ =	swait.ge [sflag:s10], $0x4000  }
0x1fc: {  	s1 =	sld [smem:$0x7CD]  }
0x1fd: {  	[sflag:s10] =	ssyncset.done $0x0  }
0x1fe: {  	[sflag:s10] =	ssyncadd.s32 $0xFFFFC000  }
0x1ff: {  	[hbm4b:s1+s2] =	stream.linear.scatter [tilespmem:s9], [sflag:$0x2], $0x4000, $0x38;
	[tilespmem:$0x4080] =	vst v63  }
0x200: {  	_ =	swait.ge [sflag:s6], $0x4000  }
0x201: {  	s1 =	sld [smem:$0x7CE]  }
0x202: {  	[sflag:s6] =	ssyncset.done $0x0  }
0x203: {  	[sflag:s6] =	ssyncadd.s32 $0xFFFFC000  }
0x204: {  	[tilespmem:s2], [sflag:$0x2] =	stream.linear.gather [hbm4b:s1+s2], $0x80, $0x38;
	[tilespmem:$0x4080] =	vst v63  }
0x205: {  	_ =	swait.ge [sflag:s6], $0x80  }
0x206: {  	[sflag:s6] =	ssyncset.done $0x0  }
0x207: {  	[sflag:s6] =	ssyncadd.s32 $0xFFFFFF80  }
0x208: {  	[tilespmem:s9], [sflag:$0x1] =	stream.indirect.gather [hbm4b:s7+s9], $0x80, s2, s9, $0xb8;
	[tilespmem:$0x4080] =	vst v63  }
0x209: {  	_ =	swait.ge [sflag:s10], $0x4000  }
0x20a: {  	s1 =	sld [smem:$0x7CF]  }
0x20b: {  	[sflag:s10] =	ssyncset.done $0x0  }
0x20c: {  	[sflag:s10] =	ssyncadd.s32 $0xFFFFC000  }
0x20d: {  	[hbm4b:s1+s2] =	stream.linear.scatter [tilespmem:s9], [sflag:$0x2], $0x4000, $0x38;
	[tilespmem:$0x4080] =	vst v63  }
0x20e: {  	_ =	swait.ge [sflag:s6], $0x4000  }
0x20f: {  	s1 =	sld [smem:$0x7D0]  }
0x210: {  	[sflag:s6] =	ssyncset.done $0x0  }
0x211: {  	[sflag:s6] =	ssyncadd.s32 $0xFFFFC000  }
0x212: {  	[tilespmem:s2], [sflag:$0x2] =	stream.linear.gather [hbm4b:s1+s2], $0x80, $0x38;
	[tilespmem:$0x4080] =	vst v63  }
0x213: {  	_ =	swait.ge [sflag:s6], $0x80  }
0x214: {  	[sflag:s6] =	ssyncset.done $0x0  }
0x215: {  	[sflag:s6] =	ssyncadd.s32 $0xFFFFFF80  }
0x216: {  	[tilespmem:s9], [sflag:$0x1] =	stream.indirect.gather [hbm4b:s7+s9], $0x80, s2, s9, $0xb8;
	[tilespmem:$0x4080] =	vst v63  }
0x217: {  	_ =	swait.ge [sflag:s10], $0x4000  }
0x218: {  	s1 =	sld [smem:$0x7D1]  }
0x219: {  	[sflag:s10] =	ssyncset.done $0x0  }
0x21a: {  	[sflag:s10] =	ssyncadd.s32 $0xFFFFC000  }
0x21b: {  	[hbm4b:s1+s2] =	stream.linear.scatter [tilespmem:s9], [sflag:$0x2], $0x4000, $0x38;
	[tilespmem:$0x4080] =	vst v63  }
0x21c: {  	_ =	swait.ge [sflag:s6], $0x4000  }
0x21d: {  	s1 =	sld [smem:$0x7D2]  }
0x21e: {  	[sflag:s6] =	ssyncset.done $0x0  }
0x21f: {  	[sflag:s6] =	ssyncadd.s32 $0xFFFFC000  }
0x220: {  	[tilespmem:s2], [sflag:$0x2] =	stream.linear.gather [hbm4b:s1+s2], $0x80, $0x38;
	[tilespmem:$0x4080] =	vst v63  }
0x221: {  	_ =	swait.ge [sflag:s6], $0x80  }
0x222: {  	[sflag:s6] =	ssyncset.done $0x0  }
0x223: {  	[sflag:s6] =	ssyncadd.s32 $0xFFFFFF80  }
0x224: {  	[tilespmem:s9], [sflag:$0x1] =	stream.indirect.gather [hbm4b:s7+s9], $0x80, s2, s9, $0xb8;
	[tilespmem:$0x4080] =	vst v63  }
0x225: {  	_ =	swait.ge [sflag:s10], $0x4000  }
0x226: {  	s1 =	sld [smem:$0x7D3]  }
0x227: {  	[sflag:s10] =	ssyncset.done $0x0  }
0x228: {  	[sflag:s10] =	ssyncadd.s32 $0xFFFFC000  }
0x229: {  	[hbm4b:s1+s2] =	stream.linear.scatter [tilespmem:s9], [sflag:$0x2], $0x4000, $0x38;
	[tilespmem:$0x4080] =	vst v63  }
0x22a: {  	_ =	swait.ge [sflag:s6], $0x4000  }
0x22b: {  	s1 =	sld [smem:$0x7D4]  }
0x22c: {  	[sflag:s6] =	ssyncset.done $0x0  }
0x22d: {  	[sflag:s6] =	ssyncadd.s32 $0xFFFFC000  }
0x22e: {  	[tilespmem:s2], [sflag:$0x2] =	stream.linear.gather [hbm4b:s1+s2], $0x80, $0x38;
	[tilespmem:$0x4080] =	vst v63  }
0x22f: {  	_ =	swait.ge [sflag:s6], $0x80  }
0x230: {  	[sflag:s6] =	ssyncset.done $0x0  }
0x231: {  	[sflag:s6] =	ssyncadd.s32 $0xFFFFFF80  }
0x232: {  	[tilespmem:s9], [sflag:$0x1] =	stream.indirect.gather [hbm4b:s7+s9], $0x80, s2, s9, $0xb8;
	[tilespmem:$0x4080] =	vst v63  }
0x233: {  	_ =	swait.ge [sflag:s10], $0x4000  }
0x234: {  	s1 =	sld [smem:$0x7D5]  }
0x235: {  	[sflag:s10] =	ssyncset.done $0x0  }
0x236: {  	[sflag:s10] =	ssyncadd.s32 $0xFFFFC000  }
0x237: {  	[hbm4b:s1+s2] =	stream.linear.scatter [tilespmem:s9], [sflag:$0x2], $0x4000, $0x38;
	[tilespmem:$0x4080] =	vst v63  }
0x238: {  	_ =	swait.ge [sflag:s6], $0x4000  }
0x239: {  	s1 =	sld [smem:$0x7D6]  }
0x23a: {  	[sflag:s6] =	ssyncset.done $0x0  }
0x23b: {  	[sflag:s6] =	ssyncadd.s32 $0xFFFFC000  }
0x23c: {  	[tilespmem:s2], [sflag:$0x2] =	stream.linear.gather [hbm4b:s1+s2], $0x80, $0x38;
	[tilespmem:$0x4080] =	vst v63  }
0x23d: {  	_ =	swait.ge [sflag:s6], $0x80  }
0x23e: {  	[sflag:s6] =	ssyncset.done $0x0  }
0x23f: {  	[sflag:s6] =	ssyncadd.s32 $0xFFFFFF80  }
0x240: {  	[tilespmem:s9], [sflag:$0x1] =	stream.indirect.gather [hbm4b:s7+s9], $0x80, s2, s9, $0xb8;
	[tilespmem:$0x4080] =	vst v63  }
0x241: {  	_ =	swait.ge [sflag:s10], $0x4000  }
0x242: {  	s1 =	sld [smem:$0x7D7]  }
0x243: {  	[sflag:s10] =	ssyncset.done $0x0  }
0x244: {  	[sflag:s10] =	ssyncadd.s32 $0xFFFFC000  }
0x245: {  	[hbm4b:s1+s2] =	stream.linear.scatter [tilespmem:s9], [sflag:$0x2], $0x4000, $0x38;
	[tilespmem:$0x4080] =	vst v63  }
0x246: {  	_ =	swait.ge [sflag:s6], $0x4000  }
0x247: {  	s1 =	sld [smem:$0x7D8]  }
0x248: {  	[sflag:s6] =	ssyncset.done $0x0  }
0x249: {  	[sflag:s6] =	ssyncadd.s32 $0xFFFFC000  }
0x24a: {  	[tilespmem:s2], [sflag:$0x2] =	stream.linear.gather [hbm4b:s1+s2], $0x80, $0x38;
	[tilespmem:$0x4080] =	vst v63  }
0x24b: {  	_ =	swait.ge [sflag:s6], $0x80  }
0x24c: {  	[sflag:s6] =	ssyncset.done $0x0  }
0x24d: {  	[sflag:s6] =	ssyncadd.s32 $0xFFFFFF80  }
0x24e: {  	[tilespmem:s9], [sflag:$0x1] =	stream.indirect.gather [hbm4b:s7+s9], $0x80, s2, s9, $0xb8;
	[tilespmem:$0x4080] =	vst v63  }
0x24f: {  	_ =	swait.ge [sflag:s10], $0x4000  }
0x250: {  	s1 =	sld [smem:$0x7D9]  }
0x251: {  	[sflag:s10] =	ssyncset.done $0x0  }
0x252: {  	[sflag:s10] =	ssyncadd.s32 $0xFFFFC000  }
0x253: {  	[hbm4b:s1+s2] =	stream.linear.scatter [tilespmem:s9], [sflag:$0x2], $0x4000, $0x38;
	[tilespmem:$0x4080] =	vst v63  }
0x254: {  	_ =	swait.ge [sflag:s6], $0x4000  }
0x255: {  	s1 =	sld [smem:$0x7DA]  }
0x256: {  	[sflag:s6] =	ssyncset.done $0x0  }
0x257: {  	[sflag:s6] =	ssyncadd.s32 $0xFFFFC000  }
0x258: {  	[tilespmem:s2], [sflag:$0x2] =	stream.linear.gather [hbm4b:s1+s2], $0x80, $0x38;
	[tilespmem:$0x4080] =	vst v63  }
0x259: {  	_ =	swait.ge [sflag:s6], $0x80  }
0x25a: {  	[sflag:s6] =	ssyncset.done $0x0  }
0x25b: {  	[sflag:s6] =	ssyncadd.s32 $0xFFFFFF80  }
0x25c: {  	[tilespmem:s9], [sflag:$0x1] =	stream.indirect.gather [hbm4b:s7+s9], $0x80, s2, s9, $0xb8;
	[tilespmem:$0x4080] =	vst v63  }
0x25d: {  	_ =	swait.ge [sflag:s10], $0x4000  }
0x25e: {  	s1 =	sld [smem:$0x7DB]  }
0x25f: {  	[sflag:s10] =	ssyncset.done $0x0  }
0x260: {  	[sflag:s10] =	ssyncadd.s32 $0xFFFFC000  }
0x261: {  	[hbm4b:s1+s2] =	stream.linear.scatter [tilespmem:s9], [sflag:$0x2], $0x4000, $0x38;
	[tilespmem:$0x4080] =	vst v63  }
0x262: {  	_ =	swait.ge [sflag:s6], $0x4000  }
0x263: {  	s1 =	sld [smem:$0x7DC]  }
0x264: {  	[sflag:s6] =	ssyncset.done $0x0  }
0x265: {  	[sflag:s6] =	ssyncadd.s32 $0xFFFFC000  }
0x266: {  	[tilespmem:s2], [sflag:$0x2] =	stream.linear.gather [hbm4b:s1+s2], $0x80, $0x38;
	[tilespmem:$0x4080] =	vst v63  }
0x267: {  	_ =	swait.ge [sflag:s6], $0x80  }
0x268: {  	[sflag:s6] =	ssyncset.done $0x0  }
0x269: {  	[sflag:s6] =	ssyncadd.s32 $0xFFFFFF80  }
0x26a: {  	[tilespmem:s9], [sflag:$0x1] =	stream.indirect.gather [hbm4b:s7+s9], $0x80, s2, s9, $0xb8;
	[tilespmem:$0x4080] =	vst v63  }
0x26b: {  	_ =	swait.ge [sflag:s10], $0x4000  }
0x26c: {  	s1 =	sld [smem:$0x7DD]  }
0x26d: {  	[sflag:s10] =	ssyncset.done $0x0  }
0x26e: {  	[sflag:s10] =	ssyncadd.s32 $0xFFFFC000  }
0x26f: {  	[hbm4b:s1+s2] =	stream.linear.scatter [tilespmem:s9], [sflag:$0x2], $0x4000, $0x38;
	[tilespmem:$0x4080] =	vst v63  }
0x270: {  	_ =	swait.ge [sflag:s6], $0x4000  }
0x271: {  	s1 =	sld [smem:$0x7DE]  }
0x272: {  	[sflag:s6] =	ssyncset.done $0x0  }
0x273: {  	[sflag:s6] =	ssyncadd.s32 $0xFFFFC000  }
0x274: {  	[tilespmem:s2], [sflag:$0x2] =	stream.linear.gather [hbm4b:s1+s2], $0x80, $0x38;
	[tilespmem:$0x4080] =	vst v63  }
0x275: {  	_ =	swait.ge [sflag:s6], $0x80  }
0x276: {  	[sflag:s6] =	ssyncset.done $0x0  }
0x277: {  	[sflag:s6] =	ssyncadd.s32 $0xFFFFFF80  }
0x278: {  	[tilespmem:s9], [sflag:$0x1] =	stream.indirect.gather [hbm4b:s7+s9], $0x80, s2, s9, $0xb8;
	[tilespmem:$0x4080] =	vst v63  }
0x279: {  	_ =	swait.ge [sflag:s10], $0x4000  }
0x27a: {  	s1 =	sld [smem:$0x7DF]  }
0x27b: {  	[sflag:s10] =	ssyncset.done $0x0  }
0x27c: {  	[sflag:s10] =	ssyncadd.s32 $0xFFFFC000  }
0x27d: {  	[hbm4b:s1+s2] =	stream.linear.scatter [tilespmem:s9], [sflag:$0x2], $0x4000, $0x38;
	[tilespmem:$0x4080] =	vst v63  }
0x27e: {  	_ =	swait.ge [sflag:s6], $0x4000  }
0x27f: {  	s1 =	sld [smem:$0x7E0]  }
0x280: {  	[sflag:s6] =	ssyncset.done $0x0  }
0x281: {  	[sflag:s6] =	ssyncadd.s32 $0xFFFFC000  }
0x282: {  	[tilespmem:s2], [sflag:$0x2] =	stream.linear.gather [hbm4b:s1+s2], $0x80, $0x38;
	[tilespmem:$0x4080] =	vst v63  }
0x283: {  	_ =	swait.ge [sflag:s6], $0x80  }
0x284: {  	[sflag:s6] =	ssyncset.done $0x0  }
0x285: {  	[sflag:s6] =	ssyncadd.s32 $0xFFFFFF80  }
0x286: {  	[tilespmem:s9], [sflag:$0x1] =	stream.indirect.gather [hbm4b:s7+s9], $0x80, s2, s9, $0xb8;
	[tilespmem:$0x4080] =	vst v63  }
0x287: {  	_ =	swait.ge [sflag:s10], $0x4000  }
0x288: {  	s1 =	sld [smem:$0x7E1]  }
0x289: {  	[sflag:s10] =	ssyncset.done $0x0  }
0x28a: {  	[sflag:s10] =	ssyncadd.s32 $0xFFFFC000  }
0x28b: {  	[hbm4b:s1+s2] =	stream.linear.scatter [tilespmem:s9], [sflag:$0x2], $0x4000, $0x38;
	[tilespmem:$0x4080] =	vst v63  }
0x28c: {  	_ =	swait.ge [sflag:s6], $0x4000  }
0x28d: {  	s1 =	sld [smem:$0x7E2]  }
0x28e: {  	[sflag:s6] =	ssyncset.done $0x0  }
0x28f: {  	[sflag:s6] =	ssyncadd.s32 $0xFFFFC000  }
0x290: {  	[tilespmem:s2], [sflag:$0x2] =	stream.linear.gather [hbm4b:s1+s2], $0x80, $0x38;
	[tilespmem:$0x4080] =	vst v63  }
0x291: {  	_ =	swait.ge [sflag:s6], $0x80  }
0x292: {  	[sflag:s6] =	ssyncset.done $0x0  }
0x293: {  	[sflag:s6] =	ssyncadd.s32 $0xFFFFFF80  }
0x294: {  	[tilespmem:s9], [sflag:$0x1] =	stream.indirect.gather [hbm4b:s7+s9], $0x80, s2, s9, $0xb8;
	[tilespmem:$0x4080] =	vst v63  }
0x295: {  	_ =	swait.ge [sflag:s10], $0x4000  }
0x296: {  	s1 =	sld [smem:$0x7E3]  }
0x297: {  	[sflag:s10] =	ssyncset.done $0x0  }
0x298: {  	[sflag:s10] =	ssyncadd.s32 $0xFFFFC000  }
0x299: {  	[hbm4b:s1+s2] =	stream.linear.scatter [tilespmem:s9], [sflag:$0x2], $0x4000, $0x38;
	[tilespmem:$0x4080] =	vst v63  }
0x29a: {  	_ =	swait.ge [sflag:s6], $0x4000  }
0x29b: {  	s1 =	sld [smem:$0x7E4]  }
0x29c: {  	[sflag:s6] =	ssyncset.done $0x0  }
0x29d: {  	[sflag:s6] =	ssyncadd.s32 $0xFFFFC000  }
0x29e: {  	[tilespmem:s2], [sflag:$0x2] =	stream.linear.gather [hbm4b:s1+s2], $0x80, $0x38;
	[tilespmem:$0x4080] =	vst v63  }
0x29f: {  	_ =	swait.ge [sflag:s6], $0x80  }
0x2a0: {  	[sflag:s6] =	ssyncset.done $0x0  }
0x2a1: {  	[sflag:s6] =	ssyncadd.s32 $0xFFFFFF80  }
0x2a2: {  	[tilespmem:s9], [sflag:$0x1] =	stream.indirect.gather [hbm4b:s7+s9], $0x80, s2, s9, $0xb8;
	[tilespmem:$0x4080] =	vst v63  }
0x2a3: {  	_ =	swait.ge [sflag:s10], $0x4000  }
0x2a4: {  	s1 =	sld [smem:$0x7E5]  }
0x2a5: {  	[sflag:s10] =	ssyncset.done $0x0  }
0x2a6: {  	[sflag:s10] =	ssyncadd.s32 $0xFFFFC000  }
0x2a7: {  	[hbm4b:s1+s2] =	stream.linear.scatter [tilespmem:s9], [sflag:$0x2], $0x4000, $0x38;
	[tilespmem:$0x4080] =	vst v63  }
0x2a8: {  	_ =	swait.ge [sflag:s6], $0x4000  }
0x2a9: {  	s1 =	sld [smem:$0x7E6]  }
0x2aa: {  	[sflag:s6] =	ssyncset.done $0x0  }
0x2ab: {  	[sflag:s6] =	ssyncadd.s32 $0xFFFFC000  }
0x2ac: {  	[tilespmem:s2], [sflag:$0x2] =	stream.linear.gather [hbm4b:s1+s2], $0x80, $0x38;
	[tilespmem:$0x4080] =	vst v63  }
0x2ad: {  	_ =	swait.ge [sflag:s6], $0x80  }
0x2ae: {  	[sflag:s6] =	ssyncset.done $0x0  }
0x2af: {  	[sflag:s6] =	ssyncadd.s32 $0xFFFFFF80  }
0x2b0: {  	[tilespmem:s9], [sflag:$0x1] =	stream.indirect.gather [hbm4b:s7+s9], $0x80, s2, s9, $0xb8;
	[tilespmem:$0x4080] =	vst v63  }
0x2b1: {  	_ =	swait.ge [sflag:s10], $0x4000  }
0x2b2: {  	s1 =	sld [smem:$0x7E7]  }
0x2b3: {  	[sflag:s10] =	ssyncset.done $0x0  }
0x2b4: {  	[sflag:s10] =	ssyncadd.s32 $0xFFFFC000  }
0x2b5: {  	[hbm4b:s1+s2] =	stream.linear.scatter [tilespmem:s9], [sflag:$0x2], $0x4000, $0x38;
	[tilespmem:$0x4080] =	vst v63  }
0x2b6: {  	_ =	swait.ge [sflag:s6], $0x4000  }
0x2b7: {  	s1 =	sld [smem:$0x7E8]  }
0x2b8: {  	[sflag:s6] =	ssyncset.done $0x0  }
0x2b9: {  	[sflag:s6] =	ssyncadd.s32 $0xFFFFC000  }
0x2ba: {  	[tilespmem:s2], [sflag:$0x2] =	stream.linear.gather [hbm4b:s1+s2], $0x80, $0x38;
	[tilespmem:$0x4080] =	vst v63  }
0x2bb: {  	_ =	swait.ge [sflag:s6], $0x80  }
0x2bc: {  	[sflag:s6] =	ssyncset.done $0x0  }
0x2bd: {  	[sflag:s6] =	ssyncadd.s32 $0xFFFFFF80  }
0x2be: {  	[tilespmem:s9], [sflag:$0x1] =	stream.indirect.gather [hbm4b:s7+s9], $0x80, s2, s9, $0xb8;
	[tilespmem:$0x4080] =	vst v63  }
0x2bf: {  	_ =	swait.ge [sflag:s10], $0x4000  }
0x2c0: {  	s1 =	sld [smem:$0x7E9]  }
0x2c1: {  	[sflag:s10] =	ssyncset.done $0x0  }
0x2c2: {  	[sflag:s10] =	ssyncadd.s32 $0xFFFFC000  }
0x2c3: {  	[hbm4b:s1+s2] =	stream.linear.scatter [tilespmem:s9], [sflag:$0x2], $0x4000, $0x38;
	[tilespmem:$0x4080] =	vst v63  }
0x2c4: {  	_ =	swait.ge [sflag:s6], $0x4000  }
0x2c5: {  	s1 =	sld [smem:$0x7EA]  }
0x2c6: {  	[sflag:s6] =	ssyncset.done $0x0  }
0x2c7: {  	[sflag:s6] =	ssyncadd.s32 $0xFFFFC000  }
0x2c8: {  	[tilespmem:s2], [sflag:$0x2] =	stream.linear.gather [hbm4b:s1+s2], $0x80, $0x38;
	[tilespmem:$0x4080] =	vst v63  }
0x2c9: {  	_ =	swait.ge [sflag:s6], $0x80  }
0x2ca: {  	[sflag:s6] =	ssyncset.done $0x0  }
0x2cb: {  	[sflag:s6] =	ssyncadd.s32 $0xFFFFFF80  }
0x2cc: {  	[tilespmem:s9], [sflag:$0x1] =	stream.indirect.gather [hbm4b:s7+s9], $0x80, s2, s9, $0xb8;
	[tilespmem:$0x4080] =	vst v63  }
0x2cd: {  	_ =	swait.ge [sflag:s10], $0x4000  }
0x2ce: {  	s1 =	sld [smem:$0x7EB]  }
0x2cf: {  	[sflag:s10] =	ssyncset.done $0x0  }
0x2d0: {  	[sflag:s10] =	ssyncadd.s32 $0xFFFFC000  }
0x2d1: {  	[hbm4b:s1+s2] =	stream.linear.scatter [tilespmem:s9], [sflag:$0x2], $0x4000, $0x38;
	[tilespmem:$0x4080] =	vst v63  }
0x2d2: {  	_ =	swait.ge [sflag:s6], $0x4000  }
0x2d3: {  	s1 =	sld [smem:$0x7EC]  }
0x2d4: {  	[sflag:s6] =	ssyncset.done $0x0  }
0x2d5: {  	[sflag:s6] =	ssyncadd.s32 $0xFFFFC000  }
0x2d6: {  	[tilespmem:s2], [sflag:$0x2] =	stream.linear.gather [hbm4b:s1+s2], $0x80, $0x38;
	[tilespmem:$0x4080] =	vst v63  }
0x2d7: {  	_ =	swait.ge [sflag:s6], $0x80  }
0x2d8: {  	[sflag:s6] =	ssyncset.done $0x0  }
0x2d9: {  	[sflag:s6] =	ssyncadd.s32 $0xFFFFFF80  }
0x2da: {  	[tilespmem:s9], [sflag:$0x1] =	stream.indirect.gather [hbm4b:s7+s9], $0x80, s2, s9, $0xb8;
	[tilespmem:$0x4080] =	vst v63  }
0x2db: {  	_ =	swait.ge [sflag:s10], $0x4000  }
0x2dc: {  	s1 =	sld [smem:$0x7ED]  }
0x2dd: {  	[sflag:s10] =	ssyncset.done $0x0  }
0x2de: {  	[sflag:s10] =	ssyncadd.s32 $0xFFFFC000  }
0x2df: {  	[hbm4b:s1+s2] =	stream.linear.scatter [tilespmem:s9], [sflag:$0x2], $0x4000, $0x38;
	[tilespmem:$0x4080] =	vst v63  }
0x2e0: {  	_ =	swait.ge [sflag:s6], $0x4000  }
0x2e1: {  	s1 =	sld [smem:$0x7EE]  }
0x2e2: {  	[sflag:s6] =	ssyncset.done $0x0  }
0x2e3: {  	[sflag:s6] =	ssyncadd.s32 $0xFFFFC000  }
0x2e4: {  	[tilespmem:s2], [sflag:$0x2] =	stream.linear.gather [hbm4b:s1+s2], $0x80, $0x38;
	[tilespmem:$0x4080] =	vst v63  }
0x2e5: {  	_ =	swait.ge [sflag:s6], $0x80  }
0x2e6: {  	[sflag:s6] =	ssyncset.done $0x0  }
0x2e7: {  	[sflag:s6] =	ssyncadd.s32 $0xFFFFFF80  }
0x2e8: {  	[tilespmem:s9], [sflag:$0x1] =	stream.indirect.gather [hbm4b:s7+s9], $0x80, s2, s9, $0xb8;
	[tilespmem:$0x4080] =	vst v63  }
0x2e9: {  	_ =	swait.ge [sflag:s10], $0x4000  }
0x2ea: {  	s1 =	sld [smem:$0x7EF]  }
0x2eb: {  	[sflag:s10] =	ssyncset.done $0x0  }
0x2ec: {  	[sflag:s10] =	ssyncadd.s32 $0xFFFFC000  }
0x2ed: {  	[hbm4b:s1+s2] =	stream.linear.scatter [tilespmem:s9], [sflag:$0x2], $0x4000, $0x38;
	[tilespmem:$0x4080] =	vst v63  }
0x2ee: {  	_ =	swait.ge [sflag:s6], $0x4000  }
0x2ef: {  	s1 =	sld [smem:$0x7F0]  }
0x2f0: {  	[sflag:s6] =	ssyncset.done $0x0  }
0x2f1: {  	[sflag:s6] =	ssyncadd.s32 $0xFFFFC000  }
0x2f2: {  	[tilespmem:s2], [sflag:$0x2] =	stream.linear.gather [hbm4b:s1+s2], $0x80, $0x38;
	[tilespmem:$0x4080] =	vst v63  }
0x2f3: {  	_ =	swait.ge [sflag:s6], $0x80  }
0x2f4: {  	[sflag:s6] =	ssyncset.done $0x0  }
0x2f5: {  	[sflag:s6] =	ssyncadd.s32 $0xFFFFFF80  }
0x2f6: {  	[tilespmem:s9], [sflag:$0x1] =	stream.indirect.gather [hbm4b:s7+s9], $0x80, s2, s9, $0xb8;
	[tilespmem:$0x4080] =	vst v63  }
0x2f7: {  	_ =	swait.ge [sflag:s10], $0x4000  }
0x2f8: {  	s1 =	sld [smem:$0x7F1]  }
0x2f9: {  	[sflag:s10] =	ssyncset.done $0x0  }
0x2fa: {  	[sflag:s10] =	ssyncadd.s32 $0xFFFFC000  }
0x2fb: {  	[hbm4b:s1+s2] =	stream.linear.scatter [tilespmem:s9], [sflag:$0x2], $0x4000, $0x38;
	[tilespmem:$0x4080] =	vst v63  }
0x2fc: {  	_ =	swait.ge [sflag:s6], $0x4000  }
0x2fd: {  	s1 =	sld [smem:$0x7F2]  }
0x2fe: {  	[sflag:s6] =	ssyncset.done $0x0  }
0x2ff: {  	[sflag:s6] =	ssyncadd.s32 $0xFFFFC000  }
0x300: {  	[tilespmem:s2], [sflag:$0x2] =	stream.linear.gather [hbm4b:s1+s2], $0x80, $0x38;
	[tilespmem:$0x4080] =	vst v63  }
0x301: {  	_ =	swait.ge [sflag:s6], $0x80  }
0x302: {  	[sflag:s6] =	ssyncset.done $0x0  }
0x303: {  	[sflag:s6] =	ssyncadd.s32 $0xFFFFFF80  }
0x304: {  	[tilespmem:s9], [sflag:$0x1] =	stream.indirect.gather [hbm4b:s7+s9], $0x80, s2, s9, $0xb8;
	[tilespmem:$0x4080] =	vst v63  }
0x305: {  	_ =	swait.ge [sflag:s10], $0x4000  }
0x306: {  	s1 =	sld [smem:$0x7F3]  }
0x307: {  	[sflag:s10] =	ssyncset.done $0x0  }
0x308: {  	[sflag:s10] =	ssyncadd.s32 $0xFFFFC000  }
0x309: {  	[hbm4b:s1+s2] =	stream.linear.scatter [tilespmem:s9], [sflag:$0x2], $0x4000, $0x38;
	[tilespmem:$0x4080] =	vst v63  }
0x30a: {  	_ =	swait.ge [sflag:s6], $0x4000  }
0x30b: {  	s1 =	sld [smem:$0x7F4]  }
0x30c: {  	[sflag:s6] =	ssyncset.done $0x0  }
0x30d: {  	[sflag:s6] =	ssyncadd.s32 $0xFFFFC000  }
0x30e: {  	[tilespmem:s2], [sflag:$0x2] =	stream.linear.gather [hbm4b:s1+s2], $0x80, $0x38;
	[tilespmem:$0x4080] =	vst v63  }
0x30f: {  	_ =	swait.ge [sflag:s6], $0x80  }
0x310: {  	[sflag:s6] =	ssyncset.done $0x0  }
0x311: {  	[sflag:s6] =	ssyncadd.s32 $0xFFFFFF80  }
0x312: {  	[tilespmem:s9], [sflag:$0x1] =	stream.indirect.gather [hbm4b:s7+s9], $0x80, s2, s9, $0xb8;
	[tilespmem:$0x4080] =	vst v63  }
0x313: {  	_ =	swait.ge [sflag:s10], $0x4000  }
0x314: {  	s1 =	sld [smem:$0x7F5]  }
0x315: {  	[sflag:s10] =	ssyncset.done $0x0  }
0x316: {  	[sflag:s10] =	ssyncadd.s32 $0xFFFFC000  }
0x317: {  	[hbm4b:s1+s2] =	stream.linear.scatter [tilespmem:s9], [sflag:$0x2], $0x4000, $0x38;
	[tilespmem:$0x4080] =	vst v63  }
0x318: {  	_ =	swait.ge [sflag:s6], $0x4000  }
0x319: {  	s1 =	sld [smem:$0x7F6]  }
0x31a: {  	[sflag:s6] =	ssyncset.done $0x0  }
0x31b: {  	[sflag:s6] =	ssyncadd.s32 $0xFFFFC000  }
0x31c: {  	[tilespmem:s2], [sflag:$0x2] =	stream.linear.gather [hbm4b:s1+s2], $0x80, $0x38;
	[tilespmem:$0x4080] =	vst v63  }
0x31d: {  	_ =	swait.ge [sflag:s6], $0x80  }
0x31e: {  	[sflag:s6] =	ssyncset.done $0x0  }
0x31f: {  	[sflag:s6] =	ssyncadd.s32 $0xFFFFFF80  }
0x320: {  	[tilespmem:s9], [sflag:$0x1] =	stream.indirect.gather [hbm4b:s7+s9], $0x80, s2, s9, $0xb8;
	[tilespmem:$0x4080] =	vst v63  }
0x321: {  	_ =	swait.ge [sflag:s10], $0x4000  }
0x322: {  	s1 =	sld [smem:$0x7F7]  }
0x323: {  	[sflag:s10] =	ssyncset.done $0x0  }
0x324: {  	[sflag:s10] =	ssyncadd.s32 $0xFFFFC000  }
0x325: {  	[hbm4b:s1+s2] =	stream.linear.scatter [tilespmem:s9], [sflag:$0x2], $0x4000, $0x38;
	[tilespmem:$0x4080] =	vst v63  }
0x326: {  	_ =	swait.ge [sflag:s6], $0x4000  }
0x327: {  	s1 =	sld [smem:$0x7F8]  }
0x328: {  	[sflag:s6] =	ssyncset.done $0x0  }
0x329: {  	[sflag:s6] =	ssyncadd.s32 $0xFFFFC000  }
0x32a: {  	[tilespmem:s2], [sflag:$0x2] =	stream.linear.gather [hbm4b:s1+s2], $0x80, $0x38;
	[tilespmem:$0x4080] =	vst v63  }
0x32b: {  	_ =	swait.ge [sflag:s6], $0x80  }
0x32c: {  	[sflag:s6] =	ssyncset.done $0x0  }
0x32d: {  	[sflag:s6] =	ssyncadd.s32 $0xFFFFFF80  }
0x32e: {  	[tilespmem:s9], [sflag:$0x1] =	stream.indirect.gather [hbm4b:s7+s9], $0x80, s2, s9, $0xb8;
	[tilespmem:$0x4080] =	vst v63  }
0x32f: {  	_ =	swait.ge [sflag:s10], $0x4000  }
0x330: {  	s1 =	sld [smem:$0x7F9]  }
0x331: {  	[sflag:s10] =	ssyncset.done $0x0  }
0x332: {  	[sflag:s10] =	ssyncadd.s32 $0xFFFFC000  }
0x333: {  	[hbm4b:s1+s2] =	stream.linear.scatter [tilespmem:s9], [sflag:$0x2], $0x4000, $0x38;
	[tilespmem:$0x4080] =	vst v63  }
0x334: {  	_ =	swait.ge [sflag:s6], $0x4000  }
0x335: {  	s1 =	sld [smem:$0x7FA]  }
0x336: {  	[sflag:s6] =	ssyncset.done $0x0  }
0x337: {  	[sflag:s6] =	ssyncadd.s32 $0xFFFFC000  }
0x338: {  	[tilespmem:s2], [sflag:$0x2] =	stream.linear.gather [hbm4b:s1+s2], $0x80, $0x38;
	[tilespmem:$0x4080] =	vst v63  }
0x339: {  	_ =	swait.ge [sflag:s6], $0x80  }
0x33a: {  	[sflag:s6] =	ssyncset.done $0x0  }
0x33b: {  	[sflag:s6] =	ssyncadd.s32 $0xFFFFFF80  }
0x33c: {  	[tilespmem:s9], [sflag:$0x1] =	stream.indirect.gather [hbm4b:s7+s9], $0x80, s2, s9, $0xb8;
	[tilespmem:$0x4080] =	vst v63  }
0x33d: {  	_ =	swait.ge [sflag:s10], $0x4000  }
0x33e: {  	s1 =	sld [smem:$0x7FB]  }
0x33f: {  	[sflag:s10] =	ssyncset.done $0x0  }
0x340: {  	[sflag:s10] =	ssyncadd.s32 $0xFFFFC000  }
0x341: {  	[hbm4b:s1+s2] =	stream.linear.scatter [tilespmem:s9], [sflag:$0x2], $0x4000, $0x38;
	[tilespmem:$0x4080] =	vst v63  }
0x342: {  	_ =	swait.ge [sflag:s6], $0x4000  }
0x343: {  	s1 =	sld [smem:$0x7FC]  }
0x344: {  	[sflag:s6] =	ssyncset.done $0x0  }
0x345: {  	[sflag:s6] =	ssyncadd.s32 $0xFFFFC000  }
0x346: {  	[tilespmem:s2], [sflag:$0x2] =	stream.linear.gather [hbm4b:s1+s2], $0x80, $0x38;
	[tilespmem:$0x4080] =	vst v63  }
0x347: {  	_ =	swait.ge [sflag:s6], $0x80  }
0x348: {  	[sflag:s6] =	ssyncset.done $0x0  }
0x349: {  	[sflag:s6] =	ssyncadd.s32 $0xFFFFFF80  }
0x34a: {  	[tilespmem:s9], [sflag:$0x1] =	stream.indirect.gather [hbm4b:s7+s9], $0x80, s2, s9, $0xb8;
	[tilespmem:$0x4080] =	vst v63  }
0x34b: {  	_ =	swait.ge [sflag:s10], $0x4000  }
0x34c: {  	s1 =	sld [smem:$0x7FD]  }
0x34d: {  	[sflag:s10] =	ssyncset.done $0x0  }
0x34e: {  	[sflag:s10] =	ssyncadd.s32 $0xFFFFC000  }
0x34f: {  	[hbm4b:s1+s2] =	stream.linear.scatter [tilespmem:s9], [sflag:$0x2], $0x4000, $0x38;
	[tilespmem:$0x4080] =	vst v63  }
0x350: {  	_ =	swait.ge [sflag:s6], $0x4000  }
0x351: {  	[sflag:s6] =	ssyncset.done $0x0  }
0x352: {  	[sflag:s6] =	ssyncadd.s32 $0xFFFFC000  }
0x353: {  	[tilespmem:s2], [sflag:$0x2] =	stream.linear.gather [hbm4b:s28+s2], $0x80, $0x38;
	[tilespmem:$0x4080] =	vst v63  }
0x354: {  	_ =	swait.ge [sflag:s6], $0x80  }
0x355: {  	[sflag:s6] =	ssyncset.done $0x0  }
0x356: {  	[sflag:s6] =	ssyncadd.s32 $0xFFFFFF80  }
0x357: {  	[tilespmem:s9], [sflag:$0x1] =	stream.indirect.gather [hbm4b:s7+s9], $0x80, s2, s9, $0xb8;
	[tilespmem:$0x4080] =	vst v63  }
0x358: {  	_ =	swait.ge [sflag:s10], $0x4000  }
0x359: {  	[sflag:s10] =	ssyncset.done $0x0  }
0x35a: {  	[sflag:s10] =	ssyncadd.s32 $0xFFFFC000  }
0x35b: {  	[hbm4b:s31+s2] =	stream.linear.scatter [tilespmem:s9], [sflag:$0x2], $0x4000, $0x38;
	[tilespmem:$0x4080] =	vst v63  }
0x35c: {  	_ =	swait.ge [sflag:s6], $0x4000  }
0x35d: {  	[sflag:s6] =	ssyncset.done $0x0  }
0x35e: {  	[sflag:s6] =	ssyncadd.s32 $0xFFFFC000  }
0x35f: {  	[tilespmem:s2], [sflag:$0x2] =	stream.linear.gather [hbm4b:s25+s2], $0x80, $0x38;
	[tilespmem:$0x4080] =	vst v63  }
0x360: {  	_ =	swait.ge [sflag:s6], $0x80  }
0x361: {  	[sflag:s6] =	ssyncset.done $0x0  }
0x362: {  	[sflag:s6] =	ssyncadd.s32 $0xFFFFFF80  }
0x363: {  	[tilespmem:s9], [sflag:$0x1] =	stream.indirect.gather [hbm4b:s7+s9], $0x80, s2, s9, $0xb8;
	[tilespmem:$0x4080] =	vst v63  }
0x364: {  	_ =	swait.ge [sflag:s10], $0x4000  }
0x365: {  	[sflag:s10] =	ssyncset.done $0x0  }
0x366: {  	[sflag:s10] =	ssyncadd.s32 $0xFFFFC000  }
0x367: {  	[hbm4b:s30+s2] =	stream.linear.scatter [tilespmem:s9], [sflag:$0x2], $0x4000, $0x38;
	[tilespmem:$0x4080] =	vst v63  }
0x368: {  	_ =	swait.ge [sflag:s6], $0x4000  }
0x369: {  	[sflag:s6] =	ssyncset.done $0x0  }
0x36a: {  	[sflag:s6] =	ssyncadd.s32 $0xFFFFC000  }
0x36b: {  	[tilespmem:s2], [sflag:$0x2] =	stream.linear.gather [hbm4b:s23+s2], $0x80, $0x38;
	[tilespmem:$0x4080] =	vst v63  }
0x36c: {  	_ =	swait.ge [sflag:s6], $0x80  }
0x36d: {  	[sflag:s6] =	ssyncset.done $0x0  }
0x36e: {  	[sflag:s6] =	ssyncadd.s32 $0xFFFFFF80  }
0x36f: {  	[tilespmem:s9], [sflag:$0x1] =	stream.indirect.gather [hbm4b:s7+s9], $0x80, s2, s9, $0xb8;
	[tilespmem:$0x4080] =	vst v63  }
0x370: {  	_ =	swait.ge [sflag:s10], $0x4000  }
0x371: {  	[sflag:s10] =	ssyncset.done $0x0  }
0x372: {  	[sflag:s10] =	ssyncadd.s32 $0xFFFFC000  }
0x373: {  	[hbm4b:s29+s2] =	stream.linear.scatter [tilespmem:s9], [sflag:$0x2], $0x4000, $0x38;
	[tilespmem:$0x4080] =	vst v63  }
0x374: {  	_ =	swait.ge [sflag:s6], $0x4000  }
0x375: {  	[sflag:s6] =	ssyncset.done $0x0  }
0x376: {  	[sflag:s6] =	ssyncadd.s32 $0xFFFFC000  }
0x377: {  	[tilespmem:s2], [sflag:$0x2] =	stream.linear.gather [hbm4b:s21+s2], $0x80, $0x38;
	[tilespmem:$0x4080] =	vst v63  }
0x378: {  	_ =	swait.ge [sflag:s6], $0x80  }
0x379: {  	[sflag:s6] =	ssyncset.done $0x0  }
0x37a: {  	[sflag:s6] =	ssyncadd.s32 $0xFFFFFF80  }
0x37b: {  	[tilespmem:s9], [sflag:$0x1] =	stream.indirect.gather [hbm4b:s7+s9], $0x80, s2, s9, $0xb8;
	[tilespmem:$0x4080] =	vst v63  }
0x37c: {  	_ =	swait.ge [sflag:s10], $0x4000  }
0x37d: {  	[sflag:s10] =	ssyncset.done $0x0  }
0x37e: {  	[sflag:s10] =	ssyncadd.s32 $0xFFFFC000  }
0x37f: {  	[hbm4b:s26+s2] =	stream.linear.scatter [tilespmem:s9], [sflag:$0x2], $0x4000, $0x38;
	[tilespmem:$0x4080] =	vst v63  }
0x380: {  	_ =	swait.ge [sflag:s6], $0x4000  }
0x381: {  	[sflag:s6] =	ssyncset.done $0x0  }
0x382: {  	[sflag:s6] =	ssyncadd.s32 $0xFFFFC000  }
0x383: {  	[tilespmem:s2], [sflag:$0x2] =	stream.linear.gather [hbm4b:s19+s2], $0x80, $0x38;
	[tilespmem:$0x4080] =	vst v63  }
0x384: {  	_ =	swait.ge [sflag:s6], $0x80  }
0x385: {  	[sflag:s6] =	ssyncset.done $0x0  }
0x386: {  	[sflag:s6] =	ssyncadd.s32 $0xFFFFFF80  }
0x387: {  	[tilespmem:s9], [sflag:$0x1] =	stream.indirect.gather [hbm4b:s7+s9], $0x80, s2, s9, $0xb8;
	[tilespmem:$0x4080] =	vst v63  }
0x388: {  	_ =	swait.ge [sflag:s10], $0x4000  }
0x389: {  	[sflag:s10] =	ssyncset.done $0x0  }
0x38a: {  	[sflag:s10] =	ssyncadd.s32 $0xFFFFC000  }
0x38b: {  	[hbm4b:s24+s2] =	stream.linear.scatter [tilespmem:s9], [sflag:$0x2], $0x4000, $0x38;
	[tilespmem:$0x4080] =	vst v63  }
0x38c: {  	_ =	swait.ge [sflag:s6], $0x4000  }
0x38d: {  	[sflag:s6] =	ssyncset.done $0x0  }
0x38e: {  	[sflag:s6] =	ssyncadd.s32 $0xFFFFC000  }
0x38f: {  	[tilespmem:s2], [sflag:$0x2] =	stream.linear.gather [hbm4b:s17+s2], $0x80, $0x38;
	[tilespmem:$0x4080] =	vst v63  }
0x390: {  	_ =	swait.ge [sflag:s6], $0x80  }
0x391: {  	[sflag:s6] =	ssyncset.done $0x0  }
0x392: {  	[sflag:s6] =	ssyncadd.s32 $0xFFFFFF80  }
0x393: {  	[tilespmem:s9], [sflag:$0x1] =	stream.indirect.gather [hbm4b:s7+s9], $0x80, s2, s9, $0xb8;
	[tilespmem:$0x4080] =	vst v63  }
0x394: {  	_ =	swait.ge [sflag:s10], $0x4000  }
0x395: {  	[sflag:s10] =	ssyncset.done $0x0  }
0x396: {  	[sflag:s10] =	ssyncadd.s32 $0xFFFFC000  }
0x397: {  	[hbm4b:s22+s2] =	stream.linear.scatter [tilespmem:s9], [sflag:$0x2], $0x4000, $0x38;
	[tilespmem:$0x4080] =	vst v63  }
0x398: {  	_ =	swait.ge [sflag:s6], $0x4000  }
0x399: {  	[sflag:s6] =	ssyncset.done $0x0  }
0x39a: {  	[sflag:s6] =	ssyncadd.s32 $0xFFFFC000  }
0x39b: {  	[tilespmem:s2], [sflag:$0x2] =	stream.linear.gather [hbm4b:s16+s2], $0x80, $0x38;
	[tilespmem:$0x4080] =	vst v63  }
0x39c: {  	_ =	swait.ge [sflag:s6], $0x80  }
0x39d: {  	[sflag:s6] =	ssyncset.done $0x0  }
0x39e: {  	[sflag:s6] =	ssyncadd.s32 $0xFFFFFF80  }
0x39f: {  	[tilespmem:s9], [sflag:$0x1] =	stream.indirect.gather [hbm4b:s7+s9], $0x80, s2, s9, $0xb8;
	[tilespmem:$0x4080] =	vst v63  }
0x3a0: {  	_ =	swait.ge [sflag:s10], $0x4000  }
0x3a1: {  	[sflag:s10] =	ssyncset.done $0x0  }
0x3a2: {  	[sflag:s10] =	ssyncadd.s32 $0xFFFFC000  }
0x3a3: {  	[hbm4b:s20+s2] =	stream.linear.scatter [tilespmem:s9], [sflag:$0x2], $0x4000, $0x38;
	[tilespmem:$0x4080] =	vst v63  }
0x3a4: {  	_ =	swait.ge [sflag:s6], $0x4000  }
0x3a5: {  	[sflag:s6] =	ssyncset.done $0x0  }
0x3a6: {  	[sflag:s6] =	ssyncadd.s32 $0xFFFFC000  }
0x3a7: {  	[tilespmem:s2], [sflag:$0x2] =	stream.linear.gather [hbm4b:s14+s2], $0x80, $0x38;
	[tilespmem:$0x4080] =	vst v63  }
0x3a8: {  	_ =	swait.ge [sflag:s6], $0x80  }
0x3a9: {  	[sflag:s6] =	ssyncset.done $0x0  }
0x3aa: {  	[sflag:s6] =	ssyncadd.s32 $0xFFFFFF80  }
0x3ab: {  	[tilespmem:s9], [sflag:$0x1] =	stream.indirect.gather [hbm4b:s7+s9], $0x80, s2, s9, $0xb8;
	[tilespmem:$0x4080] =	vst v63  }
0x3ac: {  	_ =	swait.ge [sflag:s10], $0x4000  }
0x3ad: {  	[sflag:s10] =	ssyncset.done $0x0  }
0x3ae: {  	[sflag:s10] =	ssyncadd.s32 $0xFFFFC000  }
0x3af: {  	[hbm4b:s18+s2] =	stream.linear.scatter [tilespmem:s9], [sflag:$0x2], $0x4000, $0x38;
	[tilespmem:$0x4080] =	vst v63  }
0x3b0: {  	_ =	swait.ge [sflag:s6], $0x4000  }
0x3b1: {  	[sflag:s6] =	ssyncset.done $0x0  }
0x3b2: {  	[sflag:s6] =	ssyncadd.s32 $0xFFFFC000  }
0x3b3: {  	[tilespmem:s2], [sflag:$0x2] =	stream.linear.gather [hbm4b:s12+s2], $0x80, $0x38;
	[tilespmem:$0x4080] =	vst v63  }
0x3b4: {  	_ =	swait.ge [sflag:s6], $0x80  }
0x3b5: {  	[sflag:s6] =	ssyncset.done $0x0  }
0x3b6: {  	[sflag:s6] =	ssyncadd.s32 $0xFFFFFF80  }
0x3b7: {  	[tilespmem:s9], [sflag:$0x1] =	stream.indirect.gather [hbm4b:s7+s9], $0x80, s2, s9, $0xb8;
	[tilespmem:$0x4080] =	vst v63  }
0x3b8: {  	_ =	swait.ge [sflag:s10], $0x4000  }
0x3b9: {  	[sflag:s10] =	ssyncset.done $0x0  }
0x3ba: {  	[sflag:s10] =	ssyncadd.s32 $0xFFFFC000  }
0x3bb: {  	[hbm4b:s15+s2] =	stream.linear.scatter [tilespmem:s9], [sflag:$0x2], $0x4000, $0x38;
	[tilespmem:$0x4080] =	vst v63  }
0x3bc: {  	_ =	swait.ge [sflag:s6], $0x4000  }
0x3bd: {  	[sflag:s6] =	ssyncset.done $0x0  }
0x3be: {  	[sflag:s6] =	ssyncadd.s32 $0xFFFFC000  }
0x3bf: {  	[tilespmem:s2], [sflag:$0x2] =	stream.linear.gather [hbm4b:s8+s2], $0x80, $0x38;
	[tilespmem:$0x4080] =	vst v63  }
0x3c0: {  	_ =	swait.ge [sflag:s6], $0x80  }
0x3c1: {  	[sflag:s6] =	ssyncset.done $0x0  }
0x3c2: {  	[sflag:s6] =	ssyncadd.s32 $0xFFFFFF80  }
0x3c3: {  	[tilespmem:s9], [sflag:$0x1] =	stream.indirect.gather [hbm4b:s7+s9], $0x80, s2, s9, $0xb8;
	[tilespmem:$0x4080] =	vst v63  }
0x3c4: {  	_ =	swait.ge [sflag:s10], $0x4000  }
0x3c5: {  	[sflag:s10] =	ssyncset.done $0x0  }
0x3c6: {  	[sflag:s10] =	ssyncadd.s32 $0xFFFFC000  }
0x3c7: {  	[hbm4b:s13+s2] =	stream.linear.scatter [tilespmem:s9], [sflag:$0x2], $0x4000, $0x38;
	[tilespmem:$0x4080] =	vst v63  }
0x3c8: {  	_ =	swait.ge [sflag:s6], $0x4000  }
0x3c9: {  	[sflag:s6] =	ssyncset.done $0x0  }
0x3ca: {  	[sflag:s6] =	ssyncadd.s32 $0xFFFFC000  }
0x3cb: {  	[tilespmem:s2], [sflag:$0x2] =	stream.linear.gather [hbm4b:s4+s2], $0x80, $0x38;
	[tilespmem:$0x4080] =	vst v63  }
0x3cc: {  	_ =	swait.ge [sflag:s6], $0x80  }
0x3cd: {  	[sflag:s6] =	ssyncset.done $0x0  }
0x3ce: {  	[sflag:s6] =	ssyncadd.s32 $0xFFFFFF80  }
0x3cf: {  	[tilespmem:s9], [sflag:$0x1] =	stream.indirect.gather [hbm4b:s7+s9], $0x80, s2, s9, $0xb8;
	[tilespmem:$0x4080] =	vst v63  }
0x3d0: {  	_ =	swait.ge [sflag:s10], $0x4000  }
0x3d1: {  	[sflag:s10] =	ssyncset.done $0x0  }
0x3d2: {  	[sflag:s10] =	ssyncadd.s32 $0xFFFFC000  }
0x3d3: {  	[hbm4b:s11+s2] =	stream.linear.scatter [tilespmem:s9], [sflag:$0x2], $0x4000, $0x38;
	[tilespmem:$0x4080] =	vst v63  }
0x3d4: {  	_ =	swait.ge [sflag:s6], $0x4000  }
0x3d5: {  	[sflag:s6] =	ssyncset.done $0x0  }
0x3d6: {  	[sflag:s6] =	ssyncadd.s32 $0xFFFFC000  }
0x3d7: {  	[tilespmem:s2], [sflag:$0x2] =	stream.linear.gather [hbm4b:s3+s2], $0x80, $0x38;
	[tilespmem:$0x4080] =	vst v63  }
0x3d8: {  	_ =	swait.ge [sflag:s6], $0x80  }
0x3d9: {  	[sflag:s6] =	ssyncset.done $0x0  }
0x3da: {  	[sflag:s6] =	ssyncadd.s32 $0xFFFFFF80  }
0x3db: {  	[tilespmem:s9], [sflag:$0x1] =	stream.indirect.gather [hbm4b:s7+s9], $0x80, s2, s9, $0xb8;
	[tilespmem:$0x4080] =	vst v63  }
0x3dc: {  	p1 =	sne.s32 s0, $0x1;
	_ =	swait.ge [sflag:s10], $0x4000  }
.Ltmp1:
0x3dd: {  	[sflag:s10] =	ssyncset.done $0x0;
	(pc) =	sbr.rel @!p1 .LBB2_3-.Ltmp1, $4  }
0x3de: {  	[sflag:s10] =	ssyncadd.s32 $0xFFFFC000  }
0x3df: {  	[hbm4b:s5+s2] =	stream.linear.scatter [tilespmem:s9], [sflag:$0x2], $0x4000, $0x38;
	[tilespmem:$0x4080] =	vst v63  }
0x3e0: {  	s0 =	sadd.s32 $0xFFFFFFFF, s0;
	_ =	swait.ge [sflag:s6], $0x4000  }
0x3e1: {  	p0 =	por $0x1, $0x1;
	s1 =	rddreg [dreg:$0x3];
	[sflag:s6] =	ssyncset.done $0x0  }
.LBB2_2:
0x3e2: {  	[sflag:s6] =	ssyncadd.s32 $0xFFFFC000  }
0x3e3: {  	[tilespmem:s2], [sflag:$0x2] =	stream.linear.gather [hbm4b:s1+s2], $0x80, $0x38;
	[tilespmem:$0x4080] =	vst v63  }
0x3e4: {  	_ =	swait.ge [sflag:s6], $0x80  }
0x3e5: {  	[sflag:s6] =	ssyncset.done $0x0  }
0x3e6: {  	[sflag:s6] =	ssyncadd.s32 $0xFFFFFF80  }
0x3e7: {  	[tilespmem:s9], [sflag:$0x1] =	stream.indirect.gather [hbm4b:s7+s9], $0x80, s2, s9, $0xb8;
	[tilespmem:$0x4080] =	vst v63  }
0x3e8: {  	_ =	swait.ge [sflag:s10], $0x4000  }
0x3e9: {  	[sflag:s10] =	ssyncset.done $0x0  }
0x3ea: {  	s1 =	rddreg [dreg:$0x4];
	[sflag:s10] =	ssyncadd.s32 $0xFFFFC000  }
0x3eb: {  	[hbm4b:s1+s2] =	stream.linear.scatter [tilespmem:s9], [sflag:$0x2], $0x4000, $0x38;
	[tilespmem:$0x4080] =	vst v63  }
0x3ec: {  	_ =	swait.ge [sflag:s6], $0x4000  }
0x3ed: {  	[sflag:s6] =	ssyncset.done $0x0  }
0x3ee: {  	s1 =	rddreg [dreg:$0x5];
	[sflag:s6] =	ssyncadd.s32 $0xFFFFC000  }
0x3ef: {  	[tilespmem:s2], [sflag:$0x2] =	stream.linear.gather [hbm4b:s1+s2], $0x80, $0x38;
	[tilespmem:$0x4080] =	vst v63  }
0x3f0: {  	_ =	swait.ge [sflag:s6], $0x80  }
0x3f1: {  	[sflag:s6] =	ssyncset.done $0x0  }
0x3f2: {  	[sflag:s6] =	ssyncadd.s32 $0xFFFFFF80  }
0x3f3: {  	[tilespmem:s9], [sflag:$0x1] =	stream.indirect.gather [hbm4b:s7+s9], $0x80, s2, s9, $0xb8;
	[tilespmem:$0x4080] =	vst v63  }
0x3f4: {  	_ =	swait.ge [sflag:s10], $0x4000  }
0x3f5: {  	[sflag:s10] =	ssyncset.done $0x0  }
0x3f6: {  	s1 =	rddreg [dreg:$0x6];
	[sflag:s10] =	ssyncadd.s32 $0xFFFFC000  }
0x3f7: {  	[hbm4b:s1+s2] =	stream.linear.scatter [tilespmem:s9], [sflag:$0x2], $0x4000, $0x38;
	[tilespmem:$0x4080] =	vst v63  }
0x3f8: {  	_ =	swait.ge [sflag:s6], $0x4000  }
0x3f9: {  	[sflag:s6] =	ssyncset.done $0x0  }
0x3fa: {  	s1 =	rddreg [dreg:$0x7];
	[sflag:s6] =	ssyncadd.s32 $0xFFFFC000  }
0x3fb: {  	[tilespmem:s2], [sflag:$0x2] =	stream.linear.gather [hbm4b:s1+s2], $0x80, $0x38;
	[tilespmem:$0x4080] =	vst v63  }
0x3fc: {  	_ =	swait.ge [sflag:s6], $0x80  }
0x3fd: {  	[sflag:s6] =	ssyncset.done $0x0  }
0x3fe: {  	[sflag:s6] =	ssyncadd.s32 $0xFFFFFF80  }
0x3ff: {  	[tilespmem:s9], [sflag:$0x1] =	stream.indirect.gather [hbm4b:s7+s9], $0x80, s2, s9, $0xb8;
	[tilespmem:$0x4080] =	vst v63  }
0x400: {  	_ =	swait.ge [sflag:s10], $0x4000  }
0x401: {  	[sflag:s10] =	ssyncset.done $0x0  }
0x402: {  	s1 =	rddreg [dreg:$0x8];
	[sflag:s10] =	ssyncadd.s32 $0xFFFFC000  }
0x403: {  	[hbm4b:s1+s2] =	stream.linear.scatter [tilespmem:s9], [sflag:$0x2], $0x4000, $0x38;
	[tilespmem:$0x4080] =	vst v63  }
0x404: {  	_ =	swait.ge [sflag:s6], $0x4000  }
0x405: {  	[sflag:s6] =	ssyncset.done $0x0  }
0x406: {  	s1 =	rddreg [dreg:$0x9];
	[sflag:s6] =	ssyncadd.s32 $0xFFFFC000  }
0x407: {  	[tilespmem:s2], [sflag:$0x2] =	stream.linear.gather [hbm4b:s1+s2], $0x80, $0x38;
	[tilespmem:$0x4080] =	vst v63  }
0x408: {  	_ =	swait.ge [sflag:s6], $0x80  }
0x409: {  	[sflag:s6] =	ssyncset.done $0x0  }
0x40a: {  	[sflag:s6] =	ssyncadd.s32 $0xFFFFFF80  }
0x40b: {  	[tilespmem:s9], [sflag:$0x1] =	stream.indirect.gather [hbm4b:s7+s9], $0x80, s2, s9, $0xb8;
	[tilespmem:$0x4080] =	vst v63  }
0x40c: {  	_ =	swait.ge [sflag:s10], $0x4000  }
0x40d: {  	[sflag:s10] =	ssyncset.done $0x0  }
0x40e: {  	s1 =	rddreg [dreg:$0xa];
	[sflag:s10] =	ssyncadd.s32 $0xFFFFC000  }
0x40f: {  	[hbm4b:s1+s2] =	stream.linear.scatter [tilespmem:s9], [sflag:$0x2], $0x4000, $0x38;
	[tilespmem:$0x4080] =	vst v63  }
0x410: {  	_ =	swait.ge [sflag:s6], $0x4000  }
0x411: {  	[sflag:s6] =	ssyncset.done $0x0  }
0x412: {  	s1 =	rddreg [dreg:$0xb];
	[sflag:s6] =	ssyncadd.s32 $0xFFFFC000  }
0x413: {  	[tilespmem:s2], [sflag:$0x2] =	stream.linear.gather [hbm4b:s1+s2], $0x80, $0x38;
	[tilespmem:$0x4080] =	vst v63  }
0x414: {  	_ =	swait.ge [sflag:s6], $0x80  }
0x415: {  	[sflag:s6] =	ssyncset.done $0x0  }
0x416: {  	[sflag:s6] =	ssyncadd.s32 $0xFFFFFF80  }
0x417: {  	[tilespmem:s9], [sflag:$0x1] =	stream.indirect.gather [hbm4b:s7+s9], $0x80, s2, s9, $0xb8;
	[tilespmem:$0x4080] =	vst v63  }
0x418: {  	_ =	swait.ge [sflag:s10], $0x4000  }
0x419: {  	[sflag:s10] =	ssyncset.done $0x0  }
0x41a: {  	s1 =	rddreg [dreg:$0xc];
	[sflag:s10] =	ssyncadd.s32 $0xFFFFC000  }
0x41b: {  	[hbm4b:s1+s2] =	stream.linear.scatter [tilespmem:s9], [sflag:$0x2], $0x4000, $0x38;
	[tilespmem:$0x4080] =	vst v63  }
0x41c: {  	_ =	swait.ge [sflag:s6], $0x4000  }
0x41d: {  	[sflag:s6] =	ssyncset.done $0x0  }
0x41e: {  	s1 =	rddreg [dreg:$0xd];
	[sflag:s6] =	ssyncadd.s32 $0xFFFFC000  }
0x41f: {  	[tilespmem:s2], [sflag:$0x2] =	stream.linear.gather [hbm4b:s1+s2], $0x80, $0x38;
	[tilespmem:$0x4080] =	vst v63  }
0x420: {  	_ =	swait.ge [sflag:s6], $0x80  }
0x421: {  	[sflag:s6] =	ssyncset.done $0x0  }
0x422: {  	[sflag:s6] =	ssyncadd.s32 $0xFFFFFF80  }
0x423: {  	[tilespmem:s9], [sflag:$0x1] =	stream.indirect.gather [hbm4b:s7+s9], $0x80, s2, s9, $0xb8;
	[tilespmem:$0x4080] =	vst v63  }
0x424: {  	_ =	swait.ge [sflag:s10], $0x4000  }
0x425: {  	[sflag:s10] =	ssyncset.done $0x0  }
0x426: {  	s1 =	rddreg [dreg:$0xe];
	[sflag:s10] =	ssyncadd.s32 $0xFFFFC000  }
0x427: {  	[hbm4b:s1+s2] =	stream.linear.scatter [tilespmem:s9], [sflag:$0x2], $0x4000, $0x38;
	[tilespmem:$0x4080] =	vst v63  }
0x428: {  	_ =	swait.ge [sflag:s6], $0x4000  }
0x429: {  	[sflag:s6] =	ssyncset.done $0x0  }
0x42a: {  	s1 =	rddreg [dreg:$0xf];
	[sflag:s6] =	ssyncadd.s32 $0xFFFFC000  }
0x42b: {  	[tilespmem:s2], [sflag:$0x2] =	stream.linear.gather [hbm4b:s1+s2], $0x80, $0x38;
	[tilespmem:$0x4080] =	vst v63  }
0x42c: {  	_ =	swait.ge [sflag:s6], $0x80  }
0x42d: {  	[sflag:s6] =	ssyncset.done $0x0  }
0x42e: {  	[sflag:s6] =	ssyncadd.s32 $0xFFFFFF80  }
0x42f: {  	[tilespmem:s9], [sflag:$0x1] =	stream.indirect.gather [hbm4b:s7+s9], $0x80, s2, s9, $0xb8;
	[tilespmem:$0x4080] =	vst v63  }
0x430: {  	_ =	swait.ge [sflag:s10], $0x4000  }
0x431: {  	[sflag:s10] =	ssyncset.done $0x0  }
0x432: {  	s1 =	rddreg [dreg:$0x10];
	[sflag:s10] =	ssyncadd.s32 $0xFFFFC000  }
0x433: {  	[hbm4b:s1+s2] =	stream.linear.scatter [tilespmem:s9], [sflag:$0x2], $0x4000, $0x38;
	[tilespmem:$0x4080] =	vst v63  }
0x434: {  	_ =	swait.ge [sflag:s6], $0x4000  }
0x435: {  	[sflag:s6] =	ssyncset.done $0x0  }
0x436: {  	s1 =	rddreg [dreg:$0x11];
	[sflag:s6] =	ssyncadd.s32 $0xFFFFC000  }
0x437: {  	[tilespmem:s2], [sflag:$0x2] =	stream.linear.gather [hbm4b:s1+s2], $0x80, $0x38;
	[tilespmem:$0x4080] =	vst v63  }
0x438: {  	_ =	swait.ge [sflag:s6], $0x80  }
0x439: {  	[sflag:s6] =	ssyncset.done $0x0  }
0x43a: {  	[sflag:s6] =	ssyncadd.s32 $0xFFFFFF80  }
0x43b: {  	[tilespmem:s9], [sflag:$0x1] =	stream.indirect.gather [hbm4b:s7+s9], $0x80, s2, s9, $0xb8;
	[tilespmem:$0x4080] =	vst v63  }
0x43c: {  	_ =	swait.ge [sflag:s10], $0x4000  }
0x43d: {  	[sflag:s10] =	ssyncset.done $0x0  }
0x43e: {  	s1 =	rddreg [dreg:$0x12];
	[sflag:s10] =	ssyncadd.s32 $0xFFFFC000  }
0x43f: {  	[hbm4b:s1+s2] =	stream.linear.scatter [tilespmem:s9], [sflag:$0x2], $0x4000, $0x38;
	[tilespmem:$0x4080] =	vst v63  }
0x440: {  	_ =	swait.ge [sflag:s6], $0x4000  }
0x441: {  	[sflag:s6] =	ssyncset.done $0x0  }
0x442: {  	s1 =	rddreg [dreg:$0x13];
	[sflag:s6] =	ssyncadd.s32 $0xFFFFC000  }
0x443: {  	[tilespmem:s2], [sflag:$0x2] =	stream.linear.gather [hbm4b:s1+s2], $0x80, $0x38;
	[tilespmem:$0x4080] =	vst v63  }
0x444: {  	_ =	swait.ge [sflag:s6], $0x80  }
0x445: {  	[sflag:s6] =	ssyncset.done $0x0  }
0x446: {  	[sflag:s6] =	ssyncadd.s32 $0xFFFFFF80  }
0x447: {  	[tilespmem:s9], [sflag:$0x1] =	stream.indirect.gather [hbm4b:s7+s9], $0x80, s2, s9, $0xb8;
	[tilespmem:$0x4080] =	vst v63  }
0x448: {  	_ =	swait.ge [sflag:s10], $0x4000  }
0x449: {  	[sflag:s10] =	ssyncset.done $0x0  }
0x44a: {  	s1 =	rddreg [dreg:$0x14];
	[sflag:s10] =	ssyncadd.s32 $0xFFFFC000  }
0x44b: {  	[hbm4b:s1+s2] =	stream.linear.scatter [tilespmem:s9], [sflag:$0x2], $0x4000, $0x38;
	[tilespmem:$0x4080] =	vst v63  }
0x44c: {  	_ =	swait.ge [sflag:s6], $0x4000  }
0x44d: {  	[sflag:s6] =	ssyncset.done $0x0  }
0x44e: {  	s1 =	rddreg [dreg:$0x15];
	[sflag:s6] =	ssyncadd.s32 $0xFFFFC000  }
0x44f: {  	[tilespmem:s2], [sflag:$0x2] =	stream.linear.gather [hbm4b:s1+s2], $0x80, $0x38;
	[tilespmem:$0x4080] =	vst v63  }
0x450: {  	_ =	swait.ge [sflag:s6], $0x80  }
0x451: {  	[sflag:s6] =	ssyncset.done $0x0  }
0x452: {  	[sflag:s6] =	ssyncadd.s32 $0xFFFFFF80  }
0x453: {  	[tilespmem:s9], [sflag:$0x1] =	stream.indirect.gather [hbm4b:s7+s9], $0x80, s2, s9, $0xb8;
	[tilespmem:$0x4080] =	vst v63  }
0x454: {  	_ =	swait.ge [sflag:s10], $0x4000  }
0x455: {  	[sflag:s10] =	ssyncset.done $0x0  }
0x456: {  	s1 =	rddreg [dreg:$0x16];
	[sflag:s10] =	ssyncadd.s32 $0xFFFFC000  }
0x457: {  	[hbm4b:s1+s2] =	stream.linear.scatter [tilespmem:s9], [sflag:$0x2], $0x4000, $0x38;
	[tilespmem:$0x4080] =	vst v63  }
0x458: {  	_ =	swait.ge [sflag:s6], $0x4000  }
0x459: {  	[sflag:s6] =	ssyncset.done $0x0  }
0x45a: {  	s1 =	rddreg [dreg:$0x17];
	[sflag:s6] =	ssyncadd.s32 $0xFFFFC000  }
0x45b: {  	[tilespmem:s2], [sflag:$0x2] =	stream.linear.gather [hbm4b:s1+s2], $0x80, $0x38;
	[tilespmem:$0x4080] =	vst v63  }
0x45c: {  	_ =	swait.ge [sflag:s6], $0x80  }
0x45d: {  	[sflag:s6] =	ssyncset.done $0x0  }
0x45e: {  	[sflag:s6] =	ssyncadd.s32 $0xFFFFFF80  }
0x45f: {  	[tilespmem:s9], [sflag:$0x1] =	stream.indirect.gather [hbm4b:s7+s9], $0x80, s2, s9, $0xb8;
	[tilespmem:$0x4080] =	vst v63  }
0x460: {  	_ =	swait.ge [sflag:s10], $0x4000  }
0x461: {  	[sflag:s10] =	ssyncset.done $0x0  }
0x462: {  	s1 =	rddreg [dreg:$0x18];
	[sflag:s10] =	ssyncadd.s32 $0xFFFFC000  }
0x463: {  	[hbm4b:s1+s2] =	stream.linear.scatter [tilespmem:s9], [sflag:$0x2], $0x4000, $0x38;
	[tilespmem:$0x4080] =	vst v63  }
0x464: {  	_ =	swait.ge [sflag:s6], $0x4000  }
0x465: {  	[sflag:s6] =	ssyncset.done $0x0  }
0x466: {  	s1 =	rddreg [dreg:$0x19];
	[sflag:s6] =	ssyncadd.s32 $0xFFFFC000  }
0x467: {  	[tilespmem:s2], [sflag:$0x2] =	stream.linear.gather [hbm4b:s1+s2], $0x80, $0x38;
	[tilespmem:$0x4080] =	vst v63  }
0x468: {  	_ =	swait.ge [sflag:s6], $0x80  }
0x469: {  	[sflag:s6] =	ssyncset.done $0x0  }
0x46a: {  	[sflag:s6] =	ssyncadd.s32 $0xFFFFFF80  }
0x46b: {  	[tilespmem:s9], [sflag:$0x1] =	stream.indirect.gather [hbm4b:s7+s9], $0x80, s2, s9, $0xb8;
	[tilespmem:$0x4080] =	vst v63  }
0x46c: {  	_ =	swait.ge [sflag:s10], $0x4000  }
0x46d: {  	[sflag:s10] =	ssyncset.done $0x0  }
0x46e: {  	s1 =	rddreg [dreg:$0x1a];
	[sflag:s10] =	ssyncadd.s32 $0xFFFFC000  }
0x46f: {  	[hbm4b:s1+s2] =	stream.linear.scatter [tilespmem:s9], [sflag:$0x2], $0x4000, $0x38;
	[tilespmem:$0x4080] =	vst v63  }
0x470: {  	_ =	swait.ge [sflag:s6], $0x4000  }
0x471: {  	[sflag:s6] =	ssyncset.done $0x0  }
0x472: {  	s1 =	rddreg [dreg:$0x1b];
	[sflag:s6] =	ssyncadd.s32 $0xFFFFC000  }
0x473: {  	[tilespmem:s2], [sflag:$0x2] =	stream.linear.gather [hbm4b:s1+s2], $0x80, $0x38;
	[tilespmem:$0x4080] =	vst v63  }
0x474: {  	_ =	swait.ge [sflag:s6], $0x80  }
0x475: {  	[sflag:s6] =	ssyncset.done $0x0  }
0x476: {  	[sflag:s6] =	ssyncadd.s32 $0xFFFFFF80  }
0x477: {  	[tilespmem:s9], [sflag:$0x1] =	stream.indirect.gather [hbm4b:s7+s9], $0x80, s2, s9, $0xb8;
	[tilespmem:$0x4080] =	vst v63  }
0x478: {  	_ =	swait.ge [sflag:s10], $0x4000  }
0x479: {  	[sflag:s10] =	ssyncset.done $0x0  }
0x47a: {  	s1 =	rddreg [dreg:$0x1c];
	[sflag:s10] =	ssyncadd.s32 $0xFFFFC000  }
0x47b: {  	[hbm4b:s1+s2] =	stream.linear.scatter [tilespmem:s9], [sflag:$0x2], $0x4000, $0x38;
	[tilespmem:$0x4080] =	vst v63  }
0x47c: {  	_ =	swait.ge [sflag:s6], $0x4000  }
0x47d: {  	[sflag:s6] =	ssyncset.done $0x0  }
0x47e: {  	s1 =	rddreg [dreg:$0x1d];
	[sflag:s6] =	ssyncadd.s32 $0xFFFFC000  }
0x47f: {  	[tilespmem:s2], [sflag:$0x2] =	stream.linear.gather [hbm4b:s1+s2], $0x80, $0x38;
	[tilespmem:$0x4080] =	vst v63  }
0x480: {  	_ =	swait.ge [sflag:s6], $0x80  }
0x481: {  	[sflag:s6] =	ssyncset.done $0x0  }
0x482: {  	[sflag:s6] =	ssyncadd.s32 $0xFFFFFF80  }
0x483: {  	[tilespmem:s9], [sflag:$0x1] =	stream.indirect.gather [hbm4b:s7+s9], $0x80, s2, s9, $0xb8;
	[tilespmem:$0x4080] =	vst v63  }
0x484: {  	_ =	swait.ge [sflag:s10], $0x4000  }
0x485: {  	[sflag:s10] =	ssyncset.done $0x0  }
0x486: {  	s1 =	rddreg [dreg:$0x1e];
	[sflag:s10] =	ssyncadd.s32 $0xFFFFC000  }
0x487: {  	[hbm4b:s1+s2] =	stream.linear.scatter [tilespmem:s9], [sflag:$0x2], $0x4000, $0x38;
	[tilespmem:$0x4080] =	vst v63  }
0x488: {  	_ =	swait.ge [sflag:s6], $0x4000  }
0x489: {  	[sflag:s6] =	ssyncset.done $0x0  }
0x48a: {  	s1 =	rddreg [dreg:$0x1f];
	[sflag:s6] =	ssyncadd.s32 $0xFFFFC000  }
0x48b: {  	[tilespmem:s2], [sflag:$0x2] =	stream.linear.gather [hbm4b:s1+s2], $0x80, $0x38;
	[tilespmem:$0x4080] =	vst v63  }
0x48c: {  	_ =	swait.ge [sflag:s6], $0x80  }
0x48d: {  	[sflag:s6] =	ssyncset.done $0x0  }
0x48e: {  	[sflag:s6] =	ssyncadd.s32 $0xFFFFFF80  }
0x48f: {  	[tilespmem:s9], [sflag:$0x1] =	stream.indirect.gather [hbm4b:s7+s9], $0x80, s2, s9, $0xb8;
	[tilespmem:$0x4080] =	vst v63  }
0x490: {  	_ =	swait.ge [sflag:s10], $0x4000  }
0x491: {  	s1 =	sld [smem:$0x7B3]  }
0x492: {  	[sflag:s10] =	ssyncset.done $0x0  }
0x493: {  	[sflag:s10] =	ssyncadd.s32 $0xFFFFC000  }
0x494: {  	[hbm4b:s1+s2] =	stream.linear.scatter [tilespmem:s9], [sflag:$0x2], $0x4000, $0x38;
	[tilespmem:$0x4080] =	vst v63  }
0x495: {  	_ =	swait.ge [sflag:s6], $0x4000  }
0x496: {  	s1 =	sld [smem:$0x7B4]  }
0x497: {  	[sflag:s6] =	ssyncset.done $0x0  }
0x498: {  	[sflag:s6] =	ssyncadd.s32 $0xFFFFC000  }
0x499: {  	[tilespmem:s2], [sflag:$0x2] =	stream.linear.gather [hbm4b:s1+s2], $0x80, $0x38;
	[tilespmem:$0x4080] =	vst v63  }
0x49a: {  	_ =	swait.ge [sflag:s6], $0x80  }
0x49b: {  	[sflag:s6] =	ssyncset.done $0x0  }
0x49c: {  	[sflag:s6] =	ssyncadd.s32 $0xFFFFFF80  }
0x49d: {  	[tilespmem:s9], [sflag:$0x1] =	stream.indirect.gather [hbm4b:s7+s9], $0x80, s2, s9, $0xb8;
	[tilespmem:$0x4080] =	vst v63  }
0x49e: {  	_ =	swait.ge [sflag:s10], $0x4000  }
0x49f: {  	s1 =	sld [smem:$0x7B5]  }
0x4a0: {  	[sflag:s10] =	ssyncset.done $0x0  }
0x4a1: {  	[sflag:s10] =	ssyncadd.s32 $0xFFFFC000  }
0x4a2: {  	[hbm4b:s1+s2] =	stream.linear.scatter [tilespmem:s9], [sflag:$0x2], $0x4000, $0x38;
	[tilespmem:$0x4080] =	vst v63  }
0x4a3: {  	_ =	swait.ge [sflag:s6], $0x4000  }
0x4a4: {  	s1 =	sld [smem:$0x7B6]  }
0x4a5: {  	[sflag:s6] =	ssyncset.done $0x0  }
0x4a6: {  	[sflag:s6] =	ssyncadd.s32 $0xFFFFC000  }
0x4a7: {  	[tilespmem:s2], [sflag:$0x2] =	stream.linear.gather [hbm4b:s1+s2], $0x80, $0x38;
	[tilespmem:$0x4080] =	vst v63  }
0x4a8: {  	_ =	swait.ge [sflag:s6], $0x80  }
0x4a9: {  	[sflag:s6] =	ssyncset.done $0x0  }
0x4aa: {  	[sflag:s6] =	ssyncadd.s32 $0xFFFFFF80  }
0x4ab: {  	[tilespmem:s9], [sflag:$0x1] =	stream.indirect.gather [hbm4b:s7+s9], $0x80, s2, s9, $0xb8;
	[tilespmem:$0x4080] =	vst v63  }
0x4ac: {  	_ =	swait.ge [sflag:s10], $0x4000  }
0x4ad: {  	s1 =	sld [smem:$0x7B7]  }
0x4ae: {  	[sflag:s10] =	ssyncset.done $0x0  }
0x4af: {  	[sflag:s10] =	ssyncadd.s32 $0xFFFFC000  }
0x4b0: {  	[hbm4b:s1+s2] =	stream.linear.scatter [tilespmem:s9], [sflag:$0x2], $0x4000, $0x38;
	[tilespmem:$0x4080] =	vst v63  }
0x4b1: {  	_ =	swait.ge [sflag:s6], $0x4000  }
0x4b2: {  	s1 =	sld [smem:$0x7B8]  }
0x4b3: {  	[sflag:s6] =	ssyncset.done $0x0  }
0x4b4: {  	[sflag:s6] =	ssyncadd.s32 $0xFFFFC000  }
0x4b5: {  	[tilespmem:s2], [sflag:$0x2] =	stream.linear.gather [hbm4b:s1+s2], $0x80, $0x38;
	[tilespmem:$0x4080] =	vst v63  }
0x4b6: {  	_ =	swait.ge [sflag:s6], $0x80  }
0x4b7: {  	[sflag:s6] =	ssyncset.done $0x0  }
0x4b8: {  	[sflag:s6] =	ssyncadd.s32 $0xFFFFFF80  }
0x4b9: {  	[tilespmem:s9], [sflag:$0x1] =	stream.indirect.gather [hbm4b:s7+s9], $0x80, s2, s9, $0xb8;
	[tilespmem:$0x4080] =	vst v63  }
0x4ba: {  	_ =	swait.ge [sflag:s10], $0x4000  }
0x4bb: {  	s1 =	sld [smem:$0x7B9]  }
0x4bc: {  	[sflag:s10] =	ssyncset.done $0x0  }
0x4bd: {  	[sflag:s10] =	ssyncadd.s32 $0xFFFFC000  }
0x4be: {  	[hbm4b:s1+s2] =	stream.linear.scatter [tilespmem:s9], [sflag:$0x2], $0x4000, $0x38;
	[tilespmem:$0x4080] =	vst v63  }
0x4bf: {  	_ =	swait.ge [sflag:s6], $0x4000  }
0x4c0: {  	s1 =	sld [smem:$0x7BA]  }
0x4c1: {  	[sflag:s6] =	ssyncset.done $0x0  }
0x4c2: {  	[sflag:s6] =	ssyncadd.s32 $0xFFFFC000  }
0x4c3: {  	[tilespmem:s2], [sflag:$0x2] =	stream.linear.gather [hbm4b:s1+s2], $0x80, $0x38;
	[tilespmem:$0x4080] =	vst v63  }
0x4c4: {  	_ =	swait.ge [sflag:s6], $0x80  }
0x4c5: {  	[sflag:s6] =	ssyncset.done $0x0  }
0x4c6: {  	[sflag:s6] =	ssyncadd.s32 $0xFFFFFF80  }
0x4c7: {  	[tilespmem:s9], [sflag:$0x1] =	stream.indirect.gather [hbm4b:s7+s9], $0x80, s2, s9, $0xb8;
	[tilespmem:$0x4080] =	vst v63  }
0x4c8: {  	_ =	swait.ge [sflag:s10], $0x4000  }
0x4c9: {  	s1 =	sld [smem:$0x7BB]  }
0x4ca: {  	[sflag:s10] =	ssyncset.done $0x0  }
0x4cb: {  	[sflag:s10] =	ssyncadd.s32 $0xFFFFC000  }
0x4cc: {  	[hbm4b:s1+s2] =	stream.linear.scatter [tilespmem:s9], [sflag:$0x2], $0x4000, $0x38;
	[tilespmem:$0x4080] =	vst v63  }
0x4cd: {  	_ =	swait.ge [sflag:s6], $0x4000  }
0x4ce: {  	s1 =	sld [smem:$0x7BC]  }
0x4cf: {  	[sflag:s6] =	ssyncset.done $0x0  }
0x4d0: {  	[sflag:s6] =	ssyncadd.s32 $0xFFFFC000  }
0x4d1: {  	[tilespmem:s2], [sflag:$0x2] =	stream.linear.gather [hbm4b:s1+s2], $0x80, $0x38;
	[tilespmem:$0x4080] =	vst v63  }
0x4d2: {  	_ =	swait.ge [sflag:s6], $0x80  }
0x4d3: {  	[sflag:s6] =	ssyncset.done $0x0  }
0x4d4: {  	[sflag:s6] =	ssyncadd.s32 $0xFFFFFF80  }
0x4d5: {  	[tilespmem:s9], [sflag:$0x1] =	stream.indirect.gather [hbm4b:s7+s9], $0x80, s2, s9, $0xb8;
	[tilespmem:$0x4080] =	vst v63  }
0x4d6: {  	_ =	swait.ge [sflag:s10], $0x4000  }
0x4d7: {  	s1 =	sld [smem:$0x7BD]  }
0x4d8: {  	[sflag:s10] =	ssyncset.done $0x0  }
0x4d9: {  	[sflag:s10] =	ssyncadd.s32 $0xFFFFC000  }
0x4da: {  	[hbm4b:s1+s2] =	stream.linear.scatter [tilespmem:s9], [sflag:$0x2], $0x4000, $0x38;
	[tilespmem:$0x4080] =	vst v63  }
0x4db: {  	_ =	swait.ge [sflag:s6], $0x4000  }
0x4dc: {  	s1 =	sld [smem:$0x7BE]  }
0x4dd: {  	[sflag:s6] =	ssyncset.done $0x0  }
0x4de: {  	[sflag:s6] =	ssyncadd.s32 $0xFFFFC000  }
0x4df: {  	[tilespmem:s2], [sflag:$0x2] =	stream.linear.gather [hbm4b:s1+s2], $0x80, $0x38;
	[tilespmem:$0x4080] =	vst v63  }
0x4e0: {  	_ =	swait.ge [sflag:s6], $0x80  }
0x4e1: {  	[sflag:s6] =	ssyncset.done $0x0  }
0x4e2: {  	[sflag:s6] =	ssyncadd.s32 $0xFFFFFF80  }
0x4e3: {  	[tilespmem:s9], [sflag:$0x1] =	stream.indirect.gather [hbm4b:s7+s9], $0x80, s2, s9, $0xb8;
	[tilespmem:$0x4080] =	vst v63  }
0x4e4: {  	_ =	swait.ge [sflag:s10], $0x4000  }
0x4e5: {  	s1 =	sld [smem:$0x7BF]  }
0x4e6: {  	[sflag:s10] =	ssyncset.done $0x0  }
0x4e7: {  	[sflag:s10] =	ssyncadd.s32 $0xFFFFC000  }
0x4e8: {  	[hbm4b:s1+s2] =	stream.linear.scatter [tilespmem:s9], [sflag:$0x2], $0x4000, $0x38;
	[tilespmem:$0x4080] =	vst v63  }
0x4e9: {  	_ =	swait.ge [sflag:s6], $0x4000  }
0x4ea: {  	s1 =	sld [smem:$0x7C0]  }
0x4eb: {  	[sflag:s6] =	ssyncset.done $0x0  }
0x4ec: {  	[sflag:s6] =	ssyncadd.s32 $0xFFFFC000  }
0x4ed: {  	[tilespmem:s2], [sflag:$0x2] =	stream.linear.gather [hbm4b:s1+s2], $0x80, $0x38;
	[tilespmem:$0x4080] =	vst v63  }
0x4ee: {  	_ =	swait.ge [sflag:s6], $0x80  }
0x4ef: {  	[sflag:s6] =	ssyncset.done $0x0  }
0x4f0: {  	[sflag:s6] =	ssyncadd.s32 $0xFFFFFF80  }
0x4f1: {  	[tilespmem:s9], [sflag:$0x1] =	stream.indirect.gather [hbm4b:s7+s9], $0x80, s2, s9, $0xb8;
	[tilespmem:$0x4080] =	vst v63  }
0x4f2: {  	_ =	swait.ge [sflag:s10], $0x4000  }
0x4f3: {  	s1 =	sld [smem:$0x7C1]  }
0x4f4: {  	[sflag:s10] =	ssyncset.done $0x0  }
0x4f5: {  	[sflag:s10] =	ssyncadd.s32 $0xFFFFC000  }
0x4f6: {  	[hbm4b:s1+s2] =	stream.linear.scatter [tilespmem:s9], [sflag:$0x2], $0x4000, $0x38;
	[tilespmem:$0x4080] =	vst v63  }
0x4f7: {  	_ =	swait.ge [sflag:s6], $0x4000  }
0x4f8: {  	s1 =	sld [smem:$0x7C2]  }
0x4f9: {  	[sflag:s6] =	ssyncset.done $0x0  }
0x4fa: {  	[sflag:s6] =	ssyncadd.s32 $0xFFFFC000  }
0x4fb: {  	[tilespmem:s2], [sflag:$0x2] =	stream.linear.gather [hbm4b:s1+s2], $0x80, $0x38;
	[tilespmem:$0x4080] =	vst v63  }
0x4fc: {  	_ =	swait.ge [sflag:s6], $0x80  }
0x4fd: {  	[sflag:s6] =	ssyncset.done $0x0  }
0x4fe: {  	[sflag:s6] =	ssyncadd.s32 $0xFFFFFF80  }
0x4ff: {  	[tilespmem:s9], [sflag:$0x1] =	stream.indirect.gather [hbm4b:s7+s9], $0x80, s2, s9, $0xb8;
	[tilespmem:$0x4080] =	vst v63  }
0x500: {  	_ =	swait.ge [sflag:s10], $0x4000  }
0x501: {  	s1 =	sld [smem:$0x7C3]  }
0x502: {  	[sflag:s10] =	ssyncset.done $0x0  }
0x503: {  	[sflag:s10] =	ssyncadd.s32 $0xFFFFC000  }
0x504: {  	[hbm4b:s1+s2] =	stream.linear.scatter [tilespmem:s9], [sflag:$0x2], $0x4000, $0x38;
	[tilespmem:$0x4080] =	vst v63  }
0x505: {  	_ =	swait.ge [sflag:s6], $0x4000  }
0x506: {  	s1 =	sld [smem:$0x7C4]  }
0x507: {  	[sflag:s6] =	ssyncset.done $0x0  }
0x508: {  	[sflag:s6] =	ssyncadd.s32 $0xFFFFC000  }
0x509: {  	[tilespmem:s2], [sflag:$0x2] =	stream.linear.gather [hbm4b:s1+s2], $0x80, $0x38;
	[tilespmem:$0x4080] =	vst v63  }
0x50a: {  	_ =	swait.ge [sflag:s6], $0x80  }
0x50b: {  	[sflag:s6] =	ssyncset.done $0x0  }
0x50c: {  	[sflag:s6] =	ssyncadd.s32 $0xFFFFFF80  }
0x50d: {  	[tilespmem:s9], [sflag:$0x1] =	stream.indirect.gather [hbm4b:s7+s9], $0x80, s2, s9, $0xb8;
	[tilespmem:$0x4080] =	vst v63  }
0x50e: {  	_ =	swait.ge [sflag:s10], $0x4000  }
0x50f: {  	s1 =	sld [smem:$0x7C5]  }
0x510: {  	[sflag:s10] =	ssyncset.done $0x0  }
0x511: {  	[sflag:s10] =	ssyncadd.s32 $0xFFFFC000  }
0x512: {  	[hbm4b:s1+s2] =	stream.linear.scatter [tilespmem:s9], [sflag:$0x2], $0x4000, $0x38;
	[tilespmem:$0x4080] =	vst v63  }
0x513: {  	_ =	swait.ge [sflag:s6], $0x4000  }
0x514: {  	s1 =	sld [smem:$0x7C6]  }
0x515: {  	[sflag:s6] =	ssyncset.done $0x0  }
0x516: {  	[sflag:s6] =	ssyncadd.s32 $0xFFFFC000  }
0x517: {  	[tilespmem:s2], [sflag:$0x2] =	stream.linear.gather [hbm4b:s1+s2], $0x80, $0x38;
	[tilespmem:$0x4080] =	vst v63  }
0x518: {  	_ =	swait.ge [sflag:s6], $0x80  }
0x519: {  	[sflag:s6] =	ssyncset.done $0x0  }
0x51a: {  	[sflag:s6] =	ssyncadd.s32 $0xFFFFFF80  }
0x51b: {  	[tilespmem:s9], [sflag:$0x1] =	stream.indirect.gather [hbm4b:s7+s9], $0x80, s2, s9, $0xb8;
	[tilespmem:$0x4080] =	vst v63  }
0x51c: {  	_ =	swait.ge [sflag:s10], $0x4000  }
0x51d: {  	s1 =	sld [smem:$0x7C7]  }
0x51e: {  	[sflag:s10] =	ssyncset.done $0x0  }
0x51f: {  	[sflag:s10] =	ssyncadd.s32 $0xFFFFC000  }
0x520: {  	[hbm4b:s1+s2] =	stream.linear.scatter [tilespmem:s9], [sflag:$0x2], $0x4000, $0x38;
	[tilespmem:$0x4080] =	vst v63  }
0x521: {  	_ =	swait.ge [sflag:s6], $0x4000  }
0x522: {  	s1 =	sld [smem:$0x7C8]  }
0x523: {  	[sflag:s6] =	ssyncset.done $0x0  }
0x524: {  	[sflag:s6] =	ssyncadd.s32 $0xFFFFC000  }
0x525: {  	[tilespmem:s2], [sflag:$0x2] =	stream.linear.gather [hbm4b:s1+s2], $0x80, $0x38;
	[tilespmem:$0x4080] =	vst v63  }
0x526: {  	_ =	swait.ge [sflag:s6], $0x80  }
0x527: {  	[sflag:s6] =	ssyncset.done $0x0  }
0x528: {  	[sflag:s6] =	ssyncadd.s32 $0xFFFFFF80  }
0x529: {  	[tilespmem:s9], [sflag:$0x1] =	stream.indirect.gather [hbm4b:s7+s9], $0x80, s2, s9, $0xb8;
	[tilespmem:$0x4080] =	vst v63  }
0x52a: {  	_ =	swait.ge [sflag:s10], $0x4000  }
0x52b: {  	s1 =	sld [smem:$0x7C9]  }
0x52c: {  	[sflag:s10] =	ssyncset.done $0x0  }
0x52d: {  	[sflag:s10] =	ssyncadd.s32 $0xFFFFC000  }
0x52e: {  	[hbm4b:s1+s2] =	stream.linear.scatter [tilespmem:s9], [sflag:$0x2], $0x4000, $0x38;
	[tilespmem:$0x4080] =	vst v63  }
0x52f: {  	_ =	swait.ge [sflag:s6], $0x4000  }
0x530: {  	s1 =	sld [smem:$0x7CA]  }
0x531: {  	[sflag:s6] =	ssyncset.done $0x0  }
0x532: {  	[sflag:s6] =	ssyncadd.s32 $0xFFFFC000  }
0x533: {  	[tilespmem:s2], [sflag:$0x2] =	stream.linear.gather [hbm4b:s1+s2], $0x80, $0x38;
	[tilespmem:$0x4080] =	vst v63  }
0x534: {  	_ =	swait.ge [sflag:s6], $0x80  }
0x535: {  	[sflag:s6] =	ssyncset.done $0x0  }
0x536: {  	[sflag:s6] =	ssyncadd.s32 $0xFFFFFF80  }
0x537: {  	[tilespmem:s9], [sflag:$0x1] =	stream.indirect.gather [hbm4b:s7+s9], $0x80, s2, s9, $0xb8;
	[tilespmem:$0x4080] =	vst v63  }
0x538: {  	_ =	swait.ge [sflag:s10], $0x4000  }
0x539: {  	s1 =	sld [smem:$0x7CB]  }
0x53a: {  	[sflag:s10] =	ssyncset.done $0x0  }
0x53b: {  	[sflag:s10] =	ssyncadd.s32 $0xFFFFC000  }
0x53c: {  	[hbm4b:s1+s2] =	stream.linear.scatter [tilespmem:s9], [sflag:$0x2], $0x4000, $0x38;
	[tilespmem:$0x4080] =	vst v63  }
0x53d: {  	_ =	swait.ge [sflag:s6], $0x4000  }
0x53e: {  	s1 =	sld [smem:$0x7CC]  }
0x53f: {  	[sflag:s6] =	ssyncset.done $0x0  }
0x540: {  	[sflag:s6] =	ssyncadd.s32 $0xFFFFC000  }
0x541: {  	[tilespmem:s2], [sflag:$0x2] =	stream.linear.gather [hbm4b:s1+s2], $0x80, $0x38;
	[tilespmem:$0x4080] =	vst v63  }
0x542: {  	_ =	swait.ge [sflag:s6], $0x80  }
0x543: {  	[sflag:s6] =	ssyncset.done $0x0  }
0x544: {  	[sflag:s6] =	ssyncadd.s32 $0xFFFFFF80  }
0x545: {  	[tilespmem:s9], [sflag:$0x1] =	stream.indirect.gather [hbm4b:s7+s9], $0x80, s2, s9, $0xb8;
	[tilespmem:$0x4080] =	vst v63  }
0x546: {  	_ =	swait.ge [sflag:s10], $0x4000  }
0x547: {  	s1 =	sld [smem:$0x7CD]  }
0x548: {  	[sflag:s10] =	ssyncset.done $0x0  }
0x549: {  	[sflag:s10] =	ssyncadd.s32 $0xFFFFC000  }
0x54a: {  	[hbm4b:s1+s2] =	stream.linear.scatter [tilespmem:s9], [sflag:$0x2], $0x4000, $0x38;
	[tilespmem:$0x4080] =	vst v63  }
0x54b: {  	_ =	swait.ge [sflag:s6], $0x4000  }
0x54c: {  	s1 =	sld [smem:$0x7CE]  }
0x54d: {  	[sflag:s6] =	ssyncset.done $0x0  }
0x54e: {  	[sflag:s6] =	ssyncadd.s32 $0xFFFFC000  }
0x54f: {  	[tilespmem:s2], [sflag:$0x2] =	stream.linear.gather [hbm4b:s1+s2], $0x80, $0x38;
	[tilespmem:$0x4080] =	vst v63  }
0x550: {  	_ =	swait.ge [sflag:s6], $0x80  }
0x551: {  	[sflag:s6] =	ssyncset.done $0x0  }
0x552: {  	[sflag:s6] =	ssyncadd.s32 $0xFFFFFF80  }
0x553: {  	[tilespmem:s9], [sflag:$0x1] =	stream.indirect.gather [hbm4b:s7+s9], $0x80, s2, s9, $0xb8;
	[tilespmem:$0x4080] =	vst v63  }
0x554: {  	_ =	swait.ge [sflag:s10], $0x4000  }
0x555: {  	s1 =	sld [smem:$0x7CF]  }
0x556: {  	[sflag:s10] =	ssyncset.done $0x0  }
0x557: {  	[sflag:s10] =	ssyncadd.s32 $0xFFFFC000  }
0x558: {  	[hbm4b:s1+s2] =	stream.linear.scatter [tilespmem:s9], [sflag:$0x2], $0x4000, $0x38;
	[tilespmem:$0x4080] =	vst v63  }
0x559: {  	_ =	swait.ge [sflag:s6], $0x4000  }
0x55a: {  	s1 =	sld [smem:$0x7D0]  }
0x55b: {  	[sflag:s6] =	ssyncset.done $0x0  }
0x55c: {  	[sflag:s6] =	ssyncadd.s32 $0xFFFFC000  }
0x55d: {  	[tilespmem:s2], [sflag:$0x2] =	stream.linear.gather [hbm4b:s1+s2], $0x80, $0x38;
	[tilespmem:$0x4080] =	vst v63  }
0x55e: {  	_ =	swait.ge [sflag:s6], $0x80  }
0x55f: {  	[sflag:s6] =	ssyncset.done $0x0  }
0x560: {  	[sflag:s6] =	ssyncadd.s32 $0xFFFFFF80  }
0x561: {  	[tilespmem:s9], [sflag:$0x1] =	stream.indirect.gather [hbm4b:s7+s9], $0x80, s2, s9, $0xb8;
	[tilespmem:$0x4080] =	vst v63  }
0x562: {  	_ =	swait.ge [sflag:s10], $0x4000  }
0x563: {  	s1 =	sld [smem:$0x7D1]  }
0x564: {  	[sflag:s10] =	ssyncset.done $0x0  }
0x565: {  	[sflag:s10] =	ssyncadd.s32 $0xFFFFC000  }
0x566: {  	[hbm4b:s1+s2] =	stream.linear.scatter [tilespmem:s9], [sflag:$0x2], $0x4000, $0x38;
	[tilespmem:$0x4080] =	vst v63  }
0x567: {  	_ =	swait.ge [sflag:s6], $0x4000  }
0x568: {  	s1 =	sld [smem:$0x7D2]  }
0x569: {  	[sflag:s6] =	ssyncset.done $0x0  }
0x56a: {  	[sflag:s6] =	ssyncadd.s32 $0xFFFFC000  }
0x56b: {  	[tilespmem:s2], [sflag:$0x2] =	stream.linear.gather [hbm4b:s1+s2], $0x80, $0x38;
	[tilespmem:$0x4080] =	vst v63  }
0x56c: {  	_ =	swait.ge [sflag:s6], $0x80  }
0x56d: {  	[sflag:s6] =	ssyncset.done $0x0  }
0x56e: {  	[sflag:s6] =	ssyncadd.s32 $0xFFFFFF80  }
0x56f: {  	[tilespmem:s9], [sflag:$0x1] =	stream.indirect.gather [hbm4b:s7+s9], $0x80, s2, s9, $0xb8;
	[tilespmem:$0x4080] =	vst v63  }
0x570: {  	_ =	swait.ge [sflag:s10], $0x4000  }
0x571: {  	s1 =	sld [smem:$0x7D3]  }
0x572: {  	[sflag:s10] =	ssyncset.done $0x0  }
0x573: {  	[sflag:s10] =	ssyncadd.s32 $0xFFFFC000  }
0x574: {  	[hbm4b:s1+s2] =	stream.linear.scatter [tilespmem:s9], [sflag:$0x2], $0x4000, $0x38;
	[tilespmem:$0x4080] =	vst v63  }
0x575: {  	_ =	swait.ge [sflag:s6], $0x4000  }
0x576: {  	s1 =	sld [smem:$0x7D4]  }
0x577: {  	[sflag:s6] =	ssyncset.done $0x0  }
0x578: {  	[sflag:s6] =	ssyncadd.s32 $0xFFFFC000  }
0x579: {  	[tilespmem:s2], [sflag:$0x2] =	stream.linear.gather [hbm4b:s1+s2], $0x80, $0x38;
	[tilespmem:$0x4080] =	vst v63  }
0x57a: {  	_ =	swait.ge [sflag:s6], $0x80  }
0x57b: {  	[sflag:s6] =	ssyncset.done $0x0  }
0x57c: {  	[sflag:s6] =	ssyncadd.s32 $0xFFFFFF80  }
0x57d: {  	[tilespmem:s9], [sflag:$0x1] =	stream.indirect.gather [hbm4b:s7+s9], $0x80, s2, s9, $0xb8;
	[tilespmem:$0x4080] =	vst v63  }
0x57e: {  	_ =	swait.ge [sflag:s10], $0x4000  }
0x57f: {  	s1 =	sld [smem:$0x7D5]  }
0x580: {  	[sflag:s10] =	ssyncset.done $0x0  }
0x581: {  	[sflag:s10] =	ssyncadd.s32 $0xFFFFC000  }
0x582: {  	[hbm4b:s1+s2] =	stream.linear.scatter [tilespmem:s9], [sflag:$0x2], $0x4000, $0x38;
	[tilespmem:$0x4080] =	vst v63  }
0x583: {  	_ =	swait.ge [sflag:s6], $0x4000  }
0x584: {  	s1 =	sld [smem:$0x7D6]  }
0x585: {  	[sflag:s6] =	ssyncset.done $0x0  }
0x586: {  	[sflag:s6] =	ssyncadd.s32 $0xFFFFC000  }
0x587: {  	[tilespmem:s2], [sflag:$0x2] =	stream.linear.gather [hbm4b:s1+s2], $0x80, $0x38;
	[tilespmem:$0x4080] =	vst v63  }
0x588: {  	_ =	swait.ge [sflag:s6], $0x80  }
0x589: {  	[sflag:s6] =	ssyncset.done $0x0  }
0x58a: {  	[sflag:s6] =	ssyncadd.s32 $0xFFFFFF80  }
0x58b: {  	[tilespmem:s9], [sflag:$0x1] =	stream.indirect.gather [hbm4b:s7+s9], $0x80, s2, s9, $0xb8;
	[tilespmem:$0x4080] =	vst v63  }
0x58c: {  	_ =	swait.ge [sflag:s10], $0x4000  }
0x58d: {  	s1 =	sld [smem:$0x7D7]  }
0x58e: {  	[sflag:s10] =	ssyncset.done $0x0  }
0x58f: {  	[sflag:s10] =	ssyncadd.s32 $0xFFFFC000  }
0x590: {  	[hbm4b:s1+s2] =	stream.linear.scatter [tilespmem:s9], [sflag:$0x2], $0x4000, $0x38;
	[tilespmem:$0x4080] =	vst v63  }
0x591: {  	_ =	swait.ge [sflag:s6], $0x4000  }
0x592: {  	s1 =	sld [smem:$0x7D8]  }
0x593: {  	[sflag:s6] =	ssyncset.done $0x0  }
0x594: {  	[sflag:s6] =	ssyncadd.s32 $0xFFFFC000  }
0x595: {  	[tilespmem:s2], [sflag:$0x2] =	stream.linear.gather [hbm4b:s1+s2], $0x80, $0x38;
	[tilespmem:$0x4080] =	vst v63  }
0x596: {  	_ =	swait.ge [sflag:s6], $0x80  }
0x597: {  	[sflag:s6] =	ssyncset.done $0x0  }
0x598: {  	[sflag:s6] =	ssyncadd.s32 $0xFFFFFF80  }
0x599: {  	[tilespmem:s9], [sflag:$0x1] =	stream.indirect.gather [hbm4b:s7+s9], $0x80, s2, s9, $0xb8;
	[tilespmem:$0x4080] =	vst v63  }
0x59a: {  	_ =	swait.ge [sflag:s10], $0x4000  }
0x59b: {  	s1 =	sld [smem:$0x7D9]  }
0x59c: {  	[sflag:s10] =	ssyncset.done $0x0  }
0x59d: {  	[sflag:s10] =	ssyncadd.s32 $0xFFFFC000  }
0x59e: {  	[hbm4b:s1+s2] =	stream.linear.scatter [tilespmem:s9], [sflag:$0x2], $0x4000, $0x38;
	[tilespmem:$0x4080] =	vst v63  }
0x59f: {  	_ =	swait.ge [sflag:s6], $0x4000  }
0x5a0: {  	s1 =	sld [smem:$0x7DA]  }
0x5a1: {  	[sflag:s6] =	ssyncset.done $0x0  }
0x5a2: {  	[sflag:s6] =	ssyncadd.s32 $0xFFFFC000  }
0x5a3: {  	[tilespmem:s2], [sflag:$0x2] =	stream.linear.gather [hbm4b:s1+s2], $0x80, $0x38;
	[tilespmem:$0x4080] =	vst v63  }
0x5a4: {  	_ =	swait.ge [sflag:s6], $0x80  }
0x5a5: {  	[sflag:s6] =	ssyncset.done $0x0  }
0x5a6: {  	[sflag:s6] =	ssyncadd.s32 $0xFFFFFF80  }
0x5a7: {  	[tilespmem:s9], [sflag:$0x1] =	stream.indirect.gather [hbm4b:s7+s9], $0x80, s2, s9, $0xb8;
	[tilespmem:$0x4080] =	vst v63  }
0x5a8: {  	_ =	swait.ge [sflag:s10], $0x4000  }
0x5a9: {  	s1 =	sld [smem:$0x7DB]  }
0x5aa: {  	[sflag:s10] =	ssyncset.done $0x0  }
0x5ab: {  	[sflag:s10] =	ssyncadd.s32 $0xFFFFC000  }
0x5ac: {  	[hbm4b:s1+s2] =	stream.linear.scatter [tilespmem:s9], [sflag:$0x2], $0x4000, $0x38;
	[tilespmem:$0x4080] =	vst v63  }
0x5ad: {  	_ =	swait.ge [sflag:s6], $0x4000  }
0x5ae: {  	s1 =	sld [smem:$0x7DC]  }
0x5af: {  	[sflag:s6] =	ssyncset.done $0x0  }
0x5b0: {  	[sflag:s6] =	ssyncadd.s32 $0xFFFFC000  }
0x5b1: {  	[tilespmem:s2], [sflag:$0x2] =	stream.linear.gather [hbm4b:s1+s2], $0x80, $0x38;
	[tilespmem:$0x4080] =	vst v63  }
0x5b2: {  	_ =	swait.ge [sflag:s6], $0x80  }
0x5b3: {  	[sflag:s6] =	ssyncset.done $0x0  }
0x5b4: {  	[sflag:s6] =	ssyncadd.s32 $0xFFFFFF80  }
0x5b5: {  	[tilespmem:s9], [sflag:$0x1] =	stream.indirect.gather [hbm4b:s7+s9], $0x80, s2, s9, $0xb8;
	[tilespmem:$0x4080] =	vst v63  }
0x5b6: {  	_ =	swait.ge [sflag:s10], $0x4000  }
0x5b7: {  	s1 =	sld [smem:$0x7DD]  }
0x5b8: {  	[sflag:s10] =	ssyncset.done $0x0  }
0x5b9: {  	[sflag:s10] =	ssyncadd.s32 $0xFFFFC000  }
0x5ba: {  	[hbm4b:s1+s2] =	stream.linear.scatter [tilespmem:s9], [sflag:$0x2], $0x4000, $0x38;
	[tilespmem:$0x4080] =	vst v63  }
0x5bb: {  	_ =	swait.ge [sflag:s6], $0x4000  }
0x5bc: {  	s1 =	sld [smem:$0x7DE]  }
0x5bd: {  	[sflag:s6] =	ssyncset.done $0x0  }
0x5be: {  	[sflag:s6] =	ssyncadd.s32 $0xFFFFC000  }
0x5bf: {  	[tilespmem:s2], [sflag:$0x2] =	stream.linear.gather [hbm4b:s1+s2], $0x80, $0x38;
	[tilespmem:$0x4080] =	vst v63  }
0x5c0: {  	_ =	swait.ge [sflag:s6], $0x80  }
0x5c1: {  	[sflag:s6] =	ssyncset.done $0x0  }
0x5c2: {  	[sflag:s6] =	ssyncadd.s32 $0xFFFFFF80  }
0x5c3: {  	[tilespmem:s9], [sflag:$0x1] =	stream.indirect.gather [hbm4b:s7+s9], $0x80, s2, s9, $0xb8;
	[tilespmem:$0x4080] =	vst v63  }
0x5c4: {  	_ =	swait.ge [sflag:s10], $0x4000  }
0x5c5: {  	s1 =	sld [smem:$0x7DF]  }
0x5c6: {  	[sflag:s10] =	ssyncset.done $0x0  }
0x5c7: {  	[sflag:s10] =	ssyncadd.s32 $0xFFFFC000  }
0x5c8: {  	[hbm4b:s1+s2] =	stream.linear.scatter [tilespmem:s9], [sflag:$0x2], $0x4000, $0x38;
	[tilespmem:$0x4080] =	vst v63  }
0x5c9: {  	_ =	swait.ge [sflag:s6], $0x4000  }
0x5ca: {  	s1 =	sld [smem:$0x7E0]  }
0x5cb: {  	[sflag:s6] =	ssyncset.done $0x0  }
0x5cc: {  	[sflag:s6] =	ssyncadd.s32 $0xFFFFC000  }
0x5cd: {  	[tilespmem:s2], [sflag:$0x2] =	stream.linear.gather [hbm4b:s1+s2], $0x80, $0x38;
	[tilespmem:$0x4080] =	vst v63  }
0x5ce: {  	_ =	swait.ge [sflag:s6], $0x80  }
0x5cf: {  	[sflag:s6] =	ssyncset.done $0x0  }
0x5d0: {  	[sflag:s6] =	ssyncadd.s32 $0xFFFFFF80  }
0x5d1: {  	[tilespmem:s9], [sflag:$0x1] =	stream.indirect.gather [hbm4b:s7+s9], $0x80, s2, s9, $0xb8;
	[tilespmem:$0x4080] =	vst v63  }
0x5d2: {  	_ =	swait.ge [sflag:s10], $0x4000  }
0x5d3: {  	s1 =	sld [smem:$0x7E1]  }
0x5d4: {  	[sflag:s10] =	ssyncset.done $0x0  }
0x5d5: {  	[sflag:s10] =	ssyncadd.s32 $0xFFFFC000  }
0x5d6: {  	[hbm4b:s1+s2] =	stream.linear.scatter [tilespmem:s9], [sflag:$0x2], $0x4000, $0x38;
	[tilespmem:$0x4080] =	vst v63  }
0x5d7: {  	_ =	swait.ge [sflag:s6], $0x4000  }
0x5d8: {  	s1 =	sld [smem:$0x7E2]  }
0x5d9: {  	[sflag:s6] =	ssyncset.done $0x0  }
0x5da: {  	[sflag:s6] =	ssyncadd.s32 $0xFFFFC000  }
0x5db: {  	[tilespmem:s2], [sflag:$0x2] =	stream.linear.gather [hbm4b:s1+s2], $0x80, $0x38;
	[tilespmem:$0x4080] =	vst v63  }
0x5dc: {  	_ =	swait.ge [sflag:s6], $0x80  }
0x5dd: {  	[sflag:s6] =	ssyncset.done $0x0  }
0x5de: {  	[sflag:s6] =	ssyncadd.s32 $0xFFFFFF80  }
0x5df: {  	[tilespmem:s9], [sflag:$0x1] =	stream.indirect.gather [hbm4b:s7+s9], $0x80, s2, s9, $0xb8;
	[tilespmem:$0x4080] =	vst v63  }
0x5e0: {  	_ =	swait.ge [sflag:s10], $0x4000  }
0x5e1: {  	s1 =	sld [smem:$0x7E3]  }
0x5e2: {  	[sflag:s10] =	ssyncset.done $0x0  }
0x5e3: {  	[sflag:s10] =	ssyncadd.s32 $0xFFFFC000  }
0x5e4: {  	[hbm4b:s1+s2] =	stream.linear.scatter [tilespmem:s9], [sflag:$0x2], $0x4000, $0x38;
	[tilespmem:$0x4080] =	vst v63  }
0x5e5: {  	_ =	swait.ge [sflag:s6], $0x4000  }
0x5e6: {  	s1 =	sld [smem:$0x7E4]  }
0x5e7: {  	[sflag:s6] =	ssyncset.done $0x0  }
0x5e8: {  	[sflag:s6] =	ssyncadd.s32 $0xFFFFC000  }
0x5e9: {  	[tilespmem:s2], [sflag:$0x2] =	stream.linear.gather [hbm4b:s1+s2], $0x80, $0x38;
	[tilespmem:$0x4080] =	vst v63  }
0x5ea: {  	_ =	swait.ge [sflag:s6], $0x80  }
0x5eb: {  	[sflag:s6] =	ssyncset.done $0x0  }
0x5ec: {  	[sflag:s6] =	ssyncadd.s32 $0xFFFFFF80  }
0x5ed: {  	[tilespmem:s9], [sflag:$0x1] =	stream.indirect.gather [hbm4b:s7+s9], $0x80, s2, s9, $0xb8;
	[tilespmem:$0x4080] =	vst v63  }
0x5ee: {  	_ =	swait.ge [sflag:s10], $0x4000  }
0x5ef: {  	s1 =	sld [smem:$0x7E5]  }
0x5f0: {  	[sflag:s10] =	ssyncset.done $0x0  }
0x5f1: {  	[sflag:s10] =	ssyncadd.s32 $0xFFFFC000  }
0x5f2: {  	[hbm4b:s1+s2] =	stream.linear.scatter [tilespmem:s9], [sflag:$0x2], $0x4000, $0x38;
	[tilespmem:$0x4080] =	vst v63  }
0x5f3: {  	_ =	swait.ge [sflag:s6], $0x4000  }
0x5f4: {  	s1 =	sld [smem:$0x7E6]  }
0x5f5: {  	[sflag:s6] =	ssyncset.done $0x0  }
0x5f6: {  	[sflag:s6] =	ssyncadd.s32 $0xFFFFC000  }
0x5f7: {  	[tilespmem:s2], [sflag:$0x2] =	stream.linear.gather [hbm4b:s1+s2], $0x80, $0x38;
	[tilespmem:$0x4080] =	vst v63  }
0x5f8: {  	_ =	swait.ge [sflag:s6], $0x80  }
0x5f9: {  	[sflag:s6] =	ssyncset.done $0x0  }
0x5fa: {  	[sflag:s6] =	ssyncadd.s32 $0xFFFFFF80  }
0x5fb: {  	[tilespmem:s9], [sflag:$0x1] =	stream.indirect.gather [hbm4b:s7+s9], $0x80, s2, s9, $0xb8;
	[tilespmem:$0x4080] =	vst v63  }
0x5fc: {  	_ =	swait.ge [sflag:s10], $0x4000  }
0x5fd: {  	s1 =	sld [smem:$0x7E7]  }
0x5fe: {  	[sflag:s10] =	ssyncset.done $0x0  }
0x5ff: {  	[sflag:s10] =	ssyncadd.s32 $0xFFFFC000  }
0x600: {  	[hbm4b:s1+s2] =	stream.linear.scatter [tilespmem:s9], [sflag:$0x2], $0x4000, $0x38;
	[tilespmem:$0x4080] =	vst v63  }
0x601: {  	_ =	swait.ge [sflag:s6], $0x4000  }
0x602: {  	s1 =	sld [smem:$0x7E8]  }
0x603: {  	[sflag:s6] =	ssyncset.done $0x0  }
0x604: {  	[sflag:s6] =	ssyncadd.s32 $0xFFFFC000  }
0x605: {  	[tilespmem:s2], [sflag:$0x2] =	stream.linear.gather [hbm4b:s1+s2], $0x80, $0x38;
	[tilespmem:$0x4080] =	vst v63  }
0x606: {  	_ =	swait.ge [sflag:s6], $0x80  }
0x607: {  	[sflag:s6] =	ssyncset.done $0x0  }
0x608: {  	[sflag:s6] =	ssyncadd.s32 $0xFFFFFF80  }
0x609: {  	[tilespmem:s9], [sflag:$0x1] =	stream.indirect.gather [hbm4b:s7+s9], $0x80, s2, s9, $0xb8;
	[tilespmem:$0x4080] =	vst v63  }
0x60a: {  	_ =	swait.ge [sflag:s10], $0x4000  }
0x60b: {  	s1 =	sld [smem:$0x7E9]  }
0x60c: {  	[sflag:s10] =	ssyncset.done $0x0  }
0x60d: {  	[sflag:s10] =	ssyncadd.s32 $0xFFFFC000  }
0x60e: {  	[hbm4b:s1+s2] =	stream.linear.scatter [tilespmem:s9], [sflag:$0x2], $0x4000, $0x38;
	[tilespmem:$0x4080] =	vst v63  }
0x60f: {  	_ =	swait.ge [sflag:s6], $0x4000  }
0x610: {  	s1 =	sld [smem:$0x7EA]  }
0x611: {  	[sflag:s6] =	ssyncset.done $0x0  }
0x612: {  	[sflag:s6] =	ssyncadd.s32 $0xFFFFC000  }
0x613: {  	[tilespmem:s2], [sflag:$0x2] =	stream.linear.gather [hbm4b:s1+s2], $0x80, $0x38;
	[tilespmem:$0x4080] =	vst v63  }
0x614: {  	_ =	swait.ge [sflag:s6], $0x80  }
0x615: {  	[sflag:s6] =	ssyncset.done $0x0  }
0x616: {  	[sflag:s6] =	ssyncadd.s32 $0xFFFFFF80  }
0x617: {  	[tilespmem:s9], [sflag:$0x1] =	stream.indirect.gather [hbm4b:s7+s9], $0x80, s2, s9, $0xb8;
	[tilespmem:$0x4080] =	vst v63  }
0x618: {  	_ =	swait.ge [sflag:s10], $0x4000  }
0x619: {  	s1 =	sld [smem:$0x7EB]  }
0x61a: {  	[sflag:s10] =	ssyncset.done $0x0  }
0x61b: {  	[sflag:s10] =	ssyncadd.s32 $0xFFFFC000  }
0x61c: {  	[hbm4b:s1+s2] =	stream.linear.scatter [tilespmem:s9], [sflag:$0x2], $0x4000, $0x38;
	[tilespmem:$0x4080] =	vst v63  }
0x61d: {  	_ =	swait.ge [sflag:s6], $0x4000  }
0x61e: {  	s1 =	sld [smem:$0x7EC]  }
0x61f: {  	[sflag:s6] =	ssyncset.done $0x0  }
0x620: {  	[sflag:s6] =	ssyncadd.s32 $0xFFFFC000  }
0x621: {  	[tilespmem:s2], [sflag:$0x2] =	stream.linear.gather [hbm4b:s1+s2], $0x80, $0x38;
	[tilespmem:$0x4080] =	vst v63  }
0x622: {  	_ =	swait.ge [sflag:s6], $0x80  }
0x623: {  	[sflag:s6] =	ssyncset.done $0x0  }
0x624: {  	[sflag:s6] =	ssyncadd.s32 $0xFFFFFF80  }
0x625: {  	[tilespmem:s9], [sflag:$0x1] =	stream.indirect.gather [hbm4b:s7+s9], $0x80, s2, s9, $0xb8;
	[tilespmem:$0x4080] =	vst v63  }
0x626: {  	_ =	swait.ge [sflag:s10], $0x4000  }
0x627: {  	s1 =	sld [smem:$0x7ED]  }
0x628: {  	[sflag:s10] =	ssyncset.done $0x0  }
0x629: {  	[sflag:s10] =	ssyncadd.s32 $0xFFFFC000  }
0x62a: {  	[hbm4b:s1+s2] =	stream.linear.scatter [tilespmem:s9], [sflag:$0x2], $0x4000, $0x38;
	[tilespmem:$0x4080] =	vst v63  }
0x62b: {  	_ =	swait.ge [sflag:s6], $0x4000  }
0x62c: {  	s1 =	sld [smem:$0x7EE]  }
0x62d: {  	[sflag:s6] =	ssyncset.done $0x0  }
0x62e: {  	[sflag:s6] =	ssyncadd.s32 $0xFFFFC000  }
0x62f: {  	[tilespmem:s2], [sflag:$0x2] =	stream.linear.gather [hbm4b:s1+s2], $0x80, $0x38;
	[tilespmem:$0x4080] =	vst v63  }
0x630: {  	_ =	swait.ge [sflag:s6], $0x80  }
0x631: {  	[sflag:s6] =	ssyncset.done $0x0  }
0x632: {  	[sflag:s6] =	ssyncadd.s32 $0xFFFFFF80  }
0x633: {  	[tilespmem:s9], [sflag:$0x1] =	stream.indirect.gather [hbm4b:s7+s9], $0x80, s2, s9, $0xb8;
	[tilespmem:$0x4080] =	vst v63  }
0x634: {  	_ =	swait.ge [sflag:s10], $0x4000  }
0x635: {  	s1 =	sld [smem:$0x7EF]  }
0x636: {  	[sflag:s10] =	ssyncset.done $0x0  }
0x637: {  	[sflag:s10] =	ssyncadd.s32 $0xFFFFC000  }
0x638: {  	[hbm4b:s1+s2] =	stream.linear.scatter [tilespmem:s9], [sflag:$0x2], $0x4000, $0x38;
	[tilespmem:$0x4080] =	vst v63  }
0x639: {  	_ =	swait.ge [sflag:s6], $0x4000  }
0x63a: {  	s1 =	sld [smem:$0x7F0]  }
0x63b: {  	[sflag:s6] =	ssyncset.done $0x0  }
0x63c: {  	[sflag:s6] =	ssyncadd.s32 $0xFFFFC000  }
0x63d: {  	[tilespmem:s2], [sflag:$0x2] =	stream.linear.gather [hbm4b:s1+s2], $0x80, $0x38;
	[tilespmem:$0x4080] =	vst v63  }
0x63e: {  	_ =	swait.ge [sflag:s6], $0x80  }
0x63f: {  	[sflag:s6] =	ssyncset.done $0x0  }
0x640: {  	[sflag:s6] =	ssyncadd.s32 $0xFFFFFF80  }
0x641: {  	[tilespmem:s9], [sflag:$0x1] =	stream.indirect.gather [hbm4b:s7+s9], $0x80, s2, s9, $0xb8;
	[tilespmem:$0x4080] =	vst v63  }
0x642: {  	_ =	swait.ge [sflag:s10], $0x4000  }
0x643: {  	s1 =	sld [smem:$0x7F1]  }
0x644: {  	[sflag:s10] =	ssyncset.done $0x0  }
0x645: {  	[sflag:s10] =	ssyncadd.s32 $0xFFFFC000  }
0x646: {  	[hbm4b:s1+s2] =	stream.linear.scatter [tilespmem:s9], [sflag:$0x2], $0x4000, $0x38;
	[tilespmem:$0x4080] =	vst v63  }
0x647: {  	_ =	swait.ge [sflag:s6], $0x4000  }
0x648: {  	s1 =	sld [smem:$0x7F2]  }
0x649: {  	[sflag:s6] =	ssyncset.done $0x0  }
0x64a: {  	[sflag:s6] =	ssyncadd.s32 $0xFFFFC000  }
0x64b: {  	[tilespmem:s2], [sflag:$0x2] =	stream.linear.gather [hbm4b:s1+s2], $0x80, $0x38;
	[tilespmem:$0x4080] =	vst v63  }
0x64c: {  	_ =	swait.ge [sflag:s6], $0x80  }
0x64d: {  	[sflag:s6] =	ssyncset.done $0x0  }
0x64e: {  	[sflag:s6] =	ssyncadd.s32 $0xFFFFFF80  }
0x64f: {  	[tilespmem:s9], [sflag:$0x1] =	stream.indirect.gather [hbm4b:s7+s9], $0x80, s2, s9, $0xb8;
	[tilespmem:$0x4080] =	vst v63  }
0x650: {  	_ =	swait.ge [sflag:s10], $0x4000  }
0x651: {  	s1 =	sld [smem:$0x7F3]  }
0x652: {  	[sflag:s10] =	ssyncset.done $0x0  }
0x653: {  	[sflag:s10] =	ssyncadd.s32 $0xFFFFC000  }
0x654: {  	[hbm4b:s1+s2] =	stream.linear.scatter [tilespmem:s9], [sflag:$0x2], $0x4000, $0x38;
	[tilespmem:$0x4080] =	vst v63  }
0x655: {  	_ =	swait.ge [sflag:s6], $0x4000  }
0x656: {  	s1 =	sld [smem:$0x7F4]  }
0x657: {  	[sflag:s6] =	ssyncset.done $0x0  }
0x658: {  	[sflag:s6] =	ssyncadd.s32 $0xFFFFC000  }
0x659: {  	[tilespmem:s2], [sflag:$0x2] =	stream.linear.gather [hbm4b:s1+s2], $0x80, $0x38;
	[tilespmem:$0x4080] =	vst v63  }
0x65a: {  	_ =	swait.ge [sflag:s6], $0x80  }
0x65b: {  	[sflag:s6] =	ssyncset.done $0x0  }
0x65c: {  	[sflag:s6] =	ssyncadd.s32 $0xFFFFFF80  }
0x65d: {  	[tilespmem:s9], [sflag:$0x1] =	stream.indirect.gather [hbm4b:s7+s9], $0x80, s2, s9, $0xb8;
	[tilespmem:$0x4080] =	vst v63  }
0x65e: {  	_ =	swait.ge [sflag:s10], $0x4000  }
0x65f: {  	s1 =	sld [smem:$0x7F5]  }
0x660: {  	[sflag:s10] =	ssyncset.done $0x0  }
0x661: {  	[sflag:s10] =	ssyncadd.s32 $0xFFFFC000  }
0x662: {  	[hbm4b:s1+s2] =	stream.linear.scatter [tilespmem:s9], [sflag:$0x2], $0x4000, $0x38;
	[tilespmem:$0x4080] =	vst v63  }
0x663: {  	_ =	swait.ge [sflag:s6], $0x4000  }
0x664: {  	s1 =	sld [smem:$0x7F6]  }
0x665: {  	[sflag:s6] =	ssyncset.done $0x0  }
0x666: {  	[sflag:s6] =	ssyncadd.s32 $0xFFFFC000  }
0x667: {  	[tilespmem:s2], [sflag:$0x2] =	stream.linear.gather [hbm4b:s1+s2], $0x80, $0x38;
	[tilespmem:$0x4080] =	vst v63  }
0x668: {  	_ =	swait.ge [sflag:s6], $0x80  }
0x669: {  	[sflag:s6] =	ssyncset.done $0x0  }
0x66a: {  	[sflag:s6] =	ssyncadd.s32 $0xFFFFFF80  }
0x66b: {  	[tilespmem:s9], [sflag:$0x1] =	stream.indirect.gather [hbm4b:s7+s9], $0x80, s2, s9, $0xb8;
	[tilespmem:$0x4080] =	vst v63  }
0x66c: {  	_ =	swait.ge [sflag:s10], $0x4000  }
0x66d: {  	s1 =	sld [smem:$0x7F7]  }
0x66e: {  	[sflag:s10] =	ssyncset.done $0x0  }
0x66f: {  	[sflag:s10] =	ssyncadd.s32 $0xFFFFC000  }
0x670: {  	[hbm4b:s1+s2] =	stream.linear.scatter [tilespmem:s9], [sflag:$0x2], $0x4000, $0x38;
	[tilespmem:$0x4080] =	vst v63  }
0x671: {  	_ =	swait.ge [sflag:s6], $0x4000  }
0x672: {  	s1 =	sld [smem:$0x7F8]  }
0x673: {  	[sflag:s6] =	ssyncset.done $0x0  }
0x674: {  	[sflag:s6] =	ssyncadd.s32 $0xFFFFC000  }
0x675: {  	[tilespmem:s2], [sflag:$0x2] =	stream.linear.gather [hbm4b:s1+s2], $0x80, $0x38;
	[tilespmem:$0x4080] =	vst v63  }
0x676: {  	_ =	swait.ge [sflag:s6], $0x80  }
0x677: {  	[sflag:s6] =	ssyncset.done $0x0  }
0x678: {  	[sflag:s6] =	ssyncadd.s32 $0xFFFFFF80  }
0x679: {  	[tilespmem:s9], [sflag:$0x1] =	stream.indirect.gather [hbm4b:s7+s9], $0x80, s2, s9, $0xb8;
	[tilespmem:$0x4080] =	vst v63  }
0x67a: {  	_ =	swait.ge [sflag:s10], $0x4000  }
0x67b: {  	s1 =	sld [smem:$0x7F9]  }
0x67c: {  	[sflag:s10] =	ssyncset.done $0x0  }
0x67d: {  	[sflag:s10] =	ssyncadd.s32 $0xFFFFC000  }
0x67e: {  	[hbm4b:s1+s2] =	stream.linear.scatter [tilespmem:s9], [sflag:$0x2], $0x4000, $0x38;
	[tilespmem:$0x4080] =	vst v63  }
0x67f: {  	_ =	swait.ge [sflag:s6], $0x4000  }
0x680: {  	s1 =	sld [smem:$0x7FA]  }
0x681: {  	[sflag:s6] =	ssyncset.done $0x0  }
0x682: {  	[sflag:s6] =	ssyncadd.s32 $0xFFFFC000  }
0x683: {  	[tilespmem:s2], [sflag:$0x2] =	stream.linear.gather [hbm4b:s1+s2], $0x80, $0x38;
	[tilespmem:$0x4080] =	vst v63  }
0x684: {  	_ =	swait.ge [sflag:s6], $0x80  }
0x685: {  	[sflag:s6] =	ssyncset.done $0x0  }
0x686: {  	[sflag:s6] =	ssyncadd.s32 $0xFFFFFF80  }
0x687: {  	[tilespmem:s9], [sflag:$0x1] =	stream.indirect.gather [hbm4b:s7+s9], $0x80, s2, s9, $0xb8;
	[tilespmem:$0x4080] =	vst v63  }
0x688: {  	_ =	swait.ge [sflag:s10], $0x4000  }
0x689: {  	s1 =	sld [smem:$0x7FB]  }
0x68a: {  	[sflag:s10] =	ssyncset.done $0x0  }
0x68b: {  	[sflag:s10] =	ssyncadd.s32 $0xFFFFC000  }
0x68c: {  	[hbm4b:s1+s2] =	stream.linear.scatter [tilespmem:s9], [sflag:$0x2], $0x4000, $0x38;
	[tilespmem:$0x4080] =	vst v63  }
0x68d: {  	_ =	swait.ge [sflag:s6], $0x4000  }
0x68e: {  	s1 =	sld [smem:$0x7FC]  }
0x68f: {  	[sflag:s6] =	ssyncset.done $0x0  }
0x690: {  	[sflag:s6] =	ssyncadd.s32 $0xFFFFC000  }
0x691: {  	[tilespmem:s2], [sflag:$0x2] =	stream.linear.gather [hbm4b:s1+s2], $0x80, $0x38;
	[tilespmem:$0x4080] =	vst v63  }
0x692: {  	_ =	swait.ge [sflag:s6], $0x80  }
0x693: {  	[sflag:s6] =	ssyncset.done $0x0  }
0x694: {  	[sflag:s6] =	ssyncadd.s32 $0xFFFFFF80  }
0x695: {  	[tilespmem:s9], [sflag:$0x1] =	stream.indirect.gather [hbm4b:s7+s9], $0x80, s2, s9, $0xb8;
	[tilespmem:$0x4080] =	vst v63  }
0x696: {  	_ =	swait.ge [sflag:s10], $0x4000  }
0x697: {  	s1 =	sld [smem:$0x7FD]  }
0x698: {  	[sflag:s10] =	ssyncset.done $0x0  }
0x699: {  	[sflag:s10] =	ssyncadd.s32 $0xFFFFC000  }
0x69a: {  	[hbm4b:s1+s2] =	stream.linear.scatter [tilespmem:s9], [sflag:$0x2], $0x4000, $0x38;
	[tilespmem:$0x4080] =	vst v63  }
0x69b: {  	_ =	swait.ge [sflag:s6], $0x4000  }
0x69c: {  	[sflag:s6] =	ssyncset.done $0x0  }
0x69d: {  	[sflag:s6] =	ssyncadd.s32 $0xFFFFC000  }
0x69e: {  	[tilespmem:s2], [sflag:$0x2] =	stream.linear.gather [hbm4b:s28+s2], $0x80, $0x38;
	[tilespmem:$0x4080] =	vst v63  }
0x69f: {  	_ =	swait.ge [sflag:s6], $0x80  }
0x6a0: {  	[sflag:s6] =	ssyncset.done $0x0  }
0x6a1: {  	[sflag:s6] =	ssyncadd.s32 $0xFFFFFF80  }
0x6a2: {  	[tilespmem:s9], [sflag:$0x1] =	stream.indirect.gather [hbm4b:s7+s9], $0x80, s2, s9, $0xb8;
	[tilespmem:$0x4080] =	vst v63  }
0x6a3: {  	_ =	swait.ge [sflag:s10], $0x4000  }
0x6a4: {  	[sflag:s10] =	ssyncset.done $0x0  }
0x6a5: {  	[sflag:s10] =	ssyncadd.s32 $0xFFFFC000  }
0x6a6: {  	[hbm4b:s31+s2] =	stream.linear.scatter [tilespmem:s9], [sflag:$0x2], $0x4000, $0x38;
	[tilespmem:$0x4080] =	vst v63  }
0x6a7: {  	_ =	swait.ge [sflag:s6], $0x4000  }
0x6a8: {  	[sflag:s6] =	ssyncset.done $0x0  }
0x6a9: {  	[sflag:s6] =	ssyncadd.s32 $0xFFFFC000  }
0x6aa: {  	[tilespmem:s2], [sflag:$0x2] =	stream.linear.gather [hbm4b:s25+s2], $0x80, $0x38;
	[tilespmem:$0x4080] =	vst v63  }
0x6ab: {  	_ =	swait.ge [sflag:s6], $0x80  }
0x6ac: {  	[sflag:s6] =	ssyncset.done $0x0  }
0x6ad: {  	[sflag:s6] =	ssyncadd.s32 $0xFFFFFF80  }
0x6ae: {  	[tilespmem:s9], [sflag:$0x1] =	stream.indirect.gather [hbm4b:s7+s9], $0x80, s2, s9, $0xb8;
	[tilespmem:$0x4080] =	vst v63  }
0x6af: {  	_ =	swait.ge [sflag:s10], $0x4000  }
0x6b0: {  	[sflag:s10] =	ssyncset.done $0x0  }
0x6b1: {  	[sflag:s10] =	ssyncadd.s32 $0xFFFFC000  }
0x6b2: {  	[hbm4b:s30+s2] =	stream.linear.scatter [tilespmem:s9], [sflag:$0x2], $0x4000, $0x38;
	[tilespmem:$0x4080] =	vst v63  }
0x6b3: {  	_ =	swait.ge [sflag:s6], $0x4000  }
0x6b4: {  	[sflag:s6] =	ssyncset.done $0x0  }
0x6b5: {  	[sflag:s6] =	ssyncadd.s32 $0xFFFFC000  }
0x6b6: {  	[tilespmem:s2], [sflag:$0x2] =	stream.linear.gather [hbm4b:s23+s2], $0x80, $0x38;
	[tilespmem:$0x4080] =	vst v63  }
0x6b7: {  	_ =	swait.ge [sflag:s6], $0x80  }
0x6b8: {  	[sflag:s6] =	ssyncset.done $0x0  }
0x6b9: {  	[sflag:s6] =	ssyncadd.s32 $0xFFFFFF80  }
0x6ba: {  	[tilespmem:s9], [sflag:$0x1] =	stream.indirect.gather [hbm4b:s7+s9], $0x80, s2, s9, $0xb8;
	[tilespmem:$0x4080] =	vst v63  }
0x6bb: {  	_ =	swait.ge [sflag:s10], $0x4000  }
0x6bc: {  	[sflag:s10] =	ssyncset.done $0x0  }
0x6bd: {  	[sflag:s10] =	ssyncadd.s32 $0xFFFFC000  }
0x6be: {  	[hbm4b:s29+s2] =	stream.linear.scatter [tilespmem:s9], [sflag:$0x2], $0x4000, $0x38;
	[tilespmem:$0x4080] =	vst v63  }
0x6bf: {  	_ =	swait.ge [sflag:s6], $0x4000  }
0x6c0: {  	[sflag:s6] =	ssyncset.done $0x0  }
0x6c1: {  	[sflag:s6] =	ssyncadd.s32 $0xFFFFC000  }
0x6c2: {  	[tilespmem:s2], [sflag:$0x2] =	stream.linear.gather [hbm4b:s21+s2], $0x80, $0x38;
	[tilespmem:$0x4080] =	vst v63  }
0x6c3: {  	_ =	swait.ge [sflag:s6], $0x80  }
0x6c4: {  	[sflag:s6] =	ssyncset.done $0x0  }
0x6c5: {  	[sflag:s6] =	ssyncadd.s32 $0xFFFFFF80  }
0x6c6: {  	[tilespmem:s9], [sflag:$0x1] =	stream.indirect.gather [hbm4b:s7+s9], $0x80, s2, s9, $0xb8;
	[tilespmem:$0x4080] =	vst v63  }
0x6c7: {  	_ =	swait.ge [sflag:s10], $0x4000  }
0x6c8: {  	[sflag:s10] =	ssyncset.done $0x0  }
0x6c9: {  	[sflag:s10] =	ssyncadd.s32 $0xFFFFC000  }
0x6ca: {  	[hbm4b:s26+s2] =	stream.linear.scatter [tilespmem:s9], [sflag:$0x2], $0x4000, $0x38;
	[tilespmem:$0x4080] =	vst v63  }
0x6cb: {  	_ =	swait.ge [sflag:s6], $0x4000  }
0x6cc: {  	[sflag:s6] =	ssyncset.done $0x0  }
0x6cd: {  	[sflag:s6] =	ssyncadd.s32 $0xFFFFC000  }
0x6ce: {  	[tilespmem:s2], [sflag:$0x2] =	stream.linear.gather [hbm4b:s19+s2], $0x80, $0x38;
	[tilespmem:$0x4080] =	vst v63  }
0x6cf: {  	_ =	swait.ge [sflag:s6], $0x80  }
0x6d0: {  	[sflag:s6] =	ssyncset.done $0x0  }
0x6d1: {  	[sflag:s6] =	ssyncadd.s32 $0xFFFFFF80  }
0x6d2: {  	[tilespmem:s9], [sflag:$0x1] =	stream.indirect.gather [hbm4b:s7+s9], $0x80, s2, s9, $0xb8;
	[tilespmem:$0x4080] =	vst v63  }
0x6d3: {  	_ =	swait.ge [sflag:s10], $0x4000  }
0x6d4: {  	[sflag:s10] =	ssyncset.done $0x0  }
0x6d5: {  	[sflag:s10] =	ssyncadd.s32 $0xFFFFC000  }
0x6d6: {  	[hbm4b:s24+s2] =	stream.linear.scatter [tilespmem:s9], [sflag:$0x2], $0x4000, $0x38;
	[tilespmem:$0x4080] =	vst v63  }
0x6d7: {  	_ =	swait.ge [sflag:s6], $0x4000  }
0x6d8: {  	[sflag:s6] =	ssyncset.done $0x0  }
0x6d9: {  	[sflag:s6] =	ssyncadd.s32 $0xFFFFC000  }
0x6da: {  	[tilespmem:s2], [sflag:$0x2] =	stream.linear.gather [hbm4b:s17+s2], $0x80, $0x38;
	[tilespmem:$0x4080] =	vst v63  }
0x6db: {  	_ =	swait.ge [sflag:s6], $0x80  }
0x6dc: {  	[sflag:s6] =	ssyncset.done $0x0  }
0x6dd: {  	[sflag:s6] =	ssyncadd.s32 $0xFFFFFF80  }
0x6de: {  	[tilespmem:s9], [sflag:$0x1] =	stream.indirect.gather [hbm4b:s7+s9], $0x80, s2, s9, $0xb8;
	[tilespmem:$0x4080] =	vst v63  }
0x6df: {  	_ =	swait.ge [sflag:s10], $0x4000  }
0x6e0: {  	[sflag:s10] =	ssyncset.done $0x0  }
0x6e1: {  	[sflag:s10] =	ssyncadd.s32 $0xFFFFC000  }
0x6e2: {  	[hbm4b:s22+s2] =	stream.linear.scatter [tilespmem:s9], [sflag:$0x2], $0x4000, $0x38;
	[tilespmem:$0x4080] =	vst v63  }
0x6e3: {  	_ =	swait.ge [sflag:s6], $0x4000  }
0x6e4: {  	[sflag:s6] =	ssyncset.done $0x0  }
0x6e5: {  	[sflag:s6] =	ssyncadd.s32 $0xFFFFC000  }
0x6e6: {  	[tilespmem:s2], [sflag:$0x2] =	stream.linear.gather [hbm4b:s16+s2], $0x80, $0x38;
	[tilespmem:$0x4080] =	vst v63  }
0x6e7: {  	_ =	swait.ge [sflag:s6], $0x80  }
0x6e8: {  	[sflag:s6] =	ssyncset.done $0x0  }
0x6e9: {  	[sflag:s6] =	ssyncadd.s32 $0xFFFFFF80  }
0x6ea: {  	[tilespmem:s9], [sflag:$0x1] =	stream.indirect.gather [hbm4b:s7+s9], $0x80, s2, s9, $0xb8;
	[tilespmem:$0x4080] =	vst v63  }
0x6eb: {  	_ =	swait.ge [sflag:s10], $0x4000  }
0x6ec: {  	[sflag:s10] =	ssyncset.done $0x0  }
0x6ed: {  	[sflag:s10] =	ssyncadd.s32 $0xFFFFC000  }
0x6ee: {  	[hbm4b:s20+s2] =	stream.linear.scatter [tilespmem:s9], [sflag:$0x2], $0x4000, $0x38;
	[tilespmem:$0x4080] =	vst v63  }
0x6ef: {  	_ =	swait.ge [sflag:s6], $0x4000  }
0x6f0: {  	[sflag:s6] =	ssyncset.done $0x0  }
0x6f1: {  	[sflag:s6] =	ssyncadd.s32 $0xFFFFC000  }
0x6f2: {  	[tilespmem:s2], [sflag:$0x2] =	stream.linear.gather [hbm4b:s14+s2], $0x80, $0x38;
	[tilespmem:$0x4080] =	vst v63  }
0x6f3: {  	_ =	swait.ge [sflag:s6], $0x80  }
0x6f4: {  	[sflag:s6] =	ssyncset.done $0x0  }
0x6f5: {  	[sflag:s6] =	ssyncadd.s32 $0xFFFFFF80  }
0x6f6: {  	[tilespmem:s9], [sflag:$0x1] =	stream.indirect.gather [hbm4b:s7+s9], $0x80, s2, s9, $0xb8;
	[tilespmem:$0x4080] =	vst v63  }
0x6f7: {  	_ =	swait.ge [sflag:s10], $0x4000  }
0x6f8: {  	[sflag:s10] =	ssyncset.done $0x0  }
0x6f9: {  	[sflag:s10] =	ssyncadd.s32 $0xFFFFC000  }
0x6fa: {  	[hbm4b:s18+s2] =	stream.linear.scatter [tilespmem:s9], [sflag:$0x2], $0x4000, $0x38;
	[tilespmem:$0x4080] =	vst v63  }
0x6fb: {  	_ =	swait.ge [sflag:s6], $0x4000  }
0x6fc: {  	[sflag:s6] =	ssyncset.done $0x0  }
0x6fd: {  	[sflag:s6] =	ssyncadd.s32 $0xFFFFC000  }
0x6fe: {  	[tilespmem:s2], [sflag:$0x2] =	stream.linear.gather [hbm4b:s12+s2], $0x80, $0x38;
	[tilespmem:$0x4080] =	vst v63  }
0x6ff: {  	_ =	swait.ge [sflag:s6], $0x80  }
0x700: {  	[sflag:s6] =	ssyncset.done $0x0  }
0x701: {  	[sflag:s6] =	ssyncadd.s32 $0xFFFFFF80  }
0x702: {  	[tilespmem:s9], [sflag:$0x1] =	stream.indirect.gather [hbm4b:s7+s9], $0x80, s2, s9, $0xb8;
	[tilespmem:$0x4080] =	vst v63  }
0x703: {  	_ =	swait.ge [sflag:s10], $0x4000  }
0x704: {  	[sflag:s10] =	ssyncset.done $0x0  }
0x705: {  	[sflag:s10] =	ssyncadd.s32 $0xFFFFC000  }
0x706: {  	[hbm4b:s15+s2] =	stream.linear.scatter [tilespmem:s9], [sflag:$0x2], $0x4000, $0x38;
	[tilespmem:$0x4080] =	vst v63  }
0x707: {  	_ =	swait.ge [sflag:s6], $0x4000  }
0x708: {  	[sflag:s6] =	ssyncset.done $0x0  }
0x709: {  	[sflag:s6] =	ssyncadd.s32 $0xFFFFC000  }
0x70a: {  	[tilespmem:s2], [sflag:$0x2] =	stream.linear.gather [hbm4b:s8+s2], $0x80, $0x38;
	[tilespmem:$0x4080] =	vst v63  }
0x70b: {  	_ =	swait.ge [sflag:s6], $0x80  }
0x70c: {  	[sflag:s6] =	ssyncset.done $0x0  }
0x70d: {  	[sflag:s6] =	ssyncadd.s32 $0xFFFFFF80  }
0x70e: {  	[tilespmem:s9], [sflag:$0x1] =	stream.indirect.gather [hbm4b:s7+s9], $0x80, s2, s9, $0xb8;
	[tilespmem:$0x4080] =	vst v63  }
0x70f: {  	_ =	swait.ge [sflag:s10], $0x4000  }
0x710: {  	[sflag:s10] =	ssyncset.done $0x0  }
0x711: {  	[sflag:s10] =	ssyncadd.s32 $0xFFFFC000  }
0x712: {  	[hbm4b:s13+s2] =	stream.linear.scatter [tilespmem:s9], [sflag:$0x2], $0x4000, $0x38;
	[tilespmem:$0x4080] =	vst v63  }
0x713: {  	_ =	swait.ge [sflag:s6], $0x4000  }
0x714: {  	[sflag:s6] =	ssyncset.done $0x0  }
0x715: {  	[sflag:s6] =	ssyncadd.s32 $0xFFFFC000  }
0x716: {  	[tilespmem:s2], [sflag:$0x2] =	stream.linear.gather [hbm4b:s4+s2], $0x80, $0x38;
	[tilespmem:$0x4080] =	vst v63  }
0x717: {  	_ =	swait.ge [sflag:s6], $0x80  }
0x718: {  	[sflag:s6] =	ssyncset.done $0x0  }
0x719: {  	[sflag:s6] =	ssyncadd.s32 $0xFFFFFF80  }
0x71a: {  	[tilespmem:s9], [sflag:$0x1] =	stream.indirect.gather [hbm4b:s7+s9], $0x80, s2, s9, $0xb8;
	[tilespmem:$0x4080] =	vst v63  }
0x71b: {  	_ =	swait.ge [sflag:s10], $0x4000  }
0x71c: {  	[sflag:s10] =	ssyncset.done $0x0  }
0x71d: {  	[sflag:s10] =	ssyncadd.s32 $0xFFFFC000  }
0x71e: {  	[hbm4b:s11+s2] =	stream.linear.scatter [tilespmem:s9], [sflag:$0x2], $0x4000, $0x38;
	[tilespmem:$0x4080] =	vst v63  }
0x71f: {  	_ =	swait.ge [sflag:s6], $0x4000  }
0x720: {  	[sflag:s6] =	ssyncset.done $0x0  }
0x721: {  	[sflag:s6] =	ssyncadd.s32 $0xFFFFC000  }
0x722: {  	[tilespmem:s2], [sflag:$0x2] =	stream.linear.gather [hbm4b:s3+s2], $0x80, $0x38;
	[tilespmem:$0x4080] =	vst v63  }
0x723: {  	_ =	swait.ge [sflag:s6], $0x80  }
0x724: {  	[sflag:s6] =	ssyncset.done $0x0  }
0x725: {  	[sflag:s6] =	ssyncadd.s32 $0xFFFFFF80  }
0x726: {  	[tilespmem:s9], [sflag:$0x1] =	stream.indirect.gather [hbm4b:s7+s9], $0x80, s2, s9, $0xb8;
	[tilespmem:$0x4080] =	vst v63  }
0x727: {  	p1 =	sne.s32 s0, $0x1;
	_ =	swait.ge [sflag:s10], $0x4000  }
.Ltmp2:
0x728: {  	[sflag:s10] =	ssyncset.done $0x0;
	(pc) =	sbr.rel @p1 .LBB2_2-.Ltmp2, $4  }
0x729: {  	[sflag:s10] =	ssyncadd.s32 $0xFFFFC000  }
0x72a: {  	[hbm4b:s5+s2] =	stream.linear.scatter [tilespmem:s9], [sflag:$0x2], $0x4000, $0x38;
	[tilespmem:$0x4080] =	vst v63  }
0x72b: {  	_ =	swait.ge [sflag:s6], $0x4000  }
0x72c: {  	s0 =	sadd.s32 $0xFFFFFFFF, s0;
	s1 =	rddreg [dreg:$0x3];
	[sflag:s6] =	ssyncset.done $0x0  }
.LBB2_3:
0x72d: {  	[sflag:s6] =	ssyncadd.s32 @p0 $0xFFFFC000  }
0x72e: {  	[tilespmem:s2], [sflag:$0x2] =	stream.linear.gather [hbm4b:s1+s2], $0x80, $0x38;
	[tilespmem:$0x4080] =	vst v63  }
0x72f: {  	_ =	swait.ge [sflag:s6], $0x80  }
0x730: {  	[sflag:s6] =	ssyncset.done $0x0  }
0x731: {  	[sflag:s6] =	ssyncadd.s32 $0xFFFFFF80  }
0x732: {  	[tilespmem:s9], [sflag:$0x1] =	stream.indirect.gather [hbm4b:s7+s9], $0x80, s2, s9, $0xb8;
	[tilespmem:$0x4080] =	vst v63  }
0x733: {  	_ =	swait.ge [sflag:s10], $0x4000  }
0x734: {  	[sflag:s10] =	ssyncset.done $0x0  }
0x735: {  	s0 =	rddreg [dreg:$0x4];
	[sflag:s10] =	ssyncadd.s32 $0xFFFFC000  }
0x736: {  	[hbm4b:s0+s2] =	stream.linear.scatter [tilespmem:s9], [sflag:$0x2], $0x4000, $0x38;
	[tilespmem:$0x4080] =	vst v63  }
0x737: {  	_ =	swait.ge [sflag:s6], $0x4000  }
0x738: {  	[sflag:s6] =	ssyncset.done $0x0  }
0x739: {  	s1 =	rddreg [dreg:$0x5];
	[sflag:s6] =	ssyncadd.s32 $0xFFFFC000  }
0x73a: {  	[tilespmem:s2], [sflag:$0x2] =	stream.linear.gather [hbm4b:s1+s2], $0x80, $0x38;
	[tilespmem:$0x4080] =	vst v63  }
0x73b: {  	_ =	swait.ge [sflag:s6], $0x80  }
0x73c: {  	[sflag:s6] =	ssyncset.done $0x0  }
0x73d: {  	[sflag:s6] =	ssyncadd.s32 $0xFFFFFF80  }
0x73e: {  	[tilespmem:s9], [sflag:$0x1] =	stream.indirect.gather [hbm4b:s7+s9], $0x80, s2, s9, $0xb8;
	[tilespmem:$0x4080] =	vst v63  }
0x73f: {  	_ =	swait.ge [sflag:s10], $0x4000  }
0x740: {  	[sflag:s10] =	ssyncset.done $0x0  }
0x741: {  	s1 =	rddreg [dreg:$0x6];
	[sflag:s10] =	ssyncadd.s32 $0xFFFFC000  }
0x742: {  	[hbm4b:s1+s2] =	stream.linear.scatter [tilespmem:s9], [sflag:$0x2], $0x4000, $0x38;
	[tilespmem:$0x4080] =	vst v63  }
0x743: {  	_ =	swait.ge [sflag:s6], $0x4000  }
0x744: {  	[sflag:s6] =	ssyncset.done $0x0  }
0x745: {  	s1 =	rddreg [dreg:$0x7];
	[sflag:s6] =	ssyncadd.s32 $0xFFFFC000  }
0x746: {  	[tilespmem:s2], [sflag:$0x2] =	stream.linear.gather [hbm4b:s1+s2], $0x80, $0x38;
	[tilespmem:$0x4080] =	vst v63  }
0x747: {  	_ =	swait.ge [sflag:s6], $0x80  }
0x748: {  	[sflag:s6] =	ssyncset.done $0x0  }
0x749: {  	[sflag:s6] =	ssyncadd.s32 $0xFFFFFF80  }
0x74a: {  	[tilespmem:s9], [sflag:$0x1] =	stream.indirect.gather [hbm4b:s7+s9], $0x80, s2, s9, $0xb8;
	[tilespmem:$0x4080] =	vst v63  }
0x74b: {  	_ =	swait.ge [sflag:s10], $0x4000  }
0x74c: {  	[sflag:s10] =	ssyncset.done $0x0  }
0x74d: {  	s1 =	rddreg [dreg:$0x8];
	[sflag:s10] =	ssyncadd.s32 $0xFFFFC000  }
0x74e: {  	[hbm4b:s1+s2] =	stream.linear.scatter [tilespmem:s9], [sflag:$0x2], $0x4000, $0x38;
	[tilespmem:$0x4080] =	vst v63  }
0x74f: {  	_ =	swait.ge [sflag:s6], $0x4000  }
0x750: {  	[sflag:s6] =	ssyncset.done $0x0  }
0x751: {  	s1 =	rddreg [dreg:$0x9];
	[sflag:s6] =	ssyncadd.s32 $0xFFFFC000  }
0x752: {  	[tilespmem:s2], [sflag:$0x2] =	stream.linear.gather [hbm4b:s1+s2], $0x80, $0x38;
	[tilespmem:$0x4080] =	vst v63  }
0x753: {  	_ =	swait.ge [sflag:s6], $0x80  }
0x754: {  	[sflag:s6] =	ssyncset.done $0x0  }
0x755: {  	[sflag:s6] =	ssyncadd.s32 $0xFFFFFF80  }
0x756: {  	[tilespmem:s9], [sflag:$0x1] =	stream.indirect.gather [hbm4b:s7+s9], $0x80, s2, s9, $0xb8;
	[tilespmem:$0x4080] =	vst v63  }
0x757: {  	_ =	swait.ge [sflag:s10], $0x4000  }
0x758: {  	[sflag:s10] =	ssyncset.done $0x0  }
0x759: {  	s1 =	rddreg [dreg:$0xa];
	[sflag:s10] =	ssyncadd.s32 $0xFFFFC000  }
0x75a: {  	[hbm4b:s1+s2] =	stream.linear.scatter [tilespmem:s9], [sflag:$0x2], $0x4000, $0x38;
	[tilespmem:$0x4080] =	vst v63  }
0x75b: {  	_ =	swait.ge [sflag:s6], $0x4000  }
0x75c: {  	[sflag:s6] =	ssyncset.done $0x0  }
0x75d: {  	s1 =	rddreg [dreg:$0xb];
	[sflag:s6] =	ssyncadd.s32 $0xFFFFC000  }
0x75e: {  	[tilespmem:s2], [sflag:$0x2] =	stream.linear.gather [hbm4b:s1+s2], $0x80, $0x38;
	[tilespmem:$0x4080] =	vst v63  }
0x75f: {  	_ =	swait.ge [sflag:s6], $0x80  }
0x760: {  	[sflag:s6] =	ssyncset.done $0x0  }
0x761: {  	[sflag:s6] =	ssyncadd.s32 $0xFFFFFF80  }
0x762: {  	[tilespmem:s9], [sflag:$0x1] =	stream.indirect.gather [hbm4b:s7+s9], $0x80, s2, s9, $0xb8;
	[tilespmem:$0x4080] =	vst v63  }
0x763: {  	_ =	swait.ge [sflag:s10], $0x4000  }
0x764: {  	[sflag:s10] =	ssyncset.done $0x0  }
0x765: {  	s1 =	rddreg [dreg:$0xc];
	[sflag:s10] =	ssyncadd.s32 $0xFFFFC000  }
0x766: {  	[hbm4b:s1+s2] =	stream.linear.scatter [tilespmem:s9], [sflag:$0x2], $0x4000, $0x38;
	[tilespmem:$0x4080] =	vst v63  }
0x767: {  	_ =	swait.ge [sflag:s6], $0x4000  }
0x768: {  	[sflag:s6] =	ssyncset.done $0x0  }
0x769: {  	s1 =	rddreg [dreg:$0xd];
	[sflag:s6] =	ssyncadd.s32 $0xFFFFC000  }
0x76a: {  	[tilespmem:s2], [sflag:$0x2] =	stream.linear.gather [hbm4b:s1+s2], $0x80, $0x38;
	[tilespmem:$0x4080] =	vst v63  }
0x76b: {  	_ =	swait.ge [sflag:s6], $0x80  }
0x76c: {  	[sflag:s6] =	ssyncset.done $0x0  }
0x76d: {  	[sflag:s6] =	ssyncadd.s32 $0xFFFFFF80  }
0x76e: {  	[tilespmem:s9], [sflag:$0x1] =	stream.indirect.gather [hbm4b:s7+s9], $0x80, s2, s9, $0xb8;
	[tilespmem:$0x4080] =	vst v63  }
0x76f: {  	_ =	swait.ge [sflag:s10], $0x4000  }
0x770: {  	[sflag:s10] =	ssyncset.done $0x0  }
0x771: {  	s1 =	rddreg [dreg:$0xe];
	[sflag:s10] =	ssyncadd.s32 $0xFFFFC000  }
0x772: {  	[hbm4b:s1+s2] =	stream.linear.scatter [tilespmem:s9], [sflag:$0x2], $0x4000, $0x38;
	[tilespmem:$0x4080] =	vst v63  }
0x773: {  	_ =	swait.ge [sflag:s6], $0x4000  }
0x774: {  	[sflag:s6] =	ssyncset.done $0x0  }
0x775: {  	s1 =	rddreg [dreg:$0xf];
	[sflag:s6] =	ssyncadd.s32 $0xFFFFC000  }
0x776: {  	[tilespmem:s2], [sflag:$0x2] =	stream.linear.gather [hbm4b:s1+s2], $0x80, $0x38;
	[tilespmem:$0x4080] =	vst v63  }
0x777: {  	_ =	swait.ge [sflag:s6], $0x80  }
0x778: {  	[sflag:s6] =	ssyncset.done $0x0  }
0x779: {  	[sflag:s6] =	ssyncadd.s32 $0xFFFFFF80  }
0x77a: {  	[tilespmem:s9], [sflag:$0x1] =	stream.indirect.gather [hbm4b:s7+s9], $0x80, s2, s9, $0xb8;
	[tilespmem:$0x4080] =	vst v63  }
0x77b: {  	_ =	swait.ge [sflag:s10], $0x4000  }
0x77c: {  	[sflag:s10] =	ssyncset.done $0x0  }
0x77d: {  	s1 =	rddreg [dreg:$0x10];
	[sflag:s10] =	ssyncadd.s32 $0xFFFFC000  }
0x77e: {  	[hbm4b:s1+s2] =	stream.linear.scatter [tilespmem:s9], [sflag:$0x2], $0x4000, $0x38;
	[tilespmem:$0x4080] =	vst v63  }
0x77f: {  	_ =	swait.ge [sflag:s6], $0x4000  }
0x780: {  	[sflag:s6] =	ssyncset.done $0x0  }
0x781: {  	s1 =	rddreg [dreg:$0x11];
	[sflag:s6] =	ssyncadd.s32 $0xFFFFC000  }
0x782: {  	[tilespmem:s2], [sflag:$0x2] =	stream.linear.gather [hbm4b:s1+s2], $0x80, $0x38;
	[tilespmem:$0x4080] =	vst v63  }
0x783: {  	_ =	swait.ge [sflag:s6], $0x80  }
0x784: {  	[sflag:s6] =	ssyncset.done $0x0  }
0x785: {  	[sflag:s6] =	ssyncadd.s32 $0xFFFFFF80  }
0x786: {  	[tilespmem:s9], [sflag:$0x1] =	stream.indirect.gather [hbm4b:s7+s9], $0x80, s2, s9, $0xb8;
	[tilespmem:$0x4080] =	vst v63  }
0x787: {  	_ =	swait.ge [sflag:s10], $0x4000  }
0x788: {  	[sflag:s10] =	ssyncset.done $0x0  }
0x789: {  	s1 =	rddreg [dreg:$0x12];
	[sflag:s10] =	ssyncadd.s32 $0xFFFFC000  }
0x78a: {  	[hbm4b:s1+s2] =	stream.linear.scatter [tilespmem:s9], [sflag:$0x2], $0x4000, $0x38;
	[tilespmem:$0x4080] =	vst v63  }
0x78b: {  	_ =	swait.ge [sflag:s6], $0x4000  }
0x78c: {  	[sflag:s6] =	ssyncset.done $0x0  }
0x78d: {  	s1 =	rddreg [dreg:$0x13];
	[sflag:s6] =	ssyncadd.s32 $0xFFFFC000  }
0x78e: {  	[tilespmem:s2], [sflag:$0x2] =	stream.linear.gather [hbm4b:s1+s2], $0x80, $0x38;
	[tilespmem:$0x4080] =	vst v63  }
0x78f: {  	_ =	swait.ge [sflag:s6], $0x80  }
0x790: {  	[sflag:s6] =	ssyncset.done $0x0  }
0x791: {  	[sflag:s6] =	ssyncadd.s32 $0xFFFFFF80  }
0x792: {  	[tilespmem:s9], [sflag:$0x1] =	stream.indirect.gather [hbm4b:s7+s9], $0x80, s2, s9, $0xb8;
	[tilespmem:$0x4080] =	vst v63  }
0x793: {  	_ =	swait.ge [sflag:s10], $0x4000  }
0x794: {  	[sflag:s10] =	ssyncset.done $0x0  }
0x795: {  	s1 =	rddreg [dreg:$0x14];
	[sflag:s10] =	ssyncadd.s32 $0xFFFFC000  }
0x796: {  	[hbm4b:s1+s2] =	stream.linear.scatter [tilespmem:s9], [sflag:$0x2], $0x4000, $0x38;
	[tilespmem:$0x4080] =	vst v63  }
0x797: {  	_ =	swait.ge [sflag:s6], $0x4000  }
0x798: {  	[sflag:s6] =	ssyncset.done $0x0  }
0x799: {  	s1 =	rddreg [dreg:$0x15];
	[sflag:s6] =	ssyncadd.s32 $0xFFFFC000  }
0x79a: {  	[tilespmem:s2], [sflag:$0x2] =	stream.linear.gather [hbm4b:s1+s2], $0x80, $0x38;
	[tilespmem:$0x4080] =	vst v63  }
0x79b: {  	_ =	swait.ge [sflag:s6], $0x80  }
0x79c: {  	[sflag:s6] =	ssyncset.done $0x0  }
0x79d: {  	[sflag:s6] =	ssyncadd.s32 $0xFFFFFF80  }
0x79e: {  	[tilespmem:s9], [sflag:$0x1] =	stream.indirect.gather [hbm4b:s7+s9], $0x80, s2, s9, $0xb8;
	[tilespmem:$0x4080] =	vst v63  }
0x79f: {  	_ =	swait.ge [sflag:s10], $0x4000  }
0x7a0: {  	[sflag:s10] =	ssyncset.done $0x0  }
0x7a1: {  	s1 =	rddreg [dreg:$0x16];
	[sflag:s10] =	ssyncadd.s32 $0xFFFFC000  }
0x7a2: {  	[hbm4b:s1+s2] =	stream.linear.scatter [tilespmem:s9], [sflag:$0x2], $0x4000, $0x38;
	[tilespmem:$0x4080] =	vst v63  }
0x7a3: {  	_ =	swait.ge [sflag:s6], $0x4000  }
0x7a4: {  	[sflag:s6] =	ssyncset.done $0x0  }
0x7a5: {  	s1 =	rddreg [dreg:$0x17];
	[sflag:s6] =	ssyncadd.s32 $0xFFFFC000  }
0x7a6: {  	[tilespmem:s2], [sflag:$0x2] =	stream.linear.gather [hbm4b:s1+s2], $0x80, $0x38;
	[tilespmem:$0x4080] =	vst v63  }
0x7a7: {  	_ =	swait.ge [sflag:s6], $0x80  }
0x7a8: {  	[sflag:s6] =	ssyncset.done $0x0  }
0x7a9: {  	[sflag:s6] =	ssyncadd.s32 $0xFFFFFF80  }
0x7aa: {  	[tilespmem:s9], [sflag:$0x1] =	stream.indirect.gather [hbm4b:s7+s9], $0x80, s2, s9, $0xb8;
	[tilespmem:$0x4080] =	vst v63  }
0x7ab: {  	_ =	swait.ge [sflag:s10], $0x4000  }
0x7ac: {  	[sflag:s10] =	ssyncset.done $0x0  }
0x7ad: {  	s1 =	rddreg [dreg:$0x18];
	[sflag:s10] =	ssyncadd.s32 $0xFFFFC000  }
0x7ae: {  	[hbm4b:s1+s2] =	stream.linear.scatter [tilespmem:s9], [sflag:$0x2], $0x4000, $0x38;
	[tilespmem:$0x4080] =	vst v63  }
0x7af: {  	_ =	swait.ge [sflag:s6], $0x4000  }
0x7b0: {  	[sflag:s6] =	ssyncset.done $0x0  }
0x7b1: {  	s1 =	rddreg [dreg:$0x19];
	[sflag:s6] =	ssyncadd.s32 $0xFFFFC000  }
0x7b2: {  	[tilespmem:s2], [sflag:$0x2] =	stream.linear.gather [hbm4b:s1+s2], $0x80, $0x38;
	[tilespmem:$0x4080] =	vst v63  }
0x7b3: {  	_ =	swait.ge [sflag:s6], $0x80  }
0x7b4: {  	[sflag:s6] =	ssyncset.done $0x0  }
0x7b5: {  	[sflag:s6] =	ssyncadd.s32 $0xFFFFFF80  }
0x7b6: {  	[tilespmem:s9], [sflag:$0x1] =	stream.indirect.gather [hbm4b:s7+s9], $0x80, s2, s9, $0xb8;
	[tilespmem:$0x4080] =	vst v63  }
0x7b7: {  	_ =	swait.ge [sflag:s10], $0x4000  }
0x7b8: {  	[sflag:s10] =	ssyncset.done $0x0  }
0x7b9: {  	s1 =	rddreg [dreg:$0x1a];
	[sflag:s10] =	ssyncadd.s32 $0xFFFFC000  }
0x7ba: {  	[hbm4b:s1+s2] =	stream.linear.scatter [tilespmem:s9], [sflag:$0x2], $0x4000, $0x38;
	[tilespmem:$0x4080] =	vst v63  }
0x7bb: {  	_ =	swait.ge [sflag:s6], $0x4000  }
0x7bc: {  	[sflag:s6] =	ssyncset.done $0x0  }
0x7bd: {  	s1 =	rddreg [dreg:$0x1b];
	[sflag:s6] =	ssyncadd.s32 $0xFFFFC000  }
0x7be: {  	[tilespmem:s2], [sflag:$0x2] =	stream.linear.gather [hbm4b:s1+s2], $0x80, $0x38;
	[tilespmem:$0x4080] =	vst v63  }
0x7bf: {  	_ =	swait.ge [sflag:s6], $0x80  }
0x7c0: {  	[sflag:s6] =	ssyncset.done $0x0  }
0x7c1: {  	[sflag:s6] =	ssyncadd.s32 $0xFFFFFF80  }
0x7c2: {  	[tilespmem:s9], [sflag:$0x1] =	stream.indirect.gather [hbm4b:s7+s9], $0x80, s2, s9, $0xb8;
	[tilespmem:$0x4080] =	vst v63  }
0x7c3: {  	_ =	swait.ge [sflag:s10], $0x4000  }
0x7c4: {  	[sflag:s10] =	ssyncset.done $0x0  }
0x7c5: {  	s1 =	rddreg [dreg:$0x1c];
	[sflag:s10] =	ssyncadd.s32 $0xFFFFC000  }
0x7c6: {  	[hbm4b:s1+s2] =	stream.linear.scatter [tilespmem:s9], [sflag:$0x2], $0x4000, $0x38;
	[tilespmem:$0x4080] =	vst v63  }
0x7c7: {  	_ =	swait.ge [sflag:s6], $0x4000  }
0x7c8: {  	[sflag:s6] =	ssyncset.done $0x0  }
0x7c9: {  	s1 =	rddreg [dreg:$0x1d];
	[sflag:s6] =	ssyncadd.s32 $0xFFFFC000  }
0x7ca: {  	[tilespmem:s2], [sflag:$0x2] =	stream.linear.gather [hbm4b:s1+s2], $0x80, $0x38;
	[tilespmem:$0x4080] =	vst v63  }
0x7cb: {  	_ =	swait.ge [sflag:s6], $0x80  }
0x7cc: {  	[sflag:s6] =	ssyncset.done $0x0  }
0x7cd: {  	[sflag:s6] =	ssyncadd.s32 $0xFFFFFF80  }
0x7ce: {  	[tilespmem:s9], [sflag:$0x1] =	stream.indirect.gather [hbm4b:s7+s9], $0x80, s2, s9, $0xb8;
	[tilespmem:$0x4080] =	vst v63  }
0x7cf: {  	_ =	swait.ge [sflag:s10], $0x4000  }
0x7d0: {  	[sflag:s10] =	ssyncset.done $0x0  }
0x7d1: {  	s1 =	rddreg [dreg:$0x1e];
	[sflag:s10] =	ssyncadd.s32 $0xFFFFC000  }
0x7d2: {  	[hbm4b:s1+s2] =	stream.linear.scatter [tilespmem:s9], [sflag:$0x2], $0x4000, $0x38;
	[tilespmem:$0x4080] =	vst v63  }
0x7d3: {  	_ =	swait.ge [sflag:s6], $0x4000  }
0x7d4: {  	[sflag:s6] =	ssyncset.done $0x0  }
0x7d5: {  	s1 =	rddreg [dreg:$0x1f];
	[sflag:s6] =	ssyncadd.s32 $0xFFFFC000  }
0x7d6: {  	[tilespmem:s2], [sflag:$0x2] =	stream.linear.gather [hbm4b:s1+s2], $0x80, $0x38;
	[tilespmem:$0x4080] =	vst v63  }
0x7d7: {  	_ =	swait.ge [sflag:s6], $0x80  }
0x7d8: {  	[sflag:s6] =	ssyncset.done $0x0  }
0x7d9: {  	[sflag:s6] =	ssyncadd.s32 $0xFFFFFF80  }
0x7da: {  	[tilespmem:s9], [sflag:$0x1] =	stream.indirect.gather [hbm4b:s7+s9], $0x80, s2, s9, $0xb8;
	[tilespmem:$0x4080] =	vst v63  }
0x7db: {  	_ =	swait.ge [sflag:s10], $0x4000  }
0x7dc: {  	s1 =	sld [smem:$0x7B3]  }
0x7dd: {  	[sflag:s10] =	ssyncset.done $0x0  }
0x7de: {  	[sflag:s10] =	ssyncadd.s32 $0xFFFFC000  }
0x7df: {  	[hbm4b:s1+s2] =	stream.linear.scatter [tilespmem:s9], [sflag:$0x2], $0x4000, $0x38;
	[tilespmem:$0x4080] =	vst v63  }
0x7e0: {  	_ =	swait.ge [sflag:s6], $0x4000  }
0x7e1: {  	s1 =	sld [smem:$0x7B4]  }
0x7e2: {  	[sflag:s6] =	ssyncset.done $0x0  }
0x7e3: {  	[sflag:s6] =	ssyncadd.s32 $0xFFFFC000  }
0x7e4: {  	[tilespmem:s2], [sflag:$0x2] =	stream.linear.gather [hbm4b:s1+s2], $0x80, $0x38;
	[tilespmem:$0x4080] =	vst v63  }
0x7e5: {  	_ =	swait.ge [sflag:s6], $0x80  }
0x7e6: {  	[sflag:s6] =	ssyncset.done $0x0  }
0x7e7: {  	[sflag:s6] =	ssyncadd.s32 $0xFFFFFF80  }
0x7e8: {  	[tilespmem:s9], [sflag:$0x1] =	stream.indirect.gather [hbm4b:s7+s9], $0x80, s2, s9, $0xb8;
	[tilespmem:$0x4080] =	vst v63  }
0x7e9: {  	_ =	swait.ge [sflag:s10], $0x4000  }
0x7ea: {  	s1 =	sld [smem:$0x7B5]  }
0x7eb: {  	[sflag:s10] =	ssyncset.done $0x0  }
0x7ec: {  	[sflag:s10] =	ssyncadd.s32 $0xFFFFC000  }
0x7ed: {  	[hbm4b:s1+s2] =	stream.linear.scatter [tilespmem:s9], [sflag:$0x2], $0x4000, $0x38;
	[tilespmem:$0x4080] =	vst v63  }
0x7ee: {  	_ =	swait.ge [sflag:s6], $0x4000  }
0x7ef: {  	s1 =	sld [smem:$0x7B6]  }
0x7f0: {  	[sflag:s6] =	ssyncset.done $0x0  }
0x7f1: {  	[sflag:s6] =	ssyncadd.s32 $0xFFFFC000  }
0x7f2: {  	[tilespmem:s2], [sflag:$0x2] =	stream.linear.gather [hbm4b:s1+s2], $0x80, $0x38;
	[tilespmem:$0x4080] =	vst v63  }
0x7f3: {  	_ =	swait.ge [sflag:s6], $0x80  }
0x7f4: {  	[sflag:s6] =	ssyncset.done $0x0  }
0x7f5: {  	[sflag:s6] =	ssyncadd.s32 $0xFFFFFF80  }
0x7f6: {  	[tilespmem:s9], [sflag:$0x1] =	stream.indirect.gather [hbm4b:s7+s9], $0x80, s2, s9, $0xb8;
	[tilespmem:$0x4080] =	vst v63  }
0x7f7: {  	_ =	swait.ge [sflag:s10], $0x4000  }
0x7f8: {  	s1 =	sld [smem:$0x7B7]  }
0x7f9: {  	[sflag:s10] =	ssyncset.done $0x0  }
0x7fa: {  	[sflag:s10] =	ssyncadd.s32 $0xFFFFC000  }
0x7fb: {  	[hbm4b:s1+s2] =	stream.linear.scatter [tilespmem:s9], [sflag:$0x2], $0x4000, $0x38;
	[tilespmem:$0x4080] =	vst v63  }
0x7fc: {  	_ =	swait.ge [sflag:s6], $0x4000  }
0x7fd: {  	s1 =	sld [smem:$0x7B8]  }
0x7fe: {  	[sflag:s6] =	ssyncset.done $0x0  }
0x7ff: {  	[sflag:s6] =	ssyncadd.s32 $0xFFFFC000  }
0x800: {  	[tilespmem:s2], [sflag:$0x2] =	stream.linear.gather [hbm4b:s1+s2], $0x80, $0x38;
	[tilespmem:$0x4080] =	vst v63  }
0x801: {  	_ =	swait.ge [sflag:s6], $0x80  }
0x802: {  	[sflag:s6] =	ssyncset.done $0x0  }
0x803: {  	[sflag:s6] =	ssyncadd.s32 $0xFFFFFF80  }
0x804: {  	[tilespmem:s9], [sflag:$0x1] =	stream.indirect.gather [hbm4b:s7+s9], $0x80, s2, s9, $0xb8;
	[tilespmem:$0x4080] =	vst v63  }
0x805: {  	_ =	swait.ge [sflag:s10], $0x4000  }
0x806: {  	s1 =	sld [smem:$0x7B9]  }
0x807: {  	[sflag:s10] =	ssyncset.done $0x0  }
0x808: {  	[sflag:s10] =	ssyncadd.s32 $0xFFFFC000  }
0x809: {  	[hbm4b:s1+s2] =	stream.linear.scatter [tilespmem:s9], [sflag:$0x2], $0x4000, $0x38;
	[tilespmem:$0x4080] =	vst v63  }
0x80a: {  	_ =	swait.ge [sflag:s6], $0x4000  }
0x80b: {  	s1 =	sld [smem:$0x7BA]  }
0x80c: {  	[sflag:s6] =	ssyncset.done $0x0  }
0x80d: {  	[sflag:s6] =	ssyncadd.s32 $0xFFFFC000  }
0x80e: {  	[tilespmem:s2], [sflag:$0x2] =	stream.linear.gather [hbm4b:s1+s2], $0x80, $0x38;
	[tilespmem:$0x4080] =	vst v63  }
0x80f: {  	_ =	swait.ge [sflag:s6], $0x80  }
0x810: {  	[sflag:s6] =	ssyncset.done $0x0  }
0x811: {  	[sflag:s6] =	ssyncadd.s32 $0xFFFFFF80  }
0x812: {  	[tilespmem:s9], [sflag:$0x1] =	stream.indirect.gather [hbm4b:s7+s9], $0x80, s2, s9, $0xb8;
	[tilespmem:$0x4080] =	vst v63  }
0x813: {  	_ =	swait.ge [sflag:s10], $0x4000  }
0x814: {  	s1 =	sld [smem:$0x7BB]  }
0x815: {  	[sflag:s10] =	ssyncset.done $0x0  }
0x816: {  	[sflag:s10] =	ssyncadd.s32 $0xFFFFC000  }
0x817: {  	[hbm4b:s1+s2] =	stream.linear.scatter [tilespmem:s9], [sflag:$0x2], $0x4000, $0x38;
	[tilespmem:$0x4080] =	vst v63  }
0x818: {  	_ =	swait.ge [sflag:s6], $0x4000  }
0x819: {  	s1 =	sld [smem:$0x7BC]  }
0x81a: {  	[sflag:s6] =	ssyncset.done $0x0  }
0x81b: {  	[sflag:s6] =	ssyncadd.s32 $0xFFFFC000  }
0x81c: {  	[tilespmem:s2], [sflag:$0x2] =	stream.linear.gather [hbm4b:s1+s2], $0x80, $0x38;
	[tilespmem:$0x4080] =	vst v63  }
0x81d: {  	_ =	swait.ge [sflag:s6], $0x80  }
0x81e: {  	[sflag:s6] =	ssyncset.done $0x0  }
0x81f: {  	[sflag:s6] =	ssyncadd.s32 $0xFFFFFF80  }
0x820: {  	[tilespmem:s9], [sflag:$0x1] =	stream.indirect.gather [hbm4b:s7+s9], $0x80, s2, s9, $0xb8;
	[tilespmem:$0x4080] =	vst v63  }
0x821: {  	_ =	swait.ge [sflag:s10], $0x4000  }
0x822: {  	s1 =	sld [smem:$0x7BD]  }
0x823: {  	[sflag:s10] =	ssyncset.done $0x0  }
0x824: {  	[sflag:s10] =	ssyncadd.s32 $0xFFFFC000  }
0x825: {  	[hbm4b:s1+s2] =	stream.linear.scatter [tilespmem:s9], [sflag:$0x2], $0x4000, $0x38;
	[tilespmem:$0x4080] =	vst v63  }
0x826: {  	_ =	swait.ge [sflag:s6], $0x4000  }
0x827: {  	s1 =	sld [smem:$0x7BE]  }
0x828: {  	[sflag:s6] =	ssyncset.done $0x0  }
0x829: {  	[sflag:s6] =	ssyncadd.s32 $0xFFFFC000  }
0x82a: {  	[tilespmem:s2], [sflag:$0x2] =	stream.linear.gather [hbm4b:s1+s2], $0x80, $0x38;
	[tilespmem:$0x4080] =	vst v63  }
0x82b: {  	_ =	swait.ge [sflag:s6], $0x80  }
0x82c: {  	[sflag:s6] =	ssyncset.done $0x0  }
0x82d: {  	[sflag:s6] =	ssyncadd.s32 $0xFFFFFF80  }
0x82e: {  	[tilespmem:s9], [sflag:$0x1] =	stream.indirect.gather [hbm4b:s7+s9], $0x80, s2, s9, $0xb8;
	[tilespmem:$0x4080] =	vst v63  }
0x82f: {  	_ =	swait.ge [sflag:s10], $0x4000  }
0x830: {  	s1 =	sld [smem:$0x7BF]  }
0x831: {  	[sflag:s10] =	ssyncset.done $0x0  }
0x832: {  	[sflag:s10] =	ssyncadd.s32 $0xFFFFC000  }
0x833: {  	[hbm4b:s1+s2] =	stream.linear.scatter [tilespmem:s9], [sflag:$0x2], $0x4000, $0x38;
	[tilespmem:$0x4080] =	vst v63  }
0x834: {  	_ =	swait.ge [sflag:s6], $0x4000  }
0x835: {  	s1 =	sld [smem:$0x7C0]  }
0x836: {  	[sflag:s6] =	ssyncset.done $0x0  }
0x837: {  	[sflag:s6] =	ssyncadd.s32 $0xFFFFC000  }
0x838: {  	[tilespmem:s2], [sflag:$0x2] =	stream.linear.gather [hbm4b:s1+s2], $0x80, $0x38;
	[tilespmem:$0x4080] =	vst v63  }
0x839: {  	_ =	swait.ge [sflag:s6], $0x80  }
0x83a: {  	[sflag:s6] =	ssyncset.done $0x0  }
0x83b: {  	[sflag:s6] =	ssyncadd.s32 $0xFFFFFF80  }
0x83c: {  	[tilespmem:s9], [sflag:$0x1] =	stream.indirect.gather [hbm4b:s7+s9], $0x80, s2, s9, $0xb8;
	[tilespmem:$0x4080] =	vst v63  }
0x83d: {  	_ =	swait.ge [sflag:s10], $0x4000  }
0x83e: {  	s1 =	sld [smem:$0x7C1]  }
0x83f: {  	[sflag:s10] =	ssyncset.done $0x0  }
0x840: {  	[sflag:s10] =	ssyncadd.s32 $0xFFFFC000  }
0x841: {  	[hbm4b:s1+s2] =	stream.linear.scatter [tilespmem:s9], [sflag:$0x2], $0x4000, $0x38;
	[tilespmem:$0x4080] =	vst v63  }
0x842: {  	_ =	swait.ge [sflag:s6], $0x4000  }
0x843: {  	s1 =	sld [smem:$0x7C2]  }
0x844: {  	[sflag:s6] =	ssyncset.done $0x0  }
0x845: {  	[sflag:s6] =	ssyncadd.s32 $0xFFFFC000  }
0x846: {  	[tilespmem:s2], [sflag:$0x2] =	stream.linear.gather [hbm4b:s1+s2], $0x80, $0x38;
	[tilespmem:$0x4080] =	vst v63  }
0x847: {  	_ =	swait.ge [sflag:s6], $0x80  }
0x848: {  	[sflag:s6] =	ssyncset.done $0x0  }
0x849: {  	[sflag:s6] =	ssyncadd.s32 $0xFFFFFF80  }
0x84a: {  	[tilespmem:s9], [sflag:$0x1] =	stream.indirect.gather [hbm4b:s7+s9], $0x80, s2, s9, $0xb8;
	[tilespmem:$0x4080] =	vst v63  }
0x84b: {  	_ =	swait.ge [sflag:s10], $0x4000  }
0x84c: {  	s1 =	sld [smem:$0x7C3]  }
0x84d: {  	[sflag:s10] =	ssyncset.done $0x0  }
0x84e: {  	[sflag:s10] =	ssyncadd.s32 $0xFFFFC000  }
0x84f: {  	[hbm4b:s1+s2] =	stream.linear.scatter [tilespmem:s9], [sflag:$0x2], $0x4000, $0x38;
	[tilespmem:$0x4080] =	vst v63  }
0x850: {  	_ =	swait.ge [sflag:s6], $0x4000  }
0x851: {  	s1 =	sld [smem:$0x7C4]  }
0x852: {  	[sflag:s6] =	ssyncset.done $0x0  }
0x853: {  	[sflag:s6] =	ssyncadd.s32 $0xFFFFC000  }
0x854: {  	[tilespmem:s2], [sflag:$0x2] =	stream.linear.gather [hbm4b:s1+s2], $0x80, $0x38;
	[tilespmem:$0x4080] =	vst v63  }
0x855: {  	_ =	swait.ge [sflag:s6], $0x80  }
0x856: {  	[sflag:s6] =	ssyncset.done $0x0  }
0x857: {  	[sflag:s6] =	ssyncadd.s32 $0xFFFFFF80  }
0x858: {  	[tilespmem:s9], [sflag:$0x1] =	stream.indirect.gather [hbm4b:s7+s9], $0x80, s2, s9, $0xb8;
	[tilespmem:$0x4080] =	vst v63  }
0x859: {  	_ =	swait.ge [sflag:s10], $0x4000  }
0x85a: {  	s1 =	sld [smem:$0x7C5]  }
0x85b: {  	[sflag:s10] =	ssyncset.done $0x0  }
0x85c: {  	[sflag:s10] =	ssyncadd.s32 $0xFFFFC000  }
0x85d: {  	[hbm4b:s1+s2] =	stream.linear.scatter [tilespmem:s9], [sflag:$0x2], $0x4000, $0x38;
	[tilespmem:$0x4080] =	vst v63  }
0x85e: {  	_ =	swait.ge [sflag:s6], $0x4000  }
0x85f: {  	s1 =	sld [smem:$0x7C6]  }
0x860: {  	[sflag:s6] =	ssyncset.done $0x0  }
0x861: {  	[sflag:s6] =	ssyncadd.s32 $0xFFFFC000  }
0x862: {  	[tilespmem:s2], [sflag:$0x2] =	stream.linear.gather [hbm4b:s1+s2], $0x80, $0x38;
	[tilespmem:$0x4080] =	vst v63  }
0x863: {  	_ =	swait.ge [sflag:s6], $0x80  }
0x864: {  	[sflag:s6] =	ssyncset.done $0x0  }
0x865: {  	[sflag:s6] =	ssyncadd.s32 $0xFFFFFF80  }
0x866: {  	[tilespmem:s9], [sflag:$0x1] =	stream.indirect.gather [hbm4b:s7+s9], $0x80, s2, s9, $0xb8;
	[tilespmem:$0x4080] =	vst v63  }
0x867: {  	_ =	swait.ge [sflag:s10], $0x4000  }
0x868: {  	s1 =	sld [smem:$0x7C7]  }
0x869: {  	[sflag:s10] =	ssyncset.done $0x0  }
0x86a: {  	[sflag:s10] =	ssyncadd.s32 $0xFFFFC000  }
0x86b: {  	[hbm4b:s1+s2] =	stream.linear.scatter [tilespmem:s9], [sflag:$0x2], $0x4000, $0x38;
	[tilespmem:$0x4080] =	vst v63  }
0x86c: {  	_ =	swait.ge [sflag:s6], $0x4000  }
0x86d: {  	s1 =	sld [smem:$0x7C8]  }
0x86e: {  	[sflag:s6] =	ssyncset.done $0x0  }
0x86f: {  	[sflag:s6] =	ssyncadd.s32 $0xFFFFC000  }
0x870: {  	[tilespmem:s2], [sflag:$0x2] =	stream.linear.gather [hbm4b:s1+s2], $0x80, $0x38;
	[tilespmem:$0x4080] =	vst v63  }
0x871: {  	_ =	swait.ge [sflag:s6], $0x80  }
0x872: {  	[sflag:s6] =	ssyncset.done $0x0  }
0x873: {  	[sflag:s6] =	ssyncadd.s32 $0xFFFFFF80  }
0x874: {  	[tilespmem:s9], [sflag:$0x1] =	stream.indirect.gather [hbm4b:s7+s9], $0x80, s2, s9, $0xb8;
	[tilespmem:$0x4080] =	vst v63  }
0x875: {  	_ =	swait.ge [sflag:s10], $0x4000  }
0x876: {  	s1 =	sld [smem:$0x7C9]  }
0x877: {  	[sflag:s10] =	ssyncset.done $0x0  }
0x878: {  	[sflag:s10] =	ssyncadd.s32 $0xFFFFC000  }
0x879: {  	[hbm4b:s1+s2] =	stream.linear.scatter [tilespmem:s9], [sflag:$0x2], $0x4000, $0x38;
	[tilespmem:$0x4080] =	vst v63  }
0x87a: {  	_ =	swait.ge [sflag:s6], $0x4000  }
0x87b: {  	s1 =	sld [smem:$0x7CA]  }
0x87c: {  	[sflag:s6] =	ssyncset.done $0x0  }
0x87d: {  	[sflag:s6] =	ssyncadd.s32 $0xFFFFC000  }
0x87e: {  	[tilespmem:s2], [sflag:$0x2] =	stream.linear.gather [hbm4b:s1+s2], $0x80, $0x38;
	[tilespmem:$0x4080] =	vst v63  }
0x87f: {  	_ =	swait.ge [sflag:s6], $0x80  }
0x880: {  	[sflag:s6] =	ssyncset.done $0x0  }
0x881: {  	[sflag:s6] =	ssyncadd.s32 $0xFFFFFF80  }
0x882: {  	[tilespmem:s9], [sflag:$0x1] =	stream.indirect.gather [hbm4b:s7+s9], $0x80, s2, s9, $0xb8;
	[tilespmem:$0x4080] =	vst v63  }
0x883: {  	_ =	swait.ge [sflag:s10], $0x4000  }
0x884: {  	s1 =	sld [smem:$0x7CB]  }
0x885: {  	[sflag:s10] =	ssyncset.done $0x0  }
0x886: {  	[sflag:s10] =	ssyncadd.s32 $0xFFFFC000  }
0x887: {  	[hbm4b:s1+s2] =	stream.linear.scatter [tilespmem:s9], [sflag:$0x2], $0x4000, $0x38;
	[tilespmem:$0x4080] =	vst v63  }
0x888: {  	_ =	swait.ge [sflag:s6], $0x4000  }
0x889: {  	s1 =	sld [smem:$0x7CC]  }
0x88a: {  	[sflag:s6] =	ssyncset.done $0x0  }
0x88b: {  	[sflag:s6] =	ssyncadd.s32 $0xFFFFC000  }
0x88c: {  	[tilespmem:s2], [sflag:$0x2] =	stream.linear.gather [hbm4b:s1+s2], $0x80, $0x38;
	[tilespmem:$0x4080] =	vst v63  }
0x88d: {  	_ =	swait.ge [sflag:s6], $0x80  }
0x88e: {  	[sflag:s6] =	ssyncset.done $0x0  }
0x88f: {  	[sflag:s6] =	ssyncadd.s32 $0xFFFFFF80  }
0x890: {  	[tilespmem:s9], [sflag:$0x1] =	stream.indirect.gather [hbm4b:s7+s9], $0x80, s2, s9, $0xb8;
	[tilespmem:$0x4080] =	vst v63  }
0x891: {  	_ =	swait.ge [sflag:s10], $0x4000  }
0x892: {  	s1 =	sld [smem:$0x7CD]  }
0x893: {  	[sflag:s10] =	ssyncset.done $0x0  }
0x894: {  	[sflag:s10] =	ssyncadd.s32 $0xFFFFC000  }
0x895: {  	[hbm4b:s1+s2] =	stream.linear.scatter [tilespmem:s9], [sflag:$0x2], $0x4000, $0x38;
	[tilespmem:$0x4080] =	vst v63  }
0x896: {  	_ =	swait.ge [sflag:s6], $0x4000  }
0x897: {  	s1 =	sld [smem:$0x7CE]  }
0x898: {  	[sflag:s6] =	ssyncset.done $0x0  }
0x899: {  	[sflag:s6] =	ssyncadd.s32 $0xFFFFC000  }
0x89a: {  	[tilespmem:s2], [sflag:$0x2] =	stream.linear.gather [hbm4b:s1+s2], $0x80, $0x38;
	[tilespmem:$0x4080] =	vst v63  }
0x89b: {  	_ =	swait.ge [sflag:s6], $0x80  }
0x89c: {  	[sflag:s6] =	ssyncset.done $0x0  }
0x89d: {  	[sflag:s6] =	ssyncadd.s32 $0xFFFFFF80  }
0x89e: {  	[tilespmem:s9], [sflag:$0x1] =	stream.indirect.gather [hbm4b:s7+s9], $0x80, s2, s9, $0xb8;
	[tilespmem:$0x4080] =	vst v63  }
0x89f: {  	_ =	swait.ge [sflag:s10], $0x4000  }
0x8a0: {  	s1 =	sld [smem:$0x7CF]  }
0x8a1: {  	[sflag:s10] =	ssyncset.done $0x0  }
0x8a2: {  	[sflag:s10] =	ssyncadd.s32 $0xFFFFC000  }
0x8a3: {  	[hbm4b:s1+s2] =	stream.linear.scatter [tilespmem:s9], [sflag:$0x2], $0x4000, $0x38;
	[tilespmem:$0x4080] =	vst v63  }
0x8a4: {  	_ =	swait.ge [sflag:s6], $0x4000  }
0x8a5: {  	s1 =	sld [smem:$0x7D0]  }
0x8a6: {  	[sflag:s6] =	ssyncset.done $0x0  }
0x8a7: {  	[sflag:s6] =	ssyncadd.s32 $0xFFFFC000  }
0x8a8: {  	[tilespmem:s2], [sflag:$0x2] =	stream.linear.gather [hbm4b:s1+s2], $0x80, $0x38;
	[tilespmem:$0x4080] =	vst v63  }
0x8a9: {  	_ =	swait.ge [sflag:s6], $0x80  }
0x8aa: {  	[sflag:s6] =	ssyncset.done $0x0  }
0x8ab: {  	[sflag:s6] =	ssyncadd.s32 $0xFFFFFF80  }
0x8ac: {  	[tilespmem:s9], [sflag:$0x1] =	stream.indirect.gather [hbm4b:s7+s9], $0x80, s2, s9, $0xb8;
	[tilespmem:$0x4080] =	vst v63  }
0x8ad: {  	_ =	swait.ge [sflag:s10], $0x4000  }
0x8ae: {  	s1 =	sld [smem:$0x7D1]  }
0x8af: {  	[sflag:s10] =	ssyncset.done $0x0  }
0x8b0: {  	[sflag:s10] =	ssyncadd.s32 $0xFFFFC000  }
0x8b1: {  	[hbm4b:s1+s2] =	stream.linear.scatter [tilespmem:s9], [sflag:$0x2], $0x4000, $0x38;
	[tilespmem:$0x4080] =	vst v63  }
0x8b2: {  	_ =	swait.ge [sflag:s6], $0x4000  }
0x8b3: {  	s1 =	sld [smem:$0x7D2]  }
0x8b4: {  	[sflag:s6] =	ssyncset.done $0x0  }
0x8b5: {  	[sflag:s6] =	ssyncadd.s32 $0xFFFFC000  }
0x8b6: {  	[tilespmem:s2], [sflag:$0x2] =	stream.linear.gather [hbm4b:s1+s2], $0x80, $0x38;
	[tilespmem:$0x4080] =	vst v63  }
0x8b7: {  	_ =	swait.ge [sflag:s6], $0x80  }
0x8b8: {  	[sflag:s6] =	ssyncset.done $0x0  }
0x8b9: {  	[sflag:s6] =	ssyncadd.s32 $0xFFFFFF80  }
0x8ba: {  	[tilespmem:s9], [sflag:$0x1] =	stream.indirect.gather [hbm4b:s7+s9], $0x80, s2, s9, $0xb8;
	[tilespmem:$0x4080] =	vst v63  }
0x8bb: {  	_ =	swait.ge [sflag:s10], $0x4000  }
0x8bc: {  	s1 =	sld [smem:$0x7D3]  }
0x8bd: {  	[sflag:s10] =	ssyncset.done $0x0  }
0x8be: {  	[sflag:s10] =	ssyncadd.s32 $0xFFFFC000  }
0x8bf: {  	[hbm4b:s1+s2] =	stream.linear.scatter [tilespmem:s9], [sflag:$0x2], $0x4000, $0x38;
	[tilespmem:$0x4080] =	vst v63  }
0x8c0: {  	_ =	swait.ge [sflag:s6], $0x4000  }
0x8c1: {  	s1 =	sld [smem:$0x7D4]  }
0x8c2: {  	[sflag:s6] =	ssyncset.done $0x0  }
0x8c3: {  	[sflag:s6] =	ssyncadd.s32 $0xFFFFC000  }
0x8c4: {  	[tilespmem:s2], [sflag:$0x2] =	stream.linear.gather [hbm4b:s1+s2], $0x80, $0x38;
	[tilespmem:$0x4080] =	vst v63  }
0x8c5: {  	_ =	swait.ge [sflag:s6], $0x80  }
0x8c6: {  	[sflag:s6] =	ssyncset.done $0x0  }
0x8c7: {  	[sflag:s6] =	ssyncadd.s32 $0xFFFFFF80  }
0x8c8: {  	[tilespmem:s9], [sflag:$0x1] =	stream.indirect.gather [hbm4b:s7+s9], $0x80, s2, s9, $0xb8;
	[tilespmem:$0x4080] =	vst v63  }
0x8c9: {  	_ =	swait.ge [sflag:s10], $0x4000  }
0x8ca: {  	s1 =	sld [smem:$0x7D5]  }
0x8cb: {  	[sflag:s10] =	ssyncset.done $0x0  }
0x8cc: {  	[sflag:s10] =	ssyncadd.s32 $0xFFFFC000  }
0x8cd: {  	[hbm4b:s1+s2] =	stream.linear.scatter [tilespmem:s9], [sflag:$0x2], $0x4000, $0x38;
	[tilespmem:$0x4080] =	vst v63  }
0x8ce: {  	_ =	swait.ge [sflag:s6], $0x4000  }
0x8cf: {  	s1 =	sld [smem:$0x7D6]  }
0x8d0: {  	[sflag:s6] =	ssyncset.done $0x0  }
0x8d1: {  	[sflag:s6] =	ssyncadd.s32 $0xFFFFC000  }
0x8d2: {  	[tilespmem:s2], [sflag:$0x2] =	stream.linear.gather [hbm4b:s1+s2], $0x80, $0x38;
	[tilespmem:$0x4080] =	vst v63  }
0x8d3: {  	_ =	swait.ge [sflag:s6], $0x80  }
0x8d4: {  	[sflag:s6] =	ssyncset.done $0x0  }
0x8d5: {  	[sflag:s6] =	ssyncadd.s32 $0xFFFFFF80  }
0x8d6: {  	[tilespmem:s9], [sflag:$0x1] =	stream.indirect.gather [hbm4b:s7+s9], $0x80, s2, s9, $0xb8;
	[tilespmem:$0x4080] =	vst v63  }
0x8d7: {  	_ =	swait.ge [sflag:s10], $0x4000  }
0x8d8: {  	s1 =	sld [smem:$0x7D7]  }
0x8d9: {  	[sflag:s10] =	ssyncset.done $0x0  }
0x8da: {  	[sflag:s10] =	ssyncadd.s32 $0xFFFFC000  }
0x8db: {  	[hbm4b:s1+s2] =	stream.linear.scatter [tilespmem:s9], [sflag:$0x2], $0x4000, $0x38;
	[tilespmem:$0x4080] =	vst v63  }
0x8dc: {  	_ =	swait.ge [sflag:s6], $0x4000  }
0x8dd: {  	s1 =	sld [smem:$0x7D8]  }
0x8de: {  	[sflag:s6] =	ssyncset.done $0x0  }
0x8df: {  	[sflag:s6] =	ssyncadd.s32 $0xFFFFC000  }
0x8e0: {  	[tilespmem:s2], [sflag:$0x2] =	stream.linear.gather [hbm4b:s1+s2], $0x80, $0x38;
	[tilespmem:$0x4080] =	vst v63  }
0x8e1: {  	_ =	swait.ge [sflag:s6], $0x80  }
0x8e2: {  	[sflag:s6] =	ssyncset.done $0x0  }
0x8e3: {  	[sflag:s6] =	ssyncadd.s32 $0xFFFFFF80  }
0x8e4: {  	[tilespmem:s9], [sflag:$0x1] =	stream.indirect.gather [hbm4b:s7+s9], $0x80, s2, s9, $0xb8;
	[tilespmem:$0x4080] =	vst v63  }
0x8e5: {  	_ =	swait.ge [sflag:s10], $0x4000  }
0x8e6: {  	s1 =	sld [smem:$0x7D9]  }
0x8e7: {  	[sflag:s10] =	ssyncset.done $0x0  }
0x8e8: {  	[sflag:s10] =	ssyncadd.s32 $0xFFFFC000  }
0x8e9: {  	[hbm4b:s1+s2] =	stream.linear.scatter [tilespmem:s9], [sflag:$0x2], $0x4000, $0x38;
	[tilespmem:$0x4080] =	vst v63  }
0x8ea: {  	_ =	swait.ge [sflag:s6], $0x4000  }
0x8eb: {  	s1 =	sld [smem:$0x7DA]  }
0x8ec: {  	[sflag:s6] =	ssyncset.done $0x0  }
0x8ed: {  	[sflag:s6] =	ssyncadd.s32 $0xFFFFC000  }
0x8ee: {  	[tilespmem:s2], [sflag:$0x2] =	stream.linear.gather [hbm4b:s1+s2], $0x80, $0x38;
	[tilespmem:$0x4080] =	vst v63  }
0x8ef: {  	_ =	swait.ge [sflag:s6], $0x80  }
0x8f0: {  	[sflag:s6] =	ssyncset.done $0x0  }
0x8f1: {  	[sflag:s6] =	ssyncadd.s32 $0xFFFFFF80  }
0x8f2: {  	[tilespmem:s9], [sflag:$0x1] =	stream.indirect.gather [hbm4b:s7+s9], $0x80, s2, s9, $0xb8;
	[tilespmem:$0x4080] =	vst v63  }
0x8f3: {  	_ =	swait.ge [sflag:s10], $0x4000  }
0x8f4: {  	s1 =	sld [smem:$0x7DB]  }
0x8f5: {  	[sflag:s10] =	ssyncset.done $0x0  }
0x8f6: {  	[sflag:s10] =	ssyncadd.s32 $0xFFFFC000  }
0x8f7: {  	[hbm4b:s1+s2] =	stream.linear.scatter [tilespmem:s9], [sflag:$0x2], $0x4000, $0x38;
	[tilespmem:$0x4080] =	vst v63  }
0x8f8: {  	_ =	swait.ge [sflag:s6], $0x4000  }
0x8f9: {  	s1 =	sld [smem:$0x7DC]  }
0x8fa: {  	[sflag:s6] =	ssyncset.done $0x0  }
0x8fb: {  	[sflag:s6] =	ssyncadd.s32 $0xFFFFC000  }
0x8fc: {  	[tilespmem:s2], [sflag:$0x2] =	stream.linear.gather [hbm4b:s1+s2], $0x80, $0x38;
	[tilespmem:$0x4080] =	vst v63  }
0x8fd: {  	_ =	swait.ge [sflag:s6], $0x80  }
0x8fe: {  	[sflag:s6] =	ssyncset.done $0x0  }
0x8ff: {  	[sflag:s6] =	ssyncadd.s32 $0xFFFFFF80  }
0x900: {  	[tilespmem:s9], [sflag:$0x1] =	stream.indirect.gather [hbm4b:s7+s9], $0x80, s2, s9, $0xb8;
	[tilespmem:$0x4080] =	vst v63  }
0x901: {  	_ =	swait.ge [sflag:s10], $0x4000  }
0x902: {  	s1 =	sld [smem:$0x7DD]  }
0x903: {  	[sflag:s10] =	ssyncset.done $0x0  }
0x904: {  	[sflag:s10] =	ssyncadd.s32 $0xFFFFC000  }
0x905: {  	[hbm4b:s1+s2] =	stream.linear.scatter [tilespmem:s9], [sflag:$0x2], $0x4000, $0x38;
	[tilespmem:$0x4080] =	vst v63  }
0x906: {  	_ =	swait.ge [sflag:s6], $0x4000  }
0x907: {  	s1 =	sld [smem:$0x7DE]  }
0x908: {  	[sflag:s6] =	ssyncset.done $0x0  }
0x909: {  	[sflag:s6] =	ssyncadd.s32 $0xFFFFC000  }
0x90a: {  	[tilespmem:s2], [sflag:$0x2] =	stream.linear.gather [hbm4b:s1+s2], $0x80, $0x38;
	[tilespmem:$0x4080] =	vst v63  }
0x90b: {  	_ =	swait.ge [sflag:s6], $0x80  }
0x90c: {  	[sflag:s6] =	ssyncset.done $0x0  }
0x90d: {  	[sflag:s6] =	ssyncadd.s32 $0xFFFFFF80  }
0x90e: {  	[tilespmem:s9], [sflag:$0x1] =	stream.indirect.gather [hbm4b:s7+s9], $0x80, s2, s9, $0xb8;
	[tilespmem:$0x4080] =	vst v63  }
0x90f: {  	_ =	swait.ge [sflag:s10], $0x4000  }
0x910: {  	s1 =	sld [smem:$0x7DF]  }
0x911: {  	[sflag:s10] =	ssyncset.done $0x0  }
0x912: {  	[sflag:s10] =	ssyncadd.s32 $0xFFFFC000  }
0x913: {  	[hbm4b:s1+s2] =	stream.linear.scatter [tilespmem:s9], [sflag:$0x2], $0x4000, $0x38;
	[tilespmem:$0x4080] =	vst v63  }
0x914: {  	_ =	swait.ge [sflag:s6], $0x4000  }
0x915: {  	s1 =	sld [smem:$0x7E0]  }
0x916: {  	[sflag:s6] =	ssyncset.done $0x0  }
0x917: {  	[sflag:s6] =	ssyncadd.s32 $0xFFFFC000  }
0x918: {  	[tilespmem:s2], [sflag:$0x2] =	stream.linear.gather [hbm4b:s1+s2], $0x80, $0x38;
	[tilespmem:$0x4080] =	vst v63  }
0x919: {  	_ =	swait.ge [sflag:s6], $0x80  }
0x91a: {  	[sflag:s6] =	ssyncset.done $0x0  }
0x91b: {  	[sflag:s6] =	ssyncadd.s32 $0xFFFFFF80  }
0x91c: {  	[tilespmem:s9], [sflag:$0x1] =	stream.indirect.gather [hbm4b:s7+s9], $0x80, s2, s9, $0xb8;
	[tilespmem:$0x4080] =	vst v63  }
0x91d: {  	_ =	swait.ge [sflag:s10], $0x4000  }
0x91e: {  	s1 =	sld [smem:$0x7E1]  }
0x91f: {  	[sflag:s10] =	ssyncset.done $0x0  }
0x920: {  	[sflag:s10] =	ssyncadd.s32 $0xFFFFC000  }
0x921: {  	[hbm4b:s1+s2] =	stream.linear.scatter [tilespmem:s9], [sflag:$0x2], $0x4000, $0x38;
	[tilespmem:$0x4080] =	vst v63  }
0x922: {  	_ =	swait.ge [sflag:s6], $0x4000  }
0x923: {  	s1 =	sld [smem:$0x7E2]  }
0x924: {  	[sflag:s6] =	ssyncset.done $0x0  }
0x925: {  	[sflag:s6] =	ssyncadd.s32 $0xFFFFC000  }
0x926: {  	[tilespmem:s2], [sflag:$0x2] =	stream.linear.gather [hbm4b:s1+s2], $0x80, $0x38;
	[tilespmem:$0x4080] =	vst v63  }
0x927: {  	_ =	swait.ge [sflag:s6], $0x80  }
0x928: {  	[sflag:s6] =	ssyncset.done $0x0  }
0x929: {  	[sflag:s6] =	ssyncadd.s32 $0xFFFFFF80  }
0x92a: {  	[tilespmem:s9], [sflag:$0x1] =	stream.indirect.gather [hbm4b:s7+s9], $0x80, s2, s9, $0xb8;
	[tilespmem:$0x4080] =	vst v63  }
0x92b: {  	_ =	swait.ge [sflag:s10], $0x4000  }
0x92c: {  	s1 =	sld [smem:$0x7E3]  }
0x92d: {  	[sflag:s10] =	ssyncset.done $0x0  }
0x92e: {  	[sflag:s10] =	ssyncadd.s32 $0xFFFFC000  }
0x92f: {  	[hbm4b:s1+s2] =	stream.linear.scatter [tilespmem:s9], [sflag:$0x2], $0x4000, $0x38;
	[tilespmem:$0x4080] =	vst v63  }
0x930: {  	_ =	swait.ge [sflag:s6], $0x4000  }
0x931: {  	s1 =	sld [smem:$0x7E4]  }
0x932: {  	[sflag:s6] =	ssyncset.done $0x0  }
0x933: {  	[sflag:s6] =	ssyncadd.s32 $0xFFFFC000  }
0x934: {  	[tilespmem:s2], [sflag:$0x2] =	stream.linear.gather [hbm4b:s1+s2], $0x80, $0x38;
	[tilespmem:$0x4080] =	vst v63  }
0x935: {  	_ =	swait.ge [sflag:s6], $0x80  }
0x936: {  	[sflag:s6] =	ssyncset.done $0x0  }
0x937: {  	[sflag:s6] =	ssyncadd.s32 $0xFFFFFF80  }
0x938: {  	[tilespmem:s9], [sflag:$0x1] =	stream.indirect.gather [hbm4b:s7+s9], $0x80, s2, s9, $0xb8;
	[tilespmem:$0x4080] =	vst v63  }
0x939: {  	_ =	swait.ge [sflag:s10], $0x4000  }
0x93a: {  	s1 =	sld [smem:$0x7E5]  }
0x93b: {  	[sflag:s10] =	ssyncset.done $0x0  }
0x93c: {  	[sflag:s10] =	ssyncadd.s32 $0xFFFFC000  }
0x93d: {  	[hbm4b:s1+s2] =	stream.linear.scatter [tilespmem:s9], [sflag:$0x2], $0x4000, $0x38;
	[tilespmem:$0x4080] =	vst v63  }
0x93e: {  	_ =	swait.ge [sflag:s6], $0x4000  }
0x93f: {  	s1 =	sld [smem:$0x7E6]  }
0x940: {  	[sflag:s6] =	ssyncset.done $0x0  }
0x941: {  	[sflag:s6] =	ssyncadd.s32 $0xFFFFC000  }
0x942: {  	[tilespmem:s2], [sflag:$0x2] =	stream.linear.gather [hbm4b:s1+s2], $0x80, $0x38;
	[tilespmem:$0x4080] =	vst v63  }
0x943: {  	_ =	swait.ge [sflag:s6], $0x80  }
0x944: {  	[sflag:s6] =	ssyncset.done $0x0  }
0x945: {  	[sflag:s6] =	ssyncadd.s32 $0xFFFFFF80  }
0x946: {  	[tilespmem:s9], [sflag:$0x1] =	stream.indirect.gather [hbm4b:s7+s9], $0x80, s2, s9, $0xb8;
	[tilespmem:$0x4080] =	vst v63  }
0x947: {  	_ =	swait.ge [sflag:s10], $0x4000  }
0x948: {  	s1 =	sld [smem:$0x7E7]  }
0x949: {  	[sflag:s10] =	ssyncset.done $0x0  }
0x94a: {  	[sflag:s10] =	ssyncadd.s32 $0xFFFFC000  }
0x94b: {  	[hbm4b:s1+s2] =	stream.linear.scatter [tilespmem:s9], [sflag:$0x2], $0x4000, $0x38;
	[tilespmem:$0x4080] =	vst v63  }
0x94c: {  	_ =	swait.ge [sflag:s6], $0x4000  }
0x94d: {  	s1 =	sld [smem:$0x7E8]  }
0x94e: {  	[sflag:s6] =	ssyncset.done $0x0  }
0x94f: {  	[sflag:s6] =	ssyncadd.s32 $0xFFFFC000  }
0x950: {  	[tilespmem:s2], [sflag:$0x2] =	stream.linear.gather [hbm4b:s1+s2], $0x80, $0x38;
	[tilespmem:$0x4080] =	vst v63  }
0x951: {  	_ =	swait.ge [sflag:s6], $0x80  }
0x952: {  	[sflag:s6] =	ssyncset.done $0x0  }
0x953: {  	[sflag:s6] =	ssyncadd.s32 $0xFFFFFF80  }
0x954: {  	[tilespmem:s9], [sflag:$0x1] =	stream.indirect.gather [hbm4b:s7+s9], $0x80, s2, s9, $0xb8;
	[tilespmem:$0x4080] =	vst v63  }
0x955: {  	_ =	swait.ge [sflag:s10], $0x4000  }
0x956: {  	s1 =	sld [smem:$0x7E9]  }
0x957: {  	[sflag:s10] =	ssyncset.done $0x0  }
0x958: {  	[sflag:s10] =	ssyncadd.s32 $0xFFFFC000  }
0x959: {  	[hbm4b:s1+s2] =	stream.linear.scatter [tilespmem:s9], [sflag:$0x2], $0x4000, $0x38;
	[tilespmem:$0x4080] =	vst v63  }
0x95a: {  	_ =	swait.ge [sflag:s6], $0x4000  }
0x95b: {  	s1 =	sld [smem:$0x7EA]  }
0x95c: {  	[sflag:s6] =	ssyncset.done $0x0  }
0x95d: {  	[sflag:s6] =	ssyncadd.s32 $0xFFFFC000  }
0x95e: {  	[tilespmem:s2], [sflag:$0x2] =	stream.linear.gather [hbm4b:s1+s2], $0x80, $0x38;
	[tilespmem:$0x4080] =	vst v63  }
0x95f: {  	_ =	swait.ge [sflag:s6], $0x80  }
0x960: {  	[sflag:s6] =	ssyncset.done $0x0  }
0x961: {  	[sflag:s6] =	ssyncadd.s32 $0xFFFFFF80  }
0x962: {  	[tilespmem:s9], [sflag:$0x1] =	stream.indirect.gather [hbm4b:s7+s9], $0x80, s2, s9, $0xb8;
	[tilespmem:$0x4080] =	vst v63  }
0x963: {  	_ =	swait.ge [sflag:s10], $0x4000  }
0x964: {  	s1 =	sld [smem:$0x7EB]  }
0x965: {  	[sflag:s10] =	ssyncset.done $0x0  }
0x966: {  	[sflag:s10] =	ssyncadd.s32 $0xFFFFC000  }
0x967: {  	[hbm4b:s1+s2] =	stream.linear.scatter [tilespmem:s9], [sflag:$0x2], $0x4000, $0x38;
	[tilespmem:$0x4080] =	vst v63  }
0x968: {  	_ =	swait.ge [sflag:s6], $0x4000  }
0x969: {  	s1 =	sld [smem:$0x7EC]  }
0x96a: {  	[sflag:s6] =	ssyncset.done $0x0  }
0x96b: {  	[sflag:s6] =	ssyncadd.s32 $0xFFFFC000  }
0x96c: {  	[tilespmem:s2], [sflag:$0x2] =	stream.linear.gather [hbm4b:s1+s2], $0x80, $0x38;
	[tilespmem:$0x4080] =	vst v63  }
0x96d: {  	_ =	swait.ge [sflag:s6], $0x80  }
0x96e: {  	[sflag:s6] =	ssyncset.done $0x0  }
0x96f: {  	[sflag:s6] =	ssyncadd.s32 $0xFFFFFF80  }
0x970: {  	[tilespmem:s9], [sflag:$0x1] =	stream.indirect.gather [hbm4b:s7+s9], $0x80, s2, s9, $0xb8;
	[tilespmem:$0x4080] =	vst v63  }
0x971: {  	_ =	swait.ge [sflag:s10], $0x4000  }
0x972: {  	s1 =	sld [smem:$0x7ED]  }
0x973: {  	[sflag:s10] =	ssyncset.done $0x0  }
0x974: {  	[sflag:s10] =	ssyncadd.s32 $0xFFFFC000  }
0x975: {  	[hbm4b:s1+s2] =	stream.linear.scatter [tilespmem:s9], [sflag:$0x2], $0x4000, $0x38;
	[tilespmem:$0x4080] =	vst v63  }
0x976: {  	_ =	swait.ge [sflag:s6], $0x4000  }
0x977: {  	s1 =	sld [smem:$0x7EE]  }
0x978: {  	[sflag:s6] =	ssyncset.done $0x0  }
0x979: {  	[sflag:s6] =	ssyncadd.s32 $0xFFFFC000  }
0x97a: {  	[tilespmem:s2], [sflag:$0x2] =	stream.linear.gather [hbm4b:s1+s2], $0x80, $0x38;
	[tilespmem:$0x4080] =	vst v63  }
0x97b: {  	_ =	swait.ge [sflag:s6], $0x80  }
0x97c: {  	[sflag:s6] =	ssyncset.done $0x0  }
0x97d: {  	[sflag:s6] =	ssyncadd.s32 $0xFFFFFF80  }
0x97e: {  	[tilespmem:s9], [sflag:$0x1] =	stream.indirect.gather [hbm4b:s7+s9], $0x80, s2, s9, $0xb8;
	[tilespmem:$0x4080] =	vst v63  }
0x97f: {  	_ =	swait.ge [sflag:s10], $0x4000  }
0x980: {  	s1 =	sld [smem:$0x7EF]  }
0x981: {  	[sflag:s10] =	ssyncset.done $0x0  }
0x982: {  	[sflag:s10] =	ssyncadd.s32 $0xFFFFC000  }
0x983: {  	[hbm4b:s1+s2] =	stream.linear.scatter [tilespmem:s9], [sflag:$0x2], $0x4000, $0x38;
	[tilespmem:$0x4080] =	vst v63  }
0x984: {  	_ =	swait.ge [sflag:s6], $0x4000  }
0x985: {  	s1 =	sld [smem:$0x7F0]  }
0x986: {  	[sflag:s6] =	ssyncset.done $0x0  }
0x987: {  	[sflag:s6] =	ssyncadd.s32 $0xFFFFC000  }
0x988: {  	[tilespmem:s2], [sflag:$0x2] =	stream.linear.gather [hbm4b:s1+s2], $0x80, $0x38;
	[tilespmem:$0x4080] =	vst v63  }
0x989: {  	_ =	swait.ge [sflag:s6], $0x80  }
0x98a: {  	[sflag:s6] =	ssyncset.done $0x0  }
0x98b: {  	[sflag:s6] =	ssyncadd.s32 $0xFFFFFF80  }
0x98c: {  	[tilespmem:s9], [sflag:$0x1] =	stream.indirect.gather [hbm4b:s7+s9], $0x80, s2, s9, $0xb8;
	[tilespmem:$0x4080] =	vst v63  }
0x98d: {  	_ =	swait.ge [sflag:s10], $0x4000  }
0x98e: {  	s1 =	sld [smem:$0x7F1]  }
0x98f: {  	[sflag:s10] =	ssyncset.done $0x0  }
0x990: {  	[sflag:s10] =	ssyncadd.s32 $0xFFFFC000  }
0x991: {  	[hbm4b:s1+s2] =	stream.linear.scatter [tilespmem:s9], [sflag:$0x2], $0x4000, $0x38;
	[tilespmem:$0x4080] =	vst v63  }
0x992: {  	_ =	swait.ge [sflag:s6], $0x4000  }
0x993: {  	s1 =	sld [smem:$0x7F2]  }
0x994: {  	[sflag:s6] =	ssyncset.done $0x0  }
0x995: {  	[sflag:s6] =	ssyncadd.s32 $0xFFFFC000  }
0x996: {  	[tilespmem:s2], [sflag:$0x2] =	stream.linear.gather [hbm4b:s1+s2], $0x80, $0x38;
	[tilespmem:$0x4080] =	vst v63  }
0x997: {  	_ =	swait.ge [sflag:s6], $0x80  }
0x998: {  	[sflag:s6] =	ssyncset.done $0x0  }
0x999: {  	[sflag:s6] =	ssyncadd.s32 $0xFFFFFF80  }
0x99a: {  	[tilespmem:s9], [sflag:$0x1] =	stream.indirect.gather [hbm4b:s7+s9], $0x80, s2, s9, $0xb8;
	[tilespmem:$0x4080] =	vst v63  }
0x99b: {  	_ =	swait.ge [sflag:s10], $0x4000  }
0x99c: {  	s1 =	sld [smem:$0x7F3]  }
0x99d: {  	[sflag:s10] =	ssyncset.done $0x0  }
0x99e: {  	[sflag:s10] =	ssyncadd.s32 $0xFFFFC000  }
0x99f: {  	[hbm4b:s1+s2] =	stream.linear.scatter [tilespmem:s9], [sflag:$0x2], $0x4000, $0x38;
	[tilespmem:$0x4080] =	vst v63  }
0x9a0: {  	_ =	swait.ge [sflag:s6], $0x4000  }
0x9a1: {  	s1 =	sld [smem:$0x7F4]  }
0x9a2: {  	[sflag:s6] =	ssyncset.done $0x0  }
0x9a3: {  	[sflag:s6] =	ssyncadd.s32 $0xFFFFC000  }
0x9a4: {  	[tilespmem:s2], [sflag:$0x2] =	stream.linear.gather [hbm4b:s1+s2], $0x80, $0x38;
	[tilespmem:$0x4080] =	vst v63  }
0x9a5: {  	_ =	swait.ge [sflag:s6], $0x80  }
0x9a6: {  	[sflag:s6] =	ssyncset.done $0x0  }
0x9a7: {  	[sflag:s6] =	ssyncadd.s32 $0xFFFFFF80  }
0x9a8: {  	[tilespmem:s9], [sflag:$0x1] =	stream.indirect.gather [hbm4b:s7+s9], $0x80, s2, s9, $0xb8;
	[tilespmem:$0x4080] =	vst v63  }
0x9a9: {  	_ =	swait.ge [sflag:s10], $0x4000  }
0x9aa: {  	s1 =	sld [smem:$0x7F5]  }
0x9ab: {  	[sflag:s10] =	ssyncset.done $0x0  }
0x9ac: {  	[sflag:s10] =	ssyncadd.s32 $0xFFFFC000  }
0x9ad: {  	[hbm4b:s1+s2] =	stream.linear.scatter [tilespmem:s9], [sflag:$0x2], $0x4000, $0x38;
	[tilespmem:$0x4080] =	vst v63  }
0x9ae: {  	_ =	swait.ge [sflag:s6], $0x4000  }
0x9af: {  	s1 =	sld [smem:$0x7F6]  }
0x9b0: {  	[sflag:s6] =	ssyncset.done $0x0  }
0x9b1: {  	[sflag:s6] =	ssyncadd.s32 $0xFFFFC000  }
0x9b2: {  	[tilespmem:s2], [sflag:$0x2] =	stream.linear.gather [hbm4b:s1+s2], $0x80, $0x38;
	[tilespmem:$0x4080] =	vst v63  }
0x9b3: {  	_ =	swait.ge [sflag:s6], $0x80  }
0x9b4: {  	[sflag:s6] =	ssyncset.done $0x0  }
0x9b5: {  	[sflag:s6] =	ssyncadd.s32 $0xFFFFFF80  }
0x9b6: {  	[tilespmem:s9], [sflag:$0x1] =	stream.indirect.gather [hbm4b:s7+s9], $0x80, s2, s9, $0xb8;
	[tilespmem:$0x4080] =	vst v63  }
0x9b7: {  	_ =	swait.ge [sflag:s10], $0x4000  }
0x9b8: {  	s1 =	sld [smem:$0x7F7]  }
0x9b9: {  	[sflag:s10] =	ssyncset.done $0x0  }
0x9ba: {  	[sflag:s10] =	ssyncadd.s32 $0xFFFFC000  }
0x9bb: {  	[hbm4b:s1+s2] =	stream.linear.scatter [tilespmem:s9], [sflag:$0x2], $0x4000, $0x38;
	[tilespmem:$0x4080] =	vst v63  }
0x9bc: {  	_ =	swait.ge [sflag:s6], $0x4000  }
0x9bd: {  	s1 =	sld [smem:$0x7F8]  }
0x9be: {  	[sflag:s6] =	ssyncset.done $0x0  }
0x9bf: {  	[sflag:s6] =	ssyncadd.s32 $0xFFFFC000  }
0x9c0: {  	[tilespmem:s2], [sflag:$0x2] =	stream.linear.gather [hbm4b:s1+s2], $0x80, $0x38;
	[tilespmem:$0x4080] =	vst v63  }
0x9c1: {  	_ =	swait.ge [sflag:s6], $0x80  }
0x9c2: {  	[sflag:s6] =	ssyncset.done $0x0  }
0x9c3: {  	[sflag:s6] =	ssyncadd.s32 $0xFFFFFF80  }
0x9c4: {  	[tilespmem:s9], [sflag:$0x1] =	stream.indirect.gather [hbm4b:s7+s9], $0x80, s2, s9, $0xb8;
	[tilespmem:$0x4080] =	vst v63  }
0x9c5: {  	_ =	swait.ge [sflag:s10], $0x4000  }
0x9c6: {  	s1 =	sld [smem:$0x7F9]  }
0x9c7: {  	[sflag:s10] =	ssyncset.done $0x0  }
0x9c8: {  	[sflag:s10] =	ssyncadd.s32 $0xFFFFC000  }
0x9c9: {  	[hbm4b:s1+s2] =	stream.linear.scatter [tilespmem:s9], [sflag:$0x2], $0x4000, $0x38;
	[tilespmem:$0x4080] =	vst v63  }
0x9ca: {  	_ =	swait.ge [sflag:s6], $0x4000  }
0x9cb: {  	s1 =	sld [smem:$0x7FA]  }
0x9cc: {  	[sflag:s6] =	ssyncset.done $0x0  }
0x9cd: {  	[sflag:s6] =	ssyncadd.s32 $0xFFFFC000  }
0x9ce: {  	[tilespmem:s2], [sflag:$0x2] =	stream.linear.gather [hbm4b:s1+s2], $0x80, $0x38;
	[tilespmem:$0x4080] =	vst v63  }
0x9cf: {  	_ =	swait.ge [sflag:s6], $0x80  }
0x9d0: {  	[sflag:s6] =	ssyncset.done $0x0  }
0x9d1: {  	[sflag:s6] =	ssyncadd.s32 $0xFFFFFF80  }
0x9d2: {  	[tilespmem:s9], [sflag:$0x1] =	stream.indirect.gather [hbm4b:s7+s9], $0x80, s2, s9, $0xb8;
	[tilespmem:$0x4080] =	vst v63  }
0x9d3: {  	_ =	swait.ge [sflag:s10], $0x4000  }
0x9d4: {  	s1 =	sld [smem:$0x7FB]  }
0x9d5: {  	[sflag:s10] =	ssyncset.done $0x0  }
0x9d6: {  	[sflag:s10] =	ssyncadd.s32 $0xFFFFC000  }
0x9d7: {  	[hbm4b:s1+s2] =	stream.linear.scatter [tilespmem:s9], [sflag:$0x2], $0x4000, $0x38;
	[tilespmem:$0x4080] =	vst v63  }
0x9d8: {  	_ =	swait.ge [sflag:s6], $0x4000  }
0x9d9: {  	s1 =	sld [smem:$0x7FC]  }
0x9da: {  	[sflag:s6] =	ssyncset.done $0x0  }
0x9db: {  	[sflag:s6] =	ssyncadd.s32 $0xFFFFC000  }
0x9dc: {  	[tilespmem:s2], [sflag:$0x2] =	stream.linear.gather [hbm4b:s1+s2], $0x80, $0x38;
	[tilespmem:$0x4080] =	vst v63  }
0x9dd: {  	_ =	swait.ge [sflag:s6], $0x80  }
0x9de: {  	[sflag:s6] =	ssyncset.done $0x0  }
0x9df: {  	[sflag:s6] =	ssyncadd.s32 $0xFFFFFF80  }
0x9e0: {  	[tilespmem:s9], [sflag:$0x1] =	stream.indirect.gather [hbm4b:s7+s9], $0x80, s2, s9, $0xb8;
	[tilespmem:$0x4080] =	vst v63  }
0x9e1: {  	_ =	swait.ge [sflag:s10], $0x4000  }
0x9e2: {  	s1 =	sld [smem:$0x7FD]  }
0x9e3: {  	[sflag:s10] =	ssyncset.done $0x0  }
0x9e4: {  	[sflag:s10] =	ssyncadd.s32 $0xFFFFC000  }
0x9e5: {  	[hbm4b:s1+s2] =	stream.linear.scatter [tilespmem:s9], [sflag:$0x2], $0x4000, $0x38;
	[tilespmem:$0x4080] =	vst v63  }
0x9e6: {  	_ =	swait.ge [sflag:s6], $0x4000  }
0x9e7: {  	[sflag:s6] =	ssyncset.done $0x0  }
0x9e8: {  	[sflag:s6] =	ssyncadd.s32 $0xFFFFC000  }
0x9e9: {  	[tilespmem:s2], [sflag:$0x2] =	stream.linear.gather [hbm4b:s28+s2], $0x80, $0x38;
	[tilespmem:$0x4080] =	vst v63  }
0x9ea: {  	_ =	swait.ge [sflag:s6], $0x80  }
0x9eb: {  	[sflag:s6] =	ssyncset.done $0x0  }
0x9ec: {  	[sflag:s6] =	ssyncadd.s32 $0xFFFFFF80  }
0x9ed: {  	[tilespmem:s9], [sflag:$0x1] =	stream.indirect.gather [hbm4b:s7+s9], $0x80, s2, s9, $0xb8;
	[tilespmem:$0x4080] =	vst v63  }
0x9ee: {  	_ =	swait.ge [sflag:s10], $0x4000  }
0x9ef: {  	[sflag:s10] =	ssyncset.done $0x0  }
0x9f0: {  	[sflag:s10] =	ssyncadd.s32 $0xFFFFC000  }
0x9f1: {  	[hbm4b:s31+s2] =	stream.linear.scatter [tilespmem:s9], [sflag:$0x2], $0x4000, $0x38;
	[tilespmem:$0x4080] =	vst v63  }
0x9f2: {  	_ =	swait.ge [sflag:s6], $0x4000  }
0x9f3: {  	[sflag:s6] =	ssyncset.done $0x0  }
0x9f4: {  	[sflag:s6] =	ssyncadd.s32 $0xFFFFC000  }
0x9f5: {  	[tilespmem:s2], [sflag:$0x2] =	stream.linear.gather [hbm4b:s25+s2], $0x80, $0x38;
	[tilespmem:$0x4080] =	vst v63  }
0x9f6: {  	_ =	swait.ge [sflag:s6], $0x80  }
0x9f7: {  	[sflag:s6] =	ssyncset.done $0x0  }
0x9f8: {  	[sflag:s6] =	ssyncadd.s32 $0xFFFFFF80  }
0x9f9: {  	[tilespmem:s9], [sflag:$0x1] =	stream.indirect.gather [hbm4b:s7+s9], $0x80, s2, s9, $0xb8;
	[tilespmem:$0x4080] =	vst v63  }
0x9fa: {  	_ =	swait.ge [sflag:s10], $0x4000  }
0x9fb: {  	[sflag:s10] =	ssyncset.done $0x0  }
0x9fc: {  	[sflag:s10] =	ssyncadd.s32 $0xFFFFC000  }
0x9fd: {  	[hbm4b:s30+s2] =	stream.linear.scatter [tilespmem:s9], [sflag:$0x2], $0x4000, $0x38;
	[tilespmem:$0x4080] =	vst v63  }
0x9fe: {  	_ =	swait.ge [sflag:s6], $0x4000  }
0x9ff: {  	[sflag:s6] =	ssyncset.done $0x0  }
0xa00: {  	[sflag:s6] =	ssyncadd.s32 $0xFFFFC000  }
0xa01: {  	[tilespmem:s2], [sflag:$0x2] =	stream.linear.gather [hbm4b:s23+s2], $0x80, $0x38;
	[tilespmem:$0x4080] =	vst v63  }
0xa02: {  	_ =	swait.ge [sflag:s6], $0x80  }
0xa03: {  	[sflag:s6] =	ssyncset.done $0x0  }
0xa04: {  	[sflag:s6] =	ssyncadd.s32 $0xFFFFFF80  }
0xa05: {  	[tilespmem:s9], [sflag:$0x1] =	stream.indirect.gather [hbm4b:s7+s9], $0x80, s2, s9, $0xb8;
	[tilespmem:$0x4080] =	vst v63  }
0xa06: {  	_ =	swait.ge [sflag:s10], $0x4000  }
0xa07: {  	[sflag:s10] =	ssyncset.done $0x0  }
0xa08: {  	[sflag:s10] =	ssyncadd.s32 $0xFFFFC000  }
0xa09: {  	[hbm4b:s29+s2] =	stream.linear.scatter [tilespmem:s9], [sflag:$0x2], $0x4000, $0x38;
	[tilespmem:$0x4080] =	vst v63  }
0xa0a: {  	_ =	swait.ge [sflag:s6], $0x4000  }
0xa0b: {  	[sflag:s6] =	ssyncset.done $0x0  }
0xa0c: {  	[sflag:s6] =	ssyncadd.s32 $0xFFFFC000  }
0xa0d: {  	[tilespmem:s2], [sflag:$0x2] =	stream.linear.gather [hbm4b:s21+s2], $0x80, $0x38;
	[tilespmem:$0x4080] =	vst v63  }
0xa0e: {  	_ =	swait.ge [sflag:s6], $0x80  }
0xa0f: {  	[sflag:s6] =	ssyncset.done $0x0  }
0xa10: {  	[sflag:s6] =	ssyncadd.s32 $0xFFFFFF80  }
0xa11: {  	[tilespmem:s9], [sflag:$0x1] =	stream.indirect.gather [hbm4b:s7+s9], $0x80, s2, s9, $0xb8;
	[tilespmem:$0x4080] =	vst v63  }
0xa12: {  	_ =	swait.ge [sflag:s10], $0x4000  }
0xa13: {  	[sflag:s10] =	ssyncset.done $0x0  }
0xa14: {  	[sflag:s10] =	ssyncadd.s32 $0xFFFFC000  }
0xa15: {  	[hbm4b:s26+s2] =	stream.linear.scatter [tilespmem:s9], [sflag:$0x2], $0x4000, $0x38;
	[tilespmem:$0x4080] =	vst v63  }
0xa16: {  	_ =	swait.ge [sflag:s6], $0x4000  }
0xa17: {  	[sflag:s6] =	ssyncset.done $0x0  }
0xa18: {  	[sflag:s6] =	ssyncadd.s32 $0xFFFFC000  }
0xa19: {  	[tilespmem:s2], [sflag:$0x2] =	stream.linear.gather [hbm4b:s19+s2], $0x80, $0x38;
	[tilespmem:$0x4080] =	vst v63  }
0xa1a: {  	_ =	swait.ge [sflag:s6], $0x80  }
0xa1b: {  	[sflag:s6] =	ssyncset.done $0x0  }
0xa1c: {  	[sflag:s6] =	ssyncadd.s32 $0xFFFFFF80  }
0xa1d: {  	[tilespmem:s9], [sflag:$0x1] =	stream.indirect.gather [hbm4b:s7+s9], $0x80, s2, s9, $0xb8;
	[tilespmem:$0x4080] =	vst v63  }
0xa1e: {  	_ =	swait.ge [sflag:s10], $0x4000  }
0xa1f: {  	[sflag:s10] =	ssyncset.done $0x0  }
0xa20: {  	[sflag:s10] =	ssyncadd.s32 $0xFFFFC000  }
0xa21: {  	[hbm4b:s24+s2] =	stream.linear.scatter [tilespmem:s9], [sflag:$0x2], $0x4000, $0x38;
	[tilespmem:$0x4080] =	vst v63  }
0xa22: {  	_ =	swait.ge [sflag:s6], $0x4000  }
0xa23: {  	[sflag:s6] =	ssyncset.done $0x0  }
0xa24: {  	[sflag:s6] =	ssyncadd.s32 $0xFFFFC000  }
0xa25: {  	[tilespmem:s2], [sflag:$0x2] =	stream.linear.gather [hbm4b:s17+s2], $0x80, $0x38;
	[tilespmem:$0x4080] =	vst v63  }
0xa26: {  	_ =	swait.ge [sflag:s6], $0x80  }
0xa27: {  	[sflag:s6] =	ssyncset.done $0x0  }
0xa28: {  	[sflag:s6] =	ssyncadd.s32 $0xFFFFFF80  }
0xa29: {  	[tilespmem:s9], [sflag:$0x1] =	stream.indirect.gather [hbm4b:s7+s9], $0x80, s2, s9, $0xb8;
	[tilespmem:$0x4080] =	vst v63  }
0xa2a: {  	_ =	swait.ge [sflag:s10], $0x4000  }
0xa2b: {  	[sflag:s10] =	ssyncset.done $0x0  }
0xa2c: {  	[sflag:s10] =	ssyncadd.s32 $0xFFFFC000  }
0xa2d: {  	[hbm4b:s22+s2] =	stream.linear.scatter [tilespmem:s9], [sflag:$0x2], $0x4000, $0x38;
	[tilespmem:$0x4080] =	vst v63  }
0xa2e: {  	_ =	swait.ge [sflag:s6], $0x4000  }
0xa2f: {  	[sflag:s6] =	ssyncset.done $0x0  }
0xa30: {  	[sflag:s6] =	ssyncadd.s32 $0xFFFFC000  }
0xa31: {  	[tilespmem:s2], [sflag:$0x2] =	stream.linear.gather [hbm4b:s16+s2], $0x80, $0x38;
	[tilespmem:$0x4080] =	vst v63  }
0xa32: {  	_ =	swait.ge [sflag:s6], $0x80  }
0xa33: {  	[sflag:s6] =	ssyncset.done $0x0  }
0xa34: {  	[sflag:s6] =	ssyncadd.s32 $0xFFFFFF80  }
0xa35: {  	[tilespmem:s9], [sflag:$0x1] =	stream.indirect.gather [hbm4b:s7+s9], $0x80, s2, s9, $0xb8;
	[tilespmem:$0x4080] =	vst v63  }
0xa36: {  	_ =	swait.ge [sflag:s10], $0x4000  }
0xa37: {  	[sflag:s10] =	ssyncset.done $0x0  }
0xa38: {  	[sflag:s10] =	ssyncadd.s32 $0xFFFFC000  }
0xa39: {  	[hbm4b:s20+s2] =	stream.linear.scatter [tilespmem:s9], [sflag:$0x2], $0x4000, $0x38;
	[tilespmem:$0x4080] =	vst v63  }
0xa3a: {  	_ =	swait.ge [sflag:s6], $0x4000  }
0xa3b: {  	[sflag:s6] =	ssyncset.done $0x0  }
0xa3c: {  	[sflag:s6] =	ssyncadd.s32 $0xFFFFC000  }
0xa3d: {  	[tilespmem:s2], [sflag:$0x2] =	stream.linear.gather [hbm4b:s14+s2], $0x80, $0x38;
	[tilespmem:$0x4080] =	vst v63  }
0xa3e: {  	_ =	swait.ge [sflag:s6], $0x80  }
0xa3f: {  	[sflag:s6] =	ssyncset.done $0x0  }
0xa40: {  	[sflag:s6] =	ssyncadd.s32 $0xFFFFFF80  }
0xa41: {  	[tilespmem:s9], [sflag:$0x1] =	stream.indirect.gather [hbm4b:s7+s9], $0x80, s2, s9, $0xb8;
	[tilespmem:$0x4080] =	vst v63  }
0xa42: {  	_ =	swait.ge [sflag:s10], $0x4000  }
0xa43: {  	[sflag:s10] =	ssyncset.done $0x0  }
0xa44: {  	[sflag:s10] =	ssyncadd.s32 $0xFFFFC000  }
0xa45: {  	[hbm4b:s18+s2] =	stream.linear.scatter [tilespmem:s9], [sflag:$0x2], $0x4000, $0x38;
	[tilespmem:$0x4080] =	vst v63  }
0xa46: {  	_ =	swait.ge [sflag:s6], $0x4000  }
0xa47: {  	[sflag:s6] =	ssyncset.done $0x0  }
0xa48: {  	[sflag:s6] =	ssyncadd.s32 $0xFFFFC000  }
0xa49: {  	[tilespmem:s2], [sflag:$0x2] =	stream.linear.gather [hbm4b:s12+s2], $0x80, $0x38;
	[tilespmem:$0x4080] =	vst v63  }
0xa4a: {  	_ =	swait.ge [sflag:s6], $0x80  }
0xa4b: {  	[sflag:s6] =	ssyncset.done $0x0  }
0xa4c: {  	[sflag:s6] =	ssyncadd.s32 $0xFFFFFF80  }
0xa4d: {  	[tilespmem:s9], [sflag:$0x1] =	stream.indirect.gather [hbm4b:s7+s9], $0x80, s2, s9, $0xb8;
	[tilespmem:$0x4080] =	vst v63  }
0xa4e: {  	_ =	swait.ge [sflag:s10], $0x4000  }
0xa4f: {  	[sflag:s10] =	ssyncset.done $0x0  }
0xa50: {  	[sflag:s10] =	ssyncadd.s32 $0xFFFFC000  }
0xa51: {  	[hbm4b:s15+s2] =	stream.linear.scatter [tilespmem:s9], [sflag:$0x2], $0x4000, $0x38;
	[tilespmem:$0x4080] =	vst v63  }
0xa52: {  	_ =	swait.ge [sflag:s6], $0x4000  }
0xa53: {  	[sflag:s6] =	ssyncset.done $0x0  }
0xa54: {  	[sflag:s6] =	ssyncadd.s32 $0xFFFFC000  }
0xa55: {  	[tilespmem:s2], [sflag:$0x2] =	stream.linear.gather [hbm4b:s8+s2], $0x80, $0x38;
	[tilespmem:$0x4080] =	vst v63  }
0xa56: {  	_ =	swait.ge [sflag:s6], $0x80  }
0xa57: {  	[sflag:s6] =	ssyncset.done $0x0  }
0xa58: {  	[sflag:s6] =	ssyncadd.s32 $0xFFFFFF80  }
0xa59: {  	[tilespmem:s9], [sflag:$0x1] =	stream.indirect.gather [hbm4b:s7+s9], $0x80, s2, s9, $0xb8;
	[tilespmem:$0x4080] =	vst v63  }
0xa5a: {  	_ =	swait.ge [sflag:s10], $0x4000  }
0xa5b: {  	[sflag:s10] =	ssyncset.done $0x0  }
0xa5c: {  	[sflag:s10] =	ssyncadd.s32 $0xFFFFC000  }
0xa5d: {  	[hbm4b:s13+s2] =	stream.linear.scatter [tilespmem:s9], [sflag:$0x2], $0x4000, $0x38;
	[tilespmem:$0x4080] =	vst v63  }
0xa5e: {  	_ =	swait.ge [sflag:s6], $0x4000  }
0xa5f: {  	[sflag:s6] =	ssyncset.done $0x0  }
0xa60: {  	[sflag:s6] =	ssyncadd.s32 $0xFFFFC000  }
0xa61: {  	[tilespmem:s2], [sflag:$0x2] =	stream.linear.gather [hbm4b:s4+s2], $0x80, $0x38;
	[tilespmem:$0x4080] =	vst v63  }
0xa62: {  	_ =	swait.ge [sflag:s6], $0x80  }
0xa63: {  	[sflag:s6] =	ssyncset.done $0x0  }
0xa64: {  	[sflag:s6] =	ssyncadd.s32 $0xFFFFFF80  }
0xa65: {  	[tilespmem:s9], [sflag:$0x1] =	stream.indirect.gather [hbm4b:s7+s9], $0x80, s2, s9, $0xb8;
	[tilespmem:$0x4080] =	vst v63  }
0xa66: {  	_ =	swait.ge [sflag:s10], $0x4000  }
0xa67: {  	[sflag:s10] =	ssyncset.done $0x0  }
0xa68: {  	[sflag:s10] =	ssyncadd.s32 $0xFFFFC000  }
0xa69: {  	[hbm4b:s11+s2] =	stream.linear.scatter [tilespmem:s9], [sflag:$0x2], $0x4000, $0x38;
	[tilespmem:$0x4080] =	vst v63  }
0xa6a: {  	_ =	swait.ge [sflag:s6], $0x4000  }
0xa6b: {  	[sflag:s6] =	ssyncset.done $0x0  }
0xa6c: {  	[sflag:s6] =	ssyncadd.s32 $0xFFFFC000  }
0xa6d: {  	[tilespmem:s2], [sflag:$0x2] =	stream.linear.gather [hbm4b:s3+s2], $0x80, $0x38;
	[tilespmem:$0x4080] =	vst v63  }
0xa6e: {  	_ =	swait.ge [sflag:s6], $0x80  }
0xa6f: {  	[sflag:s6] =	ssyncset.done $0x0  }
0xa70: {  	[sflag:s6] =	ssyncadd.s32 $0xFFFFFF80  }
0xa71: {  	[tilespmem:s9], [sflag:$0x1] =	stream.indirect.gather [hbm4b:s7+s9], $0x80, s2, s9, $0xb8;
	[tilespmem:$0x4080] =	vst v63  }
0xa72: {  	_ =	swait.ge [sflag:s10], $0x4000  }
0xa73: {  	[sflag:s10] =	ssyncset.done $0x0  }
0xa74: {  	[sflag:s10] =	ssyncadd.s32 $0xFFFFC000  }
0xa75: {  	[hbm4b:s5+s2] =	stream.linear.scatter [tilespmem:s9], [sflag:$0x2], $0x4000, $0x38;
	[tilespmem:$0x4080] =	vst v63  }
0xa76: {  	_ =	swait.ge [sflag:s6], $0x4000  }
0xa77: {  	[sflag:s6] =	ssyncset.done $0x0  }
0xa78: {  	[sflag:s6] =	ssyncadd.s32 $0xFFFFC000  }
0xa79: {  	_ =	sfence.sel $0x180000  }
0xa7a: {  	[bflag:$0x0] =	sbarrier.arrive $0xFFFF  }
0xa7b: {  	_ =	strace $0x90000047  }
0xa7c: {  	s31 =	stileid.u32;
	[bflag:$0x2] =	sbarrier.arrive $0xFFFF  }
0xa7d: {  	p0 =	sne.s32 s31, $0x0;
	s0 =	rddreg [dreg:$0x2]  }
0xa7e: {  	s0 =	sadd.s32 @!p0 $0x100000, s0  }
0xa7f: {  	[sflag:s0] =	ssyncadd.tile.s32 @!p0 $0x1;
	_ =	shalt  }
.Lfunc_end2:
_tile_overlayer_lowered:
.L_overlay_start_2:
0xa80: {  	(tag) =	ssettag $0x2  }
0xa81: {  	s0 =	rddreg [dreg:$0x0];
	s2 =	stileid.u32  }
0xa82: {  	s1 =	rddreg [dreg:$0x1];
	p0 =	sne.s32 s2, $0x0  }
0xa83: {  	s3 =	rddreg [dreg:$0x2];
	[bflag:$0x3] =	sbarrier.arrive $0xFFFF;
	s2 =	simm.s32 @!p0 $0x1C02  }
0xa84: {  	[timem:s3], [sflag:s2] =	dma.local @!p0 [hbm:s0], s1  }
0xa85: {  	s0 =	simm.s32 @!p0 $0x2  }
0xa86: {  	_ =	swait.ge @!p0 [sflag:s0], s1  }
0xa87: {  	s1 =	ssub.s32 @!p0 $0x0, s1;
	[sflag:s0] =	ssyncset.done @!p0 $0x0  }
0xa88: {  	[sflag:s0] =	ssyncadd.s32 @!p0 s1  }
0xa89: {  	[bflag:$0x3] =	sbarrier.arrive $0xFFFF  }
0xa8a: {  	_ =	shalt  }

</sc_bundles>
